<compile_context>
chip_gen: v7x
topology: tpu7x:2x2x1
jax: 0.10.2.dev20260603
libtpu: 0.0.44.dev20260713+nightly
codegen_flags: <defaults>
</compile_context>

<pallas_src>
import functools

import jax
import jax.numpy as jnp
from jax import lax
from jax.experimental import pallas as pl
from jax.experimental.pallas import tpu as pltpu
from jax.experimental.pallas import tpu_sc as plsc

_NC, _NS = 2, 16
_NW = _NC * _NS


def _silu(x):
    return x * (1.0 / (1.0 + jnp.exp(-x)))


def _sc_gather(table, gidx):
    n, d = table.shape
    nw, gn, gc = gidx.shape
    assert nw == _NW and gn % 10 == 0
    nbuf, lag = 10, 5
    out_rows = nw * gn * gc
    dt = table.dtype
    mesh = plsc.VectorSubcoreMesh(core_axis_name="c", subcore_axis_name="s")

    @functools.partial(
        pl.kernel,
        out_type=jax.ShapeDtypeStruct((out_rows, d), dt),
        mesh=mesh,
        scratch_types=[
            pltpu.VMEM((gn, gc), jnp.int32),
            pltpu.VMEM((nbuf, gc, d), dt),
        ] + [pltpu.SemaphoreType.DMA] * (2 * nbuf),
    )
    def gk(table_h, gidx_h, out_h, idx_v, buf, *sems):
        gsem, wsem = sems[:nbuf], sems[nbuf:]
        c = lax.axis_index("c")
        s = lax.axis_index("s")
        wid = s * _NC + c
        base = wid * (gn * gc)
        pltpu.sync_copy(gidx_h.at[wid], idx_v)

        def gd(j, b):
            return pltpu.make_async_copy(
                table_h.at[idx_v.at[j]], buf.at[b], gsem[b])

        def wd(j, b):
            return pltpu.make_async_copy(
                buf.at[b], out_h.at[pl.ds(base + j * gc, gc)], wsem[b])

        for u in range(lag):
            gd(u, u).start()

        def step(jj, carry):
            j0 = jj * nbuf
            for u in range(nbuf):
                j = j0 + u
                bg = (u + lag) % nbuf

                @pl.when(j >= lag)
                def _():
                    wd(j - lag, bg).wait()

                @pl.when(j + lag < gn)
                def _():
                    gd(j + lag, bg).start()

                gd(j, u).wait()
                wd(j, u).start()
            return carry

        lax.fori_loop(0, gn // nbuf, step, 0)
        for t in range(lag):
            j = gn - lag + t
            wd(j, j % nbuf).wait()

    return gk(table, gidx)


def _sc_scatter(m3, dst3, n):
    _, e_rows, dh = m3.shape
    ns, sn, _, sch = dst3.shape
    n = ((n + 8 * _NS - 1) // (8 * _NS)) * (8 * _NS)
    assert ns == _NS and sn % 10 == 0
    stripe = n // _NS
    nbuf, lag = 4, 2
    dw = 16
    zagg = jnp.zeros((128, dh), jnp.float32)
    zdeg = jnp.zeros((128, dw), jnp.float32)
    ones = jnp.ones((sch, dw), jnp.float32)
    mesh = plsc.VectorSubcoreMesh(core_axis_name="c", subcore_axis_name="s")

    @functools.partial(
        pl.kernel,
        out_type=(jax.ShapeDtypeStruct((_NC, n, dh), jnp.float32),
                  jax.ShapeDtypeStruct((n, dw), jnp.float32)),
        mesh=mesh,
        scratch_types=[pltpu.VMEM((sch,), jnp.int32)] * nbuf + [
            pltpu.VMEM((nbuf, sch, dh), jnp.float32),
            pltpu.VMEM((sch, dw), jnp.float32),
            pltpu.VMEM((128, dh), jnp.float32),
            pltpu.VMEM((128, dw), jnp.float32),
            pltpu.VMEM_SHARED((n, dh), jnp.float32),
            pltpu.VMEM_SHARED((n, dw), jnp.float32),
        ] + [pltpu.SemaphoreType.DMA] * (4 * nbuf),
        compiler_params=pltpu.CompilerParams(use_tc_tiling_on_sc=False),
    )
    def sk(m_h, dst_h, zagg_h, zdeg_h, ones_h, aggp_h, degp_h, *rest):
        ibuf = rest[:nbuf]
        mbuf, ones_v, stage, dstage, agg_sh, deg_sh = rest[nbuf:nbuf + 6]
        sems = rest[nbuf + 6:]
        lsem = sems[:nbuf]
        isem = sems[nbuf:2 * nbuf]
        ssem = sems[2 * nbuf:3 * nbuf]
        dsem = sems[3 * nbuf:]
        c = lax.axis_index("c")
        s = lax.axis_index("s")
        base = s * (sn * sch)
        chunks = [(o, min(128, stripe - o)) for o in range(0, stripe, 128)]
        pltpu.sync_copy(zagg_h, stage)
        pltpu.sync_copy(zdeg_h, dstage)
        for o, w in chunks:
            pltpu.sync_copy(stage.at[pl.ds(0, w)],
                            agg_sh.at[pl.ds(s * stripe + o, w)])

        @pl.when(c == 0)
        def _():
            for o, w in chunks:
                pltpu.sync_copy(dstage.at[pl.ds(0, w)],
                                deg_sh.at[pl.ds(s * stripe + o, w)])
            pltpu.sync_copy(ones_h, ones_v)

        plsc.subcore_barrier()

        def ld(j, b):
            return pltpu.make_async_copy(
                m_h.at[c, pl.ds(base + j * sch, sch)], mbuf.at[b], lsem[b])

        def li(j, b):
            return pltpu.make_async_copy(dst_h.at[s, j, 0], ibuf[b], isem[b])

        for u in range(lag):
            ld(u, u).start()
            li(u, u).start()

        def sd(b):
            return pltpu.make_async_copy(
                mbuf.at[b], agg_sh.at[ibuf[b]], ssem[b])

        def dd(b):
            return pltpu.make_async_copy(ones_v, deg_sh.at[ibuf[b]], dsem[b])

        def step(jj, carry):
            j0 = jj * nbuf
            for u in range(nbuf):
                j = j0 + u
                bg = (u + lag) % nbuf

                @pl.when(j >= lag)
                def _():
                    sd(bg).wait()

                    @pl.when(c == 0)
                    def _():
                        dd(bg).wait()

                @pl.when(j + lag < sn)
                def _():
                    ld(j + lag, bg).start()
                    li(j + lag, bg).start()

                ld(j, u).wait()
                li(j, u).wait()
                sd(u).start(add=True)

                @pl.when(c == 0)
                def _():
                    dd(u).start(add=True)
            return carry

        lax.fori_loop(0, sn // nbuf, step, 0)
        for t in range(lag):
            b = (sn - lag + t) % nbuf
            sd(b).wait()

            @pl.when(c == 0)
            def _():
                dd(b).wait()

        plsc.subcore_barrier()
        for o, w in chunks:
            pltpu.sync_copy(agg_sh.at[pl.ds(s * stripe + o, w)],
                            stage.at[pl.ds(0, w)])
            pltpu.sync_copy(stage.at[pl.ds(0, w)],
                            aggp_h.at[c, pl.ds(s * stripe + o, w)])

        @pl.when(c == 0)
        def _():
            for o, w in chunks:
                pltpu.sync_copy(deg_sh.at[pl.ds(s * stripe + o, w)],
                                dstage.at[pl.ds(0, w)])
                pltpu.sync_copy(dstage.at[pl.ds(0, w)],
                                degp_h.at[pl.ds(s * stripe + o, w)])

    return sk(m3, dst3, zagg, zdeg, ones)


def _mlp(gout, er, ea, ws):
    _, e, d = gout.shape
    comb = er.shape[1] + ea.shape[1]
    be = 2560
    assert e % be == 0

    def body(s_ref, d_ref, er_ref, ea_ref,
             w1s_h, w1s_l, w1d_h, w1d_l, w1e_h, w1e_l, b1_r,
             w2_h, w2_l, b2_r, w3_h, w3_l, b3_r,
             w4_h, w4_l, b4_r, w5_h, w5_l, b5_r, w6_h, w6_l, b6_r,
             nw1d_h, nw1d_l, nw1e_h, nw1e_l, nb1_r, nw2_h, nw2_l, nb2_r,
             efu_ref, m_ref):
        f32 = jnp.float32
        bf = jnp.bfloat16

        def dot(a, b):
            return jnp.dot(a, b, preferred_element_type=f32)

        def split(a):
            a_h = a.astype(bf)
            a_l = (a - a_h.astype(f32)).astype(bf)
            return a_h, a_l

        def dot2(a_bf, w_h, w_l):
            return dot(a_bf, w_h[...]) + dot(a_bf, w_l[...])

        def dot3(a_pair, w_h, w_l):
            a_h, a_l = a_pair
            return dot(a_h, w_h[...]) + (dot(a_h, w_l[...]) + dot(a_l, w_h[...]))

        sf = s_ref[0].astype(bf)
        df = d_ref[0].astype(bf)
        ef = jnp.concatenate([er_ref[...], ea_ref[...]], axis=-1)
        h = _silu(dot2(sf, w1s_h, w1s_l) + dot2(df, w1d_h, w1d_l)
                  + dot3(split(ef), w1e_h, w1e_l) + b1_r[...])
        h = _silu(dot3(split(h), w2_h, w2_l) + b2_r[...])
        h = _silu(dot3(split(h), w3_h, w3_l) + b3_r[...])
        h4 = dot3(split(h), w4_h, w4_l) + b4_r[...]
        h = jnp.where(h4 >= 0, h4, 0.01 * h4)
        h = _silu(dot3(split(h), w5_h, w5_l) + b5_r[...])
        efu = dot3(split(h), w6_h, w6_l) + b6_r[...] + ef
        efu_ref[...] = efu
        m1 = _silu(dot2(df, nw1d_h, nw1d_l)
                   + dot3(split(efu), nw1e_h, nw1e_l) + nb1_r[...])
        mm = dot3(split(m1), nw2_h, nw2_l) + nb2_r[...]
        dh = mm.shape[1] // 2
        m_ref[0, :, :] = mm[:, :dh]
        m_ref[1, :, :] = mm[:, dh:]

    wspecs = [pl.BlockSpec(w.shape, lambda i, nd=w.ndim: (0,) * nd) for w in ws]
    return pl.pallas_call(
        body,
        grid=(e // be,),
        in_specs=[
            pl.BlockSpec((1, be, d), lambda i: (0, i, 0)),
            pl.BlockSpec((1, be, d), lambda i: (1, i, 0)),
            pl.BlockSpec((be, er.shape[1]), lambda i: (i, 0)),
            pl.BlockSpec((be, ea.shape[1]), lambda i: (i, 0)),
        ] + wspecs,
        out_specs=[
            pl.BlockSpec((be, comb), lambda i: (i, 0)),
            pl.BlockSpec((2, be, d // 2), lambda i: (0, i, 0)),
        ],
        out_shape=[
            jax.ShapeDtypeStruct((e, comb), jnp.float32),
            jax.ShapeDtypeStruct((2, e, d // 2), jnp.float32),
        ],
        compiler_params=pltpu.CompilerParams(
            dimension_semantics=("arbitrary",)),
    )(gout, gout, er, ea, *ws)


def _combine(aggp, degp, nf):
    n, d = nf.shape
    bn = 1000
    assert n % bn == 0
    dw = degp.shape[1]

    def body(a_ref, g_ref, nf_ref, o_ref):
        a = jnp.concatenate([a_ref[0], a_ref[1]], axis=-1)
        dg = jnp.maximum(g_ref[:, 0:1], 1.0)
        o_ref[...] = a / dg + nf_ref[...]

    return pl.pallas_call(
        body,
        grid=(n // bn,),
        in_specs=[
            pl.BlockSpec((2, bn, d // 2), lambda i: (0, i, 0)),
            pl.BlockSpec((bn, dw), lambda i: (i, 0)),
            pl.BlockSpec((bn, d), lambda i: (i, 0)),
        ],
        out_specs=pl.BlockSpec((bn, d), lambda i: (i, 0)),
        out_shape=jax.ShapeDtypeStruct((n, d), jnp.float32),
    )(aggp, degp, nf)


def kernel(node_features, edge_radial, edge_angular, edge_index,
           nu_w1, nu_b1, nu_w2, nu_b2,
           eu_w1, eu_b1, eu_w2, eu_b2, eu_w3, eu_b3,
           eu_w4, eu_b4, eu_w5, eu_b5, eu_w6, eu_b6):
    n, d = node_features.shape
    e = edge_index.shape[1]

    gc = 40
    gn = 2 * e // (_NW * gc)
    src = edge_index[0]
    dst = edge_index[1]
    gidx = jnp.concatenate([src, dst]).reshape(_NW, gn, gc)
    gathered = _sc_gather(node_features, gidx)
    gout = gathered.reshape(2, e, d)

    r2 = lambda b: b.reshape(1, -1)

    def hl(w):
        w_h = w.astype(jnp.bfloat16)
        w_l = (w - w_h.astype(jnp.float32)).astype(jnp.bfloat16)
        return (w_h, w_l)

    ws = (hl(eu_w1[:d]) + hl(eu_w1[d:2 * d]) + hl(eu_w1[2 * d:])
          + (r2(eu_b1),) + hl(eu_w2) + (r2(eu_b2),) + hl(eu_w3)
          + (r2(eu_b3),) + hl(eu_w4) + (r2(eu_b4),) + hl(eu_w5)
          + (r2(eu_b5),) + hl(eu_w6) + (r2(eu_b6),)
          + hl(nu_w1[:d]) + hl(nu_w1[d:]) + (r2(nu_b1),)
          + hl(nu_w2) + (r2(nu_b2),))
    efu, m = _mlp(gout, edge_radial, edge_angular, ws)

    sch = 40
    sn = e // (_NS * sch)
    dst3 = dst.reshape(_NS, sn, 1, sch)
    aggp, degp = _sc_scatter(m, dst3, n)

    node_out = _combine(aggp, degp, node_features)
    return node_out, efu

# --- scband reference (transcript-rebuilt; emitter-appended) ---
"""Pipeline reference for scband-message-passing-23261542875746 (READ-ONLY COPY).

The authoritative reference and input builder live on the scoring server;
editing this copy changes nothing except your own understanding.
"""

import jax, jax.numpy as jnp
import numpy as np


def setup_inputs(seed: int = 0) -> dict:
    key = jax.random.key(seed)
    ks = jax.random.split(key, 24)
    N, E = 10000, 320000
    node_dim, erd, ead, hid = 128, 16, 16, 128
    comb = erd + ead
    half = hid // 2

    def w(k, i, o):
        return jax.random.normal(k, (i, o), dtype=jnp.float32) * (1.0 / np.sqrt(i))

    def b(k, o):
        return jax.random.normal(k, (o,), dtype=jnp.float32) * 0.01

    inp = {
        "node_features": jax.random.normal(ks[0], (N, node_dim), dtype=jnp.float32),
        "edge_radial": jax.random.normal(ks[1], (E, erd), dtype=jnp.float32),
        "edge_angular": jax.random.normal(ks[2], (E, ead), dtype=jnp.float32),
        "edge_index": jax.random.randint(ks[3], (2, E), 0, N, dtype=jnp.int32),
        # node_update MLP: Linear(node_dim+comb, hid) -> SiLU -> Linear(hid, node_dim)
        "nu_w1": w(ks[4], node_dim + comb, hid), "nu_b1": b(ks[5], hid),
        "nu_w2": w(ks[6], hid, node_dim), "nu_b2": b(ks[7], node_dim),
        # edge_update MLP
        "eu_w1": w(ks[8], comb + 2 * node_dim, hid), "eu_b1": b(ks[9], hid),
        "eu_w2": w(ks[10], hid, hid), "eu_b2": b(ks[11], hid),
        "eu_w3": w(ks[12], hid, half), "eu_b3": b(ks[13], half),
        "eu_w4": w(ks[14], half, hid), "eu_b4": b(ks[15], hid),
        "eu_w5": w(ks[16], hid, hid), "eu_b5": b(ks[17], hid),
        "eu_w6": w(ks[18], hid, comb), "eu_b6": b(ks[19], comb),
    }
    return inp


def reference(node_features, edge_radial, edge_angular, edge_index,
              nu_w1, nu_b1, nu_w2, nu_b2,
              eu_w1, eu_b1, eu_w2, eu_b2, eu_w3, eu_b3,
              eu_w4, eu_b4, eu_w5, eu_b5, eu_w6, eu_b6):
    silu = jax.nn.silu
    N = node_features.shape[0]
    edge_features = jnp.concatenate([edge_radial, edge_angular], axis=-1)
    src = edge_index[0]
    dst = edge_index[1]
    src_features = jnp.take(node_features, src, axis=0)
    dst_features = jnp.take(node_features, dst, axis=0)
    edge_inputs = jnp.concatenate([src_features, dst_features, edge_features], axis=-1)
    h = silu(edge_inputs @ eu_w1 + eu_b1)
    h = silu(h @ eu_w2 + eu_b2)
    h = silu(h @ eu_w3 + eu_b3)
    h = jax.nn.leaky_relu(h @ eu_w4 + eu_b4, negative_slope=0.01)
    h = silu(h @ eu_w5 + eu_b5)
    edge_features_updated = (h @ eu_w6 + eu_b6) + edge_features
    # per-edge message: concat(node_features[dst], updated_edge) -> node_update MLP -> scatter-add to dst
    messages = jnp.concatenate([dst_features, edge_features_updated], axis=-1)
    m = silu(messages @ nu_w1 + nu_b1)
    m = m @ nu_w2 + nu_b2
    agg = jnp.zeros_like(node_features).at[dst].add(m)
    deg = jnp.zeros((N,), dtype=node_features.dtype).at[dst].add(1.0)
    deg = jnp.clip(deg, 1.0, None)
    node_features_updated = agg / deg[:, None] + node_features
    return (node_features_updated, edge_features_updated)

if __name__ == "__main__":
    import jax
    _d = setup_inputs()
    print(jax.jit(kernel)(*tuple(_d.values())))

</pallas_src>

<mosaic_0001>
#map = affine_map<(d0, d1) -> (0, 0)>
#map1 = affine_map<(d0, d1) -> (0, 0, 0)>
module attributes {stable_mosaic.version = 14 : i64} {
  func.func @gk(%arg0: i32, %arg1: i32, %arg2: memref<10000x128xf32, #tpu.memory_space<hbm>>, %arg3: memref<32x500x40xi32, #tpu.memory_space<hbm>>, %arg4: memref<640000x128xf32, #tpu.memory_space<hbm>>, %arg5: memref<500x40xi32, #tpu.memory_space<vmem>>, %arg6: memref<10x40x128xf32, #tpu.memory_space<vmem>>, %arg7: memref<!tpu.dma_semaphore, #tpu.memory_space<semaphore_mem>>, %arg8: memref<!tpu.dma_semaphore, #tpu.memory_space<semaphore_mem>>, %arg9: memref<!tpu.dma_semaphore, #tpu.memory_space<semaphore_mem>>, %arg10: memref<!tpu.dma_semaphore, #tpu.memory_space<semaphore_mem>>, %arg11: memref<!tpu.dma_semaphore, #tpu.memory_space<semaphore_mem>>, %arg12: memref<!tpu.dma_semaphore, #tpu.memory_space<semaphore_mem>>, %arg13: memref<!tpu.dma_semaphore, #tpu.memory_space<semaphore_mem>>, %arg14: memref<!tpu.dma_semaphore, #tpu.memory_space<semaphore_mem>>, %arg15: memref<!tpu.dma_semaphore, #tpu.memory_space<semaphore_mem>>, %arg16: memref<!tpu.dma_semaphore, #tpu.memory_space<semaphore_mem>>, %arg17: memref<!tpu.dma_semaphore, #tpu.memory_space<semaphore_mem>>, %arg18: memref<!tpu.dma_semaphore, #tpu.memory_space<semaphore_mem>>, %arg19: memref<!tpu.dma_semaphore, #tpu.memory_space<semaphore_mem>>, %arg20: memref<!tpu.dma_semaphore, #tpu.memory_space<semaphore_mem>>, %arg21: memref<!tpu.dma_semaphore, #tpu.memory_space<semaphore_mem>>, %arg22: memref<!tpu.dma_semaphore, #tpu.memory_space<semaphore_mem>>, %arg23: memref<!tpu.dma_semaphore, #tpu.memory_space<semaphore_mem>>, %arg24: memref<!tpu.dma_semaphore, #tpu.memory_space<semaphore_mem>>, %arg25: memref<!tpu.dma_semaphore, #tpu.memory_space<semaphore_mem>>, %arg26: memref<!tpu.dma_semaphore, #tpu.memory_space<semaphore_mem>>) attributes {dimension_semantics = [#tpu.dimension_semantics<core_parallel>, #tpu.dimension_semantics<subcore_parallel>], iteration_bounds = array<i64: 2, 16>, scalar_prefetch = 0 : i64, scratch_operands = 22 : i64, tpu.core_type = #tpu.core_type<sc_vector_subcore>, window_params = [{transform_indices = #map}, {transform_indices = #map1}, {transform_indices = #map}]} {
    %mul3A = arith.constant 2 : i32
    %mul3A_0 = arith.muli %arg1, %mul3A : i32
    %add3A = arith.addi %mul3A_0, %arg0 : i32
    %mul3A_1 = arith.constant 20000 : i32
    %mul3A_2 = arith.muli %add3A, %mul3A_1 : i32
    "tpu.region"() ({
      %run_scoped3A = tpu.sem_alloc : memref<!tpu.dma_semaphore, #tpu.memory_space<semaphore_mem>>
      %dma_start3A_141 = arith.constant 0 : i32
      %dma_start3A_142 = arith.constant 0 : i32
      %dma_start3A_143 = tpu.memref_slice %arg3[%add3A, %dma_start3A_141, %dma_start3A_142] : memref<32x500x40xi32, #tpu.memory_space<hbm>> -> memref<1x500x40xi32, #tpu.memory_space<hbm>>
      %dma_start3A_144 = tpu.memref_squeeze %dma_start3A_143 : memref<1x500x40xi32, #tpu.memory_space<hbm>> -> memref<500x40xi32, #tpu.memory_space<hbm>>
      %dma_start3A_145 = arith.constant 0 : i32
      %dma_start3A_146 = arith.constant 0 : i32
      %dma_start3A_147 = tpu.memref_slice %arg3[%add3A, %dma_start3A_145, %dma_start3A_146] : memref<32x500x40xi32, #tpu.memory_space<hbm>> -> memref<1x500x40xi32, #tpu.memory_space<hbm>>
      %dma_start3A_148 = tpu.memref_squeeze %dma_start3A_147 : memref<1x500x40xi32, #tpu.memory_space<hbm>> -> memref<500x40xi32, #tpu.memory_space<hbm>>
      tpu.enqueue_dma source(%dma_start3A_148 : memref<500x40xi32, #tpu.memory_space<hbm>>) target(%arg5 : memref<500x40xi32, #tpu.memory_space<vmem>>) target_semaphore(%run_scoped3A : memref<!tpu.dma_semaphore, #tpu.memory_space<semaphore_mem>>)
      %dma_wait3A_149 = arith.constant 0 : i32
      %dma_wait3A_150 = arith.constant 0 : i32
      %dma_wait3A_151 = tpu.memref_slice %arg3[%add3A, %dma_wait3A_149, %dma_wait3A_150] : memref<32x500x40xi32, #tpu.memory_space<hbm>> -> memref<1x500x40xi32, #tpu.memory_space<hbm>>
      %dma_wait3A_152 = tpu.memref_squeeze %dma_wait3A_151 : memref<1x500x40xi32, #tpu.memory_space<hbm>> -> memref<500x40xi32, #tpu.memory_space<hbm>>
      %dma_wait3A_153 = arith.constant 0 : i32
      %dma_wait3A_154 = arith.constant 0 : i32
      %dma_wait3A_155 = tpu.memref_slice %arg3[%add3A, %dma_wait3A_153, %dma_wait3A_154] : memref<32x500x40xi32, #tpu.memory_space<hbm>> -> memref<1x500x40xi32, #tpu.memory_space<hbm>>
      %dma_wait3A_156 = tpu.memref_squeeze %dma_wait3A_155 : memref<1x500x40xi32, #tpu.memory_space<hbm>> -> memref<500x40xi32, #tpu.memory_space<hbm>>
      tpu.wait_dma2 semaphore(%run_scoped3A : memref<!tpu.dma_semaphore, #tpu.memory_space<semaphore_mem>>) src(%dma_wait3A_156 : memref<500x40xi32, #tpu.memory_space<hbm>>) dst(%arg5 : memref<500x40xi32, #tpu.memory_space<vmem>>)
      tpu.yield
    }) : () -> ()
    %dma_start3A = arith.constant 0 : i32
    %dma_start3A_3 = arith.constant 0 : i32
    %dma_start3A_4 = arith.constant 0 : i32
    %dma_start3A_5 = arith.constant 0 : i32
    %dma_start3A_6 = tpu.memref_slice %arg6[%dma_start3A_3, %dma_start3A_4, %dma_start3A_5] : memref<10x40x128xf32, #tpu.memory_space<vmem>> -> memref<1x40x128xf32, #tpu.memory_space<vmem>>
    %dma_start3A_7 = tpu.memref_squeeze %dma_start3A_6 : memref<1x40x128xf32, #tpu.memory_space<vmem>> -> memref<40x128xf32, #tpu.memory_space<vmem>>
    %dma_start3A_8 = arith.constant 0 : i32
    %dma_start3A_9 = tpu.memref_slice %arg5[%dma_start3A, %dma_start3A_8] : memref<500x40xi32, #tpu.memory_space<vmem>> -> memref<1x40xi32, #tpu.memory_space<vmem>>
    %dma_start3A_10 = tpu.memref_squeeze %dma_start3A_9 : memref<1x40xi32, #tpu.memory_space<vmem>> -> memref<40xi32, #tpu.memory_space<vmem>>
    %dma_start3A_11 = arith.constant 0 : i32
    %dma_start3A_12 = arith.constant 0 : i32
    %dma_start3A_13 = tpu.memref_slice %arg2[%dma_start3A_11, %dma_start3A_12] : memref<10000x128xf32, #tpu.memory_space<hbm>> -> memref<10000x128xf32, #tpu.memory_space<hbm>>
    tpu.enqueue_indirect_dma source(%dma_start3A_13 : memref<10000x128xf32, #tpu.memory_space<hbm>>) target(%dma_start3A_7 : memref<40x128xf32, #tpu.memory_space<vmem>>) offsets(%dma_start3A_10 : memref<40xi32, #tpu.memory_space<vmem>>) semaphore(%arg7 : memref<!tpu.dma_semaphore, #tpu.memory_space<semaphore_mem>>)
    %dma_start3A_14 = arith.constant 1 : i32
    %dma_start3A_15 = arith.constant 1 : i32
    %dma_start3A_16 = arith.constant 0 : i32
    %dma_start3A_17 = arith.constant 0 : i32
    %dma_start3A_18 = tpu.memref_slice %arg6[%dma_start3A_15, %dma_start3A_16, %dma_start3A_17] : memref<10x40x128xf32, #tpu.memory_space<vmem>> -> memref<1x40x128xf32, #tpu.memory_space<vmem>>
    %dma_start3A_19 = tpu.memref_squeeze %dma_start3A_18 : memref<1x40x128xf32, #tpu.memory_space<vmem>> -> memref<40x128xf32, #tpu.memory_space<vmem>>
    %dma_start3A_20 = arith.constant 0 : i32
    %dma_start3A_21 = tpu.memref_slice %arg5[%dma_start3A_14, %dma_start3A_20] : memref<500x40xi32, #tpu.memory_space<vmem>> -> memref<1x40xi32, #tpu.memory_space<vmem>>
    %dma_start3A_22 = tpu.memref_squeeze %dma_start3A_21 : memref<1x40xi32, #tpu.memory_space<vmem>> -> memref<40xi32, #tpu.memory_space<vmem>>
    %dma_start3A_23 = arith.constant 0 : i32
    %dma_start3A_24 = arith.constant 0 : i32
    %dma_start3A_25 = tpu.memref_slice %arg2[%dma_start3A_23, %dma_start3A_24] : memref<10000x128xf32, #tpu.memory_space<hbm>> -> memref<10000x128xf32, #tpu.memory_space<hbm>>
    tpu.enqueue_indirect_dma source(%dma_start3A_25 : memref<10000x128xf32, #tpu.memory_space<hbm>>) target(%dma_start3A_19 : memref<40x128xf32, #tpu.memory_space<vmem>>) offsets(%dma_start3A_22 : memref<40xi32, #tpu.memory_space<vmem>>) semaphore(%arg8 : memref<!tpu.dma_semaphore, #tpu.memory_space<semaphore_mem>>)
    %dma_start3A_26 = arith.constant 2 : i32
    %dma_start3A_27 = arith.constant 2 : i32
    %dma_start3A_28 = arith.constant 0 : i32
    %dma_start3A_29 = arith.constant 0 : i32
    %dma_start3A_30 = tpu.memref_slice %arg6[%dma_start3A_27, %dma_start3A_28, %dma_start3A_29] : memref<10x40x128xf32, #tpu.memory_space<vmem>> -> memref<1x40x128xf32, #tpu.memory_space<vmem>>
    %dma_start3A_31 = tpu.memref_squeeze %dma_start3A_30 : memref<1x40x128xf32, #tpu.memory_space<vmem>> -> memref<40x128xf32, #tpu.memory_space<vmem>>
    %dma_start3A_32 = arith.constant 0 : i32
    %dma_start3A_33 = tpu.memref_slice %arg5[%dma_start3A_26, %dma_start3A_32] : memref<500x40xi32, #tpu.memory_space<vmem>> -> memref<1x40xi32, #tpu.memory_space<vmem>>
    %dma_start3A_34 = tpu.memref_squeeze %dma_start3A_33 : memref<1x40xi32, #tpu.memory_space<vmem>> -> memref<40xi32, #tpu.memory_space<vmem>>
    %dma_start3A_35 = arith.constant 0 : i32
    %dma_start3A_36 = arith.constant 0 : i32
    %dma_start3A_37 = tpu.memref_slice %arg2[%dma_start3A_35, %dma_start3A_36] : memref<10000x128xf32, #tpu.memory_space<hbm>> -> memref<10000x128xf32, #tpu.memory_space<hbm>>
    tpu.enqueue_indirect_dma source(%dma_start3A_37 : memref<10000x128xf32, #tpu.memory_space<hbm>>) target(%dma_start3A_31 : memref<40x128xf32, #tpu.memory_space<vmem>>) offsets(%dma_start3A_34 : memref<40xi32, #tpu.memory_space<vmem>>) semaphore(%arg9 : memref<!tpu.dma_semaphore, #tpu.memory_space<semaphore_mem>>)
    %dma_start3A_38 = arith.constant 3 : i32
    %dma_start3A_39 = arith.constant 3 : i32
    %dma_start3A_40 = arith.constant 0 : i32
    %dma_start3A_41 = arith.constant 0 : i32
    %dma_start3A_42 = tpu.memref_slice %arg6[%dma_start3A_39, %dma_start3A_40, %dma_start3A_41] : memref<10x40x128xf32, #tpu.memory_space<vmem>> -> memref<1x40x128xf32, #tpu.memory_space<vmem>>
    %dma_start3A_43 = tpu.memref_squeeze %dma_start3A_42 : memref<1x40x128xf32, #tpu.memory_space<vmem>> -> memref<40x128xf32, #tpu.memory_space<vmem>>
    %dma_start3A_44 = arith.constant 0 : i32
    %dma_start3A_45 = tpu.memref_slice %arg5[%dma_start3A_38, %dma_start3A_44] : memref<500x40xi32, #tpu.memory_space<vmem>> -> memref<1x40xi32, #tpu.memory_space<vmem>>
    %dma_start3A_46 = tpu.memref_squeeze %dma_start3A_45 : memref<1x40xi32, #tpu.memory_space<vmem>> -> memref<40xi32, #tpu.memory_space<vmem>>
    %dma_start3A_47 = arith.constant 0 : i32
    %dma_start3A_48 = arith.constant 0 : i32
    %dma_start3A_49 = tpu.memref_slice %arg2[%dma_start3A_47, %dma_start3A_48] : memref<10000x128xf32, #tpu.memory_space<hbm>> -> memref<10000x128xf32, #tpu.memory_space<hbm>>
    tpu.enqueue_indirect_dma source(%dma_start3A_49 : memref<10000x128xf32, #tpu.memory_space<hbm>>) target(%dma_start3A_43 : memref<40x128xf32, #tpu.memory_space<vmem>>) offsets(%dma_start3A_46 : memref<40xi32, #tpu.memory_space<vmem>>) semaphore(%arg10 : memref<!tpu.dma_semaphore, #tpu.memory_space<semaphore_mem>>)
    %dma_start3A_50 = arith.constant 4 : i32
    %dma_start3A_51 = arith.constant 4 : i32
    %dma_start3A_52 = arith.constant 0 : i32
    %dma_start3A_53 = arith.constant 0 : i32
    %dma_start3A_54 = tpu.memref_slice %arg6[%dma_start3A_51, %dma_start3A_52, %dma_start3A_53] : memref<10x40x128xf32, #tpu.memory_space<vmem>> -> memref<1x40x128xf32, #tpu.memory_space<vmem>>
    %dma_start3A_55 = tpu.memref_squeeze %dma_start3A_54 : memref<1x40x128xf32, #tpu.memory_space<vmem>> -> memref<40x128xf32, #tpu.memory_space<vmem>>
    %dma_start3A_56 = arith.constant 0 : i32
    %dma_start3A_57 = tpu.memref_slice %arg5[%dma_start3A_50, %dma_start3A_56] : memref<500x40xi32, #tpu.memory_space<vmem>> -> memref<1x40xi32, #tpu.memory_space<vmem>>
    %dma_start3A_58 = tpu.memref_squeeze %dma_start3A_57 : memref<1x40xi32, #tpu.memory_space<vmem>> -> memref<40xi32, #tpu.memory_space<vmem>>
    %dma_start3A_59 = arith.constant 0 : i32
    %dma_start3A_60 = arith.constant 0 : i32
    %dma_start3A_61 = tpu.memref_slice %arg2[%dma_start3A_59, %dma_start3A_60] : memref<10000x128xf32, #tpu.memory_space<hbm>> -> memref<10000x128xf32, #tpu.memory_space<hbm>>
    tpu.enqueue_indirect_dma source(%dma_start3A_61 : memref<10000x128xf32, #tpu.memory_space<hbm>>) target(%dma_start3A_55 : memref<40x128xf32, #tpu.memory_space<vmem>>) offsets(%dma_start3A_58 : memref<40xi32, #tpu.memory_space<vmem>>) semaphore(%arg11 : memref<!tpu.dma_semaphore, #tpu.memory_space<semaphore_mem>>)
    %scan3A = arith.constant 0 : i32
    %scan3A_62 = arith.constant 0 : i32
    %scan3A_63 = arith.constant 50 : i32
    %scan3A_64 = arith.addi %scan3A_62, %scan3A_63 : i32
    %scan3A_65 = arith.constant 1 : i32
    scf.for %scan3A_141 = %scan3A_62 to %scan3A_64 step %scan3A_65  : i32 {
      %mul3A_142 = arith.constant 10 : i32
      %mul3A_143 = arith.muli %scan3A_141, %mul3A_142 : i32
      %add3A_144 = arith.constant 0 : i32
      %add3A_145 = arith.addi %mul3A_143, %add3A_144 : i32
      %ge3A = arith.constant 5 : i32
      %ge3A_146 = arith.cmpi sge, %add3A_145, %ge3A : i32
      %convert_element_type3A = arith.extui %ge3A_146 : i1 to i32
      %cond3A = arith.constant 0 : i32
      %cond3A_147 = arith.cmpi ne, %convert_element_type3A, %cond3A : i32
      scf.if %cond3A_147 {
        %sub3A = arith.constant 5 : i32
        %sub3A_550 = arith.subi %add3A_145, %sub3A : i32
        %mul3A_551 = arith.constant 40 : i32
        %mul3A_552 = arith.muli %sub3A_550, %mul3A_551 : i32
        %add3A_553 = arith.addi %mul3A_2, %mul3A_552 : i32
        %dma_wait3A_554 = arith.constant 5 : i32
        %dma_wait3A_555 = arith.constant 0 : i32
        %dma_wait3A_556 = arith.constant 0 : i32
        %dma_wait3A_557 = tpu.memref_slice %arg6[%dma_wait3A_554, %dma_wait3A_555, %dma_wait3A_556] : memref<10x40x128xf32, #tpu.memory_space<vmem>> -> memref<1x40x128xf32, #tpu.memory_space<vmem>>
        %dma_wait3A_558 = tpu.memref_squeeze %dma_wait3A_557 : memref<1x40x128xf32, #tpu.memory_space<vmem>> -> memref<40x128xf32, #tpu.memory_space<vmem>>
        %dma_wait3A_559 = arith.constant 0 : i32
        %dma_wait3A_560 = tpu.memref_slice %arg4[%add3A_553, %dma_wait3A_559] : memref<640000x128xf32, #tpu.memory_space<hbm>> -> memref<40x128xf32, #tpu.memory_space<hbm>>
        %dma_wait3A_561 = arith.constant 0 : i32
        %dma_wait3A_562 = tpu.memref_slice %arg4[%add3A_553, %dma_wait3A_561] : memref<640000x128xf32, #tpu.memory_space<hbm>> -> memref<40x128xf32, #tpu.memory_space<hbm>>
        %dma_wait3A_563 = arith.constant 0 : i32
        %dma_wait3A_564 = arith.constant 0 : i32
        %dma_wait3A_565 = tpu.memref_slice %arg6[%dma_wait3A_554, %dma_wait3A_563, %dma_wait3A_564] : memref<10x40x128xf32, #tpu.memory_space<vmem>> -> memref<1x40x128xf32, #tpu.memory_space<vmem>>
        %dma_wait3A_566 = tpu.memref_squeeze %dma_wait3A_565 : memref<1x40x128xf32, #tpu.memory_space<vmem>> -> memref<40x128xf32, #tpu.memory_space<vmem>>
        tpu.wait_dma2 semaphore(%arg22 : memref<!tpu.dma_semaphore, #tpu.memory_space<semaphore_mem>>) src(%dma_wait3A_566 : memref<40x128xf32, #tpu.memory_space<vmem>>) dst(%dma_wait3A_562 : memref<40x128xf32, #tpu.memory_space<hbm>>)
      } else {
      }
      %add3A_148 = arith.constant 5 : i32
      %add3A_149 = arith.addi %add3A_145, %add3A_148 : i32
      %lt3A = arith.constant 500 : i32
      %lt3A_150 = arith.cmpi slt, %add3A_149, %lt3A : i32
      %convert_element_type3A_151 = arith.extui %lt3A_150 : i1 to i32
      %cond3A_152 = arith.constant 0 : i32
      %cond3A_153 = arith.cmpi ne, %convert_element_type3A_151, %cond3A_152 : i32
      scf.if %cond3A_153 {
        %add3A_550 = arith.constant 5 : i32
        %add3A_551 = arith.addi %add3A_145, %add3A_550 : i32
        %dma_start3A_552 = arith.constant 5 : i32
        %dma_start3A_553 = arith.constant 0 : i32
        %dma_start3A_554 = arith.constant 0 : i32
        %dma_start3A_555 = tpu.memref_slice %arg6[%dma_start3A_552, %dma_start3A_553, %dma_start3A_554] : memref<10x40x128xf32, #tpu.memory_space<vmem>> -> memref<1x40x128xf32, #tpu.memory_space<vmem>>
        %dma_start3A_556 = tpu.memref_squeeze %dma_start3A_555 : memref<1x40x128xf32, #tpu.memory_space<vmem>> -> memref<40x128xf32, #tpu.memory_space<vmem>>
        %dma_start3A_557 = arith.constant 0 : i32
        %dma_start3A_558 = tpu.memref_slice %arg5[%add3A_551, %dma_start3A_557] : memref<500x40xi32, #tpu.memory_space<vmem>> -> memref<1x40xi32, #tpu.memory_space<vmem>>
        %dma_start3A_559 = tpu.memref_squeeze %dma_start3A_558 : memref<1x40xi32, #tpu.memory_space<vmem>> -> memref<40xi32, #tpu.memory_space<vmem>>
        %dma_start3A_560 = arith.constant 0 : i32
        %dma_start3A_561 = arith.constant 0 : i32
        %dma_start3A_562 = tpu.memref_slice %arg2[%dma_start3A_560, %dma_start3A_561] : memref<10000x128xf32, #tpu.memory_space<hbm>> -> memref<10000x128xf32, #tpu.memory_space<hbm>>
        tpu.enqueue_indirect_dma source(%dma_start3A_562 : memref<10000x128xf32, #tpu.memory_space<hbm>>) target(%dma_start3A_556 : memref<40x128xf32, #tpu.memory_space<vmem>>) offsets(%dma_start3A_559 : memref<40xi32, #tpu.memory_space<vmem>>) semaphore(%arg12 : memref<!tpu.dma_semaphore, #tpu.memory_space<semaphore_mem>>)
      } else {
      }
      %dma_wait3A_154 = arith.constant 0 : i32
      %dma_wait3A_155 = arith.constant 0 : i32
      %dma_wait3A_156 = arith.constant 0 : i32
      %dma_wait3A_157 = tpu.memref_slice %arg6[%dma_wait3A_154, %dma_wait3A_155, %dma_wait3A_156] : memref<10x40x128xf32, #tpu.memory_space<vmem>> -> memref<1x40x128xf32, #tpu.memory_space<vmem>>
      %dma_wait3A_158 = tpu.memref_squeeze %dma_wait3A_157 : memref<1x40x128xf32, #tpu.memory_space<vmem>> -> memref<40x128xf32, #tpu.memory_space<vmem>>
      %dma_wait3A_159 = arith.constant 0 : i32
      %dma_wait3A_160 = tpu.memref_slice %arg5[%add3A_145, %dma_wait3A_159] : memref<500x40xi32, #tpu.memory_space<vmem>> -> memref<1x40xi32, #tpu.memory_space<vmem>>
      %dma_wait3A_161 = tpu.memref_squeeze %dma_wait3A_160 : memref<1x40xi32, #tpu.memory_space<vmem>> -> memref<40xi32, #tpu.memory_space<vmem>>
      %dma_wait3A_162 = arith.constant 0 : i32
      %dma_wait3A_163 = arith.constant 0 : i32
      %dma_wait3A_164 = tpu.memref_slice %arg2[%dma_wait3A_162, %dma_wait3A_163] : memref<10000x128xf32, #tpu.memory_space<hbm>> -> memref<10000x128xf32, #tpu.memory_space<hbm>>
      tpu.wait_indirect_dma semaphore(%arg7 : memref<!tpu.dma_semaphore, #tpu.memory_space<semaphore_mem>>) src(%dma_wait3A_164 : memref<10000x128xf32, #tpu.memory_space<hbm>>) dst(%dma_wait3A_158 : memref<40x128xf32, #tpu.memory_space<vmem>>)
      %mul3A_165 = arith.constant 40 : i32
      %mul3A_166 = arith.muli %add3A_145, %mul3A_165 : i32
      %add3A_167 = arith.addi %mul3A_2, %mul3A_166 : i32
      %dma_start3A_168 = arith.constant 0 : i32
      %dma_start3A_169 = arith.constant 0 : i32
      %dma_start3A_170 = arith.constant 0 : i32
      %dma_start3A_171 = tpu.memref_slice %arg6[%dma_start3A_168, %dma_start3A_169, %dma_start3A_170] : memref<10x40x128xf32, #tpu.memory_space<vmem>> -> memref<1x40x128xf32, #tpu.memory_space<vmem>>
      %dma_start3A_172 = tpu.memref_squeeze %dma_start3A_171 : memref<1x40x128xf32, #tpu.memory_space<vmem>> -> memref<40x128xf32, #tpu.memory_space<vmem>>
      %dma_start3A_173 = arith.constant 0 : i32
      %dma_start3A_174 = tpu.memref_slice %arg4[%add3A_167, %dma_start3A_173] : memref<640000x128xf32, #tpu.memory_space<hbm>> -> memref<40x128xf32, #tpu.memory_space<hbm>>
      %dma_start3A_175 = arith.constant 0 : i32
      %dma_start3A_176 = tpu.memref_slice %arg4[%add3A_167, %dma_start3A_175] : memref<640000x128xf32, #tpu.memory_space<hbm>> -> memref<40x128xf32, #tpu.memory_space<hbm>>
      %dma_start3A_177 = arith.constant 0 : i32
      %dma_start3A_178 = arith.constant 0 : i32
      %dma_start3A_179 = tpu.memref_slice %arg6[%dma_start3A_168, %dma_start3A_177, %dma_start3A_178] : memref<10x40x128xf32, #tpu.memory_space<vmem>> -> memref<1x40x128xf32, #tpu.memory_space<vmem>>
      %dma_start3A_180 = tpu.memref_squeeze %dma_start3A_179 : memref<1x40x128xf32, #tpu.memory_space<vmem>> -> memref<40x128xf32, #tpu.memory_space<vmem>>
      tpu.enqueue_dma source(%dma_start3A_180 : memref<40x128xf32, #tpu.memory_space<vmem>>) target(%dma_start3A_176 : memref<40x128xf32, #tpu.memory_space<hbm>>) target_semaphore(%arg17 : memref<!tpu.dma_semaphore, #tpu.memory_space<semaphore_mem>>)
      %add3A_181 = arith.constant 1 : i32
      %add3A_182 = arith.addi %mul3A_143, %add3A_181 : i32
      %ge3A_183 = arith.constant 5 : i32
      %ge3A_184 = arith.cmpi sge, %add3A_182, %ge3A_183 : i32
      %convert_element_type3A_185 = arith.extui %ge3A_184 : i1 to i32
      %cond3A_186 = arith.constant 0 : i32
      %cond3A_187 = arith.cmpi ne, %convert_element_type3A_185, %cond3A_186 : i32
      scf.if %cond3A_187 {
        %sub3A = arith.constant 5 : i32
        %sub3A_550 = arith.subi %add3A_182, %sub3A : i32
        %mul3A_551 = arith.constant 40 : i32
        %mul3A_552 = arith.muli %sub3A_550, %mul3A_551 : i32
        %add3A_553 = arith.addi %mul3A_2, %mul3A_552 : i32
        %dma_wait3A_554 = arith.constant 6 : i32
        %dma_wait3A_555 = arith.constant 0 : i32
        %dma_wait3A_556 = arith.constant 0 : i32
        %dma_wait3A_557 = tpu.memref_slice %arg6[%dma_wait3A_554, %dma_wait3A_555, %dma_wait3A_556] : memref<10x40x128xf32, #tpu.memory_space<vmem>> -> memref<1x40x128xf32, #tpu.memory_space<vmem>>
        %dma_wait3A_558 = tpu.memref_squeeze %dma_wait3A_557 : memref<1x40x128xf32, #tpu.memory_space<vmem>> -> memref<40x128xf32, #tpu.memory_space<vmem>>
        %dma_wait3A_559 = arith.constant 0 : i32
        %dma_wait3A_560 = tpu.memref_slice %arg4[%add3A_553, %dma_wait3A_559] : memref<640000x128xf32, #tpu.memory_space<hbm>> -> memref<40x128xf32, #tpu.memory_space<hbm>>
        %dma_wait3A_561 = arith.constant 0 : i32
        %dma_wait3A_562 = tpu.memref_slice %arg4[%add3A_553, %dma_wait3A_561] : memref<640000x128xf32, #tpu.memory_space<hbm>> -> memref<40x128xf32, #tpu.memory_space<hbm>>
        %dma_wait3A_563 = arith.constant 0 : i32
        %dma_wait3A_564 = arith.constant 0 : i32
        %dma_wait3A_565 = tpu.memref_slice %arg6[%dma_wait3A_554, %dma_wait3A_563, %dma_wait3A_564] : memref<10x40x128xf32, #tpu.memory_space<vmem>> -> memref<1x40x128xf32, #tpu.memory_space<vmem>>
        %dma_wait3A_566 = tpu.memref_squeeze %dma_wait3A_565 : memref<1x40x128xf32, #tpu.memory_space<vmem>> -> memref<40x128xf32, #tpu.memory_space<vmem>>
        tpu.wait_dma2 semaphore(%arg23 : memref<!tpu.dma_semaphore, #tpu.memory_space<semaphore_mem>>) src(%dma_wait3A_566 : memref<40x128xf32, #tpu.memory_space<vmem>>) dst(%dma_wait3A_562 : memref<40x128xf32, #tpu.memory_space<hbm>>)
      } else {
      }
      %add3A_188 = arith.constant 5 : i32
      %add3A_189 = arith.addi %add3A_182, %add3A_188 : i32
      %lt3A_190 = arith.constant 500 : i32
      %lt3A_191 = arith.cmpi slt, %add3A_189, %lt3A_190 : i32
      %convert_element_type3A_192 = arith.extui %lt3A_191 : i1 to i32
      %cond3A_193 = arith.constant 0 : i32
      %cond3A_194 = arith.cmpi ne, %convert_element_type3A_192, %cond3A_193 : i32
      scf.if %cond3A_194 {
        %add3A_550 = arith.constant 5 : i32
        %add3A_551 = arith.addi %add3A_182, %add3A_550 : i32
        %dma_start3A_552 = arith.constant 6 : i32
        %dma_start3A_553 = arith.constant 0 : i32
        %dma_start3A_554 = arith.constant 0 : i32
        %dma_start3A_555 = tpu.memref_slice %arg6[%dma_start3A_552, %dma_start3A_553, %dma_start3A_554] : memref<10x40x128xf32, #tpu.memory_space<vmem>> -> memref<1x40x128xf32, #tpu.memory_space<vmem>>
        %dma_start3A_556 = tpu.memref_squeeze %dma_start3A_555 : memref<1x40x128xf32, #tpu.memory_space<vmem>> -> memref<40x128xf32, #tpu.memory_space<vmem>>
        %dma_start3A_557 = arith.constant 0 : i32
        %dma_start3A_558 = tpu.memref_slice %arg5[%add3A_551, %dma_start3A_557] : memref<500x40xi32, #tpu.memory_space<vmem>> -> memref<1x40xi32, #tpu.memory_space<vmem>>
        %dma_start3A_559 = tpu.memref_squeeze %dma_start3A_558 : memref<1x40xi32, #tpu.memory_space<vmem>> -> memref<40xi32, #tpu.memory_space<vmem>>
        %dma_start3A_560 = arith.constant 0 : i32
        %dma_start3A_561 = arith.constant 0 : i32
        %dma_start3A_562 = tpu.memref_slice %arg2[%dma_start3A_560, %dma_start3A_561] : memref<10000x128xf32, #tpu.memory_space<hbm>> -> memref<10000x128xf32, #tpu.memory_space<hbm>>
        tpu.enqueue_indirect_dma source(%dma_start3A_562 : memref<10000x128xf32, #tpu.memory_space<hbm>>) target(%dma_start3A_556 : memref<40x128xf32, #tpu.memory_space<vmem>>) offsets(%dma_start3A_559 : memref<40xi32, #tpu.memory_space<vmem>>) semaphore(%arg13 : memref<!tpu.dma_semaphore, #tpu.memory_space<semaphore_mem>>)
      } else {
      }
      %dma_wait3A_195 = arith.constant 1 : i32
      %dma_wait3A_196 = arith.constant 0 : i32
      %dma_wait3A_197 = arith.constant 0 : i32
      %dma_wait3A_198 = tpu.memref_slice %arg6[%dma_wait3A_195, %dma_wait3A_196, %dma_wait3A_197] : memref<10x40x128xf32, #tpu.memory_space<vmem>> -> memref<1x40x128xf32, #tpu.memory_space<vmem>>
      %dma_wait3A_199 = tpu.memref_squeeze %dma_wait3A_198 : memref<1x40x128xf32, #tpu.memory_space<vmem>> -> memref<40x128xf32, #tpu.memory_space<vmem>>
      %dma_wait3A_200 = arith.constant 0 : i32
      %dma_wait3A_201 = tpu.memref_slice %arg5[%add3A_182, %dma_wait3A_200] : memref<500x40xi32, #tpu.memory_space<vmem>> -> memref<1x40xi32, #tpu.memory_space<vmem>>
      %dma_wait3A_202 = tpu.memref_squeeze %dma_wait3A_201 : memref<1x40xi32, #tpu.memory_space<vmem>> -> memref<40xi32, #tpu.memory_space<vmem>>
      %dma_wait3A_203 = arith.constant 0 : i32
      %dma_wait3A_204 = arith.constant 0 : i32
      %dma_wait3A_205 = tpu.memref_slice %arg2[%dma_wait3A_203, %dma_wait3A_204] : memref<10000x128xf32, #tpu.memory_space<hbm>> -> memref<10000x128xf32, #tpu.memory_space<hbm>>
      tpu.wait_indirect_dma semaphore(%arg8 : memref<!tpu.dma_semaphore, #tpu.memory_space<semaphore_mem>>) src(%dma_wait3A_205 : memref<10000x128xf32, #tpu.memory_space<hbm>>) dst(%dma_wait3A_199 : memref<40x128xf32, #tpu.memory_space<vmem>>)
      %mul3A_206 = arith.constant 40 : i32
      %mul3A_207 = arith.muli %add3A_182, %mul3A_206 : i32
      %add3A_208 = arith.addi %mul3A_2, %mul3A_207 : i32
      %dma_start3A_209 = arith.constant 1 : i32
      %dma_start3A_210 = arith.constant 0 : i32
      %dma_start3A_211 = arith.constant 0 : i32
      %dma_start3A_212 = tpu.memref_slice %arg6[%dma_start3A_209, %dma_start3A_210, %dma_start3A_211] : memref<10x40x128xf32, #tpu.memory_space<vmem>> -> memref<1x40x128xf32, #tpu.memory_space<vmem>>
      %dma_start3A_213 = tpu.memref_squeeze %dma_start3A_212 : memref<1x40x128xf32, #tpu.memory_space<vmem>> -> memref<40x128xf32, #tpu.memory_space<vmem>>
      %dma_start3A_214 = arith.constant 0 : i32
      %dma_start3A_215 = tpu.memref_slice %arg4[%add3A_208, %dma_start3A_214] : memref<640000x128xf32, #tpu.memory_space<hbm>> -> memref<40x128xf32, #tpu.memory_space<hbm>>
      %dma_start3A_216 = arith.constant 0 : i32
      %dma_start3A_217 = tpu.memref_slice %arg4[%add3A_208, %dma_start3A_216] : memref<640000x128xf32, #tpu.memory_space<hbm>> -> memref<40x128xf32, #tpu.memory_space<hbm>>
      %dma_start3A_218 = arith.constant 0 : i32
      %dma_start3A_219 = arith.constant 0 : i32
      %dma_start3A_220 = tpu.memref_slice %arg6[%dma_start3A_209, %dma_start3A_218, %dma_start3A_219] : memref<10x40x128xf32, #tpu.memory_space<vmem>> -> memref<1x40x128xf32, #tpu.memory_space<vmem>>
      %dma_start3A_221 = tpu.memref_squeeze %dma_start3A_220 : memref<1x40x128xf32, #tpu.memory_space<vmem>> -> memref<40x128xf32, #tpu.memory_space<vmem>>
      tpu.enqueue_dma source(%dma_start3A_221 : memref<40x128xf32, #tpu.memory_space<vmem>>) target(%dma_start3A_217 : memref<40x128xf32, #tpu.memory_space<hbm>>) target_semaphore(%arg18 : memref<!tpu.dma_semaphore, #tpu.memory_space<semaphore_mem>>)
      %add3A_222 = arith.constant 2 : i32
      %add3A_223 = arith.addi %mul3A_143, %add3A_222 : i32
      %ge3A_224 = arith.constant 5 : i32
      %ge3A_225 = arith.cmpi sge, %add3A_223, %ge3A_224 : i32
      %convert_element_type3A_226 = arith.extui %ge3A_225 : i1 to i32
      %cond3A_227 = arith.constant 0 : i32
      %cond3A_228 = arith.cmpi ne, %convert_element_type3A_226, %cond3A_227 : i32
      scf.if %cond3A_228 {
        %sub3A = arith.constant 5 : i32
        %sub3A_550 = arith.subi %add3A_223, %sub3A : i32
        %mul3A_551 = arith.constant 40 : i32
        %mul3A_552 = arith.muli %sub3A_550, %mul3A_551 : i32
        %add3A_553 = arith.addi %mul3A_2, %mul3A_552 : i32
        %dma_wait3A_554 = arith.constant 7 : i32
        %dma_wait3A_555 = arith.constant 0 : i32
        %dma_wait3A_556 = arith.constant 0 : i32
        %dma_wait3A_557 = tpu.memref_slice %arg6[%dma_wait3A_554, %dma_wait3A_555, %dma_wait3A_556] : memref<10x40x128xf32, #tpu.memory_space<vmem>> -> memref<1x40x128xf32, #tpu.memory_space<vmem>>
        %dma_wait3A_558 = tpu.memref_squeeze %dma_wait3A_557 : memref<1x40x128xf32, #tpu.memory_space<vmem>> -> memref<40x128xf32, #tpu.memory_space<vmem>>
        %dma_wait3A_559 = arith.constant 0 : i32
        %dma_wait3A_560 = tpu.memref_slice %arg4[%add3A_553, %dma_wait3A_559] : memref<640000x128xf32, #tpu.memory_space<hbm>> -> memref<40x128xf32, #tpu.memory_space<hbm>>
        %dma_wait3A_561 = arith.constant 0 : i32
        %dma_wait3A_562 = tpu.memref_slice %arg4[%add3A_553, %dma_wait3A_561] : memref<640000x128xf32, #tpu.memory_space<hbm>> -> memref<40x128xf32, #tpu.memory_space<hbm>>
        %dma_wait3A_563 = arith.constant 0 : i32
        %dma_wait3A_564 = arith.constant 0 : i32
        %dma_wait3A_565 = tpu.memref_slice %arg6[%dma_wait3A_554, %dma_wait3A_563, %dma_wait3A_564] : memref<10x40x128xf32, #tpu.memory_space<vmem>> -> memref<1x40x128xf32, #tpu.memory_space<vmem>>
        %dma_wait3A_566 = tpu.memref_squeeze %dma_wait3A_565 : memref<1x40x128xf32, #tpu.memory_space<vmem>> -> memref<40x128xf32, #tpu.memory_space<vmem>>
        tpu.wait_dma2 semaphore(%arg24 : memref<!tpu.dma_semaphore, #tpu.memory_space<semaphore_mem>>) src(%dma_wait3A_566 : memref<40x128xf32, #tpu.memory_space<vmem>>) dst(%dma_wait3A_562 : memref<40x128xf32, #tpu.memory_space<hbm>>)
      } else {
      }
      %add3A_229 = arith.constant 5 : i32
      %add3A_230 = arith.addi %add3A_223, %add3A_229 : i32
      %lt3A_231 = arith.constant 500 : i32
      %lt3A_232 = arith.cmpi slt, %add3A_230, %lt3A_231 : i32
      %convert_element_type3A_233 = arith.extui %lt3A_232 : i1 to i32
      %cond3A_234 = arith.constant 0 : i32
      %cond3A_235 = arith.cmpi ne, %convert_element_type3A_233, %cond3A_234 : i32
      scf.if %cond3A_235 {
        %add3A_550 = arith.constant 5 : i32
        %add3A_551 = arith.addi %add3A_223, %add3A_550 : i32
        %dma_start3A_552 = arith.constant 7 : i32
        %dma_start3A_553 = arith.constant 0 : i32
        %dma_start3A_554 = arith.constant 0 : i32
        %dma_start3A_555 = tpu.memref_slice %arg6[%dma_start3A_552, %dma_start3A_553, %dma_start3A_554] : memref<10x40x128xf32, #tpu.memory_space<vmem>> -> memref<1x40x128xf32, #tpu.memory_space<vmem>>
        %dma_start3A_556 = tpu.memref_squeeze %dma_start3A_555 : memref<1x40x128xf32, #tpu.memory_space<vmem>> -> memref<40x128xf32, #tpu.memory_space<vmem>>
        %dma_start3A_557 = arith.constant 0 : i32
        %dma_start3A_558 = tpu.memref_slice %arg5[%add3A_551, %dma_start3A_557] : memref<500x40xi32, #tpu.memory_space<vmem>> -> memref<1x40xi32, #tpu.memory_space<vmem>>
        %dma_start3A_559 = tpu.memref_squeeze %dma_start3A_558 : memref<1x40xi32, #tpu.memory_space<vmem>> -> memref<40xi32, #tpu.memory_space<vmem>>
        %dma_start3A_560 = arith.constant 0 : i32
        %dma_start3A_561 = arith.constant 0 : i32
        %dma_start3A_562 = tpu.memref_slice %arg2[%dma_start3A_560, %dma_start3A_561] : memref<10000x128xf32, #tpu.memory_space<hbm>> -> memref<10000x128xf32, #tpu.memory_space<hbm>>
        tpu.enqueue_indirect_dma source(%dma_start3A_562 : memref<10000x128xf32, #tpu.memory_space<hbm>>) target(%dma_start3A_556 : memref<40x128xf32, #tpu.memory_space<vmem>>) offsets(%dma_start3A_559 : memref<40xi32, #tpu.memory_space<vmem>>) semaphore(%arg14 : memref<!tpu.dma_semaphore, #tpu.memory_space<semaphore_mem>>)
      } else {
      }
      %dma_wait3A_236 = arith.constant 2 : i32
      %dma_wait3A_237 = arith.constant 0 : i32
      %dma_wait3A_238 = arith.constant 0 : i32
      %dma_wait3A_239 = tpu.memref_slice %arg6[%dma_wait3A_236, %dma_wait3A_237, %dma_wait3A_238] : memref<10x40x128xf32, #tpu.memory_space<vmem>> -> memref<1x40x128xf32, #tpu.memory_space<vmem>>
      %dma_wait3A_240 = tpu.memref_squeeze %dma_wait3A_239 : memref<1x40x128xf32, #tpu.memory_space<vmem>> -> memref<40x128xf32, #tpu.memory_space<vmem>>
      %dma_wait3A_241 = arith.constant 0 : i32
      %dma_wait3A_242 = tpu.memref_slice %arg5[%add3A_223, %dma_wait3A_241] : memref<500x40xi32, #tpu.memory_space<vmem>> -> memref<1x40xi32, #tpu.memory_space<vmem>>
      %dma_wait3A_243 = tpu.memref_squeeze %dma_wait3A_242 : memref<1x40xi32, #tpu.memory_space<vmem>> -> memref<40xi32, #tpu.memory_space<vmem>>
      %dma_wait3A_244 = arith.constant 0 : i32
      %dma_wait3A_245 = arith.constant 0 : i32
      %dma_wait3A_246 = tpu.memref_slice %arg2[%dma_wait3A_244, %dma_wait3A_245] : memref<10000x128xf32, #tpu.memory_space<hbm>> -> memref<10000x128xf32, #tpu.memory_space<hbm>>
      tpu.wait_indirect_dma semaphore(%arg9 : memref<!tpu.dma_semaphore, #tpu.memory_space<semaphore_mem>>) src(%dma_wait3A_246 : memref<10000x128xf32, #tpu.memory_space<hbm>>) dst(%dma_wait3A_240 : memref<40x128xf32, #tpu.memory_space<vmem>>)
      %mul3A_247 = arith.constant 40 : i32
      %mul3A_248 = arith.muli %add3A_223, %mul3A_247 : i32
      %add3A_249 = arith.addi %mul3A_2, %mul3A_248 : i32
      %dma_start3A_250 = arith.constant 2 : i32
      %dma_start3A_251 = arith.constant 0 : i32
      %dma_start3A_252 = arith.constant 0 : i32
      %dma_start3A_253 = tpu.memref_slice %arg6[%dma_start3A_250, %dma_start3A_251, %dma_start3A_252] : memref<10x40x128xf32, #tpu.memory_space<vmem>> -> memref<1x40x128xf32, #tpu.memory_space<vmem>>
      %dma_start3A_254 = tpu.memref_squeeze %dma_start3A_253 : memref<1x40x128xf32, #tpu.memory_space<vmem>> -> memref<40x128xf32, #tpu.memory_space<vmem>>
      %dma_start3A_255 = arith.constant 0 : i32
      %dma_start3A_256 = tpu.memref_slice %arg4[%add3A_249, %dma_start3A_255] : memref<640000x128xf32, #tpu.memory_space<hbm>> -> memref<40x128xf32, #tpu.memory_space<hbm>>
      %dma_start3A_257 = arith.constant 0 : i32
      %dma_start3A_258 = tpu.memref_slice %arg4[%add3A_249, %dma_start3A_257] : memref<640000x128xf32, #tpu.memory_space<hbm>> -> memref<40x128xf32, #tpu.memory_space<hbm>>
      %dma_start3A_259 = arith.constant 0 : i32
      %dma_start3A_260 = arith.constant 0 : i32
      %dma_start3A_261 = tpu.memref_slice %arg6[%dma_start3A_250, %dma_start3A_259, %dma_start3A_260] : memref<10x40x128xf32, #tpu.memory_space<vmem>> -> memref<1x40x128xf32, #tpu.memory_space<vmem>>
      %dma_start3A_262 = tpu.memref_squeeze %dma_start3A_261 : memref<1x40x128xf32, #tpu.memory_space<vmem>> -> memref<40x128xf32, #tpu.memory_space<vmem>>
      tpu.enqueue_dma source(%dma_start3A_262 : memref<40x128xf32, #tpu.memory_space<vmem>>) target(%dma_start3A_258 : memref<40x128xf32, #tpu.memory_space<hbm>>) target_semaphore(%arg19 : memref<!tpu.dma_semaphore, #tpu.memory_space<semaphore_mem>>)
      %add3A_263 = arith.constant 3 : i32
      %add3A_264 = arith.addi %mul3A_143, %add3A_263 : i32
      %ge3A_265 = arith.constant 5 : i32
      %ge3A_266 = arith.cmpi sge, %add3A_264, %ge3A_265 : i32
      %convert_element_type3A_267 = arith.extui %ge3A_266 : i1 to i32
      %cond3A_268 = arith.constant 0 : i32
      %cond3A_269 = arith.cmpi ne, %convert_element_type3A_267, %cond3A_268 : i32
      scf.if %cond3A_269 {
        %sub3A = arith.constant 5 : i32
        %sub3A_550 = arith.subi %add3A_264, %sub3A : i32
        %mul3A_551 = arith.constant 40 : i32
        %mul3A_552 = arith.muli %sub3A_550, %mul3A_551 : i32
        %add3A_553 = arith.addi %mul3A_2, %mul3A_552 : i32
        %dma_wait3A_554 = arith.constant 8 : i32
        %dma_wait3A_555 = arith.constant 0 : i32
        %dma_wait3A_556 = arith.constant 0 : i32
        %dma_wait3A_557 = tpu.memref_slice %arg6[%dma_wait3A_554, %dma_wait3A_555, %dma_wait3A_556] : memref<10x40x128xf32, #tpu.memory_space<vmem>> -> memref<1x40x128xf32, #tpu.memory_space<vmem>>
        %dma_wait3A_558 = tpu.memref_squeeze %dma_wait3A_557 : memref<1x40x128xf32, #tpu.memory_space<vmem>> -> memref<40x128xf32, #tpu.memory_space<vmem>>
        %dma_wait3A_559 = arith.constant 0 : i32
        %dma_wait3A_560 = tpu.memref_slice %arg4[%add3A_553, %dma_wait3A_559] : memref<640000x128xf32, #tpu.memory_space<hbm>> -> memref<40x128xf32, #tpu.memory_space<hbm>>
        %dma_wait3A_561 = arith.constant 0 : i32
        %dma_wait3A_562 = tpu.memref_slice %arg4[%add3A_553, %dma_wait3A_561] : memref<640000x128xf32, #tpu.memory_space<hbm>> -> memref<40x128xf32, #tpu.memory_space<hbm>>
        %dma_wait3A_563 = arith.constant 0 : i32
        %dma_wait3A_564 = arith.constant 0 : i32
        %dma_wait3A_565 = tpu.memref_slice %arg6[%dma_wait3A_554, %dma_wait3A_563, %dma_wait3A_564] : memref<10x40x128xf32, #tpu.memory_space<vmem>> -> memref<1x40x128xf32, #tpu.memory_space<vmem>>
        %dma_wait3A_566 = tpu.memref_squeeze %dma_wait3A_565 : memref<1x40x128xf32, #tpu.memory_space<vmem>> -> memref<40x128xf32, #tpu.memory_space<vmem>>
        tpu.wait_dma2 semaphore(%arg25 : memref<!tpu.dma_semaphore, #tpu.memory_space<semaphore_mem>>) src(%dma_wait3A_566 : memref<40x128xf32, #tpu.memory_space<vmem>>) dst(%dma_wait3A_562 : memref<40x128xf32, #tpu.memory_space<hbm>>)
      } else {
      }
      %add3A_270 = arith.constant 5 : i32
      %add3A_271 = arith.addi %add3A_264, %add3A_270 : i32
      %lt3A_272 = arith.constant 500 : i32
      %lt3A_273 = arith.cmpi slt, %add3A_271, %lt3A_272 : i32
      %convert_element_type3A_274 = arith.extui %lt3A_273 : i1 to i32
      %cond3A_275 = arith.constant 0 : i32
      %cond3A_276 = arith.cmpi ne, %convert_element_type3A_274, %cond3A_275 : i32
      scf.if %cond3A_276 {
        %add3A_550 = arith.constant 5 : i32
        %add3A_551 = arith.addi %add3A_264, %add3A_550 : i32
        %dma_start3A_552 = arith.constant 8 : i32
        %dma_start3A_553 = arith.constant 0 : i32
        %dma_start3A_554 = arith.constant 0 : i32
        %dma_start3A_555 = tpu.memref_slice %arg6[%dma_start3A_552, %dma_start3A_553, %dma_start3A_554] : memref<10x40x128xf32, #tpu.memory_space<vmem>> -> memref<1x40x128xf32, #tpu.memory_space<vmem>>
        %dma_start3A_556 = tpu.memref_squeeze %dma_start3A_555 : memref<1x40x128xf32, #tpu.memory_space<vmem>> -> memref<40x128xf32, #tpu.memory_space<vmem>>
        %dma_start3A_557 = arith.constant 0 : i32
        %dma_start3A_558 = tpu.memref_slice %arg5[%add3A_551, %dma_start3A_557] : memref<500x40xi32, #tpu.memory_space<vmem>> -> memref<1x40xi32, #tpu.memory_space<vmem>>
        %dma_start3A_559 = tpu.memref_squeeze %dma_start3A_558 : memref<1x40xi32, #tpu.memory_space<vmem>> -> memref<40xi32, #tpu.memory_space<vmem>>
        %dma_start3A_560 = arith.constant 0 : i32
        %dma_start3A_561 = arith.constant 0 : i32
        %dma_start3A_562 = tpu.memref_slice %arg2[%dma_start3A_560, %dma_start3A_561] : memref<10000x128xf32, #tpu.memory_space<hbm>> -> memref<10000x128xf32, #tpu.memory_space<hbm>>
        tpu.enqueue_indirect_dma source(%dma_start3A_562 : memref<10000x128xf32, #tpu.memory_space<hbm>>) target(%dma_start3A_556 : memref<40x128xf32, #tpu.memory_space<vmem>>) offsets(%dma_start3A_559 : memref<40xi32, #tpu.memory_space<vmem>>) semaphore(%arg15 : memref<!tpu.dma_semaphore, #tpu.memory_space<semaphore_mem>>)
      } else {
      }
      %dma_wait3A_277 = arith.constant 3 : i32
      %dma_wait3A_278 = arith.constant 0 : i32
      %dma_wait3A_279 = arith.constant 0 : i32
      %dma_wait3A_280 = tpu.memref_slice %arg6[%dma_wait3A_277, %dma_wait3A_278, %dma_wait3A_279] : memref<10x40x128xf32, #tpu.memory_space<vmem>> -> memref<1x40x128xf32, #tpu.memory_space<vmem>>
      %dma_wait3A_281 = tpu.memref_squeeze %dma_wait3A_280 : memref<1x40x128xf32, #tpu.memory_space<vmem>> -> memref<40x128xf32, #tpu.memory_space<vmem>>
      %dma_wait3A_282 = arith.constant 0 : i32
      %dma_wait3A_283 = tpu.memref_slice %arg5[%add3A_264, %dma_wait3A_282] : memref<500x40xi32, #tpu.memory_space<vmem>> -> memref<1x40xi32, #tpu.memory_space<vmem>>
      %dma_wait3A_284 = tpu.memref_squeeze %dma_wait3A_283 : memref<1x40xi32, #tpu.memory_space<vmem>> -> memref<40xi32, #tpu.memory_space<vmem>>
      %dma_wait3A_285 = arith.constant 0 : i32
      %dma_wait3A_286 = arith.constant 0 : i32
      %dma_wait3A_287 = tpu.memref_slice %arg2[%dma_wait3A_285, %dma_wait3A_286] : memref<10000x128xf32, #tpu.memory_space<hbm>> -> memref<10000x128xf32, #tpu.memory_space<hbm>>
      tpu.wait_indirect_dma semaphore(%arg10 : memref<!tpu.dma_semaphore, #tpu.memory_space<semaphore_mem>>) src(%dma_wait3A_287 : memref<10000x128xf32, #tpu.memory_space<hbm>>) dst(%dma_wait3A_281 : memref<40x128xf32, #tpu.memory_space<vmem>>)
      %mul3A_288 = arith.constant 40 : i32
      %mul3A_289 = arith.muli %add3A_264, %mul3A_288 : i32
      %add3A_290 = arith.addi %mul3A_2, %mul3A_289 : i32
      %dma_start3A_291 = arith.constant 3 : i32
      %dma_start3A_292 = arith.constant 0 : i32
      %dma_start3A_293 = arith.constant 0 : i32
      %dma_start3A_294 = tpu.memref_slice %arg6[%dma_start3A_291, %dma_start3A_292, %dma_start3A_293] : memref<10x40x128xf32, #tpu.memory_space<vmem>> -> memref<1x40x128xf32, #tpu.memory_space<vmem>>
      %dma_start3A_295 = tpu.memref_squeeze %dma_start3A_294 : memref<1x40x128xf32, #tpu.memory_space<vmem>> -> memref<40x128xf32, #tpu.memory_space<vmem>>
      %dma_start3A_296 = arith.constant 0 : i32
      %dma_start3A_297 = tpu.memref_slice %arg4[%add3A_290, %dma_start3A_296] : memref<640000x128xf32, #tpu.memory_space<hbm>> -> memref<40x128xf32, #tpu.memory_space<hbm>>
      %dma_start3A_298 = arith.constant 0 : i32
      %dma_start3A_299 = tpu.memref_slice %arg4[%add3A_290, %dma_start3A_298] : memref<640000x128xf32, #tpu.memory_space<hbm>> -> memref<40x128xf32, #tpu.memory_space<hbm>>
      %dma_start3A_300 = arith.constant 0 : i32
      %dma_start3A_301 = arith.constant 0 : i32
      %dma_start3A_302 = tpu.memref_slice %arg6[%dma_start3A_291, %dma_start3A_300, %dma_start3A_301] : memref<10x40x128xf32, #tpu.memory_space<vmem>> -> memref<1x40x128xf32, #tpu.memory_space<vmem>>
      %dma_start3A_303 = tpu.memref_squeeze %dma_start3A_302 : memref<1x40x128xf32, #tpu.memory_space<vmem>> -> memref<40x128xf32, #tpu.memory_space<vmem>>
      tpu.enqueue_dma source(%dma_start3A_303 : memref<40x128xf32, #tpu.memory_space<vmem>>) target(%dma_start3A_299 : memref<40x128xf32, #tpu.memory_space<hbm>>) target_semaphore(%arg20 : memref<!tpu.dma_semaphore, #tpu.memory_space<semaphore_mem>>)
      %add3A_304 = arith.constant 4 : i32
      %add3A_305 = arith.addi %mul3A_143, %add3A_304 : i32
      %ge3A_306 = arith.constant 5 : i32
      %ge3A_307 = arith.cmpi sge, %add3A_305, %ge3A_306 : i32
      %convert_element_type3A_308 = arith.extui %ge3A_307 : i1 to i32
      %cond3A_309 = arith.constant 0 : i32
      %cond3A_310 = arith.cmpi ne, %convert_element_type3A_308, %cond3A_309 : i32
      scf.if %cond3A_310 {
        %sub3A = arith.constant 5 : i32
        %sub3A_550 = arith.subi %add3A_305, %sub3A : i32
        %mul3A_551 = arith.constant 40 : i32
        %mul3A_552 = arith.muli %sub3A_550, %mul3A_551 : i32
        %add3A_553 = arith.addi %mul3A_2, %mul3A_552 : i32
        %dma_wait3A_554 = arith.constant 9 : i32
        %dma_wait3A_555 = arith.constant 0 : i32
        %dma_wait3A_556 = arith.constant 0 : i32
        %dma_wait3A_557 = tpu.memref_slice %arg6[%dma_wait3A_554, %dma_wait3A_555, %dma_wait3A_556] : memref<10x40x128xf32, #tpu.memory_space<vmem>> -> memref<1x40x128xf32, #tpu.memory_space<vmem>>
        %dma_wait3A_558 = tpu.memref_squeeze %dma_wait3A_557 : memref<1x40x128xf32, #tpu.memory_space<vmem>> -> memref<40x128xf32, #tpu.memory_space<vmem>>
        %dma_wait3A_559 = arith.constant 0 : i32
        %dma_wait3A_560 = tpu.memref_slice %arg4[%add3A_553, %dma_wait3A_559] : memref<640000x128xf32, #tpu.memory_space<hbm>> -> memref<40x128xf32, #tpu.memory_space<hbm>>
        %dma_wait3A_561 = arith.constant 0 : i32
        %dma_wait3A_562 = tpu.memref_slice %arg4[%add3A_553, %dma_wait3A_561] : memref<640000x128xf32, #tpu.memory_space<hbm>> -> memref<40x128xf32, #tpu.memory_space<hbm>>
        %dma_wait3A_563 = arith.constant 0 : i32
        %dma_wait3A_564 = arith.constant 0 : i32
        %dma_wait3A_565 = tpu.memref_slice %arg6[%dma_wait3A_554, %dma_wait3A_563, %dma_wait3A_564] : memref<10x40x128xf32, #tpu.memory_space<vmem>> -> memref<1x40x128xf32, #tpu.memory_space<vmem>>
        %dma_wait3A_566 = tpu.memref_squeeze %dma_wait3A_565 : memref<1x40x128xf32, #tpu.memory_space<vmem>> -> memref<40x128xf32, #tpu.memory_space<vmem>>
        tpu.wait_dma2 semaphore(%arg26 : memref<!tpu.dma_semaphore, #tpu.memory_space<semaphore_mem>>) src(%dma_wait3A_566 : memref<40x128xf32, #tpu.memory_space<vmem>>) dst(%dma_wait3A_562 : memref<40x128xf32, #tpu.memory_space<hbm>>)
      } else {
      }
      %add3A_311 = arith.constant 5 : i32
      %add3A_312 = arith.addi %add3A_305, %add3A_311 : i32
      %lt3A_313 = arith.constant 500 : i32
      %lt3A_314 = arith.cmpi slt, %add3A_312, %lt3A_313 : i32
      %convert_element_type3A_315 = arith.extui %lt3A_314 : i1 to i32
      %cond3A_316 = arith.constant 0 : i32
      %cond3A_317 = arith.cmpi ne, %convert_element_type3A_315, %cond3A_316 : i32
      scf.if %cond3A_317 {
        %add3A_550 = arith.constant 5 : i32
        %add3A_551 = arith.addi %add3A_305, %add3A_550 : i32
        %dma_start3A_552 = arith.constant 9 : i32
        %dma_start3A_553 = arith.constant 0 : i32
        %dma_start3A_554 = arith.constant 0 : i32
        %dma_start3A_555 = tpu.memref_slice %arg6[%dma_start3A_552, %dma_start3A_553, %dma_start3A_554] : memref<10x40x128xf32, #tpu.memory_space<vmem>> -> memref<1x40x128xf32, #tpu.memory_space<vmem>>
        %dma_start3A_556 = tpu.memref_squeeze %dma_start3A_555 : memref<1x40x128xf32, #tpu.memory_space<vmem>> -> memref<40x128xf32, #tpu.memory_space<vmem>>
        %dma_start3A_557 = arith.constant 0 : i32
        %dma_start3A_558 = tpu.memref_slice %arg5[%add3A_551, %dma_start3A_557] : memref<500x40xi32, #tpu.memory_space<vmem>> -> memref<1x40xi32, #tpu.memory_space<vmem>>
        %dma_start3A_559 = tpu.memref_squeeze %dma_start3A_558 : memref<1x40xi32, #tpu.memory_space<vmem>> -> memref<40xi32, #tpu.memory_space<vmem>>
        %dma_start3A_560 = arith.constant 0 : i32
        %dma_start3A_561 = arith.constant 0 : i32
        %dma_start3A_562 = tpu.memref_slice %arg2[%dma_start3A_560, %dma_start3A_561] : memref<10000x128xf32, #tpu.memory_space<hbm>> -> memref<10000x128xf32, #tpu.memory_space<hbm>>
        tpu.enqueue_indirect_dma source(%dma_start3A_562 : memref<10000x128xf32, #tpu.memory_space<hbm>>) target(%dma_start3A_556 : memref<40x128xf32, #tpu.memory_space<vmem>>) offsets(%dma_start3A_559 : memref<40xi32, #tpu.memory_space<vmem>>) semaphore(%arg16 : memref<!tpu.dma_semaphore, #tpu.memory_space<semaphore_mem>>)
      } else {
      }
      %dma_wait3A_318 = arith.constant 4 : i32
      %dma_wait3A_319 = arith.constant 0 : i32
      %dma_wait3A_320 = arith.constant 0 : i32
      %dma_wait3A_321 = tpu.memref_slice %arg6[%dma_wait3A_318, %dma_wait3A_319, %dma_wait3A_320] : memref<10x40x128xf32, #tpu.memory_space<vmem>> -> memref<1x40x128xf32, #tpu.memory_space<vmem>>
      %dma_wait3A_322 = tpu.memref_squeeze %dma_wait3A_321 : memref<1x40x128xf32, #tpu.memory_space<vmem>> -> memref<40x128xf32, #tpu.memory_space<vmem>>
      %dma_wait3A_323 = arith.constant 0 : i32
      %dma_wait3A_324 = tpu.memref_slice %arg5[%add3A_305, %dma_wait3A_323] : memref<500x40xi32, #tpu.memory_space<vmem>> -> memref<1x40xi32, #tpu.memory_space<vmem>>
      %dma_wait3A_325 = tpu.memref_squeeze %dma_wait3A_324 : memref<1x40xi32, #tpu.memory_space<vmem>> -> memref<40xi32, #tpu.memory_space<vmem>>
      %dma_wait3A_326 = arith.constant 0 : i32
      %dma_wait3A_327 = arith.constant 0 : i32
      %dma_wait3A_328 = tpu.memref_slice %arg2[%dma_wait3A_326, %dma_wait3A_327] : memref<10000x128xf32, #tpu.memory_space<hbm>> -> memref<10000x128xf32, #tpu.memory_space<hbm>>
      tpu.wait_indirect_dma semaphore(%arg11 : memref<!tpu.dma_semaphore, #tpu.memory_space<semaphore_mem>>) src(%dma_wait3A_328 : memref<10000x128xf32, #tpu.memory_space<hbm>>) dst(%dma_wait3A_322 : memref<40x128xf32, #tpu.memory_space<vmem>>)
      %mul3A_329 = arith.constant 40 : i32
      %mul3A_330 = arith.muli %add3A_305, %mul3A_329 : i32
      %add3A_331 = arith.addi %mul3A_2, %mul3A_330 : i32
      %dma_start3A_332 = arith.constant 4 : i32
      %dma_start3A_333 = arith.constant 0 : i32
      %dma_start3A_334 = arith.constant 0 : i32
      %dma_start3A_335 = tpu.memref_slice %arg6[%dma_start3A_332, %dma_start3A_333, %dma_start3A_334] : memref<10x40x128xf32, #tpu.memory_space<vmem>> -> memref<1x40x128xf32, #tpu.memory_space<vmem>>
      %dma_start3A_336 = tpu.memref_squeeze %dma_start3A_335 : memref<1x40x128xf32, #tpu.memory_space<vmem>> -> memref<40x128xf32, #tpu.memory_space<vmem>>
      %dma_start3A_337 = arith.constant 0 : i32
      %dma_start3A_338 = tpu.memref_slice %arg4[%add3A_331, %dma_start3A_337] : memref<640000x128xf32, #tpu.memory_space<hbm>> -> memref<40x128xf32, #tpu.memory_space<hbm>>
      %dma_start3A_339 = arith.constant 0 : i32
      %dma_start3A_340 = tpu.memref_slice %arg4[%add3A_331, %dma_start3A_339] : memref<640000x128xf32, #tpu.memory_space<hbm>> -> memref<40x128xf32, #tpu.memory_space<hbm>>
      %dma_start3A_341 = arith.constant 0 : i32
      %dma_start3A_342 = arith.constant 0 : i32
      %dma_start3A_343 = tpu.memref_slice %arg6[%dma_start3A_332, %dma_start3A_341, %dma_start3A_342] : memref<10x40x128xf32, #tpu.memory_space<vmem>> -> memref<1x40x128xf32, #tpu.memory_space<vmem>>
      %dma_start3A_344 = tpu.memref_squeeze %dma_start3A_343 : memref<1x40x128xf32, #tpu.memory_space<vmem>> -> memref<40x128xf32, #tpu.memory_space<vmem>>
      tpu.enqueue_dma source(%dma_start3A_344 : memref<40x128xf32, #tpu.memory_space<vmem>>) target(%dma_start3A_340 : memref<40x128xf32, #tpu.memory_space<hbm>>) target_semaphore(%arg21 : memref<!tpu.dma_semaphore, #tpu.memory_space<semaphore_mem>>)
      %add3A_345 = arith.constant 5 : i32
      %add3A_346 = arith.addi %mul3A_143, %add3A_345 : i32
      %ge3A_347 = arith.constant 5 : i32
      %ge3A_348 = arith.cmpi sge, %add3A_346, %ge3A_347 : i32
      %convert_element_type3A_349 = arith.extui %ge3A_348 : i1 to i32
      %cond3A_350 = arith.constant 0 : i32
      %cond3A_351 = arith.cmpi ne, %convert_element_type3A_349, %cond3A_350 : i32
      scf.if %cond3A_351 {
        %sub3A = arith.constant 5 : i32
        %sub3A_550 = arith.subi %add3A_346, %sub3A : i32
        %mul3A_551 = arith.constant 40 : i32
        %mul3A_552 = arith.muli %sub3A_550, %mul3A_551 : i32
        %add3A_553 = arith.addi %mul3A_2, %mul3A_552 : i32
        %dma_wait3A_554 = arith.constant 0 : i32
        %dma_wait3A_555 = arith.constant 0 : i32
        %dma_wait3A_556 = arith.constant 0 : i32
        %dma_wait3A_557 = tpu.memref_slice %arg6[%dma_wait3A_554, %dma_wait3A_555, %dma_wait3A_556] : memref<10x40x128xf32, #tpu.memory_space<vmem>> -> memref<1x40x128xf32, #tpu.memory_space<vmem>>
        %dma_wait3A_558 = tpu.memref_squeeze %dma_wait3A_557 : memref<1x40x128xf32, #tpu.memory_space<vmem>> -> memref<40x128xf32, #tpu.memory_space<vmem>>
        %dma_wait3A_559 = arith.constant 0 : i32
        %dma_wait3A_560 = tpu.memref_slice %arg4[%add3A_553, %dma_wait3A_559] : memref<640000x128xf32, #tpu.memory_space<hbm>> -> memref<40x128xf32, #tpu.memory_space<hbm>>
        %dma_wait3A_561 = arith.constant 0 : i32
        %dma_wait3A_562 = tpu.memref_slice %arg4[%add3A_553, %dma_wait3A_561] : memref<640000x128xf32, #tpu.memory_space<hbm>> -> memref<40x128xf32, #tpu.memory_space<hbm>>
        %dma_wait3A_563 = arith.constant 0 : i32
        %dma_wait3A_564 = arith.constant 0 : i32
        %dma_wait3A_565 = tpu.memref_slice %arg6[%dma_wait3A_554, %dma_wait3A_563, %dma_wait3A_564] : memref<10x40x128xf32, #tpu.memory_space<vmem>> -> memref<1x40x128xf32, #tpu.memory_space<vmem>>
        %dma_wait3A_566 = tpu.memref_squeeze %dma_wait3A_565 : memref<1x40x128xf32, #tpu.memory_space<vmem>> -> memref<40x128xf32, #tpu.memory_space<vmem>>
        tpu.wait_dma2 semaphore(%arg17 : memref<!tpu.dma_semaphore, #tpu.memory_space<semaphore_mem>>) src(%dma_wait3A_566 : memref<40x128xf32, #tpu.memory_space<vmem>>) dst(%dma_wait3A_562 : memref<40x128xf32, #tpu.memory_space<hbm>>)
      } else {
      }
      %add3A_352 = arith.constant 5 : i32
      %add3A_353 = arith.addi %add3A_346, %add3A_352 : i32
      %lt3A_354 = arith.constant 500 : i32
      %lt3A_355 = arith.cmpi slt, %add3A_353, %lt3A_354 : i32
      %convert_element_type3A_356 = arith.extui %lt3A_355 : i1 to i32
      %cond3A_357 = arith.constant 0 : i32
      %cond3A_358 = arith.cmpi ne, %convert_element_type3A_356, %cond3A_357 : i32
      scf.if %cond3A_358 {
        %add3A_550 = arith.constant 5 : i32
        %add3A_551 = arith.addi %add3A_346, %add3A_550 : i32
        %dma_start3A_552 = arith.constant 0 : i32
        %dma_start3A_553 = arith.constant 0 : i32
        %dma_start3A_554 = arith.constant 0 : i32
        %dma_start3A_555 = tpu.memref_slice %arg6[%dma_start3A_552, %dma_start3A_553, %dma_start3A_554] : memref<10x40x128xf32, #tpu.memory_space<vmem>> -> memref<1x40x128xf32, #tpu.memory_space<vmem>>
        %dma_start3A_556 = tpu.memref_squeeze %dma_start3A_555 : memref<1x40x128xf32, #tpu.memory_space<vmem>> -> memref<40x128xf32, #tpu.memory_space<vmem>>
        %dma_start3A_557 = arith.constant 0 : i32
        %dma_start3A_558 = tpu.memref_slice %arg5[%add3A_551, %dma_start3A_557] : memref<500x40xi32, #tpu.memory_space<vmem>> -> memref<1x40xi32, #tpu.memory_space<vmem>>
        %dma_start3A_559 = tpu.memref_squeeze %dma_start3A_558 : memref<1x40xi32, #tpu.memory_space<vmem>> -> memref<40xi32, #tpu.memory_space<vmem>>
        %dma_start3A_560 = arith.constant 0 : i32
        %dma_start3A_561 = arith.constant 0 : i32
        %dma_start3A_562 = tpu.memref_slice %arg2[%dma_start3A_560, %dma_start3A_561] : memref<10000x128xf32, #tpu.memory_space<hbm>> -> memref<10000x128xf32, #tpu.memory_space<hbm>>
        tpu.enqueue_indirect_dma source(%dma_start3A_562 : memref<10000x128xf32, #tpu.memory_space<hbm>>) target(%dma_start3A_556 : memref<40x128xf32, #tpu.memory_space<vmem>>) offsets(%dma_start3A_559 : memref<40xi32, #tpu.memory_space<vmem>>) semaphore(%arg7 : memref<!tpu.dma_semaphore, #tpu.memory_space<semaphore_mem>>)
      } else {
      }
      %dma_wait3A_359 = arith.constant 5 : i32
      %dma_wait3A_360 = arith.constant 0 : i32
      %dma_wait3A_361 = arith.constant 0 : i32
      %dma_wait3A_362 = tpu.memref_slice %arg6[%dma_wait3A_359, %dma_wait3A_360, %dma_wait3A_361] : memref<10x40x128xf32, #tpu.memory_space<vmem>> -> memref<1x40x128xf32, #tpu.memory_space<vmem>>
      %dma_wait3A_363 = tpu.memref_squeeze %dma_wait3A_362 : memref<1x40x128xf32, #tpu.memory_space<vmem>> -> memref<40x128xf32, #tpu.memory_space<vmem>>
      %dma_wait3A_364 = arith.constant 0 : i32
      %dma_wait3A_365 = tpu.memref_slice %arg5[%add3A_346, %dma_wait3A_364] : memref<500x40xi32, #tpu.memory_space<vmem>> -> memref<1x40xi32, #tpu.memory_space<vmem>>
      %dma_wait3A_366 = tpu.memref_squeeze %dma_wait3A_365 : memref<1x40xi32, #tpu.memory_space<vmem>> -> memref<40xi32, #tpu.memory_space<vmem>>
      %dma_wait3A_367 = arith.constant 0 : i32
      %dma_wait3A_368 = arith.constant 0 : i32
      %dma_wait3A_369 = tpu.memref_slice %arg2[%dma_wait3A_367, %dma_wait3A_368] : memref<10000x128xf32, #tpu.memory_space<hbm>> -> memref<10000x128xf32, #tpu.memory_space<hbm>>
      tpu.wait_indirect_dma semaphore(%arg12 : memref<!tpu.dma_semaphore, #tpu.memory_space<semaphore_mem>>) src(%dma_wait3A_369 : memref<10000x128xf32, #tpu.memory_space<hbm>>) dst(%dma_wait3A_363 : memref<40x128xf32, #tpu.memory_space<vmem>>)
      %mul3A_370 = arith.constant 40 : i32
      %mul3A_371 = arith.muli %add3A_346, %mul3A_370 : i32
      %add3A_372 = arith.addi %mul3A_2, %mul3A_371 : i32
      %dma_start3A_373 = arith.constant 5 : i32
      %dma_start3A_374 = arith.constant 0 : i32
      %dma_start3A_375 = arith.constant 0 : i32
      %dma_start3A_376 = tpu.memref_slice %arg6[%dma_start3A_373, %dma_start3A_374, %dma_start3A_375] : memref<10x40x128xf32, #tpu.memory_space<vmem>> -> memref<1x40x128xf32, #tpu.memory_space<vmem>>
      %dma_start3A_377 = tpu.memref_squeeze %dma_start3A_376 : memref<1x40x128xf32, #tpu.memory_space<vmem>> -> memref<40x128xf32, #tpu.memory_space<vmem>>
      %dma_start3A_378 = arith.constant 0 : i32
      %dma_start3A_379 = tpu.memref_slice %arg4[%add3A_372, %dma_start3A_378] : memref<640000x128xf32, #tpu.memory_space<hbm>> -> memref<40x128xf32, #tpu.memory_space<hbm>>
      %dma_start3A_380 = arith.constant 0 : i32
      %dma_start3A_381 = tpu.memref_slice %arg4[%add3A_372, %dma_start3A_380] : memref<640000x128xf32, #tpu.memory_space<hbm>> -> memref<40x128xf32, #tpu.memory_space<hbm>>
      %dma_start3A_382 = arith.constant 0 : i32
      %dma_start3A_383 = arith.constant 0 : i32
      %dma_start3A_384 = tpu.memref_slice %arg6[%dma_start3A_373, %dma_start3A_382, %dma_start3A_383] : memref<10x40x128xf32, #tpu.memory_space<vmem>> -> memref<1x40x128xf32, #tpu.memory_space<vmem>>
      %dma_start3A_385 = tpu.memref_squeeze %dma_start3A_384 : memref<1x40x128xf32, #tpu.memory_space<vmem>> -> memref<40x128xf32, #tpu.memory_space<vmem>>
      tpu.enqueue_dma source(%dma_start3A_385 : memref<40x128xf32, #tpu.memory_space<vmem>>) target(%dma_start3A_381 : memref<40x128xf32, #tpu.memory_space<hbm>>) target_semaphore(%arg22 : memref<!tpu.dma_semaphore, #tpu.memory_space<semaphore_mem>>)
      %add3A_386 = arith.constant 6 : i32
      %add3A_387 = arith.addi %mul3A_143, %add3A_386 : i32
      %ge3A_388 = arith.constant 5 : i32
      %ge3A_389 = arith.cmpi sge, %add3A_387, %ge3A_388 : i32
      %convert_element_type3A_390 = arith.extui %ge3A_389 : i1 to i32
      %cond3A_391 = arith.constant 0 : i32
      %cond3A_392 = arith.cmpi ne, %convert_element_type3A_390, %cond3A_391 : i32
      scf.if %cond3A_392 {
        %sub3A = arith.constant 5 : i32
        %sub3A_550 = arith.subi %add3A_387, %sub3A : i32
        %mul3A_551 = arith.constant 40 : i32
        %mul3A_552 = arith.muli %sub3A_550, %mul3A_551 : i32
        %add3A_553 = arith.addi %mul3A_2, %mul3A_552 : i32
        %dma_wait3A_554 = arith.constant 1 : i32
        %dma_wait3A_555 = arith.constant 0 : i32
        %dma_wait3A_556 = arith.constant 0 : i32
        %dma_wait3A_557 = tpu.memref_slice %arg6[%dma_wait3A_554, %dma_wait3A_555, %dma_wait3A_556] : memref<10x40x128xf32, #tpu.memory_space<vmem>> -> memref<1x40x128xf32, #tpu.memory_space<vmem>>
        %dma_wait3A_558 = tpu.memref_squeeze %dma_wait3A_557 : memref<1x40x128xf32, #tpu.memory_space<vmem>> -> memref<40x128xf32, #tpu.memory_space<vmem>>
        %dma_wait3A_559 = arith.constant 0 : i32
        %dma_wait3A_560 = tpu.memref_slice %arg4[%add3A_553, %dma_wait3A_559] : memref<640000x128xf32, #tpu.memory_space<hbm>> -> memref<40x128xf32, #tpu.memory_space<hbm>>
        %dma_wait3A_561 = arith.constant 0 : i32
        %dma_wait3A_562 = tpu.memref_slice %arg4[%add3A_553, %dma_wait3A_561] : memref<640000x128xf32, #tpu.memory_space<hbm>> -> memref<40x128xf32, #tpu.memory_space<hbm>>
        %dma_wait3A_563 = arith.constant 0 : i32
        %dma_wait3A_564 = arith.constant 0 : i32
        %dma_wait3A_565 = tpu.memref_slice %arg6[%dma_wait3A_554, %dma_wait3A_563, %dma_wait3A_564] : memref<10x40x128xf32, #tpu.memory_space<vmem>> -> memref<1x40x128xf32, #tpu.memory_space<vmem>>
        %dma_wait3A_566 = tpu.memref_squeeze %dma_wait3A_565 : memref<1x40x128xf32, #tpu.memory_space<vmem>> -> memref<40x128xf32, #tpu.memory_space<vmem>>
        tpu.wait_dma2 semaphore(%arg18 : memref<!tpu.dma_semaphore, #tpu.memory_space<semaphore_mem>>) src(%dma_wait3A_566 : memref<40x128xf32, #tpu.memory_space<vmem>>) dst(%dma_wait3A_562 : memref<40x128xf32, #tpu.memory_space<hbm>>)
      } else {
      }
      %add3A_393 = arith.constant 5 : i32
      %add3A_394 = arith.addi %add3A_387, %add3A_393 : i32
      %lt3A_395 = arith.constant 500 : i32
      %lt3A_396 = arith.cmpi slt, %add3A_394, %lt3A_395 : i32
      %convert_element_type3A_397 = arith.extui %lt3A_396 : i1 to i32
      %cond3A_398 = arith.constant 0 : i32
      %cond3A_399 = arith.cmpi ne, %convert_element_type3A_397, %cond3A_398 : i32
      scf.if %cond3A_399 {
        %add3A_550 = arith.constant 5 : i32
        %add3A_551 = arith.addi %add3A_387, %add3A_550 : i32
        %dma_start3A_552 = arith.constant 1 : i32
        %dma_start3A_553 = arith.constant 0 : i32
        %dma_start3A_554 = arith.constant 0 : i32
        %dma_start3A_555 = tpu.memref_slice %arg6[%dma_start3A_552, %dma_start3A_553, %dma_start3A_554] : memref<10x40x128xf32, #tpu.memory_space<vmem>> -> memref<1x40x128xf32, #tpu.memory_space<vmem>>
        %dma_start3A_556 = tpu.memref_squeeze %dma_start3A_555 : memref<1x40x128xf32, #tpu.memory_space<vmem>> -> memref<40x128xf32, #tpu.memory_space<vmem>>
        %dma_start3A_557 = arith.constant 0 : i32
        %dma_start3A_558 = tpu.memref_slice %arg5[%add3A_551, %dma_start3A_557] : memref<500x40xi32, #tpu.memory_space<vmem>> -> memref<1x40xi32, #tpu.memory_space<vmem>>
        %dma_start3A_559 = tpu.memref_squeeze %dma_start3A_558 : memref<1x40xi32, #tpu.memory_space<vmem>> -> memref<40xi32, #tpu.memory_space<vmem>>
        %dma_start3A_560 = arith.constant 0 : i32
        %dma_start3A_561 = arith.constant 0 : i32
        %dma_start3A_562 = tpu.memref_slice %arg2[%dma_start3A_560, %dma_start3A_561] : memref<10000x128xf32, #tpu.memory_space<hbm>> -> memref<10000x128xf32, #tpu.memory_space<hbm>>
        tpu.enqueue_indirect_dma source(%dma_start3A_562 : memref<10000x128xf32, #tpu.memory_space<hbm>>) target(%dma_start3A_556 : memref<40x128xf32, #tpu.memory_space<vmem>>) offsets(%dma_start3A_559 : memref<40xi32, #tpu.memory_space<vmem>>) semaphore(%arg8 : memref<!tpu.dma_semaphore, #tpu.memory_space<semaphore_mem>>)
      } else {
      }
      %dma_wait3A_400 = arith.constant 6 : i32
      %dma_wait3A_401 = arith.constant 0 : i32
      %dma_wait3A_402 = arith.constant 0 : i32
      %dma_wait3A_403 = tpu.memref_slice %arg6[%dma_wait3A_400, %dma_wait3A_401, %dma_wait3A_402] : memref<10x40x128xf32, #tpu.memory_space<vmem>> -> memref<1x40x128xf32, #tpu.memory_space<vmem>>
      %dma_wait3A_404 = tpu.memref_squeeze %dma_wait3A_403 : memref<1x40x128xf32, #tpu.memory_space<vmem>> -> memref<40x128xf32, #tpu.memory_space<vmem>>
      %dma_wait3A_405 = arith.constant 0 : i32
      %dma_wait3A_406 = tpu.memref_slice %arg5[%add3A_387, %dma_wait3A_405] : memref<500x40xi32, #tpu.memory_space<vmem>> -> memref<1x40xi32, #tpu.memory_space<vmem>>
      %dma_wait3A_407 = tpu.memref_squeeze %dma_wait3A_406 : memref<1x40xi32, #tpu.memory_space<vmem>> -> memref<40xi32, #tpu.memory_space<vmem>>
      %dma_wait3A_408 = arith.constant 0 : i32
      %dma_wait3A_409 = arith.constant 0 : i32
      %dma_wait3A_410 = tpu.memref_slice %arg2[%dma_wait3A_408, %dma_wait3A_409] : memref<10000x128xf32, #tpu.memory_space<hbm>> -> memref<10000x128xf32, #tpu.memory_space<hbm>>
      tpu.wait_indirect_dma semaphore(%arg13 : memref<!tpu.dma_semaphore, #tpu.memory_space<semaphore_mem>>) src(%dma_wait3A_410 : memref<10000x128xf32, #tpu.memory_space<hbm>>) dst(%dma_wait3A_404 : memref<40x128xf32, #tpu.memory_space<vmem>>)
      %mul3A_411 = arith.constant 40 : i32
      %mul3A_412 = arith.muli %add3A_387, %mul3A_411 : i32
      %add3A_413 = arith.addi %mul3A_2, %mul3A_412 : i32
      %dma_start3A_414 = arith.constant 6 : i32
      %dma_start3A_415 = arith.constant 0 : i32
      %dma_start3A_416 = arith.constant 0 : i32
      %dma_start3A_417 = tpu.memref_slice %arg6[%dma_start3A_414, %dma_start3A_415, %dma_start3A_416] : memref<10x40x128xf32, #tpu.memory_space<vmem>> -> memref<1x40x128xf32, #tpu.memory_space<vmem>>
      %dma_start3A_418 = tpu.memref_squeeze %dma_start3A_417 : memref<1x40x128xf32, #tpu.memory_space<vmem>> -> memref<40x128xf32, #tpu.memory_space<vmem>>
      %dma_start3A_419 = arith.constant 0 : i32
      %dma_start3A_420 = tpu.memref_slice %arg4[%add3A_413, %dma_start3A_419] : memref<640000x128xf32, #tpu.memory_space<hbm>> -> memref<40x128xf32, #tpu.memory_space<hbm>>
      %dma_start3A_421 = arith.constant 0 : i32
      %dma_start3A_422 = tpu.memref_slice %arg4[%add3A_413, %dma_start3A_421] : memref<640000x128xf32, #tpu.memory_space<hbm>> -> memref<40x128xf32, #tpu.memory_space<hbm>>
      %dma_start3A_423 = arith.constant 0 : i32
      %dma_start3A_424 = arith.constant 0 : i32
      %dma_start3A_425 = tpu.memref_slice %arg6[%dma_start3A_414, %dma_start3A_423, %dma_start3A_424] : memref<10x40x128xf32, #tpu.memory_space<vmem>> -> memref<1x40x128xf32, #tpu.memory_space<vmem>>
      %dma_start3A_426 = tpu.memref_squeeze %dma_start3A_425 : memref<1x40x128xf32, #tpu.memory_space<vmem>> -> memref<40x128xf32, #tpu.memory_space<vmem>>
      tpu.enqueue_dma source(%dma_start3A_426 : memref<40x128xf32, #tpu.memory_space<vmem>>) target(%dma_start3A_422 : memref<40x128xf32, #tpu.memory_space<hbm>>) target_semaphore(%arg23 : memref<!tpu.dma_semaphore, #tpu.memory_space<semaphore_mem>>)
      %add3A_427 = arith.constant 7 : i32
      %add3A_428 = arith.addi %mul3A_143, %add3A_427 : i32
      %ge3A_429 = arith.constant 5 : i32
      %ge3A_430 = arith.cmpi sge, %add3A_428, %ge3A_429 : i32
      %convert_element_type3A_431 = arith.extui %ge3A_430 : i1 to i32
      %cond3A_432 = arith.constant 0 : i32
      %cond3A_433 = arith.cmpi ne, %convert_element_type3A_431, %cond3A_432 : i32
      scf.if %cond3A_433 {
        %sub3A = arith.constant 5 : i32
        %sub3A_550 = arith.subi %add3A_428, %sub3A : i32
        %mul3A_551 = arith.constant 40 : i32
        %mul3A_552 = arith.muli %sub3A_550, %mul3A_551 : i32
        %add3A_553 = arith.addi %mul3A_2, %mul3A_552 : i32
        %dma_wait3A_554 = arith.constant 2 : i32
        %dma_wait3A_555 = arith.constant 0 : i32
        %dma_wait3A_556 = arith.constant 0 : i32
        %dma_wait3A_557 = tpu.memref_slice %arg6[%dma_wait3A_554, %dma_wait3A_555, %dma_wait3A_556] : memref<10x40x128xf32, #tpu.memory_space<vmem>> -> memref<1x40x128xf32, #tpu.memory_space<vmem>>
        %dma_wait3A_558 = tpu.memref_squeeze %dma_wait3A_557 : memref<1x40x128xf32, #tpu.memory_space<vmem>> -> memref<40x128xf32, #tpu.memory_space<vmem>>
        %dma_wait3A_559 = arith.constant 0 : i32
        %dma_wait3A_560 = tpu.memref_slice %arg4[%add3A_553, %dma_wait3A_559] : memref<640000x128xf32, #tpu.memory_space<hbm>> -> memref<40x128xf32, #tpu.memory_space<hbm>>
        %dma_wait3A_561 = arith.constant 0 : i32
        %dma_wait3A_562 = tpu.memref_slice %arg4[%add3A_553, %dma_wait3A_561] : memref<640000x128xf32, #tpu.memory_space<hbm>> -> memref<40x128xf32, #tpu.memory_space<hbm>>
        %dma_wait3A_563 = arith.constant 0 : i32
        %dma_wait3A_564 = arith.constant 0 : i32
        %dma_wait3A_565 = tpu.memref_slice %arg6[%dma_wait3A_554, %dma_wait3A_563, %dma_wait3A_564] : memref<10x40x128xf32, #tpu.memory_space<vmem>> -> memref<1x40x128xf32, #tpu.memory_space<vmem>>
        %dma_wait3A_566 = tpu.memref_squeeze %dma_wait3A_565 : memref<1x40x128xf32, #tpu.memory_space<vmem>> -> memref<40x128xf32, #tpu.memory_space<vmem>>
        tpu.wait_dma2 semaphore(%arg19 : memref<!tpu.dma_semaphore, #tpu.memory_space<semaphore_mem>>) src(%dma_wait3A_566 : memref<40x128xf32, #tpu.memory_space<vmem>>) dst(%dma_wait3A_562 : memref<40x128xf32, #tpu.memory_space<hbm>>)
      } else {
      }
      %add3A_434 = arith.constant 5 : i32
      %add3A_435 = arith.addi %add3A_428, %add3A_434 : i32
      %lt3A_436 = arith.constant 500 : i32
      %lt3A_437 = arith.cmpi slt, %add3A_435, %lt3A_436 : i32
      %convert_element_type3A_438 = arith.extui %lt3A_437 : i1 to i32
      %cond3A_439 = arith.constant 0 : i32
      %cond3A_440 = arith.cmpi ne, %convert_element_type3A_438, %cond3A_439 : i32
      scf.if %cond3A_440 {
        %add3A_550 = arith.constant 5 : i32
        %add3A_551 = arith.addi %add3A_428, %add3A_550 : i32
        %dma_start3A_552 = arith.constant 2 : i32
        %dma_start3A_553 = arith.constant 0 : i32
        %dma_start3A_554 = arith.constant 0 : i32
        %dma_start3A_555 = tpu.memref_slice %arg6[%dma_start3A_552, %dma_start3A_553, %dma_start3A_554] : memref<10x40x128xf32, #tpu.memory_space<vmem>> -> memref<1x40x128xf32, #tpu.memory_space<vmem>>
        %dma_start3A_556 = tpu.memref_squeeze %dma_start3A_555 : memref<1x40x128xf32, #tpu.memory_space<vmem>> -> memref<40x128xf32, #tpu.memory_space<vmem>>
        %dma_start3A_557 = arith.constant 0 : i32
        %dma_start3A_558 = tpu.memref_slice %arg5[%add3A_551, %dma_start3A_557] : memref<500x40xi32, #tpu.memory_space<vmem>> -> memref<1x40xi32, #tpu.memory_space<vmem>>
        %dma_start3A_559 = tpu.memref_squeeze %dma_start3A_558 : memref<1x40xi32, #tpu.memory_space<vmem>> -> memref<40xi32, #tpu.memory_space<vmem>>
        %dma_start3A_560 = arith.constant 0 : i32
        %dma_start3A_561 = arith.constant 0 : i32
        %dma_start3A_562 = tpu.memref_slice %arg2[%dma_start3A_560, %dma_start3A_561] : memref<10000x128xf32, #tpu.memory_space<hbm>> -> memref<10000x128xf32, #tpu.memory_space<hbm>>
        tpu.enqueue_indirect_dma source(%dma_start3A_562 : memref<10000x128xf32, #tpu.memory_space<hbm>>) target(%dma_start3A_556 : memref<40x128xf32, #tpu.memory_space<vmem>>) offsets(%dma_start3A_559 : memref<40xi32, #tpu.memory_space<vmem>>) semaphore(%arg9 : memref<!tpu.dma_semaphore, #tpu.memory_space<semaphore_mem>>)
      } else {
      }
      %dma_wait3A_441 = arith.constant 7 : i32
      %dma_wait3A_442 = arith.constant 0 : i32
      %dma_wait3A_443 = arith.constant 0 : i32
      %dma_wait3A_444 = tpu.memref_slice %arg6[%dma_wait3A_441, %dma_wait3A_442, %dma_wait3A_443] : memref<10x40x128xf32, #tpu.memory_space<vmem>> -> memref<1x40x128xf32, #tpu.memory_space<vmem>>
      %dma_wait3A_445 = tpu.memref_squeeze %dma_wait3A_444 : memref<1x40x128xf32, #tpu.memory_space<vmem>> -> memref<40x128xf32, #tpu.memory_space<vmem>>
      %dma_wait3A_446 = arith.constant 0 : i32
      %dma_wait3A_447 = tpu.memref_slice %arg5[%add3A_428, %dma_wait3A_446] : memref<500x40xi32, #tpu.memory_space<vmem>> -> memref<1x40xi32, #tpu.memory_space<vmem>>
      %dma_wait3A_448 = tpu.memref_squeeze %dma_wait3A_447 : memref<1x40xi32, #tpu.memory_space<vmem>> -> memref<40xi32, #tpu.memory_space<vmem>>
      %dma_wait3A_449 = arith.constant 0 : i32
      %dma_wait3A_450 = arith.constant 0 : i32
      %dma_wait3A_451 = tpu.memref_slice %arg2[%dma_wait3A_449, %dma_wait3A_450] : memref<10000x128xf32, #tpu.memory_space<hbm>> -> memref<10000x128xf32, #tpu.memory_space<hbm>>
      tpu.wait_indirect_dma semaphore(%arg14 : memref<!tpu.dma_semaphore, #tpu.memory_space<semaphore_mem>>) src(%dma_wait3A_451 : memref<10000x128xf32, #tpu.memory_space<hbm>>) dst(%dma_wait3A_445 : memref<40x128xf32, #tpu.memory_space<vmem>>)
      %mul3A_452 = arith.constant 40 : i32
      %mul3A_453 = arith.muli %add3A_428, %mul3A_452 : i32
      %add3A_454 = arith.addi %mul3A_2, %mul3A_453 : i32
      %dma_start3A_455 = arith.constant 7 : i32
      %dma_start3A_456 = arith.constant 0 : i32
      %dma_start3A_457 = arith.constant 0 : i32
      %dma_start3A_458 = tpu.memref_slice %arg6[%dma_start3A_455, %dma_start3A_456, %dma_start3A_457] : memref<10x40x128xf32, #tpu.memory_space<vmem>> -> memref<1x40x128xf32, #tpu.memory_space<vmem>>
      %dma_start3A_459 = tpu.memref_squeeze %dma_start3A_458 : memref<1x40x128xf32, #tpu.memory_space<vmem>> -> memref<40x128xf32, #tpu.memory_space<vmem>>
      %dma_start3A_460 = arith.constant 0 : i32
      %dma_start3A_461 = tpu.memref_slice %arg4[%add3A_454, %dma_start3A_460] : memref<640000x128xf32, #tpu.memory_space<hbm>> -> memref<40x128xf32, #tpu.memory_space<hbm>>
      %dma_start3A_462 = arith.constant 0 : i32
      %dma_start3A_463 = tpu.memref_slice %arg4[%add3A_454, %dma_start3A_462] : memref<640000x128xf32, #tpu.memory_space<hbm>> -> memref<40x128xf32, #tpu.memory_space<hbm>>
      %dma_start3A_464 = arith.constant 0 : i32
      %dma_start3A_465 = arith.constant 0 : i32
      %dma_start3A_466 = tpu.memref_slice %arg6[%dma_start3A_455, %dma_start3A_464, %dma_start3A_465] : memref<10x40x128xf32, #tpu.memory_space<vmem>> -> memref<1x40x128xf32, #tpu.memory_space<vmem>>
      %dma_start3A_467 = tpu.memref_squeeze %dma_start3A_466 : memref<1x40x128xf32, #tpu.memory_space<vmem>> -> memref<40x128xf32, #tpu.memory_space<vmem>>
      tpu.enqueue_dma source(%dma_start3A_467 : memref<40x128xf32, #tpu.memory_space<vmem>>) target(%dma_start3A_463 : memref<40x128xf32, #tpu.memory_space<hbm>>) target_semaphore(%arg24 : memref<!tpu.dma_semaphore, #tpu.memory_space<semaphore_mem>>)
      %add3A_468 = arith.constant 8 : i32
      %add3A_469 = arith.addi %mul3A_143, %add3A_468 : i32
      %ge3A_470 = arith.constant 5 : i32
      %ge3A_471 = arith.cmpi sge, %add3A_469, %ge3A_470 : i32
      %convert_element_type3A_472 = arith.extui %ge3A_471 : i1 to i32
      %cond3A_473 = arith.constant 0 : i32
      %cond3A_474 = arith.cmpi ne, %convert_element_type3A_472, %cond3A_473 : i32
      scf.if %cond3A_474 {
        %sub3A = arith.constant 5 : i32
        %sub3A_550 = arith.subi %add3A_469, %sub3A : i32
        %mul3A_551 = arith.constant 40 : i32
        %mul3A_552 = arith.muli %sub3A_550, %mul3A_551 : i32
        %add3A_553 = arith.addi %mul3A_2, %mul3A_552 : i32
        %dma_wait3A_554 = arith.constant 3 : i32
        %dma_wait3A_555 = arith.constant 0 : i32
        %dma_wait3A_556 = arith.constant 0 : i32
        %dma_wait3A_557 = tpu.memref_slice %arg6[%dma_wait3A_554, %dma_wait3A_555, %dma_wait3A_556] : memref<10x40x128xf32, #tpu.memory_space<vmem>> -> memref<1x40x128xf32, #tpu.memory_space<vmem>>
        %dma_wait3A_558 = tpu.memref_squeeze %dma_wait3A_557 : memref<1x40x128xf32, #tpu.memory_space<vmem>> -> memref<40x128xf32, #tpu.memory_space<vmem>>
        %dma_wait3A_559 = arith.constant 0 : i32
        %dma_wait3A_560 = tpu.memref_slice %arg4[%add3A_553, %dma_wait3A_559] : memref<640000x128xf32, #tpu.memory_space<hbm>> -> memref<40x128xf32, #tpu.memory_space<hbm>>
        %dma_wait3A_561 = arith.constant 0 : i32
        %dma_wait3A_562 = tpu.memref_slice %arg4[%add3A_553, %dma_wait3A_561] : memref<640000x128xf32, #tpu.memory_space<hbm>> -> memref<40x128xf32, #tpu.memory_space<hbm>>
        %dma_wait3A_563 = arith.constant 0 : i32
        %dma_wait3A_564 = arith.constant 0 : i32
        %dma_wait3A_565 = tpu.memref_slice %arg6[%dma_wait3A_554, %dma_wait3A_563, %dma_wait3A_564] : memref<10x40x128xf32, #tpu.memory_space<vmem>> -> memref<1x40x128xf32, #tpu.memory_space<vmem>>
        %dma_wait3A_566 = tpu.memref_squeeze %dma_wait3A_565 : memref<1x40x128xf32, #tpu.memory_space<vmem>> -> memref<40x128xf32, #tpu.memory_space<vmem>>
        tpu.wait_dma2 semaphore(%arg20 : memref<!tpu.dma_semaphore, #tpu.memory_space<semaphore_mem>>) src(%dma_wait3A_566 : memref<40x128xf32, #tpu.memory_space<vmem>>) dst(%dma_wait3A_562 : memref<40x128xf32, #tpu.memory_space<hbm>>)
      } else {
      }
      %add3A_475 = arith.constant 5 : i32
      %add3A_476 = arith.addi %add3A_469, %add3A_475 : i32
      %lt3A_477 = arith.constant 500 : i32
      %lt3A_478 = arith.cmpi slt, %add3A_476, %lt3A_477 : i32
      %convert_element_type3A_479 = arith.extui %lt3A_478 : i1 to i32
      %cond3A_480 = arith.constant 0 : i32
      %cond3A_481 = arith.cmpi ne, %convert_element_type3A_479, %cond3A_480 : i32
      scf.if %cond3A_481 {
        %add3A_550 = arith.constant 5 : i32
        %add3A_551 = arith.addi %add3A_469, %add3A_550 : i32
        %dma_start3A_552 = arith.constant 3 : i32
        %dma_start3A_553 = arith.constant 0 : i32
        %dma_start3A_554 = arith.constant 0 : i32
        %dma_start3A_555 = tpu.memref_slice %arg6[%dma_start3A_552, %dma_start3A_553, %dma_start3A_554] : memref<10x40x128xf32, #tpu.memory_space<vmem>> -> memref<1x40x128xf32, #tpu.memory_space<vmem>>
        %dma_start3A_556 = tpu.memref_squeeze %dma_start3A_555 : memref<1x40x128xf32, #tpu.memory_space<vmem>> -> memref<40x128xf32, #tpu.memory_space<vmem>>
        %dma_start3A_557 = arith.constant 0 : i32
        %dma_start3A_558 = tpu.memref_slice %arg5[%add3A_551, %dma_start3A_557] : memref<500x40xi32, #tpu.memory_space<vmem>> -> memref<1x40xi32, #tpu.memory_space<vmem>>
        %dma_start3A_559 = tpu.memref_squeeze %dma_start3A_558 : memref<1x40xi32, #tpu.memory_space<vmem>> -> memref<40xi32, #tpu.memory_space<vmem>>
        %dma_start3A_560 = arith.constant 0 : i32
        %dma_start3A_561 = arith.constant 0 : i32
        %dma_start3A_562 = tpu.memref_slice %arg2[%dma_start3A_560, %dma_start3A_561] : memref<10000x128xf32, #tpu.memory_space<hbm>> -> memref<10000x128xf32, #tpu.memory_space<hbm>>
        tpu.enqueue_indirect_dma source(%dma_start3A_562 : memref<10000x128xf32, #tpu.memory_space<hbm>>) target(%dma_start3A_556 : memref<40x128xf32, #tpu.memory_space<vmem>>) offsets(%dma_start3A_559 : memref<40xi32, #tpu.memory_space<vmem>>) semaphore(%arg10 : memref<!tpu.dma_semaphore, #tpu.memory_space<semaphore_mem>>)
      } else {
      }
      %dma_wait3A_482 = arith.constant 8 : i32
      %dma_wait3A_483 = arith.constant 0 : i32
      %dma_wait3A_484 = arith.constant 0 : i32
      %dma_wait3A_485 = tpu.memref_slice %arg6[%dma_wait3A_482, %dma_wait3A_483, %dma_wait3A_484] : memref<10x40x128xf32, #tpu.memory_space<vmem>> -> memref<1x40x128xf32, #tpu.memory_space<vmem>>
      %dma_wait3A_486 = tpu.memref_squeeze %dma_wait3A_485 : memref<1x40x128xf32, #tpu.memory_space<vmem>> -> memref<40x128xf32, #tpu.memory_space<vmem>>
      %dma_wait3A_487 = arith.constant 0 : i32
      %dma_wait3A_488 = tpu.memref_slice %arg5[%add3A_469, %dma_wait3A_487] : memref<500x40xi32, #tpu.memory_space<vmem>> -> memref<1x40xi32, #tpu.memory_space<vmem>>
      %dma_wait3A_489 = tpu.memref_squeeze %dma_wait3A_488 : memref<1x40xi32, #tpu.memory_space<vmem>> -> memref<40xi32, #tpu.memory_space<vmem>>
      %dma_wait3A_490 = arith.constant 0 : i32
      %dma_wait3A_491 = arith.constant 0 : i32
      %dma_wait3A_492 = tpu.memref_slice %arg2[%dma_wait3A_490, %dma_wait3A_491] : memref<10000x128xf32, #tpu.memory_space<hbm>> -> memref<10000x128xf32, #tpu.memory_space<hbm>>
      tpu.wait_indirect_dma semaphore(%arg15 : memref<!tpu.dma_semaphore, #tpu.memory_space<semaphore_mem>>) src(%dma_wait3A_492 : memref<10000x128xf32, #tpu.memory_space<hbm>>) dst(%dma_wait3A_486 : memref<40x128xf32, #tpu.memory_space<vmem>>)
      %mul3A_493 = arith.constant 40 : i32
      %mul3A_494 = arith.muli %add3A_469, %mul3A_493 : i32
      %add3A_495 = arith.addi %mul3A_2, %mul3A_494 : i32
      %dma_start3A_496 = arith.constant 8 : i32
      %dma_start3A_497 = arith.constant 0 : i32
      %dma_start3A_498 = arith.constant 0 : i32
      %dma_start3A_499 = tpu.memref_slice %arg6[%dma_start3A_496, %dma_start3A_497, %dma_start3A_498] : memref<10x40x128xf32, #tpu.memory_space<vmem>> -> memref<1x40x128xf32, #tpu.memory_space<vmem>>
      %dma_start3A_500 = tpu.memref_squeeze %dma_start3A_499 : memref<1x40x128xf32, #tpu.memory_space<vmem>> -> memref<40x128xf32, #tpu.memory_space<vmem>>
      %dma_start3A_501 = arith.constant 0 : i32
      %dma_start3A_502 = tpu.memref_slice %arg4[%add3A_495, %dma_start3A_501] : memref<640000x128xf32, #tpu.memory_space<hbm>> -> memref<40x128xf32, #tpu.memory_space<hbm>>
      %dma_start3A_503 = arith.constant 0 : i32
      %dma_start3A_504 = tpu.memref_slice %arg4[%add3A_495, %dma_start3A_503] : memref<640000x128xf32, #tpu.memory_space<hbm>> -> memref<40x128xf32, #tpu.memory_space<hbm>>
      %dma_start3A_505 = arith.constant 0 : i32
      %dma_start3A_506 = arith.constant 0 : i32
      %dma_start3A_507 = tpu.memref_slice %arg6[%dma_start3A_496, %dma_start3A_505, %dma_start3A_506] : memref<10x40x128xf32, #tpu.memory_space<vmem>> -> memref<1x40x128xf32, #tpu.memory_space<vmem>>
      %dma_start3A_508 = tpu.memref_squeeze %dma_start3A_507 : memref<1x40x128xf32, #tpu.memory_space<vmem>> -> memref<40x128xf32, #tpu.memory_space<vmem>>
      tpu.enqueue_dma source(%dma_start3A_508 : memref<40x128xf32, #tpu.memory_space<vmem>>) target(%dma_start3A_504 : memref<40x128xf32, #tpu.memory_space<hbm>>) target_semaphore(%arg25 : memref<!tpu.dma_semaphore, #tpu.memory_space<semaphore_mem>>)
      %add3A_509 = arith.constant 9 : i32
      %add3A_510 = arith.addi %mul3A_143, %add3A_509 : i32
      %ge3A_511 = arith.constant 5 : i32
      %ge3A_512 = arith.cmpi sge, %add3A_510, %ge3A_511 : i32
      %convert_element_type3A_513 = arith.extui %ge3A_512 : i1 to i32
      %cond3A_514 = arith.constant 0 : i32
      %cond3A_515 = arith.cmpi ne, %convert_element_type3A_513, %cond3A_514 : i32
      scf.if %cond3A_515 {
        %sub3A = arith.constant 5 : i32
        %sub3A_550 = arith.subi %add3A_510, %sub3A : i32
        %mul3A_551 = arith.constant 40 : i32
        %mul3A_552 = arith.muli %sub3A_550, %mul3A_551 : i32
        %add3A_553 = arith.addi %mul3A_2, %mul3A_552 : i32
        %dma_wait3A_554 = arith.constant 4 : i32
        %dma_wait3A_555 = arith.constant 0 : i32
        %dma_wait3A_556 = arith.constant 0 : i32
        %dma_wait3A_557 = tpu.memref_slice %arg6[%dma_wait3A_554, %dma_wait3A_555, %dma_wait3A_556] : memref<10x40x128xf32, #tpu.memory_space<vmem>> -> memref<1x40x128xf32, #tpu.memory_space<vmem>>
        %dma_wait3A_558 = tpu.memref_squeeze %dma_wait3A_557 : memref<1x40x128xf32, #tpu.memory_space<vmem>> -> memref<40x128xf32, #tpu.memory_space<vmem>>
        %dma_wait3A_559 = arith.constant 0 : i32
        %dma_wait3A_560 = tpu.memref_slice %arg4[%add3A_553, %dma_wait3A_559] : memref<640000x128xf32, #tpu.memory_space<hbm>> -> memref<40x128xf32, #tpu.memory_space<hbm>>
        %dma_wait3A_561 = arith.constant 0 : i32
        %dma_wait3A_562 = tpu.memref_slice %arg4[%add3A_553, %dma_wait3A_561] : memref<640000x128xf32, #tpu.memory_space<hbm>> -> memref<40x128xf32, #tpu.memory_space<hbm>>
        %dma_wait3A_563 = arith.constant 0 : i32
        %dma_wait3A_564 = arith.constant 0 : i32
        %dma_wait3A_565 = tpu.memref_slice %arg6[%dma_wait3A_554, %dma_wait3A_563, %dma_wait3A_564] : memref<10x40x128xf32, #tpu.memory_space<vmem>> -> memref<1x40x128xf32, #tpu.memory_space<vmem>>
        %dma_wait3A_566 = tpu.memref_squeeze %dma_wait3A_565 : memref<1x40x128xf32, #tpu.memory_space<vmem>> -> memref<40x128xf32, #tpu.memory_space<vmem>>
        tpu.wait_dma2 semaphore(%arg21 : memref<!tpu.dma_semaphore, #tpu.memory_space<semaphore_mem>>) src(%dma_wait3A_566 : memref<40x128xf32, #tpu.memory_space<vmem>>) dst(%dma_wait3A_562 : memref<40x128xf32, #tpu.memory_space<hbm>>)
      } else {
      }
      %add3A_516 = arith.constant 5 : i32
      %add3A_517 = arith.addi %add3A_510, %add3A_516 : i32
      %lt3A_518 = arith.constant 500 : i32
      %lt3A_519 = arith.cmpi slt, %add3A_517, %lt3A_518 : i32
      %convert_element_type3A_520 = arith.extui %lt3A_519 : i1 to i32
      %cond3A_521 = arith.constant 0 : i32
      %cond3A_522 = arith.cmpi ne, %convert_element_type3A_520, %cond3A_521 : i32
      scf.if %cond3A_522 {
        %add3A_550 = arith.constant 5 : i32
        %add3A_551 = arith.addi %add3A_510, %add3A_550 : i32
        %dma_start3A_552 = arith.constant 4 : i32
        %dma_start3A_553 = arith.constant 0 : i32
        %dma_start3A_554 = arith.constant 0 : i32
        %dma_start3A_555 = tpu.memref_slice %arg6[%dma_start3A_552, %dma_start3A_553, %dma_start3A_554] : memref<10x40x128xf32, #tpu.memory_space<vmem>> -> memref<1x40x128xf32, #tpu.memory_space<vmem>>
        %dma_start3A_556 = tpu.memref_squeeze %dma_start3A_555 : memref<1x40x128xf32, #tpu.memory_space<vmem>> -> memref<40x128xf32, #tpu.memory_space<vmem>>
        %dma_start3A_557 = arith.constant 0 : i32
        %dma_start3A_558 = tpu.memref_slice %arg5[%add3A_551, %dma_start3A_557] : memref<500x40xi32, #tpu.memory_space<vmem>> -> memref<1x40xi32, #tpu.memory_space<vmem>>
        %dma_start3A_559 = tpu.memref_squeeze %dma_start3A_558 : memref<1x40xi32, #tpu.memory_space<vmem>> -> memref<40xi32, #tpu.memory_space<vmem>>
        %dma_start3A_560 = arith.constant 0 : i32
        %dma_start3A_561 = arith.constant 0 : i32
        %dma_start3A_562 = tpu.memref_slice %arg2[%dma_start3A_560, %dma_start3A_561] : memref<10000x128xf32, #tpu.memory_space<hbm>> -> memref<10000x128xf32, #tpu.memory_space<hbm>>
        tpu.enqueue_indirect_dma source(%dma_start3A_562 : memref<10000x128xf32, #tpu.memory_space<hbm>>) target(%dma_start3A_556 : memref<40x128xf32, #tpu.memory_space<vmem>>) offsets(%dma_start3A_559 : memref<40xi32, #tpu.memory_space<vmem>>) semaphore(%arg11 : memref<!tpu.dma_semaphore, #tpu.memory_space<semaphore_mem>>)
      } else {
      }
      %dma_wait3A_523 = arith.constant 9 : i32
      %dma_wait3A_524 = arith.constant 0 : i32
      %dma_wait3A_525 = arith.constant 0 : i32
      %dma_wait3A_526 = tpu.memref_slice %arg6[%dma_wait3A_523, %dma_wait3A_524, %dma_wait3A_525] : memref<10x40x128xf32, #tpu.memory_space<vmem>> -> memref<1x40x128xf32, #tpu.memory_space<vmem>>
      %dma_wait3A_527 = tpu.memref_squeeze %dma_wait3A_526 : memref<1x40x128xf32, #tpu.memory_space<vmem>> -> memref<40x128xf32, #tpu.memory_space<vmem>>
      %dma_wait3A_528 = arith.constant 0 : i32
      %dma_wait3A_529 = tpu.memref_slice %arg5[%add3A_510, %dma_wait3A_528] : memref<500x40xi32, #tpu.memory_space<vmem>> -> memref<1x40xi32, #tpu.memory_space<vmem>>
      %dma_wait3A_530 = tpu.memref_squeeze %dma_wait3A_529 : memref<1x40xi32, #tpu.memory_space<vmem>> -> memref<40xi32, #tpu.memory_space<vmem>>
      %dma_wait3A_531 = arith.constant 0 : i32
      %dma_wait3A_532 = arith.constant 0 : i32
      %dma_wait3A_533 = tpu.memref_slice %arg2[%dma_wait3A_531, %dma_wait3A_532] : memref<10000x128xf32, #tpu.memory_space<hbm>> -> memref<10000x128xf32, #tpu.memory_space<hbm>>
      tpu.wait_indirect_dma semaphore(%arg16 : memref<!tpu.dma_semaphore, #tpu.memory_space<semaphore_mem>>) src(%dma_wait3A_533 : memref<10000x128xf32, #tpu.memory_space<hbm>>) dst(%dma_wait3A_527 : memref<40x128xf32, #tpu.memory_space<vmem>>)
      %mul3A_534 = arith.constant 40 : i32
      %mul3A_535 = arith.muli %add3A_510, %mul3A_534 : i32
      %add3A_536 = arith.addi %mul3A_2, %mul3A_535 : i32
      %dma_start3A_537 = arith.constant 9 : i32
      %dma_start3A_538 = arith.constant 0 : i32
      %dma_start3A_539 = arith.constant 0 : i32
      %dma_start3A_540 = tpu.memref_slice %arg6[%dma_start3A_537, %dma_start3A_538, %dma_start3A_539] : memref<10x40x128xf32, #tpu.memory_space<vmem>> -> memref<1x40x128xf32, #tpu.memory_space<vmem>>
      %dma_start3A_541 = tpu.memref_squeeze %dma_start3A_540 : memref<1x40x128xf32, #tpu.memory_space<vmem>> -> memref<40x128xf32, #tpu.memory_space<vmem>>
      %dma_start3A_542 = arith.constant 0 : i32
      %dma_start3A_543 = tpu.memref_slice %arg4[%add3A_536, %dma_start3A_542] : memref<640000x128xf32, #tpu.memory_space<hbm>> -> memref<40x128xf32, #tpu.memory_space<hbm>>
      %dma_start3A_544 = arith.constant 0 : i32
      %dma_start3A_545 = tpu.memref_slice %arg4[%add3A_536, %dma_start3A_544] : memref<640000x128xf32, #tpu.memory_space<hbm>> -> memref<40x128xf32, #tpu.memory_space<hbm>>
      %dma_start3A_546 = arith.constant 0 : i32
      %dma_start3A_547 = arith.constant 0 : i32
      %dma_start3A_548 = tpu.memref_slice %arg6[%dma_start3A_537, %dma_start3A_546, %dma_start3A_547] : memref<10x40x128xf32, #tpu.memory_space<vmem>> -> memref<1x40x128xf32, #tpu.memory_space<vmem>>
      %dma_start3A_549 = tpu.memref_squeeze %dma_start3A_548 : memref<1x40x128xf32, #tpu.memory_space<vmem>> -> memref<40x128xf32, #tpu.memory_space<vmem>>
      tpu.enqueue_dma source(%dma_start3A_549 : memref<40x128xf32, #tpu.memory_space<vmem>>) target(%dma_start3A_545 : memref<40x128xf32, #tpu.memory_space<hbm>>) target_semaphore(%arg26 : memref<!tpu.dma_semaphore, #tpu.memory_space<semaphore_mem>>)
    }
    %scan3A_66 = arith.constant 50 : i32
    %add3A_67 = arith.constant 19800 : i32
    %add3A_68 = arith.addi %mul3A_2, %add3A_67 : i32
    %dma_wait3A = arith.constant 5 : i32
    %dma_wait3A_69 = arith.constant 0 : i32
    %dma_wait3A_70 = arith.constant 0 : i32
    %dma_wait3A_71 = tpu.memref_slice %arg6[%dma_wait3A, %dma_wait3A_69, %dma_wait3A_70] : memref<10x40x128xf32, #tpu.memory_space<vmem>> -> memref<1x40x128xf32, #tpu.memory_space<vmem>>
    %dma_wait3A_72 = tpu.memref_squeeze %dma_wait3A_71 : memref<1x40x128xf32, #tpu.memory_space<vmem>> -> memref<40x128xf32, #tpu.memory_space<vmem>>
    %dma_wait3A_73 = arith.constant 0 : i32
    %dma_wait3A_74 = tpu.memref_slice %arg4[%add3A_68, %dma_wait3A_73] : memref<640000x128xf32, #tpu.memory_space<hbm>> -> memref<40x128xf32, #tpu.memory_space<hbm>>
    %dma_wait3A_75 = arith.constant 0 : i32
    %dma_wait3A_76 = tpu.memref_slice %arg4[%add3A_68, %dma_wait3A_75] : memref<640000x128xf32, #tpu.memory_space<hbm>> -> memref<40x128xf32, #tpu.memory_space<hbm>>
    %dma_wait3A_77 = arith.constant 0 : i32
    %dma_wait3A_78 = arith.constant 0 : i32
    %dma_wait3A_79 = tpu.memref_slice %arg6[%dma_wait3A, %dma_wait3A_77, %dma_wait3A_78] : memref<10x40x128xf32, #tpu.memory_space<vmem>> -> memref<1x40x128xf32, #tpu.memory_space<vmem>>
    %dma_wait3A_80 = tpu.memref_squeeze %dma_wait3A_79 : memref<1x40x128xf32, #tpu.memory_space<vmem>> -> memref<40x128xf32, #tpu.memory_space<vmem>>
    tpu.wait_dma2 semaphore(%arg22 : memref<!tpu.dma_semaphore, #tpu.memory_space<semaphore_mem>>) src(%dma_wait3A_80 : memref<40x128xf32, #tpu.memory_space<vmem>>) dst(%dma_wait3A_76 : memref<40x128xf32, #tpu.memory_space<hbm>>)
    %add3A_81 = arith.constant 19840 : i32
    %add3A_82 = arith.addi %mul3A_2, %add3A_81 : i32
    %dma_wait3A_83 = arith.constant 6 : i32
    %dma_wait3A_84 = arith.constant 0 : i32
    %dma_wait3A_85 = arith.constant 0 : i32
    %dma_wait3A_86 = tpu.memref_slice %arg6[%dma_wait3A_83, %dma_wait3A_84, %dma_wait3A_85] : memref<10x40x128xf32, #tpu.memory_space<vmem>> -> memref<1x40x128xf32, #tpu.memory_space<vmem>>
    %dma_wait3A_87 = tpu.memref_squeeze %dma_wait3A_86 : memref<1x40x128xf32, #tpu.memory_space<vmem>> -> memref<40x128xf32, #tpu.memory_space<vmem>>
    %dma_wait3A_88 = arith.constant 0 : i32
    %dma_wait3A_89 = tpu.memref_slice %arg4[%add3A_82, %dma_wait3A_88] : memref<640000x128xf32, #tpu.memory_space<hbm>> -> memref<40x128xf32, #tpu.memory_space<hbm>>
    %dma_wait3A_90 = arith.constant 0 : i32
    %dma_wait3A_91 = tpu.memref_slice %arg4[%add3A_82, %dma_wait3A_90] : memref<640000x128xf32, #tpu.memory_space<hbm>> -> memref<40x128xf32, #tpu.memory_space<hbm>>
    %dma_wait3A_92 = arith.constant 0 : i32
    %dma_wait3A_93 = arith.constant 0 : i32
    %dma_wait3A_94 = tpu.memref_slice %arg6[%dma_wait3A_83, %dma_wait3A_92, %dma_wait3A_93] : memref<10x40x128xf32, #tpu.memory_space<vmem>> -> memref<1x40x128xf32, #tpu.memory_space<vmem>>
    %dma_wait3A_95 = tpu.memref_squeeze %dma_wait3A_94 : memref<1x40x128xf32, #tpu.memory_space<vmem>> -> memref<40x128xf32, #tpu.memory_space<vmem>>
    tpu.wait_dma2 semaphore(%arg23 : memref<!tpu.dma_semaphore, #tpu.memory_space<semaphore_mem>>) src(%dma_wait3A_95 : memref<40x128xf32, #tpu.memory_space<vmem>>) dst(%dma_wait3A_91 : memref<40x128xf32, #tpu.memory_space<hbm>>)
    %add3A_96 = arith.constant 19880 : i32
    %add3A_97 = arith.addi %mul3A_2, %add3A_96 : i32
    %dma_wait3A_98 = arith.constant 7 : i32
    %dma_wait3A_99 = arith.constant 0 : i32
    %dma_wait3A_100 = arith.constant 0 : i32
    %dma_wait3A_101 = tpu.memref_slice %arg6[%dma_wait3A_98, %dma_wait3A_99, %dma_wait3A_100] : memref<10x40x128xf32, #tpu.memory_space<vmem>> -> memref<1x40x128xf32, #tpu.memory_space<vmem>>
    %dma_wait3A_102 = tpu.memref_squeeze %dma_wait3A_101 : memref<1x40x128xf32, #tpu.memory_space<vmem>> -> memref<40x128xf32, #tpu.memory_space<vmem>>
    %dma_wait3A_103 = arith.constant 0 : i32
    %dma_wait3A_104 = tpu.memref_slice %arg4[%add3A_97, %dma_wait3A_103] : memref<640000x128xf32, #tpu.memory_space<hbm>> -> memref<40x128xf32, #tpu.memory_space<hbm>>
    %dma_wait3A_105 = arith.constant 0 : i32
    %dma_wait3A_106 = tpu.memref_slice %arg4[%add3A_97, %dma_wait3A_105] : memref<640000x128xf32, #tpu.memory_space<hbm>> -> memref<40x128xf32, #tpu.memory_space<hbm>>
    %dma_wait3A_107 = arith.constant 0 : i32
    %dma_wait3A_108 = arith.constant 0 : i32
    %dma_wait3A_109 = tpu.memref_slice %arg6[%dma_wait3A_98, %dma_wait3A_107, %dma_wait3A_108] : memref<10x40x128xf32, #tpu.memory_space<vmem>> -> memref<1x40x128xf32, #tpu.memory_space<vmem>>
    %dma_wait3A_110 = tpu.memref_squeeze %dma_wait3A_109 : memref<1x40x128xf32, #tpu.memory_space<vmem>> -> memref<40x128xf32, #tpu.memory_space<vmem>>
    tpu.wait_dma2 semaphore(%arg24 : memref<!tpu.dma_semaphore, #tpu.memory_space<semaphore_mem>>) src(%dma_wait3A_110 : memref<40x128xf32, #tpu.memory_space<vmem>>) dst(%dma_wait3A_106 : memref<40x128xf32, #tpu.memory_space<hbm>>)
    %add3A_111 = arith.constant 19920 : i32
    %add3A_112 = arith.addi %mul3A_2, %add3A_111 : i32
    %dma_wait3A_113 = arith.constant 8 : i32
    %dma_wait3A_114 = arith.constant 0 : i32
    %dma_wait3A_115 = arith.constant 0 : i32
    %dma_wait3A_116 = tpu.memref_slice %arg6[%dma_wait3A_113, %dma_wait3A_114, %dma_wait3A_115] : memref<10x40x128xf32, #tpu.memory_space<vmem>> -> memref<1x40x128xf32, #tpu.memory_space<vmem>>
    %dma_wait3A_117 = tpu.memref_squeeze %dma_wait3A_116 : memref<1x40x128xf32, #tpu.memory_space<vmem>> -> memref<40x128xf32, #tpu.memory_space<vmem>>
    %dma_wait3A_118 = arith.constant 0 : i32
    %dma_wait3A_119 = tpu.memref_slice %arg4[%add3A_112, %dma_wait3A_118] : memref<640000x128xf32, #tpu.memory_space<hbm>> -> memref<40x128xf32, #tpu.memory_space<hbm>>
    %dma_wait3A_120 = arith.constant 0 : i32
    %dma_wait3A_121 = tpu.memref_slice %arg4[%add3A_112, %dma_wait3A_120] : memref<640000x128xf32, #tpu.memory_space<hbm>> -> memref<40x128xf32, #tpu.memory_space<hbm>>
    %dma_wait3A_122 = arith.constant 0 : i32
    %dma_wait3A_123 = arith.constant 0 : i32
    %dma_wait3A_124 = tpu.memref_slice %arg6[%dma_wait3A_113, %dma_wait3A_122, %dma_wait3A_123] : memref<10x40x128xf32, #tpu.memory_space<vmem>> -> memref<1x40x128xf32, #tpu.memory_space<vmem>>
    %dma_wait3A_125 = tpu.memref_squeeze %dma_wait3A_124 : memref<1x40x128xf32, #tpu.memory_space<vmem>> -> memref<40x128xf32, #tpu.memory_space<vmem>>
    tpu.wait_dma2 semaphore(%arg25 : memref<!tpu.dma_semaphore, #tpu.memory_space<semaphore_mem>>) src(%dma_wait3A_125 : memref<40x128xf32, #tpu.memory_space<vmem>>) dst(%dma_wait3A_121 : memref<40x128xf32, #tpu.memory_space<hbm>>)
    %add3A_126 = arith.constant 19960 : i32
    %add3A_127 = arith.addi %mul3A_2, %add3A_126 : i32
    %dma_wait3A_128 = arith.constant 9 : i32
    %dma_wait3A_129 = arith.constant 0 : i32
    %dma_wait3A_130 = arith.constant 0 : i32
    %dma_wait3A_131 = tpu.memref_slice %arg6[%dma_wait3A_128, %dma_wait3A_129, %dma_wait3A_130] : memref<10x40x128xf32, #tpu.memory_space<vmem>> -> memref<1x40x128xf32, #tpu.memory_space<vmem>>
    %dma_wait3A_132 = tpu.memref_squeeze %dma_wait3A_131 : memref<1x40x128xf32, #tpu.memory_space<vmem>> -> memref<40x128xf32, #tpu.memory_space<vmem>>
    %dma_wait3A_133 = arith.constant 0 : i32
    %dma_wait3A_134 = tpu.memref_slice %arg4[%add3A_127, %dma_wait3A_133] : memref<640000x128xf32, #tpu.memory_space<hbm>> -> memref<40x128xf32, #tpu.memory_space<hbm>>
    %dma_wait3A_135 = arith.constant 0 : i32
    %dma_wait3A_136 = tpu.memref_slice %arg4[%add3A_127, %dma_wait3A_135] : memref<640000x128xf32, #tpu.memory_space<hbm>> -> memref<40x128xf32, #tpu.memory_space<hbm>>
    %dma_wait3A_137 = arith.constant 0 : i32
    %dma_wait3A_138 = arith.constant 0 : i32
    %dma_wait3A_139 = tpu.memref_slice %arg6[%dma_wait3A_128, %dma_wait3A_137, %dma_wait3A_138] : memref<10x40x128xf32, #tpu.memory_space<vmem>> -> memref<1x40x128xf32, #tpu.memory_space<vmem>>
    %dma_wait3A_140 = tpu.memref_squeeze %dma_wait3A_139 : memref<1x40x128xf32, #tpu.memory_space<vmem>> -> memref<40x128xf32, #tpu.memory_space<vmem>>
    tpu.wait_dma2 semaphore(%arg26 : memref<!tpu.dma_semaphore, #tpu.memory_space<semaphore_mem>>) src(%dma_wait3A_140 : memref<40x128xf32, #tpu.memory_space<vmem>>) dst(%dma_wait3A_136 : memref<40x128xf32, #tpu.memory_space<hbm>>)
    return
  }
}

#map = affine_map<(d0, d1) -> (0, 0, 0)>
#map1 = affine_map<(d0, d1) -> (0, 0, 0, 0)>
#map2 = affine_map<(d0, d1) -> (0, 0)>
module attributes {stable_mosaic.version = 14 : i64} {
  func.func @sk(%arg0: i32, %arg1: i32, %arg2: memref<2x320000x64xf32, #tpu.memory_space<hbm>>, %arg3: memref<16x500x1x40xi32, #tpu.memory_space<hbm>>, %arg4: memref<128x64xf32, #tpu.memory_space<hbm>>, %arg5: memref<128x16xf32, #tpu.memory_space<hbm>>, %arg6: memref<40x16xf32, #tpu.memory_space<hbm>>, %arg7: memref<2x10112x64xf32, #tpu.memory_space<hbm>>, %arg8: memref<10112x16xf32, #tpu.memory_space<hbm>>, %arg9: memref<40xi32, #tpu.memory_space<vmem>>, %arg10: memref<40xi32, #tpu.memory_space<vmem>>, %arg11: memref<40xi32, #tpu.memory_space<vmem>>, %arg12: memref<40xi32, #tpu.memory_space<vmem>>, %arg13: memref<4x40x64xf32, #tpu.memory_space<vmem>>, %arg14: memref<40x16xf32, #tpu.memory_space<vmem>>, %arg15: memref<128x64xf32, #tpu.memory_space<vmem>>, %arg16: memref<128x16xf32, #tpu.memory_space<vmem>>, %arg17: memref<10112x64xf32, #tpu.memory_space<vmem_shared>>, %arg18: memref<10112x16xf32, #tpu.memory_space<vmem_shared>>, %arg19: memref<!tpu.dma_semaphore, #tpu.memory_space<semaphore_mem>>, %arg20: memref<!tpu.dma_semaphore, #tpu.memory_space<semaphore_mem>>, %arg21: memref<!tpu.dma_semaphore, #tpu.memory_space<semaphore_mem>>, %arg22: memref<!tpu.dma_semaphore, #tpu.memory_space<semaphore_mem>>, %arg23: memref<!tpu.dma_semaphore, #tpu.memory_space<semaphore_mem>>, %arg24: memref<!tpu.dma_semaphore, #tpu.memory_space<semaphore_mem>>, %arg25: memref<!tpu.dma_semaphore, #tpu.memory_space<semaphore_mem>>, %arg26: memref<!tpu.dma_semaphore, #tpu.memory_space<semaphore_mem>>, %arg27: memref<!tpu.dma_semaphore, #tpu.memory_space<semaphore_mem>>, %arg28: memref<!tpu.dma_semaphore, #tpu.memory_space<semaphore_mem>>, %arg29: memref<!tpu.dma_semaphore, #tpu.memory_space<semaphore_mem>>, %arg30: memref<!tpu.dma_semaphore, #tpu.memory_space<semaphore_mem>>, %arg31: memref<!tpu.dma_semaphore, #tpu.memory_space<semaphore_mem>>, %arg32: memref<!tpu.dma_semaphore, #tpu.memory_space<semaphore_mem>>, %arg33: memref<!tpu.dma_semaphore, #tpu.memory_space<semaphore_mem>>, %arg34: memref<!tpu.dma_semaphore, #tpu.memory_space<semaphore_mem>>) attributes {dimension_semantics = [#tpu.dimension_semantics<core_parallel>, #tpu.dimension_semantics<subcore_parallel>], iteration_bounds = array<i64: 2, 16>, scalar_prefetch = 0 : i64, scratch_operands = 26 : i64, tpu.core_type = #tpu.core_type<sc_vector_subcore>, window_params = [{transform_indices = #map}, {transform_indices = #map1}, {transform_indices = #map2}, {transform_indices = #map2}, {transform_indices = #map2}, {transform_indices = #map}, {transform_indices = #map2}]} {
    %mul3A = arith.constant 20000 : i32
    %mul3A_0 = arith.muli %arg1, %mul3A : i32
    "tpu.region"() ({
      %run_scoped3A = tpu.sem_alloc : memref<!tpu.dma_semaphore, #tpu.memory_space<semaphore_mem>>
      tpu.enqueue_dma source(%arg4 : memref<128x64xf32, #tpu.memory_space<hbm>>) target(%arg15 : memref<128x64xf32, #tpu.memory_space<vmem>>) target_semaphore(%run_scoped3A : memref<!tpu.dma_semaphore, #tpu.memory_space<semaphore_mem>>)
      tpu.wait_dma2 semaphore(%run_scoped3A : memref<!tpu.dma_semaphore, #tpu.memory_space<semaphore_mem>>) src(%arg4 : memref<128x64xf32, #tpu.memory_space<hbm>>) dst(%arg15 : memref<128x64xf32, #tpu.memory_space<vmem>>)
      tpu.yield
    }) : () -> ()
    "tpu.region"() ({
      %run_scoped3A = tpu.sem_alloc : memref<!tpu.dma_semaphore, #tpu.memory_space<semaphore_mem>>
      tpu.enqueue_dma source(%arg5 : memref<128x16xf32, #tpu.memory_space<hbm>>) target(%arg16 : memref<128x16xf32, #tpu.memory_space<vmem>>) target_semaphore(%run_scoped3A : memref<!tpu.dma_semaphore, #tpu.memory_space<semaphore_mem>>)
      tpu.wait_dma2 semaphore(%run_scoped3A : memref<!tpu.dma_semaphore, #tpu.memory_space<semaphore_mem>>) src(%arg5 : memref<128x16xf32, #tpu.memory_space<hbm>>) dst(%arg16 : memref<128x16xf32, #tpu.memory_space<vmem>>)
      tpu.yield
    }) : () -> ()
    %mul3A_1 = arith.constant 632 : i32
    %mul3A_2 = arith.muli %arg1, %mul3A_1 : i32
    %add3A = arith.constant 0 : i32
    %add3A_3 = arith.addi %mul3A_2, %add3A : i32
    "tpu.region"() ({
      %run_scoped3A = tpu.sem_alloc : memref<!tpu.dma_semaphore, #tpu.memory_space<semaphore_mem>>
      %dma_start3A_147 = arith.constant 0 : i32
      %dma_start3A_148 = arith.constant 0 : i32
      %dma_start3A_149 = tpu.memref_slice %arg15[%dma_start3A_147, %dma_start3A_148] : memref<128x64xf32, #tpu.memory_space<vmem>> -> memref<128x64xf32, #tpu.memory_space<vmem>>
      %dma_start3A_150 = arith.constant 0 : i32
      %dma_start3A_151 = tpu.memref_slice %arg17[%add3A_3, %dma_start3A_150] : memref<10112x64xf32, #tpu.memory_space<vmem_shared>> -> memref<128x64xf32, #tpu.memory_space<vmem_shared>>
      %dma_start3A_152 = arith.constant 0 : i32
      %dma_start3A_153 = tpu.memref_slice %arg17[%add3A_3, %dma_start3A_152] : memref<10112x64xf32, #tpu.memory_space<vmem_shared>> -> memref<128x64xf32, #tpu.memory_space<vmem_shared>>
      %dma_start3A_154 = arith.constant 0 : i32
      %dma_start3A_155 = arith.constant 0 : i32
      %dma_start3A_156 = tpu.memref_slice %arg15[%dma_start3A_154, %dma_start3A_155] : memref<128x64xf32, #tpu.memory_space<vmem>> -> memref<128x64xf32, #tpu.memory_space<vmem>>
      tpu.enqueue_dma source(%dma_start3A_156 : memref<128x64xf32, #tpu.memory_space<vmem>>) target(%dma_start3A_153 : memref<128x64xf32, #tpu.memory_space<vmem_shared>>) target_semaphore(%run_scoped3A : memref<!tpu.dma_semaphore, #tpu.memory_space<semaphore_mem>>)
      %dma_wait3A_157 = arith.constant 0 : i32
      %dma_wait3A_158 = arith.constant 0 : i32
      %dma_wait3A_159 = tpu.memref_slice %arg15[%dma_wait3A_157, %dma_wait3A_158] : memref<128x64xf32, #tpu.memory_space<vmem>> -> memref<128x64xf32, #tpu.memory_space<vmem>>
      %dma_wait3A_160 = arith.constant 0 : i32
      %dma_wait3A_161 = tpu.memref_slice %arg17[%add3A_3, %dma_wait3A_160] : memref<10112x64xf32, #tpu.memory_space<vmem_shared>> -> memref<128x64xf32, #tpu.memory_space<vmem_shared>>
      %dma_wait3A_162 = arith.constant 0 : i32
      %dma_wait3A_163 = tpu.memref_slice %arg17[%add3A_3, %dma_wait3A_162] : memref<10112x64xf32, #tpu.memory_space<vmem_shared>> -> memref<128x64xf32, #tpu.memory_space<vmem_shared>>
      %dma_wait3A_164 = arith.constant 0 : i32
      %dma_wait3A_165 = arith.constant 0 : i32
      %dma_wait3A_166 = tpu.memref_slice %arg15[%dma_wait3A_164, %dma_wait3A_165] : memref<128x64xf32, #tpu.memory_space<vmem>> -> memref<128x64xf32, #tpu.memory_space<vmem>>
      tpu.wait_dma2 semaphore(%run_scoped3A : memref<!tpu.dma_semaphore, #tpu.memory_space<semaphore_mem>>) src(%dma_wait3A_166 : memref<128x64xf32, #tpu.memory_space<vmem>>) dst(%dma_wait3A_163 : memref<128x64xf32, #tpu.memory_space<vmem_shared>>)
      tpu.yield
    }) : () -> ()
    %mul3A_4 = arith.constant 632 : i32
    %mul3A_5 = arith.muli %arg1, %mul3A_4 : i32
    %add3A_6 = arith.constant 128 : i32
    %add3A_7 = arith.addi %mul3A_5, %add3A_6 : i32
    "tpu.region"() ({
      %run_scoped3A = tpu.sem_alloc : memref<!tpu.dma_semaphore, #tpu.memory_space<semaphore_mem>>
      %dma_start3A_147 = arith.constant 0 : i32
      %dma_start3A_148 = arith.constant 0 : i32
      %dma_start3A_149 = tpu.memref_slice %arg15[%dma_start3A_147, %dma_start3A_148] : memref<128x64xf32, #tpu.memory_space<vmem>> -> memref<128x64xf32, #tpu.memory_space<vmem>>
      %dma_start3A_150 = arith.constant 0 : i32
      %dma_start3A_151 = tpu.memref_slice %arg17[%add3A_7, %dma_start3A_150] : memref<10112x64xf32, #tpu.memory_space<vmem_shared>> -> memref<128x64xf32, #tpu.memory_space<vmem_shared>>
      %dma_start3A_152 = arith.constant 0 : i32
      %dma_start3A_153 = tpu.memref_slice %arg17[%add3A_7, %dma_start3A_152] : memref<10112x64xf32, #tpu.memory_space<vmem_shared>> -> memref<128x64xf32, #tpu.memory_space<vmem_shared>>
      %dma_start3A_154 = arith.constant 0 : i32
      %dma_start3A_155 = arith.constant 0 : i32
      %dma_start3A_156 = tpu.memref_slice %arg15[%dma_start3A_154, %dma_start3A_155] : memref<128x64xf32, #tpu.memory_space<vmem>> -> memref<128x64xf32, #tpu.memory_space<vmem>>
      tpu.enqueue_dma source(%dma_start3A_156 : memref<128x64xf32, #tpu.memory_space<vmem>>) target(%dma_start3A_153 : memref<128x64xf32, #tpu.memory_space<vmem_shared>>) target_semaphore(%run_scoped3A : memref<!tpu.dma_semaphore, #tpu.memory_space<semaphore_mem>>)
      %dma_wait3A_157 = arith.constant 0 : i32
      %dma_wait3A_158 = arith.constant 0 : i32
      %dma_wait3A_159 = tpu.memref_slice %arg15[%dma_wait3A_157, %dma_wait3A_158] : memref<128x64xf32, #tpu.memory_space<vmem>> -> memref<128x64xf32, #tpu.memory_space<vmem>>
      %dma_wait3A_160 = arith.constant 0 : i32
      %dma_wait3A_161 = tpu.memref_slice %arg17[%add3A_7, %dma_wait3A_160] : memref<10112x64xf32, #tpu.memory_space<vmem_shared>> -> memref<128x64xf32, #tpu.memory_space<vmem_shared>>
      %dma_wait3A_162 = arith.constant 0 : i32
      %dma_wait3A_163 = tpu.memref_slice %arg17[%add3A_7, %dma_wait3A_162] : memref<10112x64xf32, #tpu.memory_space<vmem_shared>> -> memref<128x64xf32, #tpu.memory_space<vmem_shared>>
      %dma_wait3A_164 = arith.constant 0 : i32
      %dma_wait3A_165 = arith.constant 0 : i32
      %dma_wait3A_166 = tpu.memref_slice %arg15[%dma_wait3A_164, %dma_wait3A_165] : memref<128x64xf32, #tpu.memory_space<vmem>> -> memref<128x64xf32, #tpu.memory_space<vmem>>
      tpu.wait_dma2 semaphore(%run_scoped3A : memref<!tpu.dma_semaphore, #tpu.memory_space<semaphore_mem>>) src(%dma_wait3A_166 : memref<128x64xf32, #tpu.memory_space<vmem>>) dst(%dma_wait3A_163 : memref<128x64xf32, #tpu.memory_space<vmem_shared>>)
      tpu.yield
    }) : () -> ()
    %mul3A_8 = arith.constant 632 : i32
    %mul3A_9 = arith.muli %arg1, %mul3A_8 : i32
    %add3A_10 = arith.constant 256 : i32
    %add3A_11 = arith.addi %mul3A_9, %add3A_10 : i32
    "tpu.region"() ({
      %run_scoped3A = tpu.sem_alloc : memref<!tpu.dma_semaphore, #tpu.memory_space<semaphore_mem>>
      %dma_start3A_147 = arith.constant 0 : i32
      %dma_start3A_148 = arith.constant 0 : i32
      %dma_start3A_149 = tpu.memref_slice %arg15[%dma_start3A_147, %dma_start3A_148] : memref<128x64xf32, #tpu.memory_space<vmem>> -> memref<128x64xf32, #tpu.memory_space<vmem>>
      %dma_start3A_150 = arith.constant 0 : i32
      %dma_start3A_151 = tpu.memref_slice %arg17[%add3A_11, %dma_start3A_150] : memref<10112x64xf32, #tpu.memory_space<vmem_shared>> -> memref<128x64xf32, #tpu.memory_space<vmem_shared>>
      %dma_start3A_152 = arith.constant 0 : i32
      %dma_start3A_153 = tpu.memref_slice %arg17[%add3A_11, %dma_start3A_152] : memref<10112x64xf32, #tpu.memory_space<vmem_shared>> -> memref<128x64xf32, #tpu.memory_space<vmem_shared>>
      %dma_start3A_154 = arith.constant 0 : i32
      %dma_start3A_155 = arith.constant 0 : i32
      %dma_start3A_156 = tpu.memref_slice %arg15[%dma_start3A_154, %dma_start3A_155] : memref<128x64xf32, #tpu.memory_space<vmem>> -> memref<128x64xf32, #tpu.memory_space<vmem>>
      tpu.enqueue_dma source(%dma_start3A_156 : memref<128x64xf32, #tpu.memory_space<vmem>>) target(%dma_start3A_153 : memref<128x64xf32, #tpu.memory_space<vmem_shared>>) target_semaphore(%run_scoped3A : memref<!tpu.dma_semaphore, #tpu.memory_space<semaphore_mem>>)
      %dma_wait3A_157 = arith.constant 0 : i32
      %dma_wait3A_158 = arith.constant 0 : i32
      %dma_wait3A_159 = tpu.memref_slice %arg15[%dma_wait3A_157, %dma_wait3A_158] : memref<128x64xf32, #tpu.memory_space<vmem>> -> memref<128x64xf32, #tpu.memory_space<vmem>>
      %dma_wait3A_160 = arith.constant 0 : i32
      %dma_wait3A_161 = tpu.memref_slice %arg17[%add3A_11, %dma_wait3A_160] : memref<10112x64xf32, #tpu.memory_space<vmem_shared>> -> memref<128x64xf32, #tpu.memory_space<vmem_shared>>
      %dma_wait3A_162 = arith.constant 0 : i32
      %dma_wait3A_163 = tpu.memref_slice %arg17[%add3A_11, %dma_wait3A_162] : memref<10112x64xf32, #tpu.memory_space<vmem_shared>> -> memref<128x64xf32, #tpu.memory_space<vmem_shared>>
      %dma_wait3A_164 = arith.constant 0 : i32
      %dma_wait3A_165 = arith.constant 0 : i32
      %dma_wait3A_166 = tpu.memref_slice %arg15[%dma_wait3A_164, %dma_wait3A_165] : memref<128x64xf32, #tpu.memory_space<vmem>> -> memref<128x64xf32, #tpu.memory_space<vmem>>
      tpu.wait_dma2 semaphore(%run_scoped3A : memref<!tpu.dma_semaphore, #tpu.memory_space<semaphore_mem>>) src(%dma_wait3A_166 : memref<128x64xf32, #tpu.memory_space<vmem>>) dst(%dma_wait3A_163 : memref<128x64xf32, #tpu.memory_space<vmem_shared>>)
      tpu.yield
    }) : () -> ()
    %mul3A_12 = arith.constant 632 : i32
    %mul3A_13 = arith.muli %arg1, %mul3A_12 : i32
    %add3A_14 = arith.constant 384 : i32
    %add3A_15 = arith.addi %mul3A_13, %add3A_14 : i32
    "tpu.region"() ({
      %run_scoped3A = tpu.sem_alloc : memref<!tpu.dma_semaphore, #tpu.memory_space<semaphore_mem>>
      %dma_start3A_147 = arith.constant 0 : i32
      %dma_start3A_148 = arith.constant 0 : i32
      %dma_start3A_149 = tpu.memref_slice %arg15[%dma_start3A_147, %dma_start3A_148] : memref<128x64xf32, #tpu.memory_space<vmem>> -> memref<128x64xf32, #tpu.memory_space<vmem>>
      %dma_start3A_150 = arith.constant 0 : i32
      %dma_start3A_151 = tpu.memref_slice %arg17[%add3A_15, %dma_start3A_150] : memref<10112x64xf32, #tpu.memory_space<vmem_shared>> -> memref<128x64xf32, #tpu.memory_space<vmem_shared>>
      %dma_start3A_152 = arith.constant 0 : i32
      %dma_start3A_153 = tpu.memref_slice %arg17[%add3A_15, %dma_start3A_152] : memref<10112x64xf32, #tpu.memory_space<vmem_shared>> -> memref<128x64xf32, #tpu.memory_space<vmem_shared>>
      %dma_start3A_154 = arith.constant 0 : i32
      %dma_start3A_155 = arith.constant 0 : i32
      %dma_start3A_156 = tpu.memref_slice %arg15[%dma_start3A_154, %dma_start3A_155] : memref<128x64xf32, #tpu.memory_space<vmem>> -> memref<128x64xf32, #tpu.memory_space<vmem>>
      tpu.enqueue_dma source(%dma_start3A_156 : memref<128x64xf32, #tpu.memory_space<vmem>>) target(%dma_start3A_153 : memref<128x64xf32, #tpu.memory_space<vmem_shared>>) target_semaphore(%run_scoped3A : memref<!tpu.dma_semaphore, #tpu.memory_space<semaphore_mem>>)
      %dma_wait3A_157 = arith.constant 0 : i32
      %dma_wait3A_158 = arith.constant 0 : i32
      %dma_wait3A_159 = tpu.memref_slice %arg15[%dma_wait3A_157, %dma_wait3A_158] : memref<128x64xf32, #tpu.memory_space<vmem>> -> memref<128x64xf32, #tpu.memory_space<vmem>>
      %dma_wait3A_160 = arith.constant 0 : i32
      %dma_wait3A_161 = tpu.memref_slice %arg17[%add3A_15, %dma_wait3A_160] : memref<10112x64xf32, #tpu.memory_space<vmem_shared>> -> memref<128x64xf32, #tpu.memory_space<vmem_shared>>
      %dma_wait3A_162 = arith.constant 0 : i32
      %dma_wait3A_163 = tpu.memref_slice %arg17[%add3A_15, %dma_wait3A_162] : memref<10112x64xf32, #tpu.memory_space<vmem_shared>> -> memref<128x64xf32, #tpu.memory_space<vmem_shared>>
      %dma_wait3A_164 = arith.constant 0 : i32
      %dma_wait3A_165 = arith.constant 0 : i32
      %dma_wait3A_166 = tpu.memref_slice %arg15[%dma_wait3A_164, %dma_wait3A_165] : memref<128x64xf32, #tpu.memory_space<vmem>> -> memref<128x64xf32, #tpu.memory_space<vmem>>
      tpu.wait_dma2 semaphore(%run_scoped3A : memref<!tpu.dma_semaphore, #tpu.memory_space<semaphore_mem>>) src(%dma_wait3A_166 : memref<128x64xf32, #tpu.memory_space<vmem>>) dst(%dma_wait3A_163 : memref<128x64xf32, #tpu.memory_space<vmem_shared>>)
      tpu.yield
    }) : () -> ()
    %mul3A_16 = arith.constant 632 : i32
    %mul3A_17 = arith.muli %arg1, %mul3A_16 : i32
    %add3A_18 = arith.constant 512 : i32
    %add3A_19 = arith.addi %mul3A_17, %add3A_18 : i32
    "tpu.region"() ({
      %run_scoped3A = tpu.sem_alloc : memref<!tpu.dma_semaphore, #tpu.memory_space<semaphore_mem>>
      %dma_start3A_147 = arith.constant 0 : i32
      %dma_start3A_148 = arith.constant 0 : i32
      %dma_start3A_149 = tpu.memref_slice %arg15[%dma_start3A_147, %dma_start3A_148] : memref<128x64xf32, #tpu.memory_space<vmem>> -> memref<120x64xf32, #tpu.memory_space<vmem>>
      %dma_start3A_150 = arith.constant 0 : i32
      %dma_start3A_151 = tpu.memref_slice %arg17[%add3A_19, %dma_start3A_150] : memref<10112x64xf32, #tpu.memory_space<vmem_shared>> -> memref<120x64xf32, #tpu.memory_space<vmem_shared>>
      %dma_start3A_152 = arith.constant 0 : i32
      %dma_start3A_153 = tpu.memref_slice %arg17[%add3A_19, %dma_start3A_152] : memref<10112x64xf32, #tpu.memory_space<vmem_shared>> -> memref<120x64xf32, #tpu.memory_space<vmem_shared>>
      %dma_start3A_154 = arith.constant 0 : i32
      %dma_start3A_155 = arith.constant 0 : i32
      %dma_start3A_156 = tpu.memref_slice %arg15[%dma_start3A_154, %dma_start3A_155] : memref<128x64xf32, #tpu.memory_space<vmem>> -> memref<120x64xf32, #tpu.memory_space<vmem>>
      tpu.enqueue_dma source(%dma_start3A_156 : memref<120x64xf32, #tpu.memory_space<vmem>>) target(%dma_start3A_153 : memref<120x64xf32, #tpu.memory_space<vmem_shared>>) target_semaphore(%run_scoped3A : memref<!tpu.dma_semaphore, #tpu.memory_space<semaphore_mem>>)
      %dma_wait3A_157 = arith.constant 0 : i32
      %dma_wait3A_158 = arith.constant 0 : i32
      %dma_wait3A_159 = tpu.memref_slice %arg15[%dma_wait3A_157, %dma_wait3A_158] : memref<128x64xf32, #tpu.memory_space<vmem>> -> memref<120x64xf32, #tpu.memory_space<vmem>>
      %dma_wait3A_160 = arith.constant 0 : i32
      %dma_wait3A_161 = tpu.memref_slice %arg17[%add3A_19, %dma_wait3A_160] : memref<10112x64xf32, #tpu.memory_space<vmem_shared>> -> memref<120x64xf32, #tpu.memory_space<vmem_shared>>
      %dma_wait3A_162 = arith.constant 0 : i32
      %dma_wait3A_163 = tpu.memref_slice %arg17[%add3A_19, %dma_wait3A_162] : memref<10112x64xf32, #tpu.memory_space<vmem_shared>> -> memref<120x64xf32, #tpu.memory_space<vmem_shared>>
      %dma_wait3A_164 = arith.constant 0 : i32
      %dma_wait3A_165 = arith.constant 0 : i32
      %dma_wait3A_166 = tpu.memref_slice %arg15[%dma_wait3A_164, %dma_wait3A_165] : memref<128x64xf32, #tpu.memory_space<vmem>> -> memref<120x64xf32, #tpu.memory_space<vmem>>
      tpu.wait_dma2 semaphore(%run_scoped3A : memref<!tpu.dma_semaphore, #tpu.memory_space<semaphore_mem>>) src(%dma_wait3A_166 : memref<120x64xf32, #tpu.memory_space<vmem>>) dst(%dma_wait3A_163 : memref<120x64xf32, #tpu.memory_space<vmem_shared>>)
      tpu.yield
    }) : () -> ()
    %eq3A = arith.constant 0 : i32
    %eq3A_20 = arith.cmpi eq, %arg0, %eq3A : i32
    %convert_element_type3A = arith.extui %eq3A_20 : i1 to i32
    %cond3A = arith.constant 0 : i32
    %cond3A_21 = arith.cmpi ne, %convert_element_type3A, %cond3A : i32
    scf.if %cond3A_21 {
      %mul3A_147 = arith.constant 632 : i32
      %mul3A_148 = arith.muli %arg1, %mul3A_147 : i32
      %add3A_149 = arith.constant 0 : i32
      %add3A_150 = arith.addi %mul3A_148, %add3A_149 : i32
      "tpu.region"() ({
        %run_scoped3A = tpu.sem_alloc : memref<!tpu.dma_semaphore, #tpu.memory_space<semaphore_mem>>
        %dma_start3A_167 = arith.constant 0 : i32
        %dma_start3A_168 = arith.constant 0 : i32
        %dma_start3A_169 = tpu.memref_slice %arg16[%dma_start3A_167, %dma_start3A_168] : memref<128x16xf32, #tpu.memory_space<vmem>> -> memref<128x16xf32, #tpu.memory_space<vmem>>
        %dma_start3A_170 = arith.constant 0 : i32
        %dma_start3A_171 = tpu.memref_slice %arg18[%add3A_150, %dma_start3A_170] : memref<10112x16xf32, #tpu.memory_space<vmem_shared>> -> memref<128x16xf32, #tpu.memory_space<vmem_shared>>
        %dma_start3A_172 = arith.constant 0 : i32
        %dma_start3A_173 = tpu.memref_slice %arg18[%add3A_150, %dma_start3A_172] : memref<10112x16xf32, #tpu.memory_space<vmem_shared>> -> memref<128x16xf32, #tpu.memory_space<vmem_shared>>
        %dma_start3A_174 = arith.constant 0 : i32
        %dma_start3A_175 = arith.constant 0 : i32
        %dma_start3A_176 = tpu.memref_slice %arg16[%dma_start3A_174, %dma_start3A_175] : memref<128x16xf32, #tpu.memory_space<vmem>> -> memref<128x16xf32, #tpu.memory_space<vmem>>
        tpu.enqueue_dma source(%dma_start3A_176 : memref<128x16xf32, #tpu.memory_space<vmem>>) target(%dma_start3A_173 : memref<128x16xf32, #tpu.memory_space<vmem_shared>>) target_semaphore(%run_scoped3A : memref<!tpu.dma_semaphore, #tpu.memory_space<semaphore_mem>>)
        %dma_wait3A_177 = arith.constant 0 : i32
        %dma_wait3A_178 = arith.constant 0 : i32
        %dma_wait3A_179 = tpu.memref_slice %arg16[%dma_wait3A_177, %dma_wait3A_178] : memref<128x16xf32, #tpu.memory_space<vmem>> -> memref<128x16xf32, #tpu.memory_space<vmem>>
        %dma_wait3A_180 = arith.constant 0 : i32
        %dma_wait3A_181 = tpu.memref_slice %arg18[%add3A_150, %dma_wait3A_180] : memref<10112x16xf32, #tpu.memory_space<vmem_shared>> -> memref<128x16xf32, #tpu.memory_space<vmem_shared>>
        %dma_wait3A_182 = arith.constant 0 : i32
        %dma_wait3A_183 = tpu.memref_slice %arg18[%add3A_150, %dma_wait3A_182] : memref<10112x16xf32, #tpu.memory_space<vmem_shared>> -> memref<128x16xf32, #tpu.memory_space<vmem_shared>>
        %dma_wait3A_184 = arith.constant 0 : i32
        %dma_wait3A_185 = arith.constant 0 : i32
        %dma_wait3A_186 = tpu.memref_slice %arg16[%dma_wait3A_184, %dma_wait3A_185] : memref<128x16xf32, #tpu.memory_space<vmem>> -> memref<128x16xf32, #tpu.memory_space<vmem>>
        tpu.wait_dma2 semaphore(%run_scoped3A : memref<!tpu.dma_semaphore, #tpu.memory_space<semaphore_mem>>) src(%dma_wait3A_186 : memref<128x16xf32, #tpu.memory_space<vmem>>) dst(%dma_wait3A_183 : memref<128x16xf32, #tpu.memory_space<vmem_shared>>)
        tpu.yield
      }) : () -> ()
      %mul3A_151 = arith.constant 632 : i32
      %mul3A_152 = arith.muli %arg1, %mul3A_151 : i32
      %add3A_153 = arith.constant 128 : i32
      %add3A_154 = arith.addi %mul3A_152, %add3A_153 : i32
      "tpu.region"() ({
        %run_scoped3A = tpu.sem_alloc : memref<!tpu.dma_semaphore, #tpu.memory_space<semaphore_mem>>
        %dma_start3A_167 = arith.constant 0 : i32
        %dma_start3A_168 = arith.constant 0 : i32
        %dma_start3A_169 = tpu.memref_slice %arg16[%dma_start3A_167, %dma_start3A_168] : memref<128x16xf32, #tpu.memory_space<vmem>> -> memref<128x16xf32, #tpu.memory_space<vmem>>
        %dma_start3A_170 = arith.constant 0 : i32
        %dma_start3A_171 = tpu.memref_slice %arg18[%add3A_154, %dma_start3A_170] : memref<10112x16xf32, #tpu.memory_space<vmem_shared>> -> memref<128x16xf32, #tpu.memory_space<vmem_shared>>
        %dma_start3A_172 = arith.constant 0 : i32
        %dma_start3A_173 = tpu.memref_slice %arg18[%add3A_154, %dma_start3A_172] : memref<10112x16xf32, #tpu.memory_space<vmem_shared>> -> memref<128x16xf32, #tpu.memory_space<vmem_shared>>
        %dma_start3A_174 = arith.constant 0 : i32
        %dma_start3A_175 = arith.constant 0 : i32
        %dma_start3A_176 = tpu.memref_slice %arg16[%dma_start3A_174, %dma_start3A_175] : memref<128x16xf32, #tpu.memory_space<vmem>> -> memref<128x16xf32, #tpu.memory_space<vmem>>
        tpu.enqueue_dma source(%dma_start3A_176 : memref<128x16xf32, #tpu.memory_space<vmem>>) target(%dma_start3A_173 : memref<128x16xf32, #tpu.memory_space<vmem_shared>>) target_semaphore(%run_scoped3A : memref<!tpu.dma_semaphore, #tpu.memory_space<semaphore_mem>>)
        %dma_wait3A_177 = arith.constant 0 : i32
        %dma_wait3A_178 = arith.constant 0 : i32
        %dma_wait3A_179 = tpu.memref_slice %arg16[%dma_wait3A_177, %dma_wait3A_178] : memref<128x16xf32, #tpu.memory_space<vmem>> -> memref<128x16xf32, #tpu.memory_space<vmem>>
        %dma_wait3A_180 = arith.constant 0 : i32
        %dma_wait3A_181 = tpu.memref_slice %arg18[%add3A_154, %dma_wait3A_180] : memref<10112x16xf32, #tpu.memory_space<vmem_shared>> -> memref<128x16xf32, #tpu.memory_space<vmem_shared>>
        %dma_wait3A_182 = arith.constant 0 : i32
        %dma_wait3A_183 = tpu.memref_slice %arg18[%add3A_154, %dma_wait3A_182] : memref<10112x16xf32, #tpu.memory_space<vmem_shared>> -> memref<128x16xf32, #tpu.memory_space<vmem_shared>>
        %dma_wait3A_184 = arith.constant 0 : i32
        %dma_wait3A_185 = arith.constant 0 : i32
        %dma_wait3A_186 = tpu.memref_slice %arg16[%dma_wait3A_184, %dma_wait3A_185] : memref<128x16xf32, #tpu.memory_space<vmem>> -> memref<128x16xf32, #tpu.memory_space<vmem>>
        tpu.wait_dma2 semaphore(%run_scoped3A : memref<!tpu.dma_semaphore, #tpu.memory_space<semaphore_mem>>) src(%dma_wait3A_186 : memref<128x16xf32, #tpu.memory_space<vmem>>) dst(%dma_wait3A_183 : memref<128x16xf32, #tpu.memory_space<vmem_shared>>)
        tpu.yield
      }) : () -> ()
      %mul3A_155 = arith.constant 632 : i32
      %mul3A_156 = arith.muli %arg1, %mul3A_155 : i32
      %add3A_157 = arith.constant 256 : i32
      %add3A_158 = arith.addi %mul3A_156, %add3A_157 : i32
      "tpu.region"() ({
        %run_scoped3A = tpu.sem_alloc : memref<!tpu.dma_semaphore, #tpu.memory_space<semaphore_mem>>
        %dma_start3A_167 = arith.constant 0 : i32
        %dma_start3A_168 = arith.constant 0 : i32
        %dma_start3A_169 = tpu.memref_slice %arg16[%dma_start3A_167, %dma_start3A_168] : memref<128x16xf32, #tpu.memory_space<vmem>> -> memref<128x16xf32, #tpu.memory_space<vmem>>
        %dma_start3A_170 = arith.constant 0 : i32
        %dma_start3A_171 = tpu.memref_slice %arg18[%add3A_158, %dma_start3A_170] : memref<10112x16xf32, #tpu.memory_space<vmem_shared>> -> memref<128x16xf32, #tpu.memory_space<vmem_shared>>
        %dma_start3A_172 = arith.constant 0 : i32
        %dma_start3A_173 = tpu.memref_slice %arg18[%add3A_158, %dma_start3A_172] : memref<10112x16xf32, #tpu.memory_space<vmem_shared>> -> memref<128x16xf32, #tpu.memory_space<vmem_shared>>
        %dma_start3A_174 = arith.constant 0 : i32
        %dma_start3A_175 = arith.constant 0 : i32
        %dma_start3A_176 = tpu.memref_slice %arg16[%dma_start3A_174, %dma_start3A_175] : memref<128x16xf32, #tpu.memory_space<vmem>> -> memref<128x16xf32, #tpu.memory_space<vmem>>
        tpu.enqueue_dma source(%dma_start3A_176 : memref<128x16xf32, #tpu.memory_space<vmem>>) target(%dma_start3A_173 : memref<128x16xf32, #tpu.memory_space<vmem_shared>>) target_semaphore(%run_scoped3A : memref<!tpu.dma_semaphore, #tpu.memory_space<semaphore_mem>>)
        %dma_wait3A_177 = arith.constant 0 : i32
        %dma_wait3A_178 = arith.constant 0 : i32
        %dma_wait3A_179 = tpu.memref_slice %arg16[%dma_wait3A_177, %dma_wait3A_178] : memref<128x16xf32, #tpu.memory_space<vmem>> -> memref<128x16xf32, #tpu.memory_space<vmem>>
        %dma_wait3A_180 = arith.constant 0 : i32
        %dma_wait3A_181 = tpu.memref_slice %arg18[%add3A_158, %dma_wait3A_180] : memref<10112x16xf32, #tpu.memory_space<vmem_shared>> -> memref<128x16xf32, #tpu.memory_space<vmem_shared>>
        %dma_wait3A_182 = arith.constant 0 : i32
        %dma_wait3A_183 = tpu.memref_slice %arg18[%add3A_158, %dma_wait3A_182] : memref<10112x16xf32, #tpu.memory_space<vmem_shared>> -> memref<128x16xf32, #tpu.memory_space<vmem_shared>>
        %dma_wait3A_184 = arith.constant 0 : i32
        %dma_wait3A_185 = arith.constant 0 : i32
        %dma_wait3A_186 = tpu.memref_slice %arg16[%dma_wait3A_184, %dma_wait3A_185] : memref<128x16xf32, #tpu.memory_space<vmem>> -> memref<128x16xf32, #tpu.memory_space<vmem>>
        tpu.wait_dma2 semaphore(%run_scoped3A : memref<!tpu.dma_semaphore, #tpu.memory_space<semaphore_mem>>) src(%dma_wait3A_186 : memref<128x16xf32, #tpu.memory_space<vmem>>) dst(%dma_wait3A_183 : memref<128x16xf32, #tpu.memory_space<vmem_shared>>)
        tpu.yield
      }) : () -> ()
      %mul3A_159 = arith.constant 632 : i32
      %mul3A_160 = arith.muli %arg1, %mul3A_159 : i32
      %add3A_161 = arith.constant 384 : i32
      %add3A_162 = arith.addi %mul3A_160, %add3A_161 : i32
      "tpu.region"() ({
        %run_scoped3A = tpu.sem_alloc : memref<!tpu.dma_semaphore, #tpu.memory_space<semaphore_mem>>
        %dma_start3A_167 = arith.constant 0 : i32
        %dma_start3A_168 = arith.constant 0 : i32
        %dma_start3A_169 = tpu.memref_slice %arg16[%dma_start3A_167, %dma_start3A_168] : memref<128x16xf32, #tpu.memory_space<vmem>> -> memref<128x16xf32, #tpu.memory_space<vmem>>
        %dma_start3A_170 = arith.constant 0 : i32
        %dma_start3A_171 = tpu.memref_slice %arg18[%add3A_162, %dma_start3A_170] : memref<10112x16xf32, #tpu.memory_space<vmem_shared>> -> memref<128x16xf32, #tpu.memory_space<vmem_shared>>
        %dma_start3A_172 = arith.constant 0 : i32
        %dma_start3A_173 = tpu.memref_slice %arg18[%add3A_162, %dma_start3A_172] : memref<10112x16xf32, #tpu.memory_space<vmem_shared>> -> memref<128x16xf32, #tpu.memory_space<vmem_shared>>
        %dma_start3A_174 = arith.constant 0 : i32
        %dma_start3A_175 = arith.constant 0 : i32
        %dma_start3A_176 = tpu.memref_slice %arg16[%dma_start3A_174, %dma_start3A_175] : memref<128x16xf32, #tpu.memory_space<vmem>> -> memref<128x16xf32, #tpu.memory_space<vmem>>
        tpu.enqueue_dma source(%dma_start3A_176 : memref<128x16xf32, #tpu.memory_space<vmem>>) target(%dma_start3A_173 : memref<128x16xf32, #tpu.memory_space<vmem_shared>>) target_semaphore(%run_scoped3A : memref<!tpu.dma_semaphore, #tpu.memory_space<semaphore_mem>>)
        %dma_wait3A_177 = arith.constant 0 : i32
        %dma_wait3A_178 = arith.constant 0 : i32
        %dma_wait3A_179 = tpu.memref_slice %arg16[%dma_wait3A_177, %dma_wait3A_178] : memref<128x16xf32, #tpu.memory_space<vmem>> -> memref<128x16xf32, #tpu.memory_space<vmem>>
        %dma_wait3A_180 = arith.constant 0 : i32
        %dma_wait3A_181 = tpu.memref_slice %arg18[%add3A_162, %dma_wait3A_180] : memref<10112x16xf32, #tpu.memory_space<vmem_shared>> -> memref<128x16xf32, #tpu.memory_space<vmem_shared>>
        %dma_wait3A_182 = arith.constant 0 : i32
        %dma_wait3A_183 = tpu.memref_slice %arg18[%add3A_162, %dma_wait3A_182] : memref<10112x16xf32, #tpu.memory_space<vmem_shared>> -> memref<128x16xf32, #tpu.memory_space<vmem_shared>>
        %dma_wait3A_184 = arith.constant 0 : i32
        %dma_wait3A_185 = arith.constant 0 : i32
        %dma_wait3A_186 = tpu.memref_slice %arg16[%dma_wait3A_184, %dma_wait3A_185] : memref<128x16xf32, #tpu.memory_space<vmem>> -> memref<128x16xf32, #tpu.memory_space<vmem>>
        tpu.wait_dma2 semaphore(%run_scoped3A : memref<!tpu.dma_semaphore, #tpu.memory_space<semaphore_mem>>) src(%dma_wait3A_186 : memref<128x16xf32, #tpu.memory_space<vmem>>) dst(%dma_wait3A_183 : memref<128x16xf32, #tpu.memory_space<vmem_shared>>)
        tpu.yield
      }) : () -> ()
      %mul3A_163 = arith.constant 632 : i32
      %mul3A_164 = arith.muli %arg1, %mul3A_163 : i32
      %add3A_165 = arith.constant 512 : i32
      %add3A_166 = arith.addi %mul3A_164, %add3A_165 : i32
      "tpu.region"() ({
        %run_scoped3A = tpu.sem_alloc : memref<!tpu.dma_semaphore, #tpu.memory_space<semaphore_mem>>
        %dma_start3A_167 = arith.constant 0 : i32
        %dma_start3A_168 = arith.constant 0 : i32
        %dma_start3A_169 = tpu.memref_slice %arg16[%dma_start3A_167, %dma_start3A_168] : memref<128x16xf32, #tpu.memory_space<vmem>> -> memref<120x16xf32, #tpu.memory_space<vmem>>
        %dma_start3A_170 = arith.constant 0 : i32
        %dma_start3A_171 = tpu.memref_slice %arg18[%add3A_166, %dma_start3A_170] : memref<10112x16xf32, #tpu.memory_space<vmem_shared>> -> memref<120x16xf32, #tpu.memory_space<vmem_shared>>
        %dma_start3A_172 = arith.constant 0 : i32
        %dma_start3A_173 = tpu.memref_slice %arg18[%add3A_166, %dma_start3A_172] : memref<10112x16xf32, #tpu.memory_space<vmem_shared>> -> memref<120x16xf32, #tpu.memory_space<vmem_shared>>
        %dma_start3A_174 = arith.constant 0 : i32
        %dma_start3A_175 = arith.constant 0 : i32
        %dma_start3A_176 = tpu.memref_slice %arg16[%dma_start3A_174, %dma_start3A_175] : memref<128x16xf32, #tpu.memory_space<vmem>> -> memref<120x16xf32, #tpu.memory_space<vmem>>
        tpu.enqueue_dma source(%dma_start3A_176 : memref<120x16xf32, #tpu.memory_space<vmem>>) target(%dma_start3A_173 : memref<120x16xf32, #tpu.memory_space<vmem_shared>>) target_semaphore(%run_scoped3A : memref<!tpu.dma_semaphore, #tpu.memory_space<semaphore_mem>>)
        %dma_wait3A_177 = arith.constant 0 : i32
        %dma_wait3A_178 = arith.constant 0 : i32
        %dma_wait3A_179 = tpu.memref_slice %arg16[%dma_wait3A_177, %dma_wait3A_178] : memref<128x16xf32, #tpu.memory_space<vmem>> -> memref<120x16xf32, #tpu.memory_space<vmem>>
        %dma_wait3A_180 = arith.constant 0 : i32
        %dma_wait3A_181 = tpu.memref_slice %arg18[%add3A_166, %dma_wait3A_180] : memref<10112x16xf32, #tpu.memory_space<vmem_shared>> -> memref<120x16xf32, #tpu.memory_space<vmem_shared>>
        %dma_wait3A_182 = arith.constant 0 : i32
        %dma_wait3A_183 = tpu.memref_slice %arg18[%add3A_166, %dma_wait3A_182] : memref<10112x16xf32, #tpu.memory_space<vmem_shared>> -> memref<120x16xf32, #tpu.memory_space<vmem_shared>>
        %dma_wait3A_184 = arith.constant 0 : i32
        %dma_wait3A_185 = arith.constant 0 : i32
        %dma_wait3A_186 = tpu.memref_slice %arg16[%dma_wait3A_184, %dma_wait3A_185] : memref<128x16xf32, #tpu.memory_space<vmem>> -> memref<120x16xf32, #tpu.memory_space<vmem>>
        tpu.wait_dma2 semaphore(%run_scoped3A : memref<!tpu.dma_semaphore, #tpu.memory_space<semaphore_mem>>) src(%dma_wait3A_186 : memref<120x16xf32, #tpu.memory_space<vmem>>) dst(%dma_wait3A_183 : memref<120x16xf32, #tpu.memory_space<vmem_shared>>)
        tpu.yield
      }) : () -> ()
      "tpu.region"() ({
        %run_scoped3A = tpu.sem_alloc : memref<!tpu.dma_semaphore, #tpu.memory_space<semaphore_mem>>
        tpu.enqueue_dma source(%arg6 : memref<40x16xf32, #tpu.memory_space<hbm>>) target(%arg14 : memref<40x16xf32, #tpu.memory_space<vmem>>) target_semaphore(%run_scoped3A : memref<!tpu.dma_semaphore, #tpu.memory_space<semaphore_mem>>)
        tpu.wait_dma2 semaphore(%run_scoped3A : memref<!tpu.dma_semaphore, #tpu.memory_space<semaphore_mem>>) src(%arg6 : memref<40x16xf32, #tpu.memory_space<hbm>>) dst(%arg14 : memref<40x16xf32, #tpu.memory_space<vmem>>)
        tpu.yield
      }) : () -> ()
    } else {
    }
    %barrier3A = arith.constant 0 : index
    tpu.barrier barrier_id(%barrier3A)
    %add3A_22 = arith.constant 0 : i32
    %add3A_23 = arith.addi %mul3A_0, %add3A_22 : i32
    %dma_start3A = arith.constant 0 : i32
    %dma_start3A_24 = arith.constant 0 : i32
    %dma_start3A_25 = arith.constant 0 : i32
    %dma_start3A_26 = tpu.memref_slice %arg13[%dma_start3A, %dma_start3A_24, %dma_start3A_25] : memref<4x40x64xf32, #tpu.memory_space<vmem>> -> memref<1x40x64xf32, #tpu.memory_space<vmem>>
    %dma_start3A_27 = tpu.memref_squeeze %dma_start3A_26 : memref<1x40x64xf32, #tpu.memory_space<vmem>> -> memref<40x64xf32, #tpu.memory_space<vmem>>
    %dma_start3A_28 = arith.constant 0 : i32
    %dma_start3A_29 = tpu.memref_slice %arg2[%arg0, %add3A_23, %dma_start3A_28] : memref<2x320000x64xf32, #tpu.memory_space<hbm>> -> memref<1x40x64xf32, #tpu.memory_space<hbm>>
    %dma_start3A_30 = tpu.memref_squeeze %dma_start3A_29 : memref<1x40x64xf32, #tpu.memory_space<hbm>> -> memref<40x64xf32, #tpu.memory_space<hbm>>
    %dma_start3A_31 = arith.constant 0 : i32
    %dma_start3A_32 = arith.constant 0 : i32
    %dma_start3A_33 = tpu.memref_slice %arg13[%dma_start3A, %dma_start3A_31, %dma_start3A_32] : memref<4x40x64xf32, #tpu.memory_space<vmem>> -> memref<1x40x64xf32, #tpu.memory_space<vmem>>
    %dma_start3A_34 = tpu.memref_squeeze %dma_start3A_33 : memref<1x40x64xf32, #tpu.memory_space<vmem>> -> memref<40x64xf32, #tpu.memory_space<vmem>>
    %dma_start3A_35 = arith.constant 0 : i32
    %dma_start3A_36 = tpu.memref_slice %arg2[%arg0, %add3A_23, %dma_start3A_35] : memref<2x320000x64xf32, #tpu.memory_space<hbm>> -> memref<1x40x64xf32, #tpu.memory_space<hbm>>
    %dma_start3A_37 = tpu.memref_squeeze %dma_start3A_36 : memref<1x40x64xf32, #tpu.memory_space<hbm>> -> memref<40x64xf32, #tpu.memory_space<hbm>>
    tpu.enqueue_dma source(%dma_start3A_37 : memref<40x64xf32, #tpu.memory_space<hbm>>) target(%dma_start3A_34 : memref<40x64xf32, #tpu.memory_space<vmem>>) target_semaphore(%arg19 : memref<!tpu.dma_semaphore, #tpu.memory_space<semaphore_mem>>)
    %dma_start3A_38 = arith.constant 0 : i32
    %dma_start3A_39 = arith.constant 0 : i32
    %dma_start3A_40 = arith.constant 0 : i32
    %dma_start3A_41 = tpu.memref_slice %arg3[%arg1, %dma_start3A_38, %dma_start3A_39, %dma_start3A_40] : memref<16x500x1x40xi32, #tpu.memory_space<hbm>> -> memref<1x1x1x40xi32, #tpu.memory_space<hbm>>
    %dma_start3A_42 = tpu.memref_squeeze %dma_start3A_41 : memref<1x1x1x40xi32, #tpu.memory_space<hbm>> -> memref<40xi32, #tpu.memory_space<hbm>>
    %dma_start3A_43 = arith.constant 0 : i32
    %dma_start3A_44 = tpu.memref_slice %arg3[%arg1, %dma_start3A_38, %dma_start3A_39, %dma_start3A_43] : memref<16x500x1x40xi32, #tpu.memory_space<hbm>> -> memref<1x1x1x40xi32, #tpu.memory_space<hbm>>
    %dma_start3A_45 = tpu.memref_squeeze %dma_start3A_44 : memref<1x1x1x40xi32, #tpu.memory_space<hbm>> -> memref<40xi32, #tpu.memory_space<hbm>>
    tpu.enqueue_dma source(%dma_start3A_45 : memref<40xi32, #tpu.memory_space<hbm>>) target(%arg9 : memref<40xi32, #tpu.memory_space<vmem>>) target_semaphore(%arg23 : memref<!tpu.dma_semaphore, #tpu.memory_space<semaphore_mem>>)
    %add3A_46 = arith.constant 40 : i32
    %add3A_47 = arith.addi %mul3A_0, %add3A_46 : i32
    %dma_start3A_48 = arith.constant 1 : i32
    %dma_start3A_49 = arith.constant 0 : i32
    %dma_start3A_50 = arith.constant 0 : i32
    %dma_start3A_51 = tpu.memref_slice %arg13[%dma_start3A_48, %dma_start3A_49, %dma_start3A_50] : memref<4x40x64xf32, #tpu.memory_space<vmem>> -> memref<1x40x64xf32, #tpu.memory_space<vmem>>
    %dma_start3A_52 = tpu.memref_squeeze %dma_start3A_51 : memref<1x40x64xf32, #tpu.memory_space<vmem>> -> memref<40x64xf32, #tpu.memory_space<vmem>>
    %dma_start3A_53 = arith.constant 0 : i32
    %dma_start3A_54 = tpu.memref_slice %arg2[%arg0, %add3A_47, %dma_start3A_53] : memref<2x320000x64xf32, #tpu.memory_space<hbm>> -> memref<1x40x64xf32, #tpu.memory_space<hbm>>
    %dma_start3A_55 = tpu.memref_squeeze %dma_start3A_54 : memref<1x40x64xf32, #tpu.memory_space<hbm>> -> memref<40x64xf32, #tpu.memory_space<hbm>>
    %dma_start3A_56 = arith.constant 0 : i32
    %dma_start3A_57 = arith.constant 0 : i32
    %dma_start3A_58 = tpu.memref_slice %arg13[%dma_start3A_48, %dma_start3A_56, %dma_start3A_57] : memref<4x40x64xf32, #tpu.memory_space<vmem>> -> memref<1x40x64xf32, #tpu.memory_space<vmem>>
    %dma_start3A_59 = tpu.memref_squeeze %dma_start3A_58 : memref<1x40x64xf32, #tpu.memory_space<vmem>> -> memref<40x64xf32, #tpu.memory_space<vmem>>
    %dma_start3A_60 = arith.constant 0 : i32
    %dma_start3A_61 = tpu.memref_slice %arg2[%arg0, %add3A_47, %dma_start3A_60] : memref<2x320000x64xf32, #tpu.memory_space<hbm>> -> memref<1x40x64xf32, #tpu.memory_space<hbm>>
    %dma_start3A_62 = tpu.memref_squeeze %dma_start3A_61 : memref<1x40x64xf32, #tpu.memory_space<hbm>> -> memref<40x64xf32, #tpu.memory_space<hbm>>
    tpu.enqueue_dma source(%dma_start3A_62 : memref<40x64xf32, #tpu.memory_space<hbm>>) target(%dma_start3A_59 : memref<40x64xf32, #tpu.memory_space<vmem>>) target_semaphore(%arg20 : memref<!tpu.dma_semaphore, #tpu.memory_space<semaphore_mem>>)
    %dma_start3A_63 = arith.constant 1 : i32
    %dma_start3A_64 = arith.constant 0 : i32
    %dma_start3A_65 = arith.constant 0 : i32
    %dma_start3A_66 = tpu.memref_slice %arg3[%arg1, %dma_start3A_63, %dma_start3A_64, %dma_start3A_65] : memref<16x500x1x40xi32, #tpu.memory_space<hbm>> -> memref<1x1x1x40xi32, #tpu.memory_space<hbm>>
    %dma_start3A_67 = tpu.memref_squeeze %dma_start3A_66 : memref<1x1x1x40xi32, #tpu.memory_space<hbm>> -> memref<40xi32, #tpu.memory_space<hbm>>
    %dma_start3A_68 = arith.constant 0 : i32
    %dma_start3A_69 = tpu.memref_slice %arg3[%arg1, %dma_start3A_63, %dma_start3A_64, %dma_start3A_68] : memref<16x500x1x40xi32, #tpu.memory_space<hbm>> -> memref<1x1x1x40xi32, #tpu.memory_space<hbm>>
    %dma_start3A_70 = tpu.memref_squeeze %dma_start3A_69 : memref<1x1x1x40xi32, #tpu.memory_space<hbm>> -> memref<40xi32, #tpu.memory_space<hbm>>
    tpu.enqueue_dma source(%dma_start3A_70 : memref<40xi32, #tpu.memory_space<hbm>>) target(%arg10 : memref<40xi32, #tpu.memory_space<vmem>>) target_semaphore(%arg24 : memref<!tpu.dma_semaphore, #tpu.memory_space<semaphore_mem>>)
    %scan3A = arith.constant 0 : i32
    %scan3A_71 = arith.constant 0 : i32
    %scan3A_72 = arith.constant 125 : i32
    %scan3A_73 = arith.addi %scan3A_71, %scan3A_72 : i32
    %scan3A_74 = arith.constant 1 : i32
    scf.for %scan3A_147 = %scan3A_71 to %scan3A_73 step %scan3A_74  : i32 {
      %mul3A_148 = arith.constant 4 : i32
      %mul3A_149 = arith.muli %scan3A_147, %mul3A_148 : i32
      %add3A_150 = arith.constant 0 : i32
      %add3A_151 = arith.addi %mul3A_149, %add3A_150 : i32
      %ge3A = arith.constant 2 : i32
      %ge3A_152 = arith.cmpi sge, %add3A_151, %ge3A : i32
      %convert_element_type3A_153 = arith.extui %ge3A_152 : i1 to i32
      %cond3A_154 = arith.constant 0 : i32
      %cond3A_155 = arith.cmpi ne, %convert_element_type3A_153, %cond3A_154 : i32
      scf.if %cond3A_155 {
        %dma_wait3A_356 = arith.constant 2 : i32
        %dma_wait3A_357 = arith.constant 0 : i32
        %dma_wait3A_358 = arith.constant 0 : i32
        %dma_wait3A_359 = tpu.memref_slice %arg13[%dma_wait3A_356, %dma_wait3A_357, %dma_wait3A_358] : memref<4x40x64xf32, #tpu.memory_space<vmem>> -> memref<1x40x64xf32, #tpu.memory_space<vmem>>
        %dma_wait3A_360 = tpu.memref_squeeze %dma_wait3A_359 : memref<1x40x64xf32, #tpu.memory_space<vmem>> -> memref<40x64xf32, #tpu.memory_space<vmem>>
        %dma_wait3A_361 = arith.constant 0 : i32
        %dma_wait3A_362 = arith.constant 0 : i32
        %dma_wait3A_363 = tpu.memref_slice %arg17[%dma_wait3A_361, %dma_wait3A_362] : memref<10112x64xf32, #tpu.memory_space<vmem_shared>> -> memref<10112x64xf32, #tpu.memory_space<vmem_shared>>
        tpu.wait_indirect_dma semaphore(%arg29 : memref<!tpu.dma_semaphore, #tpu.memory_space<semaphore_mem>>) src(%dma_wait3A_360 : memref<40x64xf32, #tpu.memory_space<vmem>>) dst(%dma_wait3A_363 : memref<10112x64xf32, #tpu.memory_space<vmem_shared>>)
        %eq3A_364 = arith.constant 0 : i32
        %eq3A_365 = arith.cmpi eq, %arg0, %eq3A_364 : i32
        %convert_element_type3A_366 = arith.extui %eq3A_365 : i1 to i32
        %cond3A_367 = arith.constant 0 : i32
        %cond3A_368 = arith.cmpi ne, %convert_element_type3A_366, %cond3A_367 : i32
        scf.if %cond3A_368 {
          %dma_wait3A_369 = arith.constant 0 : i32
          %dma_wait3A_370 = arith.constant 0 : i32
          %dma_wait3A_371 = tpu.memref_slice %arg18[%dma_wait3A_369, %dma_wait3A_370] : memref<10112x16xf32, #tpu.memory_space<vmem_shared>> -> memref<10112x16xf32, #tpu.memory_space<vmem_shared>>
          tpu.wait_indirect_dma semaphore(%arg33 : memref<!tpu.dma_semaphore, #tpu.memory_space<semaphore_mem>>) src(%arg14 : memref<40x16xf32, #tpu.memory_space<vmem>>) dst(%dma_wait3A_371 : memref<10112x16xf32, #tpu.memory_space<vmem_shared>>)
        } else {
        }
      } else {
      }
      %add3A_156 = arith.constant 2 : i32
      %add3A_157 = arith.addi %add3A_151, %add3A_156 : i32
      %lt3A = arith.constant 500 : i32
      %lt3A_158 = arith.cmpi slt, %add3A_157, %lt3A : i32
      %convert_element_type3A_159 = arith.extui %lt3A_158 : i1 to i32
      %cond3A_160 = arith.constant 0 : i32
      %cond3A_161 = arith.cmpi ne, %convert_element_type3A_159, %cond3A_160 : i32
      scf.if %cond3A_161 {
        %add3A_356 = arith.constant 2 : i32
        %add3A_357 = arith.addi %add3A_151, %add3A_356 : i32
        %mul3A_358 = arith.constant 40 : i32
        %mul3A_359 = arith.muli %add3A_357, %mul3A_358 : i32
        %add3A_360 = arith.addi %mul3A_0, %mul3A_359 : i32
        %dma_start3A_361 = arith.constant 2 : i32
        %dma_start3A_362 = arith.constant 0 : i32
        %dma_start3A_363 = arith.constant 0 : i32
        %dma_start3A_364 = tpu.memref_slice %arg13[%dma_start3A_361, %dma_start3A_362, %dma_start3A_363] : memref<4x40x64xf32, #tpu.memory_space<vmem>> -> memref<1x40x64xf32, #tpu.memory_space<vmem>>
        %dma_start3A_365 = tpu.memref_squeeze %dma_start3A_364 : memref<1x40x64xf32, #tpu.memory_space<vmem>> -> memref<40x64xf32, #tpu.memory_space<vmem>>
        %dma_start3A_366 = arith.constant 0 : i32
        %dma_start3A_367 = tpu.memref_slice %arg2[%arg0, %add3A_360, %dma_start3A_366] : memref<2x320000x64xf32, #tpu.memory_space<hbm>> -> memref<1x40x64xf32, #tpu.memory_space<hbm>>
        %dma_start3A_368 = tpu.memref_squeeze %dma_start3A_367 : memref<1x40x64xf32, #tpu.memory_space<hbm>> -> memref<40x64xf32, #tpu.memory_space<hbm>>
        %dma_start3A_369 = arith.constant 0 : i32
        %dma_start3A_370 = arith.constant 0 : i32
        %dma_start3A_371 = tpu.memref_slice %arg13[%dma_start3A_361, %dma_start3A_369, %dma_start3A_370] : memref<4x40x64xf32, #tpu.memory_space<vmem>> -> memref<1x40x64xf32, #tpu.memory_space<vmem>>
        %dma_start3A_372 = tpu.memref_squeeze %dma_start3A_371 : memref<1x40x64xf32, #tpu.memory_space<vmem>> -> memref<40x64xf32, #tpu.memory_space<vmem>>
        %dma_start3A_373 = arith.constant 0 : i32
        %dma_start3A_374 = tpu.memref_slice %arg2[%arg0, %add3A_360, %dma_start3A_373] : memref<2x320000x64xf32, #tpu.memory_space<hbm>> -> memref<1x40x64xf32, #tpu.memory_space<hbm>>
        %dma_start3A_375 = tpu.memref_squeeze %dma_start3A_374 : memref<1x40x64xf32, #tpu.memory_space<hbm>> -> memref<40x64xf32, #tpu.memory_space<hbm>>
        tpu.enqueue_dma source(%dma_start3A_375 : memref<40x64xf32, #tpu.memory_space<hbm>>) target(%dma_start3A_372 : memref<40x64xf32, #tpu.memory_space<vmem>>) target_semaphore(%arg21 : memref<!tpu.dma_semaphore, #tpu.memory_space<semaphore_mem>>)
        %add3A_376 = arith.constant 2 : i32
        %add3A_377 = arith.addi %add3A_151, %add3A_376 : i32
        %dma_start3A_378 = arith.constant 0 : i32
        %dma_start3A_379 = arith.constant 0 : i32
        %dma_start3A_380 = tpu.memref_slice %arg3[%arg1, %add3A_377, %dma_start3A_378, %dma_start3A_379] : memref<16x500x1x40xi32, #tpu.memory_space<hbm>> -> memref<1x1x1x40xi32, #tpu.memory_space<hbm>>
        %dma_start3A_381 = tpu.memref_squeeze %dma_start3A_380 : memref<1x1x1x40xi32, #tpu.memory_space<hbm>> -> memref<40xi32, #tpu.memory_space<hbm>>
        %dma_start3A_382 = arith.constant 0 : i32
        %dma_start3A_383 = tpu.memref_slice %arg3[%arg1, %add3A_377, %dma_start3A_378, %dma_start3A_382] : memref<16x500x1x40xi32, #tpu.memory_space<hbm>> -> memref<1x1x1x40xi32, #tpu.memory_space<hbm>>
        %dma_start3A_384 = tpu.memref_squeeze %dma_start3A_383 : memref<1x1x1x40xi32, #tpu.memory_space<hbm>> -> memref<40xi32, #tpu.memory_space<hbm>>
        tpu.enqueue_dma source(%dma_start3A_384 : memref<40xi32, #tpu.memory_space<hbm>>) target(%arg11 : memref<40xi32, #tpu.memory_space<vmem>>) target_semaphore(%arg25 : memref<!tpu.dma_semaphore, #tpu.memory_space<semaphore_mem>>)
      } else {
      }
      %mul3A_162 = arith.constant 40 : i32
      %mul3A_163 = arith.muli %add3A_151, %mul3A_162 : i32
      %add3A_164 = arith.addi %mul3A_0, %mul3A_163 : i32
      %dma_wait3A_165 = arith.constant 0 : i32
      %dma_wait3A_166 = arith.constant 0 : i32
      %dma_wait3A_167 = arith.constant 0 : i32
      %dma_wait3A_168 = tpu.memref_slice %arg13[%dma_wait3A_165, %dma_wait3A_166, %dma_wait3A_167] : memref<4x40x64xf32, #tpu.memory_space<vmem>> -> memref<1x40x64xf32, #tpu.memory_space<vmem>>
      %dma_wait3A_169 = tpu.memref_squeeze %dma_wait3A_168 : memref<1x40x64xf32, #tpu.memory_space<vmem>> -> memref<40x64xf32, #tpu.memory_space<vmem>>
      %dma_wait3A_170 = arith.constant 0 : i32
      %dma_wait3A_171 = tpu.memref_slice %arg2[%arg0, %add3A_164, %dma_wait3A_170] : memref<2x320000x64xf32, #tpu.memory_space<hbm>> -> memref<1x40x64xf32, #tpu.memory_space<hbm>>
      %dma_wait3A_172 = tpu.memref_squeeze %dma_wait3A_171 : memref<1x40x64xf32, #tpu.memory_space<hbm>> -> memref<40x64xf32, #tpu.memory_space<hbm>>
      %dma_wait3A_173 = arith.constant 0 : i32
      %dma_wait3A_174 = arith.constant 0 : i32
      %dma_wait3A_175 = tpu.memref_slice %arg13[%dma_wait3A_165, %dma_wait3A_173, %dma_wait3A_174] : memref<4x40x64xf32, #tpu.memory_space<vmem>> -> memref<1x40x64xf32, #tpu.memory_space<vmem>>
      %dma_wait3A_176 = tpu.memref_squeeze %dma_wait3A_175 : memref<1x40x64xf32, #tpu.memory_space<vmem>> -> memref<40x64xf32, #tpu.memory_space<vmem>>
      %dma_wait3A_177 = arith.constant 0 : i32
      %dma_wait3A_178 = tpu.memref_slice %arg2[%arg0, %add3A_164, %dma_wait3A_177] : memref<2x320000x64xf32, #tpu.memory_space<hbm>> -> memref<1x40x64xf32, #tpu.memory_space<hbm>>
      %dma_wait3A_179 = tpu.memref_squeeze %dma_wait3A_178 : memref<1x40x64xf32, #tpu.memory_space<hbm>> -> memref<40x64xf32, #tpu.memory_space<hbm>>
      tpu.wait_dma2 semaphore(%arg19 : memref<!tpu.dma_semaphore, #tpu.memory_space<semaphore_mem>>) src(%dma_wait3A_179 : memref<40x64xf32, #tpu.memory_space<hbm>>) dst(%dma_wait3A_176 : memref<40x64xf32, #tpu.memory_space<vmem>>)
      %dma_wait3A_180 = arith.constant 0 : i32
      %dma_wait3A_181 = arith.constant 0 : i32
      %dma_wait3A_182 = tpu.memref_slice %arg3[%arg1, %add3A_151, %dma_wait3A_180, %dma_wait3A_181] : memref<16x500x1x40xi32, #tpu.memory_space<hbm>> -> memref<1x1x1x40xi32, #tpu.memory_space<hbm>>
      %dma_wait3A_183 = tpu.memref_squeeze %dma_wait3A_182 : memref<1x1x1x40xi32, #tpu.memory_space<hbm>> -> memref<40xi32, #tpu.memory_space<hbm>>
      %dma_wait3A_184 = arith.constant 0 : i32
      %dma_wait3A_185 = tpu.memref_slice %arg3[%arg1, %add3A_151, %dma_wait3A_180, %dma_wait3A_184] : memref<16x500x1x40xi32, #tpu.memory_space<hbm>> -> memref<1x1x1x40xi32, #tpu.memory_space<hbm>>
      %dma_wait3A_186 = tpu.memref_squeeze %dma_wait3A_185 : memref<1x1x1x40xi32, #tpu.memory_space<hbm>> -> memref<40xi32, #tpu.memory_space<hbm>>
      tpu.wait_dma2 semaphore(%arg23 : memref<!tpu.dma_semaphore, #tpu.memory_space<semaphore_mem>>) src(%dma_wait3A_186 : memref<40xi32, #tpu.memory_space<hbm>>) dst(%arg9 : memref<40xi32, #tpu.memory_space<vmem>>)
      %dma_start3A_187 = arith.constant 0 : i32
      %dma_start3A_188 = arith.constant 0 : i32
      %dma_start3A_189 = arith.constant 0 : i32
      %dma_start3A_190 = tpu.memref_slice %arg13[%dma_start3A_187, %dma_start3A_188, %dma_start3A_189] : memref<4x40x64xf32, #tpu.memory_space<vmem>> -> memref<1x40x64xf32, #tpu.memory_space<vmem>>
      %dma_start3A_191 = tpu.memref_squeeze %dma_start3A_190 : memref<1x40x64xf32, #tpu.memory_space<vmem>> -> memref<40x64xf32, #tpu.memory_space<vmem>>
      %dma_start3A_192 = arith.constant 0 : i32
      %dma_start3A_193 = arith.constant 0 : i32
      %dma_start3A_194 = tpu.memref_slice %arg17[%dma_start3A_192, %dma_start3A_193] : memref<10112x64xf32, #tpu.memory_space<vmem_shared>> -> memref<10112x64xf32, #tpu.memory_space<vmem_shared>>
      tpu.enqueue_indirect_dma source(%dma_start3A_191 : memref<40x64xf32, #tpu.memory_space<vmem>>) target(%dma_start3A_194 : memref<10112x64xf32, #tpu.memory_space<vmem_shared>>) offsets(%arg9 : memref<40xi32, #tpu.memory_space<vmem>>) semaphore(%arg27 : memref<!tpu.dma_semaphore, #tpu.memory_space<semaphore_mem>>) {add = true}
      %eq3A_195 = arith.constant 0 : i32
      %eq3A_196 = arith.cmpi eq, %arg0, %eq3A_195 : i32
      %convert_element_type3A_197 = arith.extui %eq3A_196 : i1 to i32
      %cond3A_198 = arith.constant 0 : i32
      %cond3A_199 = arith.cmpi ne, %convert_element_type3A_197, %cond3A_198 : i32
      scf.if %cond3A_199 {
        %dma_start3A_356 = arith.constant 0 : i32
        %dma_start3A_357 = arith.constant 0 : i32
        %dma_start3A_358 = tpu.memref_slice %arg18[%dma_start3A_356, %dma_start3A_357] : memref<10112x16xf32, #tpu.memory_space<vmem_shared>> -> memref<10112x16xf32, #tpu.memory_space<vmem_shared>>
        tpu.enqueue_indirect_dma source(%arg14 : memref<40x16xf32, #tpu.memory_space<vmem>>) target(%dma_start3A_358 : memref<10112x16xf32, #tpu.memory_space<vmem_shared>>) offsets(%arg9 : memref<40xi32, #tpu.memory_space<vmem>>) semaphore(%arg31 : memref<!tpu.dma_semaphore, #tpu.memory_space<semaphore_mem>>) {add = true}
      } else {
      }
      %add3A_200 = arith.constant 1 : i32
      %add3A_201 = arith.addi %mul3A_149, %add3A_200 : i32
      %ge3A_202 = arith.constant 2 : i32
      %ge3A_203 = arith.cmpi sge, %add3A_201, %ge3A_202 : i32
      %convert_element_type3A_204 = arith.extui %ge3A_203 : i1 to i32
      %cond3A_205 = arith.constant 0 : i32
      %cond3A_206 = arith.cmpi ne, %convert_element_type3A_204, %cond3A_205 : i32
      scf.if %cond3A_206 {
        %dma_wait3A_356 = arith.constant 3 : i32
        %dma_wait3A_357 = arith.constant 0 : i32
        %dma_wait3A_358 = arith.constant 0 : i32
        %dma_wait3A_359 = tpu.memref_slice %arg13[%dma_wait3A_356, %dma_wait3A_357, %dma_wait3A_358] : memref<4x40x64xf32, #tpu.memory_space<vmem>> -> memref<1x40x64xf32, #tpu.memory_space<vmem>>
        %dma_wait3A_360 = tpu.memref_squeeze %dma_wait3A_359 : memref<1x40x64xf32, #tpu.memory_space<vmem>> -> memref<40x64xf32, #tpu.memory_space<vmem>>
        %dma_wait3A_361 = arith.constant 0 : i32
        %dma_wait3A_362 = arith.constant 0 : i32
        %dma_wait3A_363 = tpu.memref_slice %arg17[%dma_wait3A_361, %dma_wait3A_362] : memref<10112x64xf32, #tpu.memory_space<vmem_shared>> -> memref<10112x64xf32, #tpu.memory_space<vmem_shared>>
        tpu.wait_indirect_dma semaphore(%arg30 : memref<!tpu.dma_semaphore, #tpu.memory_space<semaphore_mem>>) src(%dma_wait3A_360 : memref<40x64xf32, #tpu.memory_space<vmem>>) dst(%dma_wait3A_363 : memref<10112x64xf32, #tpu.memory_space<vmem_shared>>)
        %eq3A_364 = arith.constant 0 : i32
        %eq3A_365 = arith.cmpi eq, %arg0, %eq3A_364 : i32
        %convert_element_type3A_366 = arith.extui %eq3A_365 : i1 to i32
        %cond3A_367 = arith.constant 0 : i32
        %cond3A_368 = arith.cmpi ne, %convert_element_type3A_366, %cond3A_367 : i32
        scf.if %cond3A_368 {
          %dma_wait3A_369 = arith.constant 0 : i32
          %dma_wait3A_370 = arith.constant 0 : i32
          %dma_wait3A_371 = tpu.memref_slice %arg18[%dma_wait3A_369, %dma_wait3A_370] : memref<10112x16xf32, #tpu.memory_space<vmem_shared>> -> memref<10112x16xf32, #tpu.memory_space<vmem_shared>>
          tpu.wait_indirect_dma semaphore(%arg34 : memref<!tpu.dma_semaphore, #tpu.memory_space<semaphore_mem>>) src(%arg14 : memref<40x16xf32, #tpu.memory_space<vmem>>) dst(%dma_wait3A_371 : memref<10112x16xf32, #tpu.memory_space<vmem_shared>>)
        } else {
        }
      } else {
      }
      %add3A_207 = arith.constant 2 : i32
      %add3A_208 = arith.addi %add3A_201, %add3A_207 : i32
      %lt3A_209 = arith.constant 500 : i32
      %lt3A_210 = arith.cmpi slt, %add3A_208, %lt3A_209 : i32
      %convert_element_type3A_211 = arith.extui %lt3A_210 : i1 to i32
      %cond3A_212 = arith.constant 0 : i32
      %cond3A_213 = arith.cmpi ne, %convert_element_type3A_211, %cond3A_212 : i32
      scf.if %cond3A_213 {
        %add3A_356 = arith.constant 2 : i32
        %add3A_357 = arith.addi %add3A_201, %add3A_356 : i32
        %mul3A_358 = arith.constant 40 : i32
        %mul3A_359 = arith.muli %add3A_357, %mul3A_358 : i32
        %add3A_360 = arith.addi %mul3A_0, %mul3A_359 : i32
        %dma_start3A_361 = arith.constant 3 : i32
        %dma_start3A_362 = arith.constant 0 : i32
        %dma_start3A_363 = arith.constant 0 : i32
        %dma_start3A_364 = tpu.memref_slice %arg13[%dma_start3A_361, %dma_start3A_362, %dma_start3A_363] : memref<4x40x64xf32, #tpu.memory_space<vmem>> -> memref<1x40x64xf32, #tpu.memory_space<vmem>>
        %dma_start3A_365 = tpu.memref_squeeze %dma_start3A_364 : memref<1x40x64xf32, #tpu.memory_space<vmem>> -> memref<40x64xf32, #tpu.memory_space<vmem>>
        %dma_start3A_366 = arith.constant 0 : i32
        %dma_start3A_367 = tpu.memref_slice %arg2[%arg0, %add3A_360, %dma_start3A_366] : memref<2x320000x64xf32, #tpu.memory_space<hbm>> -> memref<1x40x64xf32, #tpu.memory_space<hbm>>
        %dma_start3A_368 = tpu.memref_squeeze %dma_start3A_367 : memref<1x40x64xf32, #tpu.memory_space<hbm>> -> memref<40x64xf32, #tpu.memory_space<hbm>>
        %dma_start3A_369 = arith.constant 0 : i32
        %dma_start3A_370 = arith.constant 0 : i32
        %dma_start3A_371 = tpu.memref_slice %arg13[%dma_start3A_361, %dma_start3A_369, %dma_start3A_370] : memref<4x40x64xf32, #tpu.memory_space<vmem>> -> memref<1x40x64xf32, #tpu.memory_space<vmem>>
        %dma_start3A_372 = tpu.memref_squeeze %dma_start3A_371 : memref<1x40x64xf32, #tpu.memory_space<vmem>> -> memref<40x64xf32, #tpu.memory_space<vmem>>
        %dma_start3A_373 = arith.constant 0 : i32
        %dma_start3A_374 = tpu.memref_slice %arg2[%arg0, %add3A_360, %dma_start3A_373] : memref<2x320000x64xf32, #tpu.memory_space<hbm>> -> memref<1x40x64xf32, #tpu.memory_space<hbm>>
        %dma_start3A_375 = tpu.memref_squeeze %dma_start3A_374 : memref<1x40x64xf32, #tpu.memory_space<hbm>> -> memref<40x64xf32, #tpu.memory_space<hbm>>
        tpu.enqueue_dma source(%dma_start3A_375 : memref<40x64xf32, #tpu.memory_space<hbm>>) target(%dma_start3A_372 : memref<40x64xf32, #tpu.memory_space<vmem>>) target_semaphore(%arg22 : memref<!tpu.dma_semaphore, #tpu.memory_space<semaphore_mem>>)
        %add3A_376 = arith.constant 2 : i32
        %add3A_377 = arith.addi %add3A_201, %add3A_376 : i32
        %dma_start3A_378 = arith.constant 0 : i32
        %dma_start3A_379 = arith.constant 0 : i32
        %dma_start3A_380 = tpu.memref_slice %arg3[%arg1, %add3A_377, %dma_start3A_378, %dma_start3A_379] : memref<16x500x1x40xi32, #tpu.memory_space<hbm>> -> memref<1x1x1x40xi32, #tpu.memory_space<hbm>>
        %dma_start3A_381 = tpu.memref_squeeze %dma_start3A_380 : memref<1x1x1x40xi32, #tpu.memory_space<hbm>> -> memref<40xi32, #tpu.memory_space<hbm>>
        %dma_start3A_382 = arith.constant 0 : i32
        %dma_start3A_383 = tpu.memref_slice %arg3[%arg1, %add3A_377, %dma_start3A_378, %dma_start3A_382] : memref<16x500x1x40xi32, #tpu.memory_space<hbm>> -> memref<1x1x1x40xi32, #tpu.memory_space<hbm>>
        %dma_start3A_384 = tpu.memref_squeeze %dma_start3A_383 : memref<1x1x1x40xi32, #tpu.memory_space<hbm>> -> memref<40xi32, #tpu.memory_space<hbm>>
        tpu.enqueue_dma source(%dma_start3A_384 : memref<40xi32, #tpu.memory_space<hbm>>) target(%arg12 : memref<40xi32, #tpu.memory_space<vmem>>) target_semaphore(%arg26 : memref<!tpu.dma_semaphore, #tpu.memory_space<semaphore_mem>>)
      } else {
      }
      %mul3A_214 = arith.constant 40 : i32
      %mul3A_215 = arith.muli %add3A_201, %mul3A_214 : i32
      %add3A_216 = arith.addi %mul3A_0, %mul3A_215 : i32
      %dma_wait3A_217 = arith.constant 1 : i32
      %dma_wait3A_218 = arith.constant 0 : i32
      %dma_wait3A_219 = arith.constant 0 : i32
      %dma_wait3A_220 = tpu.memref_slice %arg13[%dma_wait3A_217, %dma_wait3A_218, %dma_wait3A_219] : memref<4x40x64xf32, #tpu.memory_space<vmem>> -> memref<1x40x64xf32, #tpu.memory_space<vmem>>
      %dma_wait3A_221 = tpu.memref_squeeze %dma_wait3A_220 : memref<1x40x64xf32, #tpu.memory_space<vmem>> -> memref<40x64xf32, #tpu.memory_space<vmem>>
      %dma_wait3A_222 = arith.constant 0 : i32
      %dma_wait3A_223 = tpu.memref_slice %arg2[%arg0, %add3A_216, %dma_wait3A_222] : memref<2x320000x64xf32, #tpu.memory_space<hbm>> -> memref<1x40x64xf32, #tpu.memory_space<hbm>>
      %dma_wait3A_224 = tpu.memref_squeeze %dma_wait3A_223 : memref<1x40x64xf32, #tpu.memory_space<hbm>> -> memref<40x64xf32, #tpu.memory_space<hbm>>
      %dma_wait3A_225 = arith.constant 0 : i32
      %dma_wait3A_226 = arith.constant 0 : i32
      %dma_wait3A_227 = tpu.memref_slice %arg13[%dma_wait3A_217, %dma_wait3A_225, %dma_wait3A_226] : memref<4x40x64xf32, #tpu.memory_space<vmem>> -> memref<1x40x64xf32, #tpu.memory_space<vmem>>
      %dma_wait3A_228 = tpu.memref_squeeze %dma_wait3A_227 : memref<1x40x64xf32, #tpu.memory_space<vmem>> -> memref<40x64xf32, #tpu.memory_space<vmem>>
      %dma_wait3A_229 = arith.constant 0 : i32
      %dma_wait3A_230 = tpu.memref_slice %arg2[%arg0, %add3A_216, %dma_wait3A_229] : memref<2x320000x64xf32, #tpu.memory_space<hbm>> -> memref<1x40x64xf32, #tpu.memory_space<hbm>>
      %dma_wait3A_231 = tpu.memref_squeeze %dma_wait3A_230 : memref<1x40x64xf32, #tpu.memory_space<hbm>> -> memref<40x64xf32, #tpu.memory_space<hbm>>
      tpu.wait_dma2 semaphore(%arg20 : memref<!tpu.dma_semaphore, #tpu.memory_space<semaphore_mem>>) src(%dma_wait3A_231 : memref<40x64xf32, #tpu.memory_space<hbm>>) dst(%dma_wait3A_228 : memref<40x64xf32, #tpu.memory_space<vmem>>)
      %dma_wait3A_232 = arith.constant 0 : i32
      %dma_wait3A_233 = arith.constant 0 : i32
      %dma_wait3A_234 = tpu.memref_slice %arg3[%arg1, %add3A_201, %dma_wait3A_232, %dma_wait3A_233] : memref<16x500x1x40xi32, #tpu.memory_space<hbm>> -> memref<1x1x1x40xi32, #tpu.memory_space<hbm>>
      %dma_wait3A_235 = tpu.memref_squeeze %dma_wait3A_234 : memref<1x1x1x40xi32, #tpu.memory_space<hbm>> -> memref<40xi32, #tpu.memory_space<hbm>>
      %dma_wait3A_236 = arith.constant 0 : i32
      %dma_wait3A_237 = tpu.memref_slice %arg3[%arg1, %add3A_201, %dma_wait3A_232, %dma_wait3A_236] : memref<16x500x1x40xi32, #tpu.memory_space<hbm>> -> memref<1x1x1x40xi32, #tpu.memory_space<hbm>>
      %dma_wait3A_238 = tpu.memref_squeeze %dma_wait3A_237 : memref<1x1x1x40xi32, #tpu.memory_space<hbm>> -> memref<40xi32, #tpu.memory_space<hbm>>
      tpu.wait_dma2 semaphore(%arg24 : memref<!tpu.dma_semaphore, #tpu.memory_space<semaphore_mem>>) src(%dma_wait3A_238 : memref<40xi32, #tpu.memory_space<hbm>>) dst(%arg10 : memref<40xi32, #tpu.memory_space<vmem>>)
      %dma_start3A_239 = arith.constant 1 : i32
      %dma_start3A_240 = arith.constant 0 : i32
      %dma_start3A_241 = arith.constant 0 : i32
      %dma_start3A_242 = tpu.memref_slice %arg13[%dma_start3A_239, %dma_start3A_240, %dma_start3A_241] : memref<4x40x64xf32, #tpu.memory_space<vmem>> -> memref<1x40x64xf32, #tpu.memory_space<vmem>>
      %dma_start3A_243 = tpu.memref_squeeze %dma_start3A_242 : memref<1x40x64xf32, #tpu.memory_space<vmem>> -> memref<40x64xf32, #tpu.memory_space<vmem>>
      %dma_start3A_244 = arith.constant 0 : i32
      %dma_start3A_245 = arith.constant 0 : i32
      %dma_start3A_246 = tpu.memref_slice %arg17[%dma_start3A_244, %dma_start3A_245] : memref<10112x64xf32, #tpu.memory_space<vmem_shared>> -> memref<10112x64xf32, #tpu.memory_space<vmem_shared>>
      tpu.enqueue_indirect_dma source(%dma_start3A_243 : memref<40x64xf32, #tpu.memory_space<vmem>>) target(%dma_start3A_246 : memref<10112x64xf32, #tpu.memory_space<vmem_shared>>) offsets(%arg10 : memref<40xi32, #tpu.memory_space<vmem>>) semaphore(%arg28 : memref<!tpu.dma_semaphore, #tpu.memory_space<semaphore_mem>>) {add = true}
      %eq3A_247 = arith.constant 0 : i32
      %eq3A_248 = arith.cmpi eq, %arg0, %eq3A_247 : i32
      %convert_element_type3A_249 = arith.extui %eq3A_248 : i1 to i32
      %cond3A_250 = arith.constant 0 : i32
      %cond3A_251 = arith.cmpi ne, %convert_element_type3A_249, %cond3A_250 : i32
      scf.if %cond3A_251 {
        %dma_start3A_356 = arith.constant 0 : i32
        %dma_start3A_357 = arith.constant 0 : i32
        %dma_start3A_358 = tpu.memref_slice %arg18[%dma_start3A_356, %dma_start3A_357] : memref<10112x16xf32, #tpu.memory_space<vmem_shared>> -> memref<10112x16xf32, #tpu.memory_space<vmem_shared>>
        tpu.enqueue_indirect_dma source(%arg14 : memref<40x16xf32, #tpu.memory_space<vmem>>) target(%dma_start3A_358 : memref<10112x16xf32, #tpu.memory_space<vmem_shared>>) offsets(%arg10 : memref<40xi32, #tpu.memory_space<vmem>>) semaphore(%arg32 : memref<!tpu.dma_semaphore, #tpu.memory_space<semaphore_mem>>) {add = true}
      } else {
      }
      %add3A_252 = arith.constant 2 : i32
      %add3A_253 = arith.addi %mul3A_149, %add3A_252 : i32
      %ge3A_254 = arith.constant 2 : i32
      %ge3A_255 = arith.cmpi sge, %add3A_253, %ge3A_254 : i32
      %convert_element_type3A_256 = arith.extui %ge3A_255 : i1 to i32
      %cond3A_257 = arith.constant 0 : i32
      %cond3A_258 = arith.cmpi ne, %convert_element_type3A_256, %cond3A_257 : i32
      scf.if %cond3A_258 {
        %dma_wait3A_356 = arith.constant 0 : i32
        %dma_wait3A_357 = arith.constant 0 : i32
        %dma_wait3A_358 = arith.constant 0 : i32
        %dma_wait3A_359 = tpu.memref_slice %arg13[%dma_wait3A_356, %dma_wait3A_357, %dma_wait3A_358] : memref<4x40x64xf32, #tpu.memory_space<vmem>> -> memref<1x40x64xf32, #tpu.memory_space<vmem>>
        %dma_wait3A_360 = tpu.memref_squeeze %dma_wait3A_359 : memref<1x40x64xf32, #tpu.memory_space<vmem>> -> memref<40x64xf32, #tpu.memory_space<vmem>>
        %dma_wait3A_361 = arith.constant 0 : i32
        %dma_wait3A_362 = arith.constant 0 : i32
        %dma_wait3A_363 = tpu.memref_slice %arg17[%dma_wait3A_361, %dma_wait3A_362] : memref<10112x64xf32, #tpu.memory_space<vmem_shared>> -> memref<10112x64xf32, #tpu.memory_space<vmem_shared>>
        tpu.wait_indirect_dma semaphore(%arg27 : memref<!tpu.dma_semaphore, #tpu.memory_space<semaphore_mem>>) src(%dma_wait3A_360 : memref<40x64xf32, #tpu.memory_space<vmem>>) dst(%dma_wait3A_363 : memref<10112x64xf32, #tpu.memory_space<vmem_shared>>)
        %eq3A_364 = arith.constant 0 : i32
        %eq3A_365 = arith.cmpi eq, %arg0, %eq3A_364 : i32
        %convert_element_type3A_366 = arith.extui %eq3A_365 : i1 to i32
        %cond3A_367 = arith.constant 0 : i32
        %cond3A_368 = arith.cmpi ne, %convert_element_type3A_366, %cond3A_367 : i32
        scf.if %cond3A_368 {
          %dma_wait3A_369 = arith.constant 0 : i32
          %dma_wait3A_370 = arith.constant 0 : i32
          %dma_wait3A_371 = tpu.memref_slice %arg18[%dma_wait3A_369, %dma_wait3A_370] : memref<10112x16xf32, #tpu.memory_space<vmem_shared>> -> memref<10112x16xf32, #tpu.memory_space<vmem_shared>>
          tpu.wait_indirect_dma semaphore(%arg31 : memref<!tpu.dma_semaphore, #tpu.memory_space<semaphore_mem>>) src(%arg14 : memref<40x16xf32, #tpu.memory_space<vmem>>) dst(%dma_wait3A_371 : memref<10112x16xf32, #tpu.memory_space<vmem_shared>>)
        } else {
        }
      } else {
      }
      %add3A_259 = arith.constant 2 : i32
      %add3A_260 = arith.addi %add3A_253, %add3A_259 : i32
      %lt3A_261 = arith.constant 500 : i32
      %lt3A_262 = arith.cmpi slt, %add3A_260, %lt3A_261 : i32
      %convert_element_type3A_263 = arith.extui %lt3A_262 : i1 to i32
      %cond3A_264 = arith.constant 0 : i32
      %cond3A_265 = arith.cmpi ne, %convert_element_type3A_263, %cond3A_264 : i32
      scf.if %cond3A_265 {
        %add3A_356 = arith.constant 2 : i32
        %add3A_357 = arith.addi %add3A_253, %add3A_356 : i32
        %mul3A_358 = arith.constant 40 : i32
        %mul3A_359 = arith.muli %add3A_357, %mul3A_358 : i32
        %add3A_360 = arith.addi %mul3A_0, %mul3A_359 : i32
        %dma_start3A_361 = arith.constant 0 : i32
        %dma_start3A_362 = arith.constant 0 : i32
        %dma_start3A_363 = arith.constant 0 : i32
        %dma_start3A_364 = tpu.memref_slice %arg13[%dma_start3A_361, %dma_start3A_362, %dma_start3A_363] : memref<4x40x64xf32, #tpu.memory_space<vmem>> -> memref<1x40x64xf32, #tpu.memory_space<vmem>>
        %dma_start3A_365 = tpu.memref_squeeze %dma_start3A_364 : memref<1x40x64xf32, #tpu.memory_space<vmem>> -> memref<40x64xf32, #tpu.memory_space<vmem>>
        %dma_start3A_366 = arith.constant 0 : i32
        %dma_start3A_367 = tpu.memref_slice %arg2[%arg0, %add3A_360, %dma_start3A_366] : memref<2x320000x64xf32, #tpu.memory_space<hbm>> -> memref<1x40x64xf32, #tpu.memory_space<hbm>>
        %dma_start3A_368 = tpu.memref_squeeze %dma_start3A_367 : memref<1x40x64xf32, #tpu.memory_space<hbm>> -> memref<40x64xf32, #tpu.memory_space<hbm>>
        %dma_start3A_369 = arith.constant 0 : i32
        %dma_start3A_370 = arith.constant 0 : i32
        %dma_start3A_371 = tpu.memref_slice %arg13[%dma_start3A_361, %dma_start3A_369, %dma_start3A_370] : memref<4x40x64xf32, #tpu.memory_space<vmem>> -> memref<1x40x64xf32, #tpu.memory_space<vmem>>
        %dma_start3A_372 = tpu.memref_squeeze %dma_start3A_371 : memref<1x40x64xf32, #tpu.memory_space<vmem>> -> memref<40x64xf32, #tpu.memory_space<vmem>>
        %dma_start3A_373 = arith.constant 0 : i32
        %dma_start3A_374 = tpu.memref_slice %arg2[%arg0, %add3A_360, %dma_start3A_373] : memref<2x320000x64xf32, #tpu.memory_space<hbm>> -> memref<1x40x64xf32, #tpu.memory_space<hbm>>
        %dma_start3A_375 = tpu.memref_squeeze %dma_start3A_374 : memref<1x40x64xf32, #tpu.memory_space<hbm>> -> memref<40x64xf32, #tpu.memory_space<hbm>>
        tpu.enqueue_dma source(%dma_start3A_375 : memref<40x64xf32, #tpu.memory_space<hbm>>) target(%dma_start3A_372 : memref<40x64xf32, #tpu.memory_space<vmem>>) target_semaphore(%arg19 : memref<!tpu.dma_semaphore, #tpu.memory_space<semaphore_mem>>)
        %add3A_376 = arith.constant 2 : i32
        %add3A_377 = arith.addi %add3A_253, %add3A_376 : i32
        %dma_start3A_378 = arith.constant 0 : i32
        %dma_start3A_379 = arith.constant 0 : i32
        %dma_start3A_380 = tpu.memref_slice %arg3[%arg1, %add3A_377, %dma_start3A_378, %dma_start3A_379] : memref<16x500x1x40xi32, #tpu.memory_space<hbm>> -> memref<1x1x1x40xi32, #tpu.memory_space<hbm>>
        %dma_start3A_381 = tpu.memref_squeeze %dma_start3A_380 : memref<1x1x1x40xi32, #tpu.memory_space<hbm>> -> memref<40xi32, #tpu.memory_space<hbm>>
        %dma_start3A_382 = arith.constant 0 : i32
        %dma_start3A_383 = tpu.memref_slice %arg3[%arg1, %add3A_377, %dma_start3A_378, %dma_start3A_382] : memref<16x500x1x40xi32, #tpu.memory_space<hbm>> -> memref<1x1x1x40xi32, #tpu.memory_space<hbm>>
        %dma_start3A_384 = tpu.memref_squeeze %dma_start3A_383 : memref<1x1x1x40xi32, #tpu.memory_space<hbm>> -> memref<40xi32, #tpu.memory_space<hbm>>
        tpu.enqueue_dma source(%dma_start3A_384 : memref<40xi32, #tpu.memory_space<hbm>>) target(%arg9 : memref<40xi32, #tpu.memory_space<vmem>>) target_semaphore(%arg23 : memref<!tpu.dma_semaphore, #tpu.memory_space<semaphore_mem>>)
      } else {
      }
      %mul3A_266 = arith.constant 40 : i32
      %mul3A_267 = arith.muli %add3A_253, %mul3A_266 : i32
      %add3A_268 = arith.addi %mul3A_0, %mul3A_267 : i32
      %dma_wait3A_269 = arith.constant 2 : i32
      %dma_wait3A_270 = arith.constant 0 : i32
      %dma_wait3A_271 = arith.constant 0 : i32
      %dma_wait3A_272 = tpu.memref_slice %arg13[%dma_wait3A_269, %dma_wait3A_270, %dma_wait3A_271] : memref<4x40x64xf32, #tpu.memory_space<vmem>> -> memref<1x40x64xf32, #tpu.memory_space<vmem>>
      %dma_wait3A_273 = tpu.memref_squeeze %dma_wait3A_272 : memref<1x40x64xf32, #tpu.memory_space<vmem>> -> memref<40x64xf32, #tpu.memory_space<vmem>>
      %dma_wait3A_274 = arith.constant 0 : i32
      %dma_wait3A_275 = tpu.memref_slice %arg2[%arg0, %add3A_268, %dma_wait3A_274] : memref<2x320000x64xf32, #tpu.memory_space<hbm>> -> memref<1x40x64xf32, #tpu.memory_space<hbm>>
      %dma_wait3A_276 = tpu.memref_squeeze %dma_wait3A_275 : memref<1x40x64xf32, #tpu.memory_space<hbm>> -> memref<40x64xf32, #tpu.memory_space<hbm>>
      %dma_wait3A_277 = arith.constant 0 : i32
      %dma_wait3A_278 = arith.constant 0 : i32
      %dma_wait3A_279 = tpu.memref_slice %arg13[%dma_wait3A_269, %dma_wait3A_277, %dma_wait3A_278] : memref<4x40x64xf32, #tpu.memory_space<vmem>> -> memref<1x40x64xf32, #tpu.memory_space<vmem>>
      %dma_wait3A_280 = tpu.memref_squeeze %dma_wait3A_279 : memref<1x40x64xf32, #tpu.memory_space<vmem>> -> memref<40x64xf32, #tpu.memory_space<vmem>>
      %dma_wait3A_281 = arith.constant 0 : i32
      %dma_wait3A_282 = tpu.memref_slice %arg2[%arg0, %add3A_268, %dma_wait3A_281] : memref<2x320000x64xf32, #tpu.memory_space<hbm>> -> memref<1x40x64xf32, #tpu.memory_space<hbm>>
      %dma_wait3A_283 = tpu.memref_squeeze %dma_wait3A_282 : memref<1x40x64xf32, #tpu.memory_space<hbm>> -> memref<40x64xf32, #tpu.memory_space<hbm>>
      tpu.wait_dma2 semaphore(%arg21 : memref<!tpu.dma_semaphore, #tpu.memory_space<semaphore_mem>>) src(%dma_wait3A_283 : memref<40x64xf32, #tpu.memory_space<hbm>>) dst(%dma_wait3A_280 : memref<40x64xf32, #tpu.memory_space<vmem>>)
      %dma_wait3A_284 = arith.constant 0 : i32
      %dma_wait3A_285 = arith.constant 0 : i32
      %dma_wait3A_286 = tpu.memref_slice %arg3[%arg1, %add3A_253, %dma_wait3A_284, %dma_wait3A_285] : memref<16x500x1x40xi32, #tpu.memory_space<hbm>> -> memref<1x1x1x40xi32, #tpu.memory_space<hbm>>
      %dma_wait3A_287 = tpu.memref_squeeze %dma_wait3A_286 : memref<1x1x1x40xi32, #tpu.memory_space<hbm>> -> memref<40xi32, #tpu.memory_space<hbm>>
      %dma_wait3A_288 = arith.constant 0 : i32
      %dma_wait3A_289 = tpu.memref_slice %arg3[%arg1, %add3A_253, %dma_wait3A_284, %dma_wait3A_288] : memref<16x500x1x40xi32, #tpu.memory_space<hbm>> -> memref<1x1x1x40xi32, #tpu.memory_space<hbm>>
      %dma_wait3A_290 = tpu.memref_squeeze %dma_wait3A_289 : memref<1x1x1x40xi32, #tpu.memory_space<hbm>> -> memref<40xi32, #tpu.memory_space<hbm>>
      tpu.wait_dma2 semaphore(%arg25 : memref<!tpu.dma_semaphore, #tpu.memory_space<semaphore_mem>>) src(%dma_wait3A_290 : memref<40xi32, #tpu.memory_space<hbm>>) dst(%arg11 : memref<40xi32, #tpu.memory_space<vmem>>)
      %dma_start3A_291 = arith.constant 2 : i32
      %dma_start3A_292 = arith.constant 0 : i32
      %dma_start3A_293 = arith.constant 0 : i32
      %dma_start3A_294 = tpu.memref_slice %arg13[%dma_start3A_291, %dma_start3A_292, %dma_start3A_293] : memref<4x40x64xf32, #tpu.memory_space<vmem>> -> memref<1x40x64xf32, #tpu.memory_space<vmem>>
      %dma_start3A_295 = tpu.memref_squeeze %dma_start3A_294 : memref<1x40x64xf32, #tpu.memory_space<vmem>> -> memref<40x64xf32, #tpu.memory_space<vmem>>
      %dma_start3A_296 = arith.constant 0 : i32
      %dma_start3A_297 = arith.constant 0 : i32
      %dma_start3A_298 = tpu.memref_slice %arg17[%dma_start3A_296, %dma_start3A_297] : memref<10112x64xf32, #tpu.memory_space<vmem_shared>> -> memref<10112x64xf32, #tpu.memory_space<vmem_shared>>
      tpu.enqueue_indirect_dma source(%dma_start3A_295 : memref<40x64xf32, #tpu.memory_space<vmem>>) target(%dma_start3A_298 : memref<10112x64xf32, #tpu.memory_space<vmem_shared>>) offsets(%arg11 : memref<40xi32, #tpu.memory_space<vmem>>) semaphore(%arg29 : memref<!tpu.dma_semaphore, #tpu.memory_space<semaphore_mem>>) {add = true}
      %eq3A_299 = arith.constant 0 : i32
      %eq3A_300 = arith.cmpi eq, %arg0, %eq3A_299 : i32
      %convert_element_type3A_301 = arith.extui %eq3A_300 : i1 to i32
      %cond3A_302 = arith.constant 0 : i32
      %cond3A_303 = arith.cmpi ne, %convert_element_type3A_301, %cond3A_302 : i32
      scf.if %cond3A_303 {
        %dma_start3A_356 = arith.constant 0 : i32
        %dma_start3A_357 = arith.constant 0 : i32
        %dma_start3A_358 = tpu.memref_slice %arg18[%dma_start3A_356, %dma_start3A_357] : memref<10112x16xf32, #tpu.memory_space<vmem_shared>> -> memref<10112x16xf32, #tpu.memory_space<vmem_shared>>
        tpu.enqueue_indirect_dma source(%arg14 : memref<40x16xf32, #tpu.memory_space<vmem>>) target(%dma_start3A_358 : memref<10112x16xf32, #tpu.memory_space<vmem_shared>>) offsets(%arg11 : memref<40xi32, #tpu.memory_space<vmem>>) semaphore(%arg33 : memref<!tpu.dma_semaphore, #tpu.memory_space<semaphore_mem>>) {add = true}
      } else {
      }
      %add3A_304 = arith.constant 3 : i32
      %add3A_305 = arith.addi %mul3A_149, %add3A_304 : i32
      %ge3A_306 = arith.constant 2 : i32
      %ge3A_307 = arith.cmpi sge, %add3A_305, %ge3A_306 : i32
      %convert_element_type3A_308 = arith.extui %ge3A_307 : i1 to i32
      %cond3A_309 = arith.constant 0 : i32
      %cond3A_310 = arith.cmpi ne, %convert_element_type3A_308, %cond3A_309 : i32
      scf.if %cond3A_310 {
        %dma_wait3A_356 = arith.constant 1 : i32
        %dma_wait3A_357 = arith.constant 0 : i32
        %dma_wait3A_358 = arith.constant 0 : i32
        %dma_wait3A_359 = tpu.memref_slice %arg13[%dma_wait3A_356, %dma_wait3A_357, %dma_wait3A_358] : memref<4x40x64xf32, #tpu.memory_space<vmem>> -> memref<1x40x64xf32, #tpu.memory_space<vmem>>
        %dma_wait3A_360 = tpu.memref_squeeze %dma_wait3A_359 : memref<1x40x64xf32, #tpu.memory_space<vmem>> -> memref<40x64xf32, #tpu.memory_space<vmem>>
        %dma_wait3A_361 = arith.constant 0 : i32
        %dma_wait3A_362 = arith.constant 0 : i32
        %dma_wait3A_363 = tpu.memref_slice %arg17[%dma_wait3A_361, %dma_wait3A_362] : memref<10112x64xf32, #tpu.memory_space<vmem_shared>> -> memref<10112x64xf32, #tpu.memory_space<vmem_shared>>
        tpu.wait_indirect_dma semaphore(%arg28 : memref<!tpu.dma_semaphore, #tpu.memory_space<semaphore_mem>>) src(%dma_wait3A_360 : memref<40x64xf32, #tpu.memory_space<vmem>>) dst(%dma_wait3A_363 : memref<10112x64xf32, #tpu.memory_space<vmem_shared>>)
        %eq3A_364 = arith.constant 0 : i32
        %eq3A_365 = arith.cmpi eq, %arg0, %eq3A_364 : i32
        %convert_element_type3A_366 = arith.extui %eq3A_365 : i1 to i32
        %cond3A_367 = arith.constant 0 : i32
        %cond3A_368 = arith.cmpi ne, %convert_element_type3A_366, %cond3A_367 : i32
        scf.if %cond3A_368 {
          %dma_wait3A_369 = arith.constant 0 : i32
          %dma_wait3A_370 = arith.constant 0 : i32
          %dma_wait3A_371 = tpu.memref_slice %arg18[%dma_wait3A_369, %dma_wait3A_370] : memref<10112x16xf32, #tpu.memory_space<vmem_shared>> -> memref<10112x16xf32, #tpu.memory_space<vmem_shared>>
          tpu.wait_indirect_dma semaphore(%arg32 : memref<!tpu.dma_semaphore, #tpu.memory_space<semaphore_mem>>) src(%arg14 : memref<40x16xf32, #tpu.memory_space<vmem>>) dst(%dma_wait3A_371 : memref<10112x16xf32, #tpu.memory_space<vmem_shared>>)
        } else {
        }
      } else {
      }
      %add3A_311 = arith.constant 2 : i32
      %add3A_312 = arith.addi %add3A_305, %add3A_311 : i32
      %lt3A_313 = arith.constant 500 : i32
      %lt3A_314 = arith.cmpi slt, %add3A_312, %lt3A_313 : i32
      %convert_element_type3A_315 = arith.extui %lt3A_314 : i1 to i32
      %cond3A_316 = arith.constant 0 : i32
      %cond3A_317 = arith.cmpi ne, %convert_element_type3A_315, %cond3A_316 : i32
      scf.if %cond3A_317 {
        %add3A_356 = arith.constant 2 : i32
        %add3A_357 = arith.addi %add3A_305, %add3A_356 : i32
        %mul3A_358 = arith.constant 40 : i32
        %mul3A_359 = arith.muli %add3A_357, %mul3A_358 : i32
        %add3A_360 = arith.addi %mul3A_0, %mul3A_359 : i32
        %dma_start3A_361 = arith.constant 1 : i32
        %dma_start3A_362 = arith.constant 0 : i32
        %dma_start3A_363 = arith.constant 0 : i32
        %dma_start3A_364 = tpu.memref_slice %arg13[%dma_start3A_361, %dma_start3A_362, %dma_start3A_363] : memref<4x40x64xf32, #tpu.memory_space<vmem>> -> memref<1x40x64xf32, #tpu.memory_space<vmem>>
        %dma_start3A_365 = tpu.memref_squeeze %dma_start3A_364 : memref<1x40x64xf32, #tpu.memory_space<vmem>> -> memref<40x64xf32, #tpu.memory_space<vmem>>
        %dma_start3A_366 = arith.constant 0 : i32
        %dma_start3A_367 = tpu.memref_slice %arg2[%arg0, %add3A_360, %dma_start3A_366] : memref<2x320000x64xf32, #tpu.memory_space<hbm>> -> memref<1x40x64xf32, #tpu.memory_space<hbm>>
        %dma_start3A_368 = tpu.memref_squeeze %dma_start3A_367 : memref<1x40x64xf32, #tpu.memory_space<hbm>> -> memref<40x64xf32, #tpu.memory_space<hbm>>
        %dma_start3A_369 = arith.constant 0 : i32
        %dma_start3A_370 = arith.constant 0 : i32
        %dma_start3A_371 = tpu.memref_slice %arg13[%dma_start3A_361, %dma_start3A_369, %dma_start3A_370] : memref<4x40x64xf32, #tpu.memory_space<vmem>> -> memref<1x40x64xf32, #tpu.memory_space<vmem>>
        %dma_start3A_372 = tpu.memref_squeeze %dma_start3A_371 : memref<1x40x64xf32, #tpu.memory_space<vmem>> -> memref<40x64xf32, #tpu.memory_space<vmem>>
        %dma_start3A_373 = arith.constant 0 : i32
        %dma_start3A_374 = tpu.memref_slice %arg2[%arg0, %add3A_360, %dma_start3A_373] : memref<2x320000x64xf32, #tpu.memory_space<hbm>> -> memref<1x40x64xf32, #tpu.memory_space<hbm>>
        %dma_start3A_375 = tpu.memref_squeeze %dma_start3A_374 : memref<1x40x64xf32, #tpu.memory_space<hbm>> -> memref<40x64xf32, #tpu.memory_space<hbm>>
        tpu.enqueue_dma source(%dma_start3A_375 : memref<40x64xf32, #tpu.memory_space<hbm>>) target(%dma_start3A_372 : memref<40x64xf32, #tpu.memory_space<vmem>>) target_semaphore(%arg20 : memref<!tpu.dma_semaphore, #tpu.memory_space<semaphore_mem>>)
        %add3A_376 = arith.constant 2 : i32
        %add3A_377 = arith.addi %add3A_305, %add3A_376 : i32
        %dma_start3A_378 = arith.constant 0 : i32
        %dma_start3A_379 = arith.constant 0 : i32
        %dma_start3A_380 = tpu.memref_slice %arg3[%arg1, %add3A_377, %dma_start3A_378, %dma_start3A_379] : memref<16x500x1x40xi32, #tpu.memory_space<hbm>> -> memref<1x1x1x40xi32, #tpu.memory_space<hbm>>
        %dma_start3A_381 = tpu.memref_squeeze %dma_start3A_380 : memref<1x1x1x40xi32, #tpu.memory_space<hbm>> -> memref<40xi32, #tpu.memory_space<hbm>>
        %dma_start3A_382 = arith.constant 0 : i32
        %dma_start3A_383 = tpu.memref_slice %arg3[%arg1, %add3A_377, %dma_start3A_378, %dma_start3A_382] : memref<16x500x1x40xi32, #tpu.memory_space<hbm>> -> memref<1x1x1x40xi32, #tpu.memory_space<hbm>>
        %dma_start3A_384 = tpu.memref_squeeze %dma_start3A_383 : memref<1x1x1x40xi32, #tpu.memory_space<hbm>> -> memref<40xi32, #tpu.memory_space<hbm>>
        tpu.enqueue_dma source(%dma_start3A_384 : memref<40xi32, #tpu.memory_space<hbm>>) target(%arg10 : memref<40xi32, #tpu.memory_space<vmem>>) target_semaphore(%arg24 : memref<!tpu.dma_semaphore, #tpu.memory_space<semaphore_mem>>)
      } else {
      }
      %mul3A_318 = arith.constant 40 : i32
      %mul3A_319 = arith.muli %add3A_305, %mul3A_318 : i32
      %add3A_320 = arith.addi %mul3A_0, %mul3A_319 : i32
      %dma_wait3A_321 = arith.constant 3 : i32
      %dma_wait3A_322 = arith.constant 0 : i32
      %dma_wait3A_323 = arith.constant 0 : i32
      %dma_wait3A_324 = tpu.memref_slice %arg13[%dma_wait3A_321, %dma_wait3A_322, %dma_wait3A_323] : memref<4x40x64xf32, #tpu.memory_space<vmem>> -> memref<1x40x64xf32, #tpu.memory_space<vmem>>
      %dma_wait3A_325 = tpu.memref_squeeze %dma_wait3A_324 : memref<1x40x64xf32, #tpu.memory_space<vmem>> -> memref<40x64xf32, #tpu.memory_space<vmem>>
      %dma_wait3A_326 = arith.constant 0 : i32
      %dma_wait3A_327 = tpu.memref_slice %arg2[%arg0, %add3A_320, %dma_wait3A_326] : memref<2x320000x64xf32, #tpu.memory_space<hbm>> -> memref<1x40x64xf32, #tpu.memory_space<hbm>>
      %dma_wait3A_328 = tpu.memref_squeeze %dma_wait3A_327 : memref<1x40x64xf32, #tpu.memory_space<hbm>> -> memref<40x64xf32, #tpu.memory_space<hbm>>
      %dma_wait3A_329 = arith.constant 0 : i32
      %dma_wait3A_330 = arith.constant 0 : i32
      %dma_wait3A_331 = tpu.memref_slice %arg13[%dma_wait3A_321, %dma_wait3A_329, %dma_wait3A_330] : memref<4x40x64xf32, #tpu.memory_space<vmem>> -> memref<1x40x64xf32, #tpu.memory_space<vmem>>
      %dma_wait3A_332 = tpu.memref_squeeze %dma_wait3A_331 : memref<1x40x64xf32, #tpu.memory_space<vmem>> -> memref<40x64xf32, #tpu.memory_space<vmem>>
      %dma_wait3A_333 = arith.constant 0 : i32
      %dma_wait3A_334 = tpu.memref_slice %arg2[%arg0, %add3A_320, %dma_wait3A_333] : memref<2x320000x64xf32, #tpu.memory_space<hbm>> -> memref<1x40x64xf32, #tpu.memory_space<hbm>>
      %dma_wait3A_335 = tpu.memref_squeeze %dma_wait3A_334 : memref<1x40x64xf32, #tpu.memory_space<hbm>> -> memref<40x64xf32, #tpu.memory_space<hbm>>
      tpu.wait_dma2 semaphore(%arg22 : memref<!tpu.dma_semaphore, #tpu.memory_space<semaphore_mem>>) src(%dma_wait3A_335 : memref<40x64xf32, #tpu.memory_space<hbm>>) dst(%dma_wait3A_332 : memref<40x64xf32, #tpu.memory_space<vmem>>)
      %dma_wait3A_336 = arith.constant 0 : i32
      %dma_wait3A_337 = arith.constant 0 : i32
      %dma_wait3A_338 = tpu.memref_slice %arg3[%arg1, %add3A_305, %dma_wait3A_336, %dma_wait3A_337] : memref<16x500x1x40xi32, #tpu.memory_space<hbm>> -> memref<1x1x1x40xi32, #tpu.memory_space<hbm>>
      %dma_wait3A_339 = tpu.memref_squeeze %dma_wait3A_338 : memref<1x1x1x40xi32, #tpu.memory_space<hbm>> -> memref<40xi32, #tpu.memory_space<hbm>>
      %dma_wait3A_340 = arith.constant 0 : i32
      %dma_wait3A_341 = tpu.memref_slice %arg3[%arg1, %add3A_305, %dma_wait3A_336, %dma_wait3A_340] : memref<16x500x1x40xi32, #tpu.memory_space<hbm>> -> memref<1x1x1x40xi32, #tpu.memory_space<hbm>>
      %dma_wait3A_342 = tpu.memref_squeeze %dma_wait3A_341 : memref<1x1x1x40xi32, #tpu.memory_space<hbm>> -> memref<40xi32, #tpu.memory_space<hbm>>
      tpu.wait_dma2 semaphore(%arg26 : memref<!tpu.dma_semaphore, #tpu.memory_space<semaphore_mem>>) src(%dma_wait3A_342 : memref<40xi32, #tpu.memory_space<hbm>>) dst(%arg12 : memref<40xi32, #tpu.memory_space<vmem>>)
      %dma_start3A_343 = arith.constant 3 : i32
      %dma_start3A_344 = arith.constant 0 : i32
      %dma_start3A_345 = arith.constant 0 : i32
      %dma_start3A_346 = tpu.memref_slice %arg13[%dma_start3A_343, %dma_start3A_344, %dma_start3A_345] : memref<4x40x64xf32, #tpu.memory_space<vmem>> -> memref<1x40x64xf32, #tpu.memory_space<vmem>>
      %dma_start3A_347 = tpu.memref_squeeze %dma_start3A_346 : memref<1x40x64xf32, #tpu.memory_space<vmem>> -> memref<40x64xf32, #tpu.memory_space<vmem>>
      %dma_start3A_348 = arith.constant 0 : i32
      %dma_start3A_349 = arith.constant 0 : i32
      %dma_start3A_350 = tpu.memref_slice %arg17[%dma_start3A_348, %dma_start3A_349] : memref<10112x64xf32, #tpu.memory_space<vmem_shared>> -> memref<10112x64xf32, #tpu.memory_space<vmem_shared>>
      tpu.enqueue_indirect_dma source(%dma_start3A_347 : memref<40x64xf32, #tpu.memory_space<vmem>>) target(%dma_start3A_350 : memref<10112x64xf32, #tpu.memory_space<vmem_shared>>) offsets(%arg12 : memref<40xi32, #tpu.memory_space<vmem>>) semaphore(%arg30 : memref<!tpu.dma_semaphore, #tpu.memory_space<semaphore_mem>>) {add = true}
      %eq3A_351 = arith.constant 0 : i32
      %eq3A_352 = arith.cmpi eq, %arg0, %eq3A_351 : i32
      %convert_element_type3A_353 = arith.extui %eq3A_352 : i1 to i32
      %cond3A_354 = arith.constant 0 : i32
      %cond3A_355 = arith.cmpi ne, %convert_element_type3A_353, %cond3A_354 : i32
      scf.if %cond3A_355 {
        %dma_start3A_356 = arith.constant 0 : i32
        %dma_start3A_357 = arith.constant 0 : i32
        %dma_start3A_358 = tpu.memref_slice %arg18[%dma_start3A_356, %dma_start3A_357] : memref<10112x16xf32, #tpu.memory_space<vmem_shared>> -> memref<10112x16xf32, #tpu.memory_space<vmem_shared>>
        tpu.enqueue_indirect_dma source(%arg14 : memref<40x16xf32, #tpu.memory_space<vmem>>) target(%dma_start3A_358 : memref<10112x16xf32, #tpu.memory_space<vmem_shared>>) offsets(%arg12 : memref<40xi32, #tpu.memory_space<vmem>>) semaphore(%arg34 : memref<!tpu.dma_semaphore, #tpu.memory_space<semaphore_mem>>) {add = true}
      } else {
      }
    }
    %scan3A_75 = arith.constant 125 : i32
    %dma_wait3A = arith.constant 2 : i32
    %dma_wait3A_76 = arith.constant 0 : i32
    %dma_wait3A_77 = arith.constant 0 : i32
    %dma_wait3A_78 = tpu.memref_slice %arg13[%dma_wait3A, %dma_wait3A_76, %dma_wait3A_77] : memref<4x40x64xf32, #tpu.memory_space<vmem>> -> memref<1x40x64xf32, #tpu.memory_space<vmem>>
    %dma_wait3A_79 = tpu.memref_squeeze %dma_wait3A_78 : memref<1x40x64xf32, #tpu.memory_space<vmem>> -> memref<40x64xf32, #tpu.memory_space<vmem>>
    %dma_wait3A_80 = arith.constant 0 : i32
    %dma_wait3A_81 = arith.constant 0 : i32
    %dma_wait3A_82 = tpu.memref_slice %arg17[%dma_wait3A_80, %dma_wait3A_81] : memref<10112x64xf32, #tpu.memory_space<vmem_shared>> -> memref<10112x64xf32, #tpu.memory_space<vmem_shared>>
    tpu.wait_indirect_dma semaphore(%arg29 : memref<!tpu.dma_semaphore, #tpu.memory_space<semaphore_mem>>) src(%dma_wait3A_79 : memref<40x64xf32, #tpu.memory_space<vmem>>) dst(%dma_wait3A_82 : memref<10112x64xf32, #tpu.memory_space<vmem_shared>>)
    %eq3A_83 = arith.constant 0 : i32
    %eq3A_84 = arith.cmpi eq, %arg0, %eq3A_83 : i32
    %convert_element_type3A_85 = arith.extui %eq3A_84 : i1 to i32
    %cond3A_86 = arith.constant 0 : i32
    %cond3A_87 = arith.cmpi ne, %convert_element_type3A_85, %cond3A_86 : i32
    scf.if %cond3A_87 {
      %dma_wait3A_147 = arith.constant 0 : i32
      %dma_wait3A_148 = arith.constant 0 : i32
      %dma_wait3A_149 = tpu.memref_slice %arg18[%dma_wait3A_147, %dma_wait3A_148] : memref<10112x16xf32, #tpu.memory_space<vmem_shared>> -> memref<10112x16xf32, #tpu.memory_space<vmem_shared>>
      tpu.wait_indirect_dma semaphore(%arg33 : memref<!tpu.dma_semaphore, #tpu.memory_space<semaphore_mem>>) src(%arg14 : memref<40x16xf32, #tpu.memory_space<vmem>>) dst(%dma_wait3A_149 : memref<10112x16xf32, #tpu.memory_space<vmem_shared>>)
    } else {
    }
    %dma_wait3A_88 = arith.constant 3 : i32
    %dma_wait3A_89 = arith.constant 0 : i32
    %dma_wait3A_90 = arith.constant 0 : i32
    %dma_wait3A_91 = tpu.memref_slice %arg13[%dma_wait3A_88, %dma_wait3A_89, %dma_wait3A_90] : memref<4x40x64xf32, #tpu.memory_space<vmem>> -> memref<1x40x64xf32, #tpu.memory_space<vmem>>
    %dma_wait3A_92 = tpu.memref_squeeze %dma_wait3A_91 : memref<1x40x64xf32, #tpu.memory_space<vmem>> -> memref<40x64xf32, #tpu.memory_space<vmem>>
    %dma_wait3A_93 = arith.constant 0 : i32
    %dma_wait3A_94 = arith.constant 0 : i32
    %dma_wait3A_95 = tpu.memref_slice %arg17[%dma_wait3A_93, %dma_wait3A_94] : memref<10112x64xf32, #tpu.memory_space<vmem_shared>> -> memref<10112x64xf32, #tpu.memory_space<vmem_shared>>
    tpu.wait_indirect_dma semaphore(%arg30 : memref<!tpu.dma_semaphore, #tpu.memory_space<semaphore_mem>>) src(%dma_wait3A_92 : memref<40x64xf32, #tpu.memory_space<vmem>>) dst(%dma_wait3A_95 : memref<10112x64xf32, #tpu.memory_space<vmem_shared>>)
    %eq3A_96 = arith.constant 0 : i32
    %eq3A_97 = arith.cmpi eq, %arg0, %eq3A_96 : i32
    %convert_element_type3A_98 = arith.extui %eq3A_97 : i1 to i32
    %cond3A_99 = arith.constant 0 : i32
    %cond3A_100 = arith.cmpi ne, %convert_element_type3A_98, %cond3A_99 : i32
    scf.if %cond3A_100 {
      %dma_wait3A_147 = arith.constant 0 : i32
      %dma_wait3A_148 = arith.constant 0 : i32
      %dma_wait3A_149 = tpu.memref_slice %arg18[%dma_wait3A_147, %dma_wait3A_148] : memref<10112x16xf32, #tpu.memory_space<vmem_shared>> -> memref<10112x16xf32, #tpu.memory_space<vmem_shared>>
      tpu.wait_indirect_dma semaphore(%arg34 : memref<!tpu.dma_semaphore, #tpu.memory_space<semaphore_mem>>) src(%arg14 : memref<40x16xf32, #tpu.memory_space<vmem>>) dst(%dma_wait3A_149 : memref<10112x16xf32, #tpu.memory_space<vmem_shared>>)
    } else {
    }
    %barrier3A_101 = arith.constant 0 : index
    tpu.barrier barrier_id(%barrier3A_101)
    %mul3A_102 = arith.constant 632 : i32
    %mul3A_103 = arith.muli %arg1, %mul3A_102 : i32
    %add3A_104 = arith.constant 0 : i32
    %add3A_105 = arith.addi %mul3A_103, %add3A_104 : i32
    "tpu.region"() ({
      %run_scoped3A = tpu.sem_alloc : memref<!tpu.dma_semaphore, #tpu.memory_space<semaphore_mem>>
      %dma_start3A_147 = arith.constant 0 : i32
      %dma_start3A_148 = arith.constant 0 : i32
      %dma_start3A_149 = tpu.memref_slice %arg15[%dma_start3A_147, %dma_start3A_148] : memref<128x64xf32, #tpu.memory_space<vmem>> -> memref<128x64xf32, #tpu.memory_space<vmem>>
      %dma_start3A_150 = arith.constant 0 : i32
      %dma_start3A_151 = tpu.memref_slice %arg17[%add3A_105, %dma_start3A_150] : memref<10112x64xf32, #tpu.memory_space<vmem_shared>> -> memref<128x64xf32, #tpu.memory_space<vmem_shared>>
      %dma_start3A_152 = arith.constant 0 : i32
      %dma_start3A_153 = arith.constant 0 : i32
      %dma_start3A_154 = tpu.memref_slice %arg15[%dma_start3A_152, %dma_start3A_153] : memref<128x64xf32, #tpu.memory_space<vmem>> -> memref<128x64xf32, #tpu.memory_space<vmem>>
      %dma_start3A_155 = arith.constant 0 : i32
      %dma_start3A_156 = tpu.memref_slice %arg17[%add3A_105, %dma_start3A_155] : memref<10112x64xf32, #tpu.memory_space<vmem_shared>> -> memref<128x64xf32, #tpu.memory_space<vmem_shared>>
      tpu.enqueue_dma source(%dma_start3A_156 : memref<128x64xf32, #tpu.memory_space<vmem_shared>>) target(%dma_start3A_154 : memref<128x64xf32, #tpu.memory_space<vmem>>) target_semaphore(%run_scoped3A : memref<!tpu.dma_semaphore, #tpu.memory_space<semaphore_mem>>)
      %dma_wait3A_157 = arith.constant 0 : i32
      %dma_wait3A_158 = arith.constant 0 : i32
      %dma_wait3A_159 = tpu.memref_slice %arg15[%dma_wait3A_157, %dma_wait3A_158] : memref<128x64xf32, #tpu.memory_space<vmem>> -> memref<128x64xf32, #tpu.memory_space<vmem>>
      %dma_wait3A_160 = arith.constant 0 : i32
      %dma_wait3A_161 = tpu.memref_slice %arg17[%add3A_105, %dma_wait3A_160] : memref<10112x64xf32, #tpu.memory_space<vmem_shared>> -> memref<128x64xf32, #tpu.memory_space<vmem_shared>>
      %dma_wait3A_162 = arith.constant 0 : i32
      %dma_wait3A_163 = arith.constant 0 : i32
      %dma_wait3A_164 = tpu.memref_slice %arg15[%dma_wait3A_162, %dma_wait3A_163] : memref<128x64xf32, #tpu.memory_space<vmem>> -> memref<128x64xf32, #tpu.memory_space<vmem>>
      %dma_wait3A_165 = arith.constant 0 : i32
      %dma_wait3A_166 = tpu.memref_slice %arg17[%add3A_105, %dma_wait3A_165] : memref<10112x64xf32, #tpu.memory_space<vmem_shared>> -> memref<128x64xf32, #tpu.memory_space<vmem_shared>>
      tpu.wait_dma2 semaphore(%run_scoped3A : memref<!tpu.dma_semaphore, #tpu.memory_space<semaphore_mem>>) src(%dma_wait3A_166 : memref<128x64xf32, #tpu.memory_space<vmem_shared>>) dst(%dma_wait3A_164 : memref<128x64xf32, #tpu.memory_space<vmem>>)
      tpu.yield
    }) : () -> ()
    %mul3A_106 = arith.constant 632 : i32
    %mul3A_107 = arith.muli %arg1, %mul3A_106 : i32
    %add3A_108 = arith.constant 0 : i32
    %add3A_109 = arith.addi %mul3A_107, %add3A_108 : i32
    "tpu.region"() ({
      %run_scoped3A = tpu.sem_alloc : memref<!tpu.dma_semaphore, #tpu.memory_space<semaphore_mem>>
      %dma_start3A_147 = arith.constant 0 : i32
      %dma_start3A_148 = arith.constant 0 : i32
      %dma_start3A_149 = tpu.memref_slice %arg15[%dma_start3A_147, %dma_start3A_148] : memref<128x64xf32, #tpu.memory_space<vmem>> -> memref<128x64xf32, #tpu.memory_space<vmem>>
      %dma_start3A_150 = arith.constant 0 : i32
      %dma_start3A_151 = tpu.memref_slice %arg7[%arg0, %add3A_109, %dma_start3A_150] : memref<2x10112x64xf32, #tpu.memory_space<hbm>> -> memref<1x128x64xf32, #tpu.memory_space<hbm>>
      %dma_start3A_152 = tpu.memref_squeeze %dma_start3A_151 : memref<1x128x64xf32, #tpu.memory_space<hbm>> -> memref<128x64xf32, #tpu.memory_space<hbm>>
      %dma_start3A_153 = arith.constant 0 : i32
      %dma_start3A_154 = tpu.memref_slice %arg7[%arg0, %add3A_109, %dma_start3A_153] : memref<2x10112x64xf32, #tpu.memory_space<hbm>> -> memref<1x128x64xf32, #tpu.memory_space<hbm>>
      %dma_start3A_155 = tpu.memref_squeeze %dma_start3A_154 : memref<1x128x64xf32, #tpu.memory_space<hbm>> -> memref<128x64xf32, #tpu.memory_space<hbm>>
      %dma_start3A_156 = arith.constant 0 : i32
      %dma_start3A_157 = arith.constant 0 : i32
      %dma_start3A_158 = tpu.memref_slice %arg15[%dma_start3A_156, %dma_start3A_157] : memref<128x64xf32, #tpu.memory_space<vmem>> -> memref<128x64xf32, #tpu.memory_space<vmem>>
      tpu.enqueue_dma source(%dma_start3A_158 : memref<128x64xf32, #tpu.memory_space<vmem>>) target(%dma_start3A_155 : memref<128x64xf32, #tpu.memory_space<hbm>>) target_semaphore(%run_scoped3A : memref<!tpu.dma_semaphore, #tpu.memory_space<semaphore_mem>>)
      %dma_wait3A_159 = arith.constant 0 : i32
      %dma_wait3A_160 = arith.constant 0 : i32
      %dma_wait3A_161 = tpu.memref_slice %arg15[%dma_wait3A_159, %dma_wait3A_160] : memref<128x64xf32, #tpu.memory_space<vmem>> -> memref<128x64xf32, #tpu.memory_space<vmem>>
      %dma_wait3A_162 = arith.constant 0 : i32
      %dma_wait3A_163 = tpu.memref_slice %arg7[%arg0, %add3A_109, %dma_wait3A_162] : memref<2x10112x64xf32, #tpu.memory_space<hbm>> -> memref<1x128x64xf32, #tpu.memory_space<hbm>>
      %dma_wait3A_164 = tpu.memref_squeeze %dma_wait3A_163 : memref<1x128x64xf32, #tpu.memory_space<hbm>> -> memref<128x64xf32, #tpu.memory_space<hbm>>
      %dma_wait3A_165 = arith.constant 0 : i32
      %dma_wait3A_166 = tpu.memref_slice %arg7[%arg0, %add3A_109, %dma_wait3A_165] : memref<2x10112x64xf32, #tpu.memory_space<hbm>> -> memref<1x128x64xf32, #tpu.memory_space<hbm>>
      %dma_wait3A_167 = tpu.memref_squeeze %dma_wait3A_166 : memref<1x128x64xf32, #tpu.memory_space<hbm>> -> memref<128x64xf32, #tpu.memory_space<hbm>>
      %dma_wait3A_168 = arith.constant 0 : i32
      %dma_wait3A_169 = arith.constant 0 : i32
      %dma_wait3A_170 = tpu.memref_slice %arg15[%dma_wait3A_168, %dma_wait3A_169] : memref<128x64xf32, #tpu.memory_space<vmem>> -> memref<128x64xf32, #tpu.memory_space<vmem>>
      tpu.wait_dma2 semaphore(%run_scoped3A : memref<!tpu.dma_semaphore, #tpu.memory_space<semaphore_mem>>) src(%dma_wait3A_170 : memref<128x64xf32, #tpu.memory_space<vmem>>) dst(%dma_wait3A_167 : memref<128x64xf32, #tpu.memory_space<hbm>>)
      tpu.yield
    }) : () -> ()
    %mul3A_110 = arith.constant 632 : i32
    %mul3A_111 = arith.muli %arg1, %mul3A_110 : i32
    %add3A_112 = arith.constant 128 : i32
    %add3A_113 = arith.addi %mul3A_111, %add3A_112 : i32
    "tpu.region"() ({
      %run_scoped3A = tpu.sem_alloc : memref<!tpu.dma_semaphore, #tpu.memory_space<semaphore_mem>>
      %dma_start3A_147 = arith.constant 0 : i32
      %dma_start3A_148 = arith.constant 0 : i32
      %dma_start3A_149 = tpu.memref_slice %arg15[%dma_start3A_147, %dma_start3A_148] : memref<128x64xf32, #tpu.memory_space<vmem>> -> memref<128x64xf32, #tpu.memory_space<vmem>>
      %dma_start3A_150 = arith.constant 0 : i32
      %dma_start3A_151 = tpu.memref_slice %arg17[%add3A_113, %dma_start3A_150] : memref<10112x64xf32, #tpu.memory_space<vmem_shared>> -> memref<128x64xf32, #tpu.memory_space<vmem_shared>>
      %dma_start3A_152 = arith.constant 0 : i32
      %dma_start3A_153 = arith.constant 0 : i32
      %dma_start3A_154 = tpu.memref_slice %arg15[%dma_start3A_152, %dma_start3A_153] : memref<128x64xf32, #tpu.memory_space<vmem>> -> memref<128x64xf32, #tpu.memory_space<vmem>>
      %dma_start3A_155 = arith.constant 0 : i32
      %dma_start3A_156 = tpu.memref_slice %arg17[%add3A_113, %dma_start3A_155] : memref<10112x64xf32, #tpu.memory_space<vmem_shared>> -> memref<128x64xf32, #tpu.memory_space<vmem_shared>>
      tpu.enqueue_dma source(%dma_start3A_156 : memref<128x64xf32, #tpu.memory_space<vmem_shared>>) target(%dma_start3A_154 : memref<128x64xf32, #tpu.memory_space<vmem>>) target_semaphore(%run_scoped3A : memref<!tpu.dma_semaphore, #tpu.memory_space<semaphore_mem>>)
      %dma_wait3A_157 = arith.constant 0 : i32
      %dma_wait3A_158 = arith.constant 0 : i32
      %dma_wait3A_159 = tpu.memref_slice %arg15[%dma_wait3A_157, %dma_wait3A_158] : memref<128x64xf32, #tpu.memory_space<vmem>> -> memref<128x64xf32, #tpu.memory_space<vmem>>
      %dma_wait3A_160 = arith.constant 0 : i32
      %dma_wait3A_161 = tpu.memref_slice %arg17[%add3A_113, %dma_wait3A_160] : memref<10112x64xf32, #tpu.memory_space<vmem_shared>> -> memref<128x64xf32, #tpu.memory_space<vmem_shared>>
      %dma_wait3A_162 = arith.constant 0 : i32
      %dma_wait3A_163 = arith.constant 0 : i32
      %dma_wait3A_164 = tpu.memref_slice %arg15[%dma_wait3A_162, %dma_wait3A_163] : memref<128x64xf32, #tpu.memory_space<vmem>> -> memref<128x64xf32, #tpu.memory_space<vmem>>
      %dma_wait3A_165 = arith.constant 0 : i32
      %dma_wait3A_166 = tpu.memref_slice %arg17[%add3A_113, %dma_wait3A_165] : memref<10112x64xf32, #tpu.memory_space<vmem_shared>> -> memref<128x64xf32, #tpu.memory_space<vmem_shared>>
      tpu.wait_dma2 semaphore(%run_scoped3A : memref<!tpu.dma_semaphore, #tpu.memory_space<semaphore_mem>>) src(%dma_wait3A_166 : memref<128x64xf32, #tpu.memory_space<vmem_shared>>) dst(%dma_wait3A_164 : memref<128x64xf32, #tpu.memory_space<vmem>>)
      tpu.yield
    }) : () -> ()
    %mul3A_114 = arith.constant 632 : i32
    %mul3A_115 = arith.muli %arg1, %mul3A_114 : i32
    %add3A_116 = arith.constant 128 : i32
    %add3A_117 = arith.addi %mul3A_115, %add3A_116 : i32
    "tpu.region"() ({
      %run_scoped3A = tpu.sem_alloc : memref<!tpu.dma_semaphore, #tpu.memory_space<semaphore_mem>>
      %dma_start3A_147 = arith.constant 0 : i32
      %dma_start3A_148 = arith.constant 0 : i32
      %dma_start3A_149 = tpu.memref_slice %arg15[%dma_start3A_147, %dma_start3A_148] : memref<128x64xf32, #tpu.memory_space<vmem>> -> memref<128x64xf32, #tpu.memory_space<vmem>>
      %dma_start3A_150 = arith.constant 0 : i32
      %dma_start3A_151 = tpu.memref_slice %arg7[%arg0, %add3A_117, %dma_start3A_150] : memref<2x10112x64xf32, #tpu.memory_space<hbm>> -> memref<1x128x64xf32, #tpu.memory_space<hbm>>
      %dma_start3A_152 = tpu.memref_squeeze %dma_start3A_151 : memref<1x128x64xf32, #tpu.memory_space<hbm>> -> memref<128x64xf32, #tpu.memory_space<hbm>>
      %dma_start3A_153 = arith.constant 0 : i32
      %dma_start3A_154 = tpu.memref_slice %arg7[%arg0, %add3A_117, %dma_start3A_153] : memref<2x10112x64xf32, #tpu.memory_space<hbm>> -> memref<1x128x64xf32, #tpu.memory_space<hbm>>
      %dma_start3A_155 = tpu.memref_squeeze %dma_start3A_154 : memref<1x128x64xf32, #tpu.memory_space<hbm>> -> memref<128x64xf32, #tpu.memory_space<hbm>>
      %dma_start3A_156 = arith.constant 0 : i32
      %dma_start3A_157 = arith.constant 0 : i32
      %dma_start3A_158 = tpu.memref_slice %arg15[%dma_start3A_156, %dma_start3A_157] : memref<128x64xf32, #tpu.memory_space<vmem>> -> memref<128x64xf32, #tpu.memory_space<vmem>>
      tpu.enqueue_dma source(%dma_start3A_158 : memref<128x64xf32, #tpu.memory_space<vmem>>) target(%dma_start3A_155 : memref<128x64xf32, #tpu.memory_space<hbm>>) target_semaphore(%run_scoped3A : memref<!tpu.dma_semaphore, #tpu.memory_space<semaphore_mem>>)
      %dma_wait3A_159 = arith.constant 0 : i32
      %dma_wait3A_160 = arith.constant 0 : i32
      %dma_wait3A_161 = tpu.memref_slice %arg15[%dma_wait3A_159, %dma_wait3A_160] : memref<128x64xf32, #tpu.memory_space<vmem>> -> memref<128x64xf32, #tpu.memory_space<vmem>>
      %dma_wait3A_162 = arith.constant 0 : i32
      %dma_wait3A_163 = tpu.memref_slice %arg7[%arg0, %add3A_117, %dma_wait3A_162] : memref<2x10112x64xf32, #tpu.memory_space<hbm>> -> memref<1x128x64xf32, #tpu.memory_space<hbm>>
      %dma_wait3A_164 = tpu.memref_squeeze %dma_wait3A_163 : memref<1x128x64xf32, #tpu.memory_space<hbm>> -> memref<128x64xf32, #tpu.memory_space<hbm>>
      %dma_wait3A_165 = arith.constant 0 : i32
      %dma_wait3A_166 = tpu.memref_slice %arg7[%arg0, %add3A_117, %dma_wait3A_165] : memref<2x10112x64xf32, #tpu.memory_space<hbm>> -> memref<1x128x64xf32, #tpu.memory_space<hbm>>
      %dma_wait3A_167 = tpu.memref_squeeze %dma_wait3A_166 : memref<1x128x64xf32, #tpu.memory_space<hbm>> -> memref<128x64xf32, #tpu.memory_space<hbm>>
      %dma_wait3A_168 = arith.constant 0 : i32
      %dma_wait3A_169 = arith.constant 0 : i32
      %dma_wait3A_170 = tpu.memref_slice %arg15[%dma_wait3A_168, %dma_wait3A_169] : memref<128x64xf32, #tpu.memory_space<vmem>> -> memref<128x64xf32, #tpu.memory_space<vmem>>
      tpu.wait_dma2 semaphore(%run_scoped3A : memref<!tpu.dma_semaphore, #tpu.memory_space<semaphore_mem>>) src(%dma_wait3A_170 : memref<128x64xf32, #tpu.memory_space<vmem>>) dst(%dma_wait3A_167 : memref<128x64xf32, #tpu.memory_space<hbm>>)
      tpu.yield
    }) : () -> ()
    %mul3A_118 = arith.constant 632 : i32
    %mul3A_119 = arith.muli %arg1, %mul3A_118 : i32
    %add3A_120 = arith.constant 256 : i32
    %add3A_121 = arith.addi %mul3A_119, %add3A_120 : i32
    "tpu.region"() ({
      %run_scoped3A = tpu.sem_alloc : memref<!tpu.dma_semaphore, #tpu.memory_space<semaphore_mem>>
      %dma_start3A_147 = arith.constant 0 : i32
      %dma_start3A_148 = arith.constant 0 : i32
      %dma_start3A_149 = tpu.memref_slice %arg15[%dma_start3A_147, %dma_start3A_148] : memref<128x64xf32, #tpu.memory_space<vmem>> -> memref<128x64xf32, #tpu.memory_space<vmem>>
      %dma_start3A_150 = arith.constant 0 : i32
      %dma_start3A_151 = tpu.memref_slice %arg17[%add3A_121, %dma_start3A_150] : memref<10112x64xf32, #tpu.memory_space<vmem_shared>> -> memref<128x64xf32, #tpu.memory_space<vmem_shared>>
      %dma_start3A_152 = arith.constant 0 : i32
      %dma_start3A_153 = arith.constant 0 : i32
      %dma_start3A_154 = tpu.memref_slice %arg15[%dma_start3A_152, %dma_start3A_153] : memref<128x64xf32, #tpu.memory_space<vmem>> -> memref<128x64xf32, #tpu.memory_space<vmem>>
      %dma_start3A_155 = arith.constant 0 : i32
      %dma_start3A_156 = tpu.memref_slice %arg17[%add3A_121, %dma_start3A_155] : memref<10112x64xf32, #tpu.memory_space<vmem_shared>> -> memref<128x64xf32, #tpu.memory_space<vmem_shared>>
      tpu.enqueue_dma source(%dma_start3A_156 : memref<128x64xf32, #tpu.memory_space<vmem_shared>>) target(%dma_start3A_154 : memref<128x64xf32, #tpu.memory_space<vmem>>) target_semaphore(%run_scoped3A : memref<!tpu.dma_semaphore, #tpu.memory_space<semaphore_mem>>)
      %dma_wait3A_157 = arith.constant 0 : i32
      %dma_wait3A_158 = arith.constant 0 : i32
      %dma_wait3A_159 = tpu.memref_slice %arg15[%dma_wait3A_157, %dma_wait3A_158] : memref<128x64xf32, #tpu.memory_space<vmem>> -> memref<128x64xf32, #tpu.memory_space<vmem>>
      %dma_wait3A_160 = arith.constant 0 : i32
      %dma_wait3A_161 = tpu.memref_slice %arg17[%add3A_121, %dma_wait3A_160] : memref<10112x64xf32, #tpu.memory_space<vmem_shared>> -> memref<128x64xf32, #tpu.memory_space<vmem_shared>>
      %dma_wait3A_162 = arith.constant 0 : i32
      %dma_wait3A_163 = arith.constant 0 : i32
      %dma_wait3A_164 = tpu.memref_slice %arg15[%dma_wait3A_162, %dma_wait3A_163] : memref<128x64xf32, #tpu.memory_space<vmem>> -> memref<128x64xf32, #tpu.memory_space<vmem>>
      %dma_wait3A_165 = arith.constant 0 : i32
      %dma_wait3A_166 = tpu.memref_slice %arg17[%add3A_121, %dma_wait3A_165] : memref<10112x64xf32, #tpu.memory_space<vmem_shared>> -> memref<128x64xf32, #tpu.memory_space<vmem_shared>>
      tpu.wait_dma2 semaphore(%run_scoped3A : memref<!tpu.dma_semaphore, #tpu.memory_space<semaphore_mem>>) src(%dma_wait3A_166 : memref<128x64xf32, #tpu.memory_space<vmem_shared>>) dst(%dma_wait3A_164 : memref<128x64xf32, #tpu.memory_space<vmem>>)
      tpu.yield
    }) : () -> ()
    %mul3A_122 = arith.constant 632 : i32
    %mul3A_123 = arith.muli %arg1, %mul3A_122 : i32
    %add3A_124 = arith.constant 256 : i32
    %add3A_125 = arith.addi %mul3A_123, %add3A_124 : i32
    "tpu.region"() ({
      %run_scoped3A = tpu.sem_alloc : memref<!tpu.dma_semaphore, #tpu.memory_space<semaphore_mem>>
      %dma_start3A_147 = arith.constant 0 : i32
      %dma_start3A_148 = arith.constant 0 : i32
      %dma_start3A_149 = tpu.memref_slice %arg15[%dma_start3A_147, %dma_start3A_148] : memref<128x64xf32, #tpu.memory_space<vmem>> -> memref<128x64xf32, #tpu.memory_space<vmem>>
      %dma_start3A_150 = arith.constant 0 : i32
      %dma_start3A_151 = tpu.memref_slice %arg7[%arg0, %add3A_125, %dma_start3A_150] : memref<2x10112x64xf32, #tpu.memory_space<hbm>> -> memref<1x128x64xf32, #tpu.memory_space<hbm>>
      %dma_start3A_152 = tpu.memref_squeeze %dma_start3A_151 : memref<1x128x64xf32, #tpu.memory_space<hbm>> -> memref<128x64xf32, #tpu.memory_space<hbm>>
      %dma_start3A_153 = arith.constant 0 : i32
      %dma_start3A_154 = tpu.memref_slice %arg7[%arg0, %add3A_125, %dma_start3A_153] : memref<2x10112x64xf32, #tpu.memory_space<hbm>> -> memref<1x128x64xf32, #tpu.memory_space<hbm>>
      %dma_start3A_155 = tpu.memref_squeeze %dma_start3A_154 : memref<1x128x64xf32, #tpu.memory_space<hbm>> -> memref<128x64xf32, #tpu.memory_space<hbm>>
      %dma_start3A_156 = arith.constant 0 : i32
      %dma_start3A_157 = arith.constant 0 : i32
      %dma_start3A_158 = tpu.memref_slice %arg15[%dma_start3A_156, %dma_start3A_157] : memref<128x64xf32, #tpu.memory_space<vmem>> -> memref<128x64xf32, #tpu.memory_space<vmem>>
      tpu.enqueue_dma source(%dma_start3A_158 : memref<128x64xf32, #tpu.memory_space<vmem>>) target(%dma_start3A_155 : memref<128x64xf32, #tpu.memory_space<hbm>>) target_semaphore(%run_scoped3A : memref<!tpu.dma_semaphore, #tpu.memory_space<semaphore_mem>>)
      %dma_wait3A_159 = arith.constant 0 : i32
      %dma_wait3A_160 = arith.constant 0 : i32
      %dma_wait3A_161 = tpu.memref_slice %arg15[%dma_wait3A_159, %dma_wait3A_160] : memref<128x64xf32, #tpu.memory_space<vmem>> -> memref<128x64xf32, #tpu.memory_space<vmem>>
      %dma_wait3A_162 = arith.constant 0 : i32
      %dma_wait3A_163 = tpu.memref_slice %arg7[%arg0, %add3A_125, %dma_wait3A_162] : memref<2x10112x64xf32, #tpu.memory_space<hbm>> -> memref<1x128x64xf32, #tpu.memory_space<hbm>>
      %dma_wait3A_164 = tpu.memref_squeeze %dma_wait3A_163 : memref<1x128x64xf32, #tpu.memory_space<hbm>> -> memref<128x64xf32, #tpu.memory_space<hbm>>
      %dma_wait3A_165 = arith.constant 0 : i32
      %dma_wait3A_166 = tpu.memref_slice %arg7[%arg0, %add3A_125, %dma_wait3A_165] : memref<2x10112x64xf32, #tpu.memory_space<hbm>> -> memref<1x128x64xf32, #tpu.memory_space<hbm>>
      %dma_wait3A_167 = tpu.memref_squeeze %dma_wait3A_166 : memref<1x128x64xf32, #tpu.memory_space<hbm>> -> memref<128x64xf32, #tpu.memory_space<hbm>>
      %dma_wait3A_168 = arith.constant 0 : i32
      %dma_wait3A_169 = arith.constant 0 : i32
      %dma_wait3A_170 = tpu.memref_slice %arg15[%dma_wait3A_168, %dma_wait3A_169] : memref<128x64xf32, #tpu.memory_space<vmem>> -> memref<128x64xf32, #tpu.memory_space<vmem>>
      tpu.wait_dma2 semaphore(%run_scoped3A : memref<!tpu.dma_semaphore, #tpu.memory_space<semaphore_mem>>) src(%dma_wait3A_170 : memref<128x64xf32, #tpu.memory_space<vmem>>) dst(%dma_wait3A_167 : memref<128x64xf32, #tpu.memory_space<hbm>>)
      tpu.yield
    }) : () -> ()
    %mul3A_126 = arith.constant 632 : i32
    %mul3A_127 = arith.muli %arg1, %mul3A_126 : i32
    %add3A_128 = arith.constant 384 : i32
    %add3A_129 = arith.addi %mul3A_127, %add3A_128 : i32
    "tpu.region"() ({
      %run_scoped3A = tpu.sem_alloc : memref<!tpu.dma_semaphore, #tpu.memory_space<semaphore_mem>>
      %dma_start3A_147 = arith.constant 0 : i32
      %dma_start3A_148 = arith.constant 0 : i32
      %dma_start3A_149 = tpu.memref_slice %arg15[%dma_start3A_147, %dma_start3A_148] : memref<128x64xf32, #tpu.memory_space<vmem>> -> memref<128x64xf32, #tpu.memory_space<vmem>>
      %dma_start3A_150 = arith.constant 0 : i32
      %dma_start3A_151 = tpu.memref_slice %arg17[%add3A_129, %dma_start3A_150] : memref<10112x64xf32, #tpu.memory_space<vmem_shared>> -> memref<128x64xf32, #tpu.memory_space<vmem_shared>>
      %dma_start3A_152 = arith.constant 0 : i32
      %dma_start3A_153 = arith.constant 0 : i32
      %dma_start3A_154 = tpu.memref_slice %arg15[%dma_start3A_152, %dma_start3A_153] : memref<128x64xf32, #tpu.memory_space<vmem>> -> memref<128x64xf32, #tpu.memory_space<vmem>>
      %dma_start3A_155 = arith.constant 0 : i32
      %dma_start3A_156 = tpu.memref_slice %arg17[%add3A_129, %dma_start3A_155] : memref<10112x64xf32, #tpu.memory_space<vmem_shared>> -> memref<128x64xf32, #tpu.memory_space<vmem_shared>>
      tpu.enqueue_dma source(%dma_start3A_156 : memref<128x64xf32, #tpu.memory_space<vmem_shared>>) target(%dma_start3A_154 : memref<128x64xf32, #tpu.memory_space<vmem>>) target_semaphore(%run_scoped3A : memref<!tpu.dma_semaphore, #tpu.memory_space<semaphore_mem>>)
      %dma_wait3A_157 = arith.constant 0 : i32
      %dma_wait3A_158 = arith.constant 0 : i32
      %dma_wait3A_159 = tpu.memref_slice %arg15[%dma_wait3A_157, %dma_wait3A_158] : memref<128x64xf32, #tpu.memory_space<vmem>> -> memref<128x64xf32, #tpu.memory_space<vmem>>
      %dma_wait3A_160 = arith.constant 0 : i32
      %dma_wait3A_161 = tpu.memref_slice %arg17[%add3A_129, %dma_wait3A_160] : memref<10112x64xf32, #tpu.memory_space<vmem_shared>> -> memref<128x64xf32, #tpu.memory_space<vmem_shared>>
      %dma_wait3A_162 = arith.constant 0 : i32
      %dma_wait3A_163 = arith.constant 0 : i32
      %dma_wait3A_164 = tpu.memref_slice %arg15[%dma_wait3A_162, %dma_wait3A_163] : memref<128x64xf32, #tpu.memory_space<vmem>> -> memref<128x64xf32, #tpu.memory_space<vmem>>
      %dma_wait3A_165 = arith.constant 0 : i32
      %dma_wait3A_166 = tpu.memref_slice %arg17[%add3A_129, %dma_wait3A_165] : memref<10112x64xf32, #tpu.memory_space<vmem_shared>> -> memref<128x64xf32, #tpu.memory_space<vmem_shared>>
      tpu.wait_dma2 semaphore(%run_scoped3A : memref<!tpu.dma_semaphore, #tpu.memory_space<semaphore_mem>>) src(%dma_wait3A_166 : memref<128x64xf32, #tpu.memory_space<vmem_shared>>) dst(%dma_wait3A_164 : memref<128x64xf32, #tpu.memory_space<vmem>>)
      tpu.yield
    }) : () -> ()
    %mul3A_130 = arith.constant 632 : i32
    %mul3A_131 = arith.muli %arg1, %mul3A_130 : i32
    %add3A_132 = arith.constant 384 : i32
    %add3A_133 = arith.addi %mul3A_131, %add3A_132 : i32
    "tpu.region"() ({
      %run_scoped3A = tpu.sem_alloc : memref<!tpu.dma_semaphore, #tpu.memory_space<semaphore_mem>>
      %dma_start3A_147 = arith.constant 0 : i32
      %dma_start3A_148 = arith.constant 0 : i32
      %dma_start3A_149 = tpu.memref_slice %arg15[%dma_start3A_147, %dma_start3A_148] : memref<128x64xf32, #tpu.memory_space<vmem>> -> memref<128x64xf32, #tpu.memory_space<vmem>>
      %dma_start3A_150 = arith.constant 0 : i32
      %dma_start3A_151 = tpu.memref_slice %arg7[%arg0, %add3A_133, %dma_start3A_150] : memref<2x10112x64xf32, #tpu.memory_space<hbm>> -> memref<1x128x64xf32, #tpu.memory_space<hbm>>
      %dma_start3A_152 = tpu.memref_squeeze %dma_start3A_151 : memref<1x128x64xf32, #tpu.memory_space<hbm>> -> memref<128x64xf32, #tpu.memory_space<hbm>>
      %dma_start3A_153 = arith.constant 0 : i32
      %dma_start3A_154 = tpu.memref_slice %arg7[%arg0, %add3A_133, %dma_start3A_153] : memref<2x10112x64xf32, #tpu.memory_space<hbm>> -> memref<1x128x64xf32, #tpu.memory_space<hbm>>
      %dma_start3A_155 = tpu.memref_squeeze %dma_start3A_154 : memref<1x128x64xf32, #tpu.memory_space<hbm>> -> memref<128x64xf32, #tpu.memory_space<hbm>>
      %dma_start3A_156 = arith.constant 0 : i32
      %dma_start3A_157 = arith.constant 0 : i32
      %dma_start3A_158 = tpu.memref_slice %arg15[%dma_start3A_156, %dma_start3A_157] : memref<128x64xf32, #tpu.memory_space<vmem>> -> memref<128x64xf32, #tpu.memory_space<vmem>>
      tpu.enqueue_dma source(%dma_start3A_158 : memref<128x64xf32, #tpu.memory_space<vmem>>) target(%dma_start3A_155 : memref<128x64xf32, #tpu.memory_space<hbm>>) target_semaphore(%run_scoped3A : memref<!tpu.dma_semaphore, #tpu.memory_space<semaphore_mem>>)
      %dma_wait3A_159 = arith.constant 0 : i32
      %dma_wait3A_160 = arith.constant 0 : i32
      %dma_wait3A_161 = tpu.memref_slice %arg15[%dma_wait3A_159, %dma_wait3A_160] : memref<128x64xf32, #tpu.memory_space<vmem>> -> memref<128x64xf32, #tpu.memory_space<vmem>>
      %dma_wait3A_162 = arith.constant 0 : i32
      %dma_wait3A_163 = tpu.memref_slice %arg7[%arg0, %add3A_133, %dma_wait3A_162] : memref<2x10112x64xf32, #tpu.memory_space<hbm>> -> memref<1x128x64xf32, #tpu.memory_space<hbm>>
      %dma_wait3A_164 = tpu.memref_squeeze %dma_wait3A_163 : memref<1x128x64xf32, #tpu.memory_space<hbm>> -> memref<128x64xf32, #tpu.memory_space<hbm>>
      %dma_wait3A_165 = arith.constant 0 : i32
      %dma_wait3A_166 = tpu.memref_slice %arg7[%arg0, %add3A_133, %dma_wait3A_165] : memref<2x10112x64xf32, #tpu.memory_space<hbm>> -> memref<1x128x64xf32, #tpu.memory_space<hbm>>
      %dma_wait3A_167 = tpu.memref_squeeze %dma_wait3A_166 : memref<1x128x64xf32, #tpu.memory_space<hbm>> -> memref<128x64xf32, #tpu.memory_space<hbm>>
      %dma_wait3A_168 = arith.constant 0 : i32
      %dma_wait3A_169 = arith.constant 0 : i32
      %dma_wait3A_170 = tpu.memref_slice %arg15[%dma_wait3A_168, %dma_wait3A_169] : memref<128x64xf32, #tpu.memory_space<vmem>> -> memref<128x64xf32, #tpu.memory_space<vmem>>
      tpu.wait_dma2 semaphore(%run_scoped3A : memref<!tpu.dma_semaphore, #tpu.memory_space<semaphore_mem>>) src(%dma_wait3A_170 : memref<128x64xf32, #tpu.memory_space<vmem>>) dst(%dma_wait3A_167 : memref<128x64xf32, #tpu.memory_space<hbm>>)
      tpu.yield
    }) : () -> ()
    %mul3A_134 = arith.constant 632 : i32
    %mul3A_135 = arith.muli %arg1, %mul3A_134 : i32
    %add3A_136 = arith.constant 512 : i32
    %add3A_137 = arith.addi %mul3A_135, %add3A_136 : i32
    "tpu.region"() ({
      %run_scoped3A = tpu.sem_alloc : memref<!tpu.dma_semaphore, #tpu.memory_space<semaphore_mem>>
      %dma_start3A_147 = arith.constant 0 : i32
      %dma_start3A_148 = arith.constant 0 : i32
      %dma_start3A_149 = tpu.memref_slice %arg15[%dma_start3A_147, %dma_start3A_148] : memref<128x64xf32, #tpu.memory_space<vmem>> -> memref<120x64xf32, #tpu.memory_space<vmem>>
      %dma_start3A_150 = arith.constant 0 : i32
      %dma_start3A_151 = tpu.memref_slice %arg17[%add3A_137, %dma_start3A_150] : memref<10112x64xf32, #tpu.memory_space<vmem_shared>> -> memref<120x64xf32, #tpu.memory_space<vmem_shared>>
      %dma_start3A_152 = arith.constant 0 : i32
      %dma_start3A_153 = arith.constant 0 : i32
      %dma_start3A_154 = tpu.memref_slice %arg15[%dma_start3A_152, %dma_start3A_153] : memref<128x64xf32, #tpu.memory_space<vmem>> -> memref<120x64xf32, #tpu.memory_space<vmem>>
      %dma_start3A_155 = arith.constant 0 : i32
      %dma_start3A_156 = tpu.memref_slice %arg17[%add3A_137, %dma_start3A_155] : memref<10112x64xf32, #tpu.memory_space<vmem_shared>> -> memref<120x64xf32, #tpu.memory_space<vmem_shared>>
      tpu.enqueue_dma source(%dma_start3A_156 : memref<120x64xf32, #tpu.memory_space<vmem_shared>>) target(%dma_start3A_154 : memref<120x64xf32, #tpu.memory_space<vmem>>) target_semaphore(%run_scoped3A : memref<!tpu.dma_semaphore, #tpu.memory_space<semaphore_mem>>)
      %dma_wait3A_157 = arith.constant 0 : i32
      %dma_wait3A_158 = arith.constant 0 : i32
      %dma_wait3A_159 = tpu.memref_slice %arg15[%dma_wait3A_157, %dma_wait3A_158] : memref<128x64xf32, #tpu.memory_space<vmem>> -> memref<120x64xf32, #tpu.memory_space<vmem>>
      %dma_wait3A_160 = arith.constant 0 : i32
      %dma_wait3A_161 = tpu.memref_slice %arg17[%add3A_137, %dma_wait3A_160] : memref<10112x64xf32, #tpu.memory_space<vmem_shared>> -> memref<120x64xf32, #tpu.memory_space<vmem_shared>>
      %dma_wait3A_162 = arith.constant 0 : i32
      %dma_wait3A_163 = arith.constant 0 : i32
      %dma_wait3A_164 = tpu.memref_slice %arg15[%dma_wait3A_162, %dma_wait3A_163] : memref<128x64xf32, #tpu.memory_space<vmem>> -> memref<120x64xf32, #tpu.memory_space<vmem>>
      %dma_wait3A_165 = arith.constant 0 : i32
      %dma_wait3A_166 = tpu.memref_slice %arg17[%add3A_137, %dma_wait3A_165] : memref<10112x64xf32, #tpu.memory_space<vmem_shared>> -> memref<120x64xf32, #tpu.memory_space<vmem_shared>>
      tpu.wait_dma2 semaphore(%run_scoped3A : memref<!tpu.dma_semaphore, #tpu.memory_space<semaphore_mem>>) src(%dma_wait3A_166 : memref<120x64xf32, #tpu.memory_space<vmem_shared>>) dst(%dma_wait3A_164 : memref<120x64xf32, #tpu.memory_space<vmem>>)
      tpu.yield
    }) : () -> ()
    %mul3A_138 = arith.constant 632 : i32
    %mul3A_139 = arith.muli %arg1, %mul3A_138 : i32
    %add3A_140 = arith.constant 512 : i32
    %add3A_141 = arith.addi %mul3A_139, %add3A_140 : i32
    "tpu.region"() ({
      %run_scoped3A = tpu.sem_alloc : memref<!tpu.dma_semaphore, #tpu.memory_space<semaphore_mem>>
      %dma_start3A_147 = arith.constant 0 : i32
      %dma_start3A_148 = arith.constant 0 : i32
      %dma_start3A_149 = tpu.memref_slice %arg15[%dma_start3A_147, %dma_start3A_148] : memref<128x64xf32, #tpu.memory_space<vmem>> -> memref<120x64xf32, #tpu.memory_space<vmem>>
      %dma_start3A_150 = arith.constant 0 : i32
      %dma_start3A_151 = tpu.memref_slice %arg7[%arg0, %add3A_141, %dma_start3A_150] : memref<2x10112x64xf32, #tpu.memory_space<hbm>> -> memref<1x120x64xf32, #tpu.memory_space<hbm>>
      %dma_start3A_152 = tpu.memref_squeeze %dma_start3A_151 : memref<1x120x64xf32, #tpu.memory_space<hbm>> -> memref<120x64xf32, #tpu.memory_space<hbm>>
      %dma_start3A_153 = arith.constant 0 : i32
      %dma_start3A_154 = tpu.memref_slice %arg7[%arg0, %add3A_141, %dma_start3A_153] : memref<2x10112x64xf32, #tpu.memory_space<hbm>> -> memref<1x120x64xf32, #tpu.memory_space<hbm>>
      %dma_start3A_155 = tpu.memref_squeeze %dma_start3A_154 : memref<1x120x64xf32, #tpu.memory_space<hbm>> -> memref<120x64xf32, #tpu.memory_space<hbm>>
      %dma_start3A_156 = arith.constant 0 : i32
      %dma_start3A_157 = arith.constant 0 : i32
      %dma_start3A_158 = tpu.memref_slice %arg15[%dma_start3A_156, %dma_start3A_157] : memref<128x64xf32, #tpu.memory_space<vmem>> -> memref<120x64xf32, #tpu.memory_space<vmem>>
      tpu.enqueue_dma source(%dma_start3A_158 : memref<120x64xf32, #tpu.memory_space<vmem>>) target(%dma_start3A_155 : memref<120x64xf32, #tpu.memory_space<hbm>>) target_semaphore(%run_scoped3A : memref<!tpu.dma_semaphore, #tpu.memory_space<semaphore_mem>>)
      %dma_wait3A_159 = arith.constant 0 : i32
      %dma_wait3A_160 = arith.constant 0 : i32
      %dma_wait3A_161 = tpu.memref_slice %arg15[%dma_wait3A_159, %dma_wait3A_160] : memref<128x64xf32, #tpu.memory_space<vmem>> -> memref<120x64xf32, #tpu.memory_space<vmem>>
      %dma_wait3A_162 = arith.constant 0 : i32
      %dma_wait3A_163 = tpu.memref_slice %arg7[%arg0, %add3A_141, %dma_wait3A_162] : memref<2x10112x64xf32, #tpu.memory_space<hbm>> -> memref<1x120x64xf32, #tpu.memory_space<hbm>>
      %dma_wait3A_164 = tpu.memref_squeeze %dma_wait3A_163 : memref<1x120x64xf32, #tpu.memory_space<hbm>> -> memref<120x64xf32, #tpu.memory_space<hbm>>
      %dma_wait3A_165 = arith.constant 0 : i32
      %dma_wait3A_166 = tpu.memref_slice %arg7[%arg0, %add3A_141, %dma_wait3A_165] : memref<2x10112x64xf32, #tpu.memory_space<hbm>> -> memref<1x120x64xf32, #tpu.memory_space<hbm>>
      %dma_wait3A_167 = tpu.memref_squeeze %dma_wait3A_166 : memref<1x120x64xf32, #tpu.memory_space<hbm>> -> memref<120x64xf32, #tpu.memory_space<hbm>>
      %dma_wait3A_168 = arith.constant 0 : i32
      %dma_wait3A_169 = arith.constant 0 : i32
      %dma_wait3A_170 = tpu.memref_slice %arg15[%dma_wait3A_168, %dma_wait3A_169] : memref<128x64xf32, #tpu.memory_space<vmem>> -> memref<120x64xf32, #tpu.memory_space<vmem>>
      tpu.wait_dma2 semaphore(%run_scoped3A : memref<!tpu.dma_semaphore, #tpu.memory_space<semaphore_mem>>) src(%dma_wait3A_170 : memref<120x64xf32, #tpu.memory_space<vmem>>) dst(%dma_wait3A_167 : memref<120x64xf32, #tpu.memory_space<hbm>>)
      tpu.yield
    }) : () -> ()
    %eq3A_142 = arith.constant 0 : i32
    %eq3A_143 = arith.cmpi eq, %arg0, %eq3A_142 : i32
    %convert_element_type3A_144 = arith.extui %eq3A_143 : i1 to i32
    %cond3A_145 = arith.constant 0 : i32
    %cond3A_146 = arith.cmpi ne, %convert_element_type3A_144, %cond3A_145 : i32
    scf.if %cond3A_146 {
      %mul3A_147 = arith.constant 632 : i32
      %mul3A_148 = arith.muli %arg1, %mul3A_147 : i32
      %add3A_149 = arith.constant 0 : i32
      %add3A_150 = arith.addi %mul3A_148, %add3A_149 : i32
      "tpu.region"() ({
        %run_scoped3A = tpu.sem_alloc : memref<!tpu.dma_semaphore, #tpu.memory_space<semaphore_mem>>
        %dma_start3A_187 = arith.constant 0 : i32
        %dma_start3A_188 = arith.constant 0 : i32
        %dma_start3A_189 = tpu.memref_slice %arg16[%dma_start3A_187, %dma_start3A_188] : memref<128x16xf32, #tpu.memory_space<vmem>> -> memref<128x16xf32, #tpu.memory_space<vmem>>
        %dma_start3A_190 = arith.constant 0 : i32
        %dma_start3A_191 = tpu.memref_slice %arg18[%add3A_150, %dma_start3A_190] : memref<10112x16xf32, #tpu.memory_space<vmem_shared>> -> memref<128x16xf32, #tpu.memory_space<vmem_shared>>
        %dma_start3A_192 = arith.constant 0 : i32
        %dma_start3A_193 = arith.constant 0 : i32
        %dma_start3A_194 = tpu.memref_slice %arg16[%dma_start3A_192, %dma_start3A_193] : memref<128x16xf32, #tpu.memory_space<vmem>> -> memref<128x16xf32, #tpu.memory_space<vmem>>
        %dma_start3A_195 = arith.constant 0 : i32
        %dma_start3A_196 = tpu.memref_slice %arg18[%add3A_150, %dma_start3A_195] : memref<10112x16xf32, #tpu.memory_space<vmem_shared>> -> memref<128x16xf32, #tpu.memory_space<vmem_shared>>
        tpu.enqueue_dma source(%dma_start3A_196 : memref<128x16xf32, #tpu.memory_space<vmem_shared>>) target(%dma_start3A_194 : memref<128x16xf32, #tpu.memory_space<vmem>>) target_semaphore(%run_scoped3A : memref<!tpu.dma_semaphore, #tpu.memory_space<semaphore_mem>>)
        %dma_wait3A_197 = arith.constant 0 : i32
        %dma_wait3A_198 = arith.constant 0 : i32
        %dma_wait3A_199 = tpu.memref_slice %arg16[%dma_wait3A_197, %dma_wait3A_198] : memref<128x16xf32, #tpu.memory_space<vmem>> -> memref<128x16xf32, #tpu.memory_space<vmem>>
        %dma_wait3A_200 = arith.constant 0 : i32
        %dma_wait3A_201 = tpu.memref_slice %arg18[%add3A_150, %dma_wait3A_200] : memref<10112x16xf32, #tpu.memory_space<vmem_shared>> -> memref<128x16xf32, #tpu.memory_space<vmem_shared>>
        %dma_wait3A_202 = arith.constant 0 : i32
        %dma_wait3A_203 = arith.constant 0 : i32
        %dma_wait3A_204 = tpu.memref_slice %arg16[%dma_wait3A_202, %dma_wait3A_203] : memref<128x16xf32, #tpu.memory_space<vmem>> -> memref<128x16xf32, #tpu.memory_space<vmem>>
        %dma_wait3A_205 = arith.constant 0 : i32
        %dma_wait3A_206 = tpu.memref_slice %arg18[%add3A_150, %dma_wait3A_205] : memref<10112x16xf32, #tpu.memory_space<vmem_shared>> -> memref<128x16xf32, #tpu.memory_space<vmem_shared>>
        tpu.wait_dma2 semaphore(%run_scoped3A : memref<!tpu.dma_semaphore, #tpu.memory_space<semaphore_mem>>) src(%dma_wait3A_206 : memref<128x16xf32, #tpu.memory_space<vmem_shared>>) dst(%dma_wait3A_204 : memref<128x16xf32, #tpu.memory_space<vmem>>)
        tpu.yield
      }) : () -> ()
      %mul3A_151 = arith.constant 632 : i32
      %mul3A_152 = arith.muli %arg1, %mul3A_151 : i32
      %add3A_153 = arith.constant 0 : i32
      %add3A_154 = arith.addi %mul3A_152, %add3A_153 : i32
      "tpu.region"() ({
        %run_scoped3A = tpu.sem_alloc : memref<!tpu.dma_semaphore, #tpu.memory_space<semaphore_mem>>
        %dma_start3A_187 = arith.constant 0 : i32
        %dma_start3A_188 = arith.constant 0 : i32
        %dma_start3A_189 = tpu.memref_slice %arg16[%dma_start3A_187, %dma_start3A_188] : memref<128x16xf32, #tpu.memory_space<vmem>> -> memref<128x16xf32, #tpu.memory_space<vmem>>
        %dma_start3A_190 = arith.constant 0 : i32
        %dma_start3A_191 = tpu.memref_slice %arg8[%add3A_154, %dma_start3A_190] : memref<10112x16xf32, #tpu.memory_space<hbm>> -> memref<128x16xf32, #tpu.memory_space<hbm>>
        %dma_start3A_192 = arith.constant 0 : i32
        %dma_start3A_193 = tpu.memref_slice %arg8[%add3A_154, %dma_start3A_192] : memref<10112x16xf32, #tpu.memory_space<hbm>> -> memref<128x16xf32, #tpu.memory_space<hbm>>
        %dma_start3A_194 = arith.constant 0 : i32
        %dma_start3A_195 = arith.constant 0 : i32
        %dma_start3A_196 = tpu.memref_slice %arg16[%dma_start3A_194, %dma_start3A_195] : memref<128x16xf32, #tpu.memory_space<vmem>> -> memref<128x16xf32, #tpu.memory_space<vmem>>
        tpu.enqueue_dma source(%dma_start3A_196 : memref<128x16xf32, #tpu.memory_space<vmem>>) target(%dma_start3A_193 : memref<128x16xf32, #tpu.memory_space<hbm>>) target_semaphore(%run_scoped3A : memref<!tpu.dma_semaphore, #tpu.memory_space<semaphore_mem>>)
        %dma_wait3A_197 = arith.constant 0 : i32
        %dma_wait3A_198 = arith.constant 0 : i32
        %dma_wait3A_199 = tpu.memref_slice %arg16[%dma_wait3A_197, %dma_wait3A_198] : memref<128x16xf32, #tpu.memory_space<vmem>> -> memref<128x16xf32, #tpu.memory_space<vmem>>
        %dma_wait3A_200 = arith.constant 0 : i32
        %dma_wait3A_201 = tpu.memref_slice %arg8[%add3A_154, %dma_wait3A_200] : memref<10112x16xf32, #tpu.memory_space<hbm>> -> memref<128x16xf32, #tpu.memory_space<hbm>>
        %dma_wait3A_202 = arith.constant 0 : i32
        %dma_wait3A_203 = tpu.memref_slice %arg8[%add3A_154, %dma_wait3A_202] : memref<10112x16xf32, #tpu.memory_space<hbm>> -> memref<128x16xf32, #tpu.memory_space<hbm>>
        %dma_wait3A_204 = arith.constant 0 : i32
        %dma_wait3A_205 = arith.constant 0 : i32
        %dma_wait3A_206 = tpu.memref_slice %arg16[%dma_wait3A_204, %dma_wait3A_205] : memref<128x16xf32, #tpu.memory_space<vmem>> -> memref<128x16xf32, #tpu.memory_space<vmem>>
        tpu.wait_dma2 semaphore(%run_scoped3A : memref<!tpu.dma_semaphore, #tpu.memory_space<semaphore_mem>>) src(%dma_wait3A_206 : memref<128x16xf32, #tpu.memory_space<vmem>>) dst(%dma_wait3A_203 : memref<128x16xf32, #tpu.memory_space<hbm>>)
        tpu.yield
      }) : () -> ()
      %mul3A_155 = arith.constant 632 : i32
      %mul3A_156 = arith.muli %arg1, %mul3A_155 : i32
      %add3A_157 = arith.constant 128 : i32
      %add3A_158 = arith.addi %mul3A_156, %add3A_157 : i32
      "tpu.region"() ({
        %run_scoped3A = tpu.sem_alloc : memref<!tpu.dma_semaphore, #tpu.memory_space<semaphore_mem>>
        %dma_start3A_187 = arith.constant 0 : i32
        %dma_start3A_188 = arith.constant 0 : i32
        %dma_start3A_189 = tpu.memref_slice %arg16[%dma_start3A_187, %dma_start3A_188] : memref<128x16xf32, #tpu.memory_space<vmem>> -> memref<128x16xf32, #tpu.memory_space<vmem>>
        %dma_start3A_190 = arith.constant 0 : i32
        %dma_start3A_191 = tpu.memref_slice %arg18[%add3A_158, %dma_start3A_190] : memref<10112x16xf32, #tpu.memory_space<vmem_shared>> -> memref<128x16xf32, #tpu.memory_space<vmem_shared>>
        %dma_start3A_192 = arith.constant 0 : i32
        %dma_start3A_193 = arith.constant 0 : i32
        %dma_start3A_194 = tpu.memref_slice %arg16[%dma_start3A_192, %dma_start3A_193] : memref<128x16xf32, #tpu.memory_space<vmem>> -> memref<128x16xf32, #tpu.memory_space<vmem>>
        %dma_start3A_195 = arith.constant 0 : i32
        %dma_start3A_196 = tpu.memref_slice %arg18[%add3A_158, %dma_start3A_195] : memref<10112x16xf32, #tpu.memory_space<vmem_shared>> -> memref<128x16xf32, #tpu.memory_space<vmem_shared>>
        tpu.enqueue_dma source(%dma_start3A_196 : memref<128x16xf32, #tpu.memory_space<vmem_shared>>) target(%dma_start3A_194 : memref<128x16xf32, #tpu.memory_space<vmem>>) target_semaphore(%run_scoped3A : memref<!tpu.dma_semaphore, #tpu.memory_space<semaphore_mem>>)
        %dma_wait3A_197 = arith.constant 0 : i32
        %dma_wait3A_198 = arith.constant 0 : i32
        %dma_wait3A_199 = tpu.memref_slice %arg16[%dma_wait3A_197, %dma_wait3A_198] : memref<128x16xf32, #tpu.memory_space<vmem>> -> memref<128x16xf32, #tpu.memory_space<vmem>>
        %dma_wait3A_200 = arith.constant 0 : i32
        %dma_wait3A_201 = tpu.memref_slice %arg18[%add3A_158, %dma_wait3A_200] : memref<10112x16xf32, #tpu.memory_space<vmem_shared>> -> memref<128x16xf32, #tpu.memory_space<vmem_shared>>
        %dma_wait3A_202 = arith.constant 0 : i32
        %dma_wait3A_203 = arith.constant 0 : i32
        %dma_wait3A_204 = tpu.memref_slice %arg16[%dma_wait3A_202, %dma_wait3A_203] : memref<128x16xf32, #tpu.memory_space<vmem>> -> memref<128x16xf32, #tpu.memory_space<vmem>>
        %dma_wait3A_205 = arith.constant 0 : i32
        %dma_wait3A_206 = tpu.memref_slice %arg18[%add3A_158, %dma_wait3A_205] : memref<10112x16xf32, #tpu.memory_space<vmem_shared>> -> memref<128x16xf32, #tpu.memory_space<vmem_shared>>
        tpu.wait_dma2 semaphore(%run_scoped3A : memref<!tpu.dma_semaphore, #tpu.memory_space<semaphore_mem>>) src(%dma_wait3A_206 : memref<128x16xf32, #tpu.memory_space<vmem_shared>>) dst(%dma_wait3A_204 : memref<128x16xf32, #tpu.memory_space<vmem>>)
        tpu.yield
      }) : () -> ()
      %mul3A_159 = arith.constant 632 : i32
      %mul3A_160 = arith.muli %arg1, %mul3A_159 : i32
      %add3A_161 = arith.constant 128 : i32
      %add3A_162 = arith.addi %mul3A_160, %add3A_161 : i32
      "tpu.region"() ({
        %run_scoped3A = tpu.sem_alloc : memref<!tpu.dma_semaphore, #tpu.memory_space<semaphore_mem>>
        %dma_start3A_187 = arith.constant 0 : i32
        %dma_start3A_188 = arith.constant 0 : i32
        %dma_start3A_189 = tpu.memref_slice %arg16[%dma_start3A_187, %dma_start3A_188] : memref<128x16xf32, #tpu.memory_space<vmem>> -> memref<128x16xf32, #tpu.memory_space<vmem>>
        %dma_start3A_190 = arith.constant 0 : i32
        %dma_start3A_191 = tpu.memref_slice %arg8[%add3A_162, %dma_start3A_190] : memref<10112x16xf32, #tpu.memory_space<hbm>> -> memref<128x16xf32, #tpu.memory_space<hbm>>
        %dma_start3A_192 = arith.constant 0 : i32
        %dma_start3A_193 = tpu.memref_slice %arg8[%add3A_162, %dma_start3A_192] : memref<10112x16xf32, #tpu.memory_space<hbm>> -> memref<128x16xf32, #tpu.memory_space<hbm>>
        %dma_start3A_194 = arith.constant 0 : i32
        %dma_start3A_195 = arith.constant 0 : i32
        %dma_start3A_196 = tpu.memref_slice %arg16[%dma_start3A_194, %dma_start3A_195] : memref<128x16xf32, #tpu.memory_space<vmem>> -> memref<128x16xf32, #tpu.memory_space<vmem>>
        tpu.enqueue_dma source(%dma_start3A_196 : memref<128x16xf32, #tpu.memory_space<vmem>>) target(%dma_start3A_193 : memref<128x16xf32, #tpu.memory_space<hbm>>) target_semaphore(%run_scoped3A : memref<!tpu.dma_semaphore, #tpu.memory_space<semaphore_mem>>)
        %dma_wait3A_197 = arith.constant 0 : i32
        %dma_wait3A_198 = arith.constant 0 : i32
        %dma_wait3A_199 = tpu.memref_slice %arg16[%dma_wait3A_197, %dma_wait3A_198] : memref<128x16xf32, #tpu.memory_space<vmem>> -> memref<128x16xf32, #tpu.memory_space<vmem>>
        %dma_wait3A_200 = arith.constant 0 : i32
        %dma_wait3A_201 = tpu.memref_slice %arg8[%add3A_162, %dma_wait3A_200] : memref<10112x16xf32, #tpu.memory_space<hbm>> -> memref<128x16xf32, #tpu.memory_space<hbm>>
        %dma_wait3A_202 = arith.constant 0 : i32
        %dma_wait3A_203 = tpu.memref_slice %arg8[%add3A_162, %dma_wait3A_202] : memref<10112x16xf32, #tpu.memory_space<hbm>> -> memref<128x16xf32, #tpu.memory_space<hbm>>
        %dma_wait3A_204 = arith.constant 0 : i32
        %dma_wait3A_205 = arith.constant 0 : i32
        %dma_wait3A_206 = tpu.memref_slice %arg16[%dma_wait3A_204, %dma_wait3A_205] : memref<128x16xf32, #tpu.memory_space<vmem>> -> memref<128x16xf32, #tpu.memory_space<vmem>>
        tpu.wait_dma2 semaphore(%run_scoped3A : memref<!tpu.dma_semaphore, #tpu.memory_space<semaphore_mem>>) src(%dma_wait3A_206 : memref<128x16xf32, #tpu.memory_space<vmem>>) dst(%dma_wait3A_203 : memref<128x16xf32, #tpu.memory_space<hbm>>)
        tpu.yield
      }) : () -> ()
      %mul3A_163 = arith.constant 632 : i32
      %mul3A_164 = arith.muli %arg1, %mul3A_163 : i32
      %add3A_165 = arith.constant 256 : i32
      %add3A_166 = arith.addi %mul3A_164, %add3A_165 : i32
      "tpu.region"() ({
        %run_scoped3A = tpu.sem_alloc : memref<!tpu.dma_semaphore, #tpu.memory_space<semaphore_mem>>
        %dma_start3A_187 = arith.constant 0 : i32
        %dma_start3A_188 = arith.constant 0 : i32
        %dma_start3A_189 = tpu.memref_slice %arg16[%dma_start3A_187, %dma_start3A_188] : memref<128x16xf32, #tpu.memory_space<vmem>> -> memref<128x16xf32, #tpu.memory_space<vmem>>
        %dma_start3A_190 = arith.constant 0 : i32
        %dma_start3A_191 = tpu.memref_slice %arg18[%add3A_166, %dma_start3A_190] : memref<10112x16xf32, #tpu.memory_space<vmem_shared>> -> memref<128x16xf32, #tpu.memory_space<vmem_shared>>
        %dma_start3A_192 = arith.constant 0 : i32
        %dma_start3A_193 = arith.constant 0 : i32
        %dma_start3A_194 = tpu.memref_slice %arg16[%dma_start3A_192, %dma_start3A_193] : memref<128x16xf32, #tpu.memory_space<vmem>> -> memref<128x16xf32, #tpu.memory_space<vmem>>
        %dma_start3A_195 = arith.constant 0 : i32
        %dma_start3A_196 = tpu.memref_slice %arg18[%add3A_166, %dma_start3A_195] : memref<10112x16xf32, #tpu.memory_space<vmem_shared>> -> memref<128x16xf32, #tpu.memory_space<vmem_shared>>
        tpu.enqueue_dma source(%dma_start3A_196 : memref<128x16xf32, #tpu.memory_space<vmem_shared>>) target(%dma_start3A_194 : memref<128x16xf32, #tpu.memory_space<vmem>>) target_semaphore(%run_scoped3A : memref<!tpu.dma_semaphore, #tpu.memory_space<semaphore_mem>>)
        %dma_wait3A_197 = arith.constant 0 : i32
        %dma_wait3A_198 = arith.constant 0 : i32
        %dma_wait3A_199 = tpu.memref_slice %arg16[%dma_wait3A_197, %dma_wait3A_198] : memref<128x16xf32, #tpu.memory_space<vmem>> -> memref<128x16xf32, #tpu.memory_space<vmem>>
        %dma_wait3A_200 = arith.constant 0 : i32
        %dma_wait3A_201 = tpu.memref_slice %arg18[%add3A_166, %dma_wait3A_200] : memref<10112x16xf32, #tpu.memory_space<vmem_shared>> -> memref<128x16xf32, #tpu.memory_space<vmem_shared>>
        %dma_wait3A_202 = arith.constant 0 : i32
        %dma_wait3A_203 = arith.constant 0 : i32
        %dma_wait3A_204 = tpu.memref_slice %arg16[%dma_wait3A_202, %dma_wait3A_203] : memref<128x16xf32, #tpu.memory_space<vmem>> -> memref<128x16xf32, #tpu.memory_space<vmem>>
        %dma_wait3A_205 = arith.constant 0 : i32
        %dma_wait3A_206 = tpu.memref_slice %arg18[%add3A_166, %dma_wait3A_205] : memref<10112x16xf32, #tpu.memory_space<vmem_shared>> -> memref<128x16xf32, #tpu.memory_space<vmem_shared>>
        tpu.wait_dma2 semaphore(%run_scoped3A : memref<!tpu.dma_semaphore, #tpu.memory_space<semaphore_mem>>) src(%dma_wait3A_206 : memref<128x16xf32, #tpu.memory_space<vmem_shared>>) dst(%dma_wait3A_204 : memref<128x16xf32, #tpu.memory_space<vmem>>)
        tpu.yield
      }) : () -> ()
      %mul3A_167 = arith.constant 632 : i32
      %mul3A_168 = arith.muli %arg1, %mul3A_167 : i32
      %add3A_169 = arith.constant 256 : i32
      %add3A_170 = arith.addi %mul3A_168, %add3A_169 : i32
      "tpu.region"() ({
        %run_scoped3A = tpu.sem_alloc : memref<!tpu.dma_semaphore, #tpu.memory_space<semaphore_mem>>
        %dma_start3A_187 = arith.constant 0 : i32
        %dma_start3A_188 = arith.constant 0 : i32
        %dma_start3A_189 = tpu.memref_slice %arg16[%dma_start3A_187, %dma_start3A_188] : memref<128x16xf32, #tpu.memory_space<vmem>> -> memref<128x16xf32, #tpu.memory_space<vmem>>
        %dma_start3A_190 = arith.constant 0 : i32
        %dma_start3A_191 = tpu.memref_slice %arg8[%add3A_170, %dma_start3A_190] : memref<10112x16xf32, #tpu.memory_space<hbm>> -> memref<128x16xf32, #tpu.memory_space<hbm>>
        %dma_start3A_192 = arith.constant 0 : i32
        %dma_start3A_193 = tpu.memref_slice %arg8[%add3A_170, %dma_start3A_192] : memref<10112x16xf32, #tpu.memory_space<hbm>> -> memref<128x16xf32, #tpu.memory_space<hbm>>
        %dma_start3A_194 = arith.constant 0 : i32
        %dma_start3A_195 = arith.constant 0 : i32
        %dma_start3A_196 = tpu.memref_slice %arg16[%dma_start3A_194, %dma_start3A_195] : memref<128x16xf32, #tpu.memory_space<vmem>> -> memref<128x16xf32, #tpu.memory_space<vmem>>
        tpu.enqueue_dma source(%dma_start3A_196 : memref<128x16xf32, #tpu.memory_space<vmem>>) target(%dma_start3A_193 : memref<128x16xf32, #tpu.memory_space<hbm>>) target_semaphore(%run_scoped3A : memref<!tpu.dma_semaphore, #tpu.memory_space<semaphore_mem>>)
        %dma_wait3A_197 = arith.constant 0 : i32
        %dma_wait3A_198 = arith.constant 0 : i32
        %dma_wait3A_199 = tpu.memref_slice %arg16[%dma_wait3A_197, %dma_wait3A_198] : memref<128x16xf32, #tpu.memory_space<vmem>> -> memref<128x16xf32, #tpu.memory_space<vmem>>
        %dma_wait3A_200 = arith.constant 0 : i32
        %dma_wait3A_201 = tpu.memref_slice %arg8[%add3A_170, %dma_wait3A_200] : memref<10112x16xf32, #tpu.memory_space<hbm>> -> memref<128x16xf32, #tpu.memory_space<hbm>>
        %dma_wait3A_202 = arith.constant 0 : i32
        %dma_wait3A_203 = tpu.memref_slice %arg8[%add3A_170, %dma_wait3A_202] : memref<10112x16xf32, #tpu.memory_space<hbm>> -> memref<128x16xf32, #tpu.memory_space<hbm>>
        %dma_wait3A_204 = arith.constant 0 : i32
        %dma_wait3A_205 = arith.constant 0 : i32
        %dma_wait3A_206 = tpu.memref_slice %arg16[%dma_wait3A_204, %dma_wait3A_205] : memref<128x16xf32, #tpu.memory_space<vmem>> -> memref<128x16xf32, #tpu.memory_space<vmem>>
        tpu.wait_dma2 semaphore(%run_scoped3A : memref<!tpu.dma_semaphore, #tpu.memory_space<semaphore_mem>>) src(%dma_wait3A_206 : memref<128x16xf32, #tpu.memory_space<vmem>>) dst(%dma_wait3A_203 : memref<128x16xf32, #tpu.memory_space<hbm>>)
        tpu.yield
      }) : () -> ()
      %mul3A_171 = arith.constant 632 : i32
      %mul3A_172 = arith.muli %arg1, %mul3A_171 : i32
      %add3A_173 = arith.constant 384 : i32
      %add3A_174 = arith.addi %mul3A_172, %add3A_173 : i32
      "tpu.region"() ({
        %run_scoped3A = tpu.sem_alloc : memref<!tpu.dma_semaphore, #tpu.memory_space<semaphore_mem>>
        %dma_start3A_187 = arith.constant 0 : i32
        %dma_start3A_188 = arith.constant 0 : i32
        %dma_start3A_189 = tpu.memref_slice %arg16[%dma_start3A_187, %dma_start3A_188] : memref<128x16xf32, #tpu.memory_space<vmem>> -> memref<128x16xf32, #tpu.memory_space<vmem>>
        %dma_start3A_190 = arith.constant 0 : i32
        %dma_start3A_191 = tpu.memref_slice %arg18[%add3A_174, %dma_start3A_190] : memref<10112x16xf32, #tpu.memory_space<vmem_shared>> -> memref<128x16xf32, #tpu.memory_space<vmem_shared>>
        %dma_start3A_192 = arith.constant 0 : i32
        %dma_start3A_193 = arith.constant 0 : i32
        %dma_start3A_194 = tpu.memref_slice %arg16[%dma_start3A_192, %dma_start3A_193] : memref<128x16xf32, #tpu.memory_space<vmem>> -> memref<128x16xf32, #tpu.memory_space<vmem>>
        %dma_start3A_195 = arith.constant 0 : i32
        %dma_start3A_196 = tpu.memref_slice %arg18[%add3A_174, %dma_start3A_195] : memref<10112x16xf32, #tpu.memory_space<vmem_shared>> -> memref<128x16xf32, #tpu.memory_space<vmem_shared>>
        tpu.enqueue_dma source(%dma_start3A_196 : memref<128x16xf32, #tpu.memory_space<vmem_shared>>) target(%dma_start3A_194 : memref<128x16xf32, #tpu.memory_space<vmem>>) target_semaphore(%run_scoped3A : memref<!tpu.dma_semaphore, #tpu.memory_space<semaphore_mem>>)
        %dma_wait3A_197 = arith.constant 0 : i32
        %dma_wait3A_198 = arith.constant 0 : i32
        %dma_wait3A_199 = tpu.memref_slice %arg16[%dma_wait3A_197, %dma_wait3A_198] : memref<128x16xf32, #tpu.memory_space<vmem>> -> memref<128x16xf32, #tpu.memory_space<vmem>>
        %dma_wait3A_200 = arith.constant 0 : i32
        %dma_wait3A_201 = tpu.memref_slice %arg18[%add3A_174, %dma_wait3A_200] : memref<10112x16xf32, #tpu.memory_space<vmem_shared>> -> memref<128x16xf32, #tpu.memory_space<vmem_shared>>
        %dma_wait3A_202 = arith.constant 0 : i32
        %dma_wait3A_203 = arith.constant 0 : i32
        %dma_wait3A_204 = tpu.memref_slice %arg16[%dma_wait3A_202, %dma_wait3A_203] : memref<128x16xf32, #tpu.memory_space<vmem>> -> memref<128x16xf32, #tpu.memory_space<vmem>>
        %dma_wait3A_205 = arith.constant 0 : i32
        %dma_wait3A_206 = tpu.memref_slice %arg18[%add3A_174, %dma_wait3A_205] : memref<10112x16xf32, #tpu.memory_space<vmem_shared>> -> memref<128x16xf32, #tpu.memory_space<vmem_shared>>
        tpu.wait_dma2 semaphore(%run_scoped3A : memref<!tpu.dma_semaphore, #tpu.memory_space<semaphore_mem>>) src(%dma_wait3A_206 : memref<128x16xf32, #tpu.memory_space<vmem_shared>>) dst(%dma_wait3A_204 : memref<128x16xf32, #tpu.memory_space<vmem>>)
        tpu.yield
      }) : () -> ()
      %mul3A_175 = arith.constant 632 : i32
      %mul3A_176 = arith.muli %arg1, %mul3A_175 : i32
      %add3A_177 = arith.constant 384 : i32
      %add3A_178 = arith.addi %mul3A_176, %add3A_177 : i32
      "tpu.region"() ({
        %run_scoped3A = tpu.sem_alloc : memref<!tpu.dma_semaphore, #tpu.memory_space<semaphore_mem>>
        %dma_start3A_187 = arith.constant 0 : i32
        %dma_start3A_188 = arith.constant 0 : i32
        %dma_start3A_189 = tpu.memref_slice %arg16[%dma_start3A_187, %dma_start3A_188] : memref<128x16xf32, #tpu.memory_space<vmem>> -> memref<128x16xf32, #tpu.memory_space<vmem>>
        %dma_start3A_190 = arith.constant 0 : i32
        %dma_start3A_191 = tpu.memref_slice %arg8[%add3A_178, %dma_start3A_190] : memref<10112x16xf32, #tpu.memory_space<hbm>> -> memref<128x16xf32, #tpu.memory_space<hbm>>
        %dma_start3A_192 = arith.constant 0 : i32
        %dma_start3A_193 = tpu.memref_slice %arg8[%add3A_178, %dma_start3A_192] : memref<10112x16xf32, #tpu.memory_space<hbm>> -> memref<128x16xf32, #tpu.memory_space<hbm>>
        %dma_start3A_194 = arith.constant 0 : i32
        %dma_start3A_195 = arith.constant 0 : i32
        %dma_start3A_196 = tpu.memref_slice %arg16[%dma_start3A_194, %dma_start3A_195] : memref<128x16xf32, #tpu.memory_space<vmem>> -> memref<128x16xf32, #tpu.memory_space<vmem>>
        tpu.enqueue_dma source(%dma_start3A_196 : memref<128x16xf32, #tpu.memory_space<vmem>>) target(%dma_start3A_193 : memref<128x16xf32, #tpu.memory_space<hbm>>) target_semaphore(%run_scoped3A : memref<!tpu.dma_semaphore, #tpu.memory_space<semaphore_mem>>)
        %dma_wait3A_197 = arith.constant 0 : i32
        %dma_wait3A_198 = arith.constant 0 : i32
        %dma_wait3A_199 = tpu.memref_slice %arg16[%dma_wait3A_197, %dma_wait3A_198] : memref<128x16xf32, #tpu.memory_space<vmem>> -> memref<128x16xf32, #tpu.memory_space<vmem>>
        %dma_wait3A_200 = arith.constant 0 : i32
        %dma_wait3A_201 = tpu.memref_slice %arg8[%add3A_178, %dma_wait3A_200] : memref<10112x16xf32, #tpu.memory_space<hbm>> -> memref<128x16xf32, #tpu.memory_space<hbm>>
        %dma_wait3A_202 = arith.constant 0 : i32
        %dma_wait3A_203 = tpu.memref_slice %arg8[%add3A_178, %dma_wait3A_202] : memref<10112x16xf32, #tpu.memory_space<hbm>> -> memref<128x16xf32, #tpu.memory_space<hbm>>
        %dma_wait3A_204 = arith.constant 0 : i32
        %dma_wait3A_205 = arith.constant 0 : i32
        %dma_wait3A_206 = tpu.memref_slice %arg16[%dma_wait3A_204, %dma_wait3A_205] : memref<128x16xf32, #tpu.memory_space<vmem>> -> memref<128x16xf32, #tpu.memory_space<vmem>>
        tpu.wait_dma2 semaphore(%run_scoped3A : memref<!tpu.dma_semaphore, #tpu.memory_space<semaphore_mem>>) src(%dma_wait3A_206 : memref<128x16xf32, #tpu.memory_space<vmem>>) dst(%dma_wait3A_203 : memref<128x16xf32, #tpu.memory_space<hbm>>)
        tpu.yield
      }) : () -> ()
      %mul3A_179 = arith.constant 632 : i32
      %mul3A_180 = arith.muli %arg1, %mul3A_179 : i32
      %add3A_181 = arith.constant 512 : i32
      %add3A_182 = arith.addi %mul3A_180, %add3A_181 : i32
      "tpu.region"() ({
        %run_scoped3A = tpu.sem_alloc : memref<!tpu.dma_semaphore, #tpu.memory_space<semaphore_mem>>
        %dma_start3A_187 = arith.constant 0 : i32
        %dma_start3A_188 = arith.constant 0 : i32
        %dma_start3A_189 = tpu.memref_slice %arg16[%dma_start3A_187, %dma_start3A_188] : memref<128x16xf32, #tpu.memory_space<vmem>> -> memref<120x16xf32, #tpu.memory_space<vmem>>
        %dma_start3A_190 = arith.constant 0 : i32
        %dma_start3A_191 = tpu.memref_slice %arg18[%add3A_182, %dma_start3A_190] : memref<10112x16xf32, #tpu.memory_space<vmem_shared>> -> memref<120x16xf32, #tpu.memory_space<vmem_shared>>
        %dma_start3A_192 = arith.constant 0 : i32
        %dma_start3A_193 = arith.constant 0 : i32
        %dma_start3A_194 = tpu.memref_slice %arg16[%dma_start3A_192, %dma_start3A_193] : memref<128x16xf32, #tpu.memory_space<vmem>> -> memref<120x16xf32, #tpu.memory_space<vmem>>
        %dma_start3A_195 = arith.constant 0 : i32
        %dma_start3A_196 = tpu.memref_slice %arg18[%add3A_182, %dma_start3A_195] : memref<10112x16xf32, #tpu.memory_space<vmem_shared>> -> memref<120x16xf32, #tpu.memory_space<vmem_shared>>
        tpu.enqueue_dma source(%dma_start3A_196 : memref<120x16xf32, #tpu.memory_space<vmem_shared>>) target(%dma_start3A_194 : memref<120x16xf32, #tpu.memory_space<vmem>>) target_semaphore(%run_scoped3A : memref<!tpu.dma_semaphore, #tpu.memory_space<semaphore_mem>>)
        %dma_wait3A_197 = arith.constant 0 : i32
        %dma_wait3A_198 = arith.constant 0 : i32
        %dma_wait3A_199 = tpu.memref_slice %arg16[%dma_wait3A_197, %dma_wait3A_198] : memref<128x16xf32, #tpu.memory_space<vmem>> -> memref<120x16xf32, #tpu.memory_space<vmem>>
        %dma_wait3A_200 = arith.constant 0 : i32
        %dma_wait3A_201 = tpu.memref_slice %arg18[%add3A_182, %dma_wait3A_200] : memref<10112x16xf32, #tpu.memory_space<vmem_shared>> -> memref<120x16xf32, #tpu.memory_space<vmem_shared>>
        %dma_wait3A_202 = arith.constant 0 : i32
        %dma_wait3A_203 = arith.constant 0 : i32
        %dma_wait3A_204 = tpu.memref_slice %arg16[%dma_wait3A_202, %dma_wait3A_203] : memref<128x16xf32, #tpu.memory_space<vmem>> -> memref<120x16xf32, #tpu.memory_space<vmem>>
        %dma_wait3A_205 = arith.constant 0 : i32
        %dma_wait3A_206 = tpu.memref_slice %arg18[%add3A_182, %dma_wait3A_205] : memref<10112x16xf32, #tpu.memory_space<vmem_shared>> -> memref<120x16xf32, #tpu.memory_space<vmem_shared>>
        tpu.wait_dma2 semaphore(%run_scoped3A : memref<!tpu.dma_semaphore, #tpu.memory_space<semaphore_mem>>) src(%dma_wait3A_206 : memref<120x16xf32, #tpu.memory_space<vmem_shared>>) dst(%dma_wait3A_204 : memref<120x16xf32, #tpu.memory_space<vmem>>)
        tpu.yield
      }) : () -> ()
      %mul3A_183 = arith.constant 632 : i32
      %mul3A_184 = arith.muli %arg1, %mul3A_183 : i32
      %add3A_185 = arith.constant 512 : i32
      %add3A_186 = arith.addi %mul3A_184, %add3A_185 : i32
      "tpu.region"() ({
        %run_scoped3A = tpu.sem_alloc : memref<!tpu.dma_semaphore, #tpu.memory_space<semaphore_mem>>
        %dma_start3A_187 = arith.constant 0 : i32
        %dma_start3A_188 = arith.constant 0 : i32
        %dma_start3A_189 = tpu.memref_slice %arg16[%dma_start3A_187, %dma_start3A_188] : memref<128x16xf32, #tpu.memory_space<vmem>> -> memref<120x16xf32, #tpu.memory_space<vmem>>
        %dma_start3A_190 = arith.constant 0 : i32
        %dma_start3A_191 = tpu.memref_slice %arg8[%add3A_186, %dma_start3A_190] : memref<10112x16xf32, #tpu.memory_space<hbm>> -> memref<120x16xf32, #tpu.memory_space<hbm>>
        %dma_start3A_192 = arith.constant 0 : i32
        %dma_start3A_193 = tpu.memref_slice %arg8[%add3A_186, %dma_start3A_192] : memref<10112x16xf32, #tpu.memory_space<hbm>> -> memref<120x16xf32, #tpu.memory_space<hbm>>
        %dma_start3A_194 = arith.constant 0 : i32
        %dma_start3A_195 = arith.constant 0 : i32
        %dma_start3A_196 = tpu.memref_slice %arg16[%dma_start3A_194, %dma_start3A_195] : memref<128x16xf32, #tpu.memory_space<vmem>> -> memref<120x16xf32, #tpu.memory_space<vmem>>
        tpu.enqueue_dma source(%dma_start3A_196 : memref<120x16xf32, #tpu.memory_space<vmem>>) target(%dma_start3A_193 : memref<120x16xf32, #tpu.memory_space<hbm>>) target_semaphore(%run_scoped3A : memref<!tpu.dma_semaphore, #tpu.memory_space<semaphore_mem>>)
        %dma_wait3A_197 = arith.constant 0 : i32
        %dma_wait3A_198 = arith.constant 0 : i32
        %dma_wait3A_199 = tpu.memref_slice %arg16[%dma_wait3A_197, %dma_wait3A_198] : memref<128x16xf32, #tpu.memory_space<vmem>> -> memref<120x16xf32, #tpu.memory_space<vmem>>
        %dma_wait3A_200 = arith.constant 0 : i32
        %dma_wait3A_201 = tpu.memref_slice %arg8[%add3A_186, %dma_wait3A_200] : memref<10112x16xf32, #tpu.memory_space<hbm>> -> memref<120x16xf32, #tpu.memory_space<hbm>>
        %dma_wait3A_202 = arith.constant 0 : i32
        %dma_wait3A_203 = tpu.memref_slice %arg8[%add3A_186, %dma_wait3A_202] : memref<10112x16xf32, #tpu.memory_space<hbm>> -> memref<120x16xf32, #tpu.memory_space<hbm>>
        %dma_wait3A_204 = arith.constant 0 : i32
        %dma_wait3A_205 = arith.constant 0 : i32
        %dma_wait3A_206 = tpu.memref_slice %arg16[%dma_wait3A_204, %dma_wait3A_205] : memref<128x16xf32, #tpu.memory_space<vmem>> -> memref<120x16xf32, #tpu.memory_space<vmem>>
        tpu.wait_dma2 semaphore(%run_scoped3A : memref<!tpu.dma_semaphore, #tpu.memory_space<semaphore_mem>>) src(%dma_wait3A_206 : memref<120x16xf32, #tpu.memory_space<vmem>>) dst(%dma_wait3A_203 : memref<120x16xf32, #tpu.memory_space<hbm>>)
        tpu.yield
      }) : () -> ()
    } else {
    }
    return
  }
}

module attributes {stable_mosaic.version = 14 : i64} {
  func.func @body(%arg0: i32, %arg1: memref<1x2560x128xf32, #tpu.memory_space<vmem>>, %arg2: memref<1x2560x128xf32, #tpu.memory_space<vmem>>, %arg3: memref<2560x16xf32, #tpu.memory_space<vmem>>, %arg4: memref<2560x16xf32, #tpu.memory_space<vmem>>, %arg5: memref<128x128xbf16, #tpu.memory_space<vmem>>, %arg6: memref<128x128xbf16, #tpu.memory_space<vmem>>, %arg7: memref<128x128xbf16, #tpu.memory_space<vmem>>, %arg8: memref<128x128xbf16, #tpu.memory_space<vmem>>, %arg9: memref<32x128xbf16, #tpu.memory_space<vmem>>, %arg10: memref<32x128xbf16, #tpu.memory_space<vmem>>, %arg11: memref<1x128xf32, #tpu.memory_space<vmem>>, %arg12: memref<128x128xbf16, #tpu.memory_space<vmem>>, %arg13: memref<128x128xbf16, #tpu.memory_space<vmem>>, %arg14: memref<1x128xf32, #tpu.memory_space<vmem>>, %arg15: memref<128x64xbf16, #tpu.memory_space<vmem>>, %arg16: memref<128x64xbf16, #tpu.memory_space<vmem>>, %arg17: memref<1x64xf32, #tpu.memory_space<vmem>>, %arg18: memref<64x128xbf16, #tpu.memory_space<vmem>>, %arg19: memref<64x128xbf16, #tpu.memory_space<vmem>>, %arg20: memref<1x128xf32, #tpu.memory_space<vmem>>, %arg21: memref<128x128xbf16, #tpu.memory_space<vmem>>, %arg22: memref<128x128xbf16, #tpu.memory_space<vmem>>, %arg23: memref<1x128xf32, #tpu.memory_space<vmem>>, %arg24: memref<128x32xbf16, #tpu.memory_space<vmem>>, %arg25: memref<128x32xbf16, #tpu.memory_space<vmem>>, %arg26: memref<1x32xf32, #tpu.memory_space<vmem>>, %arg27: memref<128x128xbf16, #tpu.memory_space<vmem>>, %arg28: memref<128x128xbf16, #tpu.memory_space<vmem>>, %arg29: memref<32x128xbf16, #tpu.memory_space<vmem>>, %arg30: memref<32x128xbf16, #tpu.memory_space<vmem>>, %arg31: memref<1x128xf32, #tpu.memory_space<vmem>>, %arg32: memref<128x128xbf16, #tpu.memory_space<vmem>>, %arg33: memref<128x128xbf16, #tpu.memory_space<vmem>>, %arg34: memref<1x128xf32, #tpu.memory_space<vmem>>, %arg35: memref<2560x32xf32, #tpu.memory_space<vmem>>, %arg36: memref<2x2560x64xf32, #tpu.memory_space<vmem>>) attributes {dimension_semantics = [#tpu.dimension_semantics<arbitrary>], iteration_bounds = array<i64: 125>, scalar_prefetch = 0 : i64, scratch_operands = 0 : i64, tpu.core_type = #tpu.core_type<tc>, window_params = [{transform_indices = @transform_0, window_bounds = array<i64: 1, 2560, 128>}, {transform_indices = @transform_1, window_bounds = array<i64: 1, 2560, 128>}, {transform_indices = @transform_2, window_bounds = array<i64: 2560, 16>}, {transform_indices = @transform_3, window_bounds = array<i64: 2560, 16>}, {pipeline_mode = #tpu.pipeline_mode<synchronous>, transform_indices = @transform_4, window_bounds = array<i64: 128, 128>}, {pipeline_mode = #tpu.pipeline_mode<synchronous>, transform_indices = @transform_5, window_bounds = array<i64: 128, 128>}, {pipeline_mode = #tpu.pipeline_mode<synchronous>, transform_indices = @transform_6, window_bounds = array<i64: 128, 128>}, {pipeline_mode = #tpu.pipeline_mode<synchronous>, transform_indices = @transform_7, window_bounds = array<i64: 128, 128>}, {pipeline_mode = #tpu.pipeline_mode<synchronous>, transform_indices = @transform_8, window_bounds = array<i64: 32, 128>}, {pipeline_mode = #tpu.pipeline_mode<synchronous>, transform_indices = @transform_9, window_bounds = array<i64: 32, 128>}, {pipeline_mode = #tpu.pipeline_mode<synchronous>, transform_indices = @transform_10, window_bounds = array<i64: 1, 128>}, {pipeline_mode = #tpu.pipeline_mode<synchronous>, transform_indices = @transform_11, window_bounds = array<i64: 128, 128>}, {pipeline_mode = #tpu.pipeline_mode<synchronous>, transform_indices = @transform_12, window_bounds = array<i64: 128, 128>}, {pipeline_mode = #tpu.pipeline_mode<synchronous>, transform_indices = @transform_13, window_bounds = array<i64: 1, 128>}, {pipeline_mode = #tpu.pipeline_mode<synchronous>, transform_indices = @transform_14, window_bounds = array<i64: 128, 64>}, {pipeline_mode = #tpu.pipeline_mode<synchronous>, transform_indices = @transform_15, window_bounds = array<i64: 128, 64>}, {pipeline_mode = #tpu.pipeline_mode<synchronous>, transform_indices = @transform_16, window_bounds = array<i64: 1, 64>}, {pipeline_mode = #tpu.pipeline_mode<synchronous>, transform_indices = @transform_17, window_bounds = array<i64: 64, 128>}, {pipeline_mode = #tpu.pipeline_mode<synchronous>, transform_indices = @transform_18, window_bounds = array<i64: 64, 128>}, {pipeline_mode = #tpu.pipeline_mode<synchronous>, transform_indices = @transform_19, window_bounds = array<i64: 1, 128>}, {pipeline_mode = #tpu.pipeline_mode<synchronous>, transform_indices = @transform_20, window_bounds = array<i64: 128, 128>}, {pipeline_mode = #tpu.pipeline_mode<synchronous>, transform_indices = @transform_21, window_bounds = array<i64: 128, 128>}, {pipeline_mode = #tpu.pipeline_mode<synchronous>, transform_indices = @transform_22, window_bounds = array<i64: 1, 128>}, {pipeline_mode = #tpu.pipeline_mode<synchronous>, transform_indices = @transform_23, window_bounds = array<i64: 128, 32>}, {pipeline_mode = #tpu.pipeline_mode<synchronous>, transform_indices = @transform_24, window_bounds = array<i64: 128, 32>}, {pipeline_mode = #tpu.pipeline_mode<synchronous>, transform_indices = @transform_25, window_bounds = array<i64: 1, 32>}, {pipeline_mode = #tpu.pipeline_mode<synchronous>, transform_indices = @transform_26, window_bounds = array<i64: 128, 128>}, {pipeline_mode = #tpu.pipeline_mode<synchronous>, transform_indices = @transform_27, window_bounds = array<i64: 128, 128>}, {pipeline_mode = #tpu.pipeline_mode<synchronous>, transform_indices = @transform_28, window_bounds = array<i64: 32, 128>}, {pipeline_mode = #tpu.pipeline_mode<synchronous>, transform_indices = @transform_29, window_bounds = array<i64: 32, 128>}, {pipeline_mode = #tpu.pipeline_mode<synchronous>, transform_indices = @transform_30, window_bounds = array<i64: 1, 128>}, {pipeline_mode = #tpu.pipeline_mode<synchronous>, transform_indices = @transform_31, window_bounds = array<i64: 128, 128>}, {pipeline_mode = #tpu.pipeline_mode<synchronous>, transform_indices = @transform_32, window_bounds = array<i64: 128, 128>}, {pipeline_mode = #tpu.pipeline_mode<synchronous>, transform_indices = @transform_33, window_bounds = array<i64: 1, 128>}, {transform_indices = @transform_34, window_bounds = array<i64: 2560, 32>}, {transform_indices = @transform_35, window_bounds = array<i64: 2, 2560, 64>}]} {
    %get3A = arith.constant 0 : index
    %get3A_0 = arith.constant 0 : index
    %get3A_1 = arith.constant 0 : index
    %get3A_2 = vector.load %arg1[%get3A, %get3A_0, %get3A_1] : memref<1x2560x128xf32, #tpu.memory_space<vmem>>, vector<1x2560x128xf32>
    %get3A_3 = vector.shape_cast %get3A_2 : vector<1x2560x128xf32> to vector<2560x128xf32>
    %convert_element_type3A = arith.truncf %get3A_3 : vector<2560x128xf32> to vector<2560x128xbf16>
    %get3A_4 = arith.constant 0 : index
    %get3A_5 = arith.constant 0 : index
    %get3A_6 = arith.constant 0 : index
    %get3A_7 = vector.load %arg2[%get3A_4, %get3A_5, %get3A_6] : memref<1x2560x128xf32, #tpu.memory_space<vmem>>, vector<1x2560x128xf32>
    %get3A_8 = vector.shape_cast %get3A_7 : vector<1x2560x128xf32> to vector<2560x128xf32>
    %convert_element_type3A_9 = arith.truncf %get3A_8 : vector<2560x128xf32> to vector<2560x128xbf16>
    %get3A_10 = arith.constant 0 : index
    %get3A_11 = arith.constant 0 : index
    %get3A_12 = vector.load %arg3[%get3A_10, %get3A_11] : memref<2560x16xf32, #tpu.memory_space<vmem>>, vector<2560x16xf32>
    %get3A_13 = arith.constant 0 : index
    %get3A_14 = arith.constant 0 : index
    %get3A_15 = vector.load %arg4[%get3A_13, %get3A_14] : memref<2560x16xf32, #tpu.memory_space<vmem>>, vector<2560x16xf32>
    %concatenate3A = tpu.concatenate %get3A_12, %get3A_15 in 1 : vector<2560x16xf32>, vector<2560x16xf32> -> vector<2560x32xf32>
    %get3A_16 = arith.constant 0 : index
    %get3A_17 = arith.constant 0 : index
    %get3A_18 = vector.load %arg5[%get3A_16, %get3A_17] : memref<128x128xbf16, #tpu.memory_space<vmem>>, vector<128x128xbf16>
    %dot_general3A = arith.constant dense<0.000000e+00> : vector<2560x128xf32>
    %dot_general3A_19 = tpu.matmul %convert_element_type3A, %get3A_18, %dot_general3A {dimension_numbers = #tpu.dot_dimension_numbers<[1], [0], [0], [1], [0, 0, 1, 1], [], []>, transpose_lhs_hint = false} : vector<2560x128xbf16>, vector<128x128xbf16>, vector<2560x128xf32> -> vector<2560x128xf32>
    %get3A_20 = arith.constant 0 : index
    %get3A_21 = arith.constant 0 : index
    %get3A_22 = vector.load %arg6[%get3A_20, %get3A_21] : memref<128x128xbf16, #tpu.memory_space<vmem>>, vector<128x128xbf16>
    %dot_general3A_23 = arith.constant dense<0.000000e+00> : vector<2560x128xf32>
    %dot_general3A_24 = tpu.matmul %convert_element_type3A, %get3A_22, %dot_general3A_23 {dimension_numbers = #tpu.dot_dimension_numbers<[1], [0], [0], [1], [0, 0, 1, 1], [], []>, transpose_lhs_hint = false} : vector<2560x128xbf16>, vector<128x128xbf16>, vector<2560x128xf32> -> vector<2560x128xf32>
    %add3A = arith.addf %dot_general3A_19, %dot_general3A_24 : vector<2560x128xf32>
    %get3A_25 = arith.constant 0 : index
    %get3A_26 = arith.constant 0 : index
    %get3A_27 = vector.load %arg7[%get3A_25, %get3A_26] : memref<128x128xbf16, #tpu.memory_space<vmem>>, vector<128x128xbf16>
    %dot_general3A_28 = arith.constant dense<0.000000e+00> : vector<2560x128xf32>
    %dot_general3A_29 = tpu.matmul %convert_element_type3A_9, %get3A_27, %dot_general3A_28 {dimension_numbers = #tpu.dot_dimension_numbers<[1], [0], [0], [1], [0, 0, 1, 1], [], []>, transpose_lhs_hint = false} : vector<2560x128xbf16>, vector<128x128xbf16>, vector<2560x128xf32> -> vector<2560x128xf32>
    %get3A_30 = arith.constant 0 : index
    %get3A_31 = arith.constant 0 : index
    %get3A_32 = vector.load %arg8[%get3A_30, %get3A_31] : memref<128x128xbf16, #tpu.memory_space<vmem>>, vector<128x128xbf16>
    %dot_general3A_33 = arith.constant dense<0.000000e+00> : vector<2560x128xf32>
    %dot_general3A_34 = tpu.matmul %convert_element_type3A_9, %get3A_32, %dot_general3A_33 {dimension_numbers = #tpu.dot_dimension_numbers<[1], [0], [0], [1], [0, 0, 1, 1], [], []>, transpose_lhs_hint = false} : vector<2560x128xbf16>, vector<128x128xbf16>, vector<2560x128xf32> -> vector<2560x128xf32>
    %add3A_35 = arith.addf %dot_general3A_29, %dot_general3A_34 : vector<2560x128xf32>
    %add3A_36 = arith.addf %add3A, %add3A_35 : vector<2560x128xf32>
    %convert_element_type3A_37 = arith.truncf %concatenate3A : vector<2560x32xf32> to vector<2560x32xbf16>
    %convert_element_type3A_38 = arith.extf %convert_element_type3A_37 : vector<2560x32xbf16> to vector<2560x32xf32>
    %sub3A = arith.subf %concatenate3A, %convert_element_type3A_38 : vector<2560x32xf32>
    %convert_element_type3A_39 = arith.truncf %sub3A : vector<2560x32xf32> to vector<2560x32xbf16>
    %get3A_40 = arith.constant 0 : index
    %get3A_41 = arith.constant 0 : index
    %get3A_42 = vector.load %arg9[%get3A_40, %get3A_41] : memref<32x128xbf16, #tpu.memory_space<vmem>>, vector<32x128xbf16>
    %dot_general3A_43 = arith.constant dense<0.000000e+00> : vector<2560x128xf32>
    %dot_general3A_44 = tpu.matmul %convert_element_type3A_37, %get3A_42, %dot_general3A_43 {dimension_numbers = #tpu.dot_dimension_numbers<[1], [0], [0], [1], [0, 0, 1, 1], [], []>, transpose_lhs_hint = false} : vector<2560x32xbf16>, vector<32x128xbf16>, vector<2560x128xf32> -> vector<2560x128xf32>
    %get3A_45 = arith.constant 0 : index
    %get3A_46 = arith.constant 0 : index
    %get3A_47 = vector.load %arg10[%get3A_45, %get3A_46] : memref<32x128xbf16, #tpu.memory_space<vmem>>, vector<32x128xbf16>
    %dot_general3A_48 = arith.constant dense<0.000000e+00> : vector<2560x128xf32>
    %dot_general3A_49 = tpu.matmul %convert_element_type3A_37, %get3A_47, %dot_general3A_48 {dimension_numbers = #tpu.dot_dimension_numbers<[1], [0], [0], [1], [0, 0, 1, 1], [], []>, transpose_lhs_hint = false} : vector<2560x32xbf16>, vector<32x128xbf16>, vector<2560x128xf32> -> vector<2560x128xf32>
    %get3A_50 = arith.constant 0 : index
    %get3A_51 = arith.constant 0 : index
    %get3A_52 = vector.load %arg9[%get3A_50, %get3A_51] : memref<32x128xbf16, #tpu.memory_space<vmem>>, vector<32x128xbf16>
    %dot_general3A_53 = arith.constant dense<0.000000e+00> : vector<2560x128xf32>
    %dot_general3A_54 = tpu.matmul %convert_element_type3A_39, %get3A_52, %dot_general3A_53 {dimension_numbers = #tpu.dot_dimension_numbers<[1], [0], [0], [1], [0, 0, 1, 1], [], []>, transpose_lhs_hint = false} : vector<2560x32xbf16>, vector<32x128xbf16>, vector<2560x128xf32> -> vector<2560x128xf32>
    %add3A_55 = arith.addf %dot_general3A_49, %dot_general3A_54 : vector<2560x128xf32>
    %add3A_56 = arith.addf %dot_general3A_44, %add3A_55 : vector<2560x128xf32>
    %add3A_57 = arith.addf %add3A_36, %add3A_56 : vector<2560x128xf32>
    %get3A_58 = arith.constant 0 : index
    %get3A_59 = arith.constant 0 : index
    %get3A_60 = vector.load %arg11[%get3A_58, %get3A_59] : memref<1x128xf32, #tpu.memory_space<vmem>>, vector<1x128xf32>
    %add3A_61 = vector.broadcast %get3A_60 : vector<1x128xf32> to vector<2560x128xf32>
    %add3A_62 = arith.addf %add3A_57, %add3A_61 : vector<2560x128xf32>
    %neg3A = arith.constant 0.000000e+00 : f32
    %neg3A_63 = vector.broadcast %neg3A : f32 to vector<2560x128xf32>
    %neg3A_64 = arith.subf %neg3A_63, %add3A_62 : vector<2560x128xf32>
    %exp3A = math.exp %neg3A_64 : vector<2560x128xf32>
    %add3A_65 = arith.constant 1.000000e+00 : f32
    %add3A_66 = vector.broadcast %add3A_65 : f32 to vector<2560x128xf32>
    %add3A_67 = arith.addf %add3A_66, %exp3A : vector<2560x128xf32>
    %div3A = arith.constant 1.000000e+00 : f32
    %div3A_68 = vector.broadcast %div3A : f32 to vector<2560x128xf32>
    %div3A_69 = arith.divf %div3A_68, %add3A_67 : vector<2560x128xf32>
    %mul3A = arith.mulf %add3A_62, %div3A_69 : vector<2560x128xf32>
    %convert_element_type3A_70 = arith.truncf %mul3A : vector<2560x128xf32> to vector<2560x128xbf16>
    %convert_element_type3A_71 = arith.extf %convert_element_type3A_70 : vector<2560x128xbf16> to vector<2560x128xf32>
    %sub3A_72 = arith.subf %mul3A, %convert_element_type3A_71 : vector<2560x128xf32>
    %convert_element_type3A_73 = arith.truncf %sub3A_72 : vector<2560x128xf32> to vector<2560x128xbf16>
    %get3A_74 = arith.constant 0 : index
    %get3A_75 = arith.constant 0 : index
    %get3A_76 = vector.load %arg12[%get3A_74, %get3A_75] : memref<128x128xbf16, #tpu.memory_space<vmem>>, vector<128x128xbf16>
    %dot_general3A_77 = arith.constant dense<0.000000e+00> : vector<2560x128xf32>
    %dot_general3A_78 = tpu.matmul %convert_element_type3A_70, %get3A_76, %dot_general3A_77 {dimension_numbers = #tpu.dot_dimension_numbers<[1], [0], [0], [1], [0, 0, 1, 1], [], []>, transpose_lhs_hint = false} : vector<2560x128xbf16>, vector<128x128xbf16>, vector<2560x128xf32> -> vector<2560x128xf32>
    %get3A_79 = arith.constant 0 : index
    %get3A_80 = arith.constant 0 : index
    %get3A_81 = vector.load %arg13[%get3A_79, %get3A_80] : memref<128x128xbf16, #tpu.memory_space<vmem>>, vector<128x128xbf16>
    %dot_general3A_82 = arith.constant dense<0.000000e+00> : vector<2560x128xf32>
    %dot_general3A_83 = tpu.matmul %convert_element_type3A_70, %get3A_81, %dot_general3A_82 {dimension_numbers = #tpu.dot_dimension_numbers<[1], [0], [0], [1], [0, 0, 1, 1], [], []>, transpose_lhs_hint = false} : vector<2560x128xbf16>, vector<128x128xbf16>, vector<2560x128xf32> -> vector<2560x128xf32>
    %get3A_84 = arith.constant 0 : index
    %get3A_85 = arith.constant 0 : index
    %get3A_86 = vector.load %arg12[%get3A_84, %get3A_85] : memref<128x128xbf16, #tpu.memory_space<vmem>>, vector<128x128xbf16>
    %dot_general3A_87 = arith.constant dense<0.000000e+00> : vector<2560x128xf32>
    %dot_general3A_88 = tpu.matmul %convert_element_type3A_73, %get3A_86, %dot_general3A_87 {dimension_numbers = #tpu.dot_dimension_numbers<[1], [0], [0], [1], [0, 0, 1, 1], [], []>, transpose_lhs_hint = false} : vector<2560x128xbf16>, vector<128x128xbf16>, vector<2560x128xf32> -> vector<2560x128xf32>
    %add3A_89 = arith.addf %dot_general3A_83, %dot_general3A_88 : vector<2560x128xf32>
    %add3A_90 = arith.addf %dot_general3A_78, %add3A_89 : vector<2560x128xf32>
    %get3A_91 = arith.constant 0 : index
    %get3A_92 = arith.constant 0 : index
    %get3A_93 = vector.load %arg14[%get3A_91, %get3A_92] : memref<1x128xf32, #tpu.memory_space<vmem>>, vector<1x128xf32>
    %add3A_94 = vector.broadcast %get3A_93 : vector<1x128xf32> to vector<2560x128xf32>
    %add3A_95 = arith.addf %add3A_90, %add3A_94 : vector<2560x128xf32>
    %neg3A_96 = arith.constant 0.000000e+00 : f32
    %neg3A_97 = vector.broadcast %neg3A_96 : f32 to vector<2560x128xf32>
    %neg3A_98 = arith.subf %neg3A_97, %add3A_95 : vector<2560x128xf32>
    %exp3A_99 = math.exp %neg3A_98 : vector<2560x128xf32>
    %add3A_100 = arith.constant 1.000000e+00 : f32
    %add3A_101 = vector.broadcast %add3A_100 : f32 to vector<2560x128xf32>
    %add3A_102 = arith.addf %add3A_101, %exp3A_99 : vector<2560x128xf32>
    %div3A_103 = arith.constant 1.000000e+00 : f32
    %div3A_104 = vector.broadcast %div3A_103 : f32 to vector<2560x128xf32>
    %div3A_105 = arith.divf %div3A_104, %add3A_102 : vector<2560x128xf32>
    %mul3A_106 = arith.mulf %add3A_95, %div3A_105 : vector<2560x128xf32>
    %convert_element_type3A_107 = arith.truncf %mul3A_106 : vector<2560x128xf32> to vector<2560x128xbf16>
    %convert_element_type3A_108 = arith.extf %convert_element_type3A_107 : vector<2560x128xbf16> to vector<2560x128xf32>
    %sub3A_109 = arith.subf %mul3A_106, %convert_element_type3A_108 : vector<2560x128xf32>
    %convert_element_type3A_110 = arith.truncf %sub3A_109 : vector<2560x128xf32> to vector<2560x128xbf16>
    %get3A_111 = arith.constant 0 : index
    %get3A_112 = arith.constant 0 : index
    %get3A_113 = vector.load %arg15[%get3A_111, %get3A_112] : memref<128x64xbf16, #tpu.memory_space<vmem>>, vector<128x64xbf16>
    %dot_general3A_114 = arith.constant dense<0.000000e+00> : vector<2560x64xf32>
    %dot_general3A_115 = tpu.matmul %convert_element_type3A_107, %get3A_113, %dot_general3A_114 {dimension_numbers = #tpu.dot_dimension_numbers<[1], [0], [0], [1], [0, 0, 1, 1], [], []>, transpose_lhs_hint = false} : vector<2560x128xbf16>, vector<128x64xbf16>, vector<2560x64xf32> -> vector<2560x64xf32>
    %get3A_116 = arith.constant 0 : index
    %get3A_117 = arith.constant 0 : index
    %get3A_118 = vector.load %arg16[%get3A_116, %get3A_117] : memref<128x64xbf16, #tpu.memory_space<vmem>>, vector<128x64xbf16>
    %dot_general3A_119 = arith.constant dense<0.000000e+00> : vector<2560x64xf32>
    %dot_general3A_120 = tpu.matmul %convert_element_type3A_107, %get3A_118, %dot_general3A_119 {dimension_numbers = #tpu.dot_dimension_numbers<[1], [0], [0], [1], [0, 0, 1, 1], [], []>, transpose_lhs_hint = false} : vector<2560x128xbf16>, vector<128x64xbf16>, vector<2560x64xf32> -> vector<2560x64xf32>
    %get3A_121 = arith.constant 0 : index
    %get3A_122 = arith.constant 0 : index
    %get3A_123 = vector.load %arg15[%get3A_121, %get3A_122] : memref<128x64xbf16, #tpu.memory_space<vmem>>, vector<128x64xbf16>
    %dot_general3A_124 = arith.constant dense<0.000000e+00> : vector<2560x64xf32>
    %dot_general3A_125 = tpu.matmul %convert_element_type3A_110, %get3A_123, %dot_general3A_124 {dimension_numbers = #tpu.dot_dimension_numbers<[1], [0], [0], [1], [0, 0, 1, 1], [], []>, transpose_lhs_hint = false} : vector<2560x128xbf16>, vector<128x64xbf16>, vector<2560x64xf32> -> vector<2560x64xf32>
    %add3A_126 = arith.addf %dot_general3A_120, %dot_general3A_125 : vector<2560x64xf32>
    %add3A_127 = arith.addf %dot_general3A_115, %add3A_126 : vector<2560x64xf32>
    %get3A_128 = arith.constant 0 : index
    %get3A_129 = arith.constant 0 : index
    %get3A_130 = vector.load %arg17[%get3A_128, %get3A_129] : memref<1x64xf32, #tpu.memory_space<vmem>>, vector<1x64xf32>
    %add3A_131 = vector.broadcast %get3A_130 : vector<1x64xf32> to vector<2560x64xf32>
    %add3A_132 = arith.addf %add3A_127, %add3A_131 : vector<2560x64xf32>
    %neg3A_133 = arith.constant 0.000000e+00 : f32
    %neg3A_134 = vector.broadcast %neg3A_133 : f32 to vector<2560x64xf32>
    %neg3A_135 = arith.subf %neg3A_134, %add3A_132 : vector<2560x64xf32>
    %exp3A_136 = math.exp %neg3A_135 : vector<2560x64xf32>
    %add3A_137 = arith.constant 1.000000e+00 : f32
    %add3A_138 = vector.broadcast %add3A_137 : f32 to vector<2560x64xf32>
    %add3A_139 = arith.addf %add3A_138, %exp3A_136 : vector<2560x64xf32>
    %div3A_140 = arith.constant 1.000000e+00 : f32
    %div3A_141 = vector.broadcast %div3A_140 : f32 to vector<2560x64xf32>
    %div3A_142 = arith.divf %div3A_141, %add3A_139 : vector<2560x64xf32>
    %mul3A_143 = arith.mulf %add3A_132, %div3A_142 : vector<2560x64xf32>
    %convert_element_type3A_144 = arith.truncf %mul3A_143 : vector<2560x64xf32> to vector<2560x64xbf16>
    %convert_element_type3A_145 = arith.extf %convert_element_type3A_144 : vector<2560x64xbf16> to vector<2560x64xf32>
    %sub3A_146 = arith.subf %mul3A_143, %convert_element_type3A_145 : vector<2560x64xf32>
    %convert_element_type3A_147 = arith.truncf %sub3A_146 : vector<2560x64xf32> to vector<2560x64xbf16>
    %get3A_148 = arith.constant 0 : index
    %get3A_149 = arith.constant 0 : index
    %get3A_150 = vector.load %arg18[%get3A_148, %get3A_149] : memref<64x128xbf16, #tpu.memory_space<vmem>>, vector<64x128xbf16>
    %dot_general3A_151 = arith.constant dense<0.000000e+00> : vector<2560x128xf32>
    %dot_general3A_152 = tpu.matmul %convert_element_type3A_144, %get3A_150, %dot_general3A_151 {dimension_numbers = #tpu.dot_dimension_numbers<[1], [0], [0], [1], [0, 0, 1, 1], [], []>, transpose_lhs_hint = false} : vector<2560x64xbf16>, vector<64x128xbf16>, vector<2560x128xf32> -> vector<2560x128xf32>
    %get3A_153 = arith.constant 0 : index
    %get3A_154 = arith.constant 0 : index
    %get3A_155 = vector.load %arg19[%get3A_153, %get3A_154] : memref<64x128xbf16, #tpu.memory_space<vmem>>, vector<64x128xbf16>
    %dot_general3A_156 = arith.constant dense<0.000000e+00> : vector<2560x128xf32>
    %dot_general3A_157 = tpu.matmul %convert_element_type3A_144, %get3A_155, %dot_general3A_156 {dimension_numbers = #tpu.dot_dimension_numbers<[1], [0], [0], [1], [0, 0, 1, 1], [], []>, transpose_lhs_hint = false} : vector<2560x64xbf16>, vector<64x128xbf16>, vector<2560x128xf32> -> vector<2560x128xf32>
    %get3A_158 = arith.constant 0 : index
    %get3A_159 = arith.constant 0 : index
    %get3A_160 = vector.load %arg18[%get3A_158, %get3A_159] : memref<64x128xbf16, #tpu.memory_space<vmem>>, vector<64x128xbf16>
    %dot_general3A_161 = arith.constant dense<0.000000e+00> : vector<2560x128xf32>
    %dot_general3A_162 = tpu.matmul %convert_element_type3A_147, %get3A_160, %dot_general3A_161 {dimension_numbers = #tpu.dot_dimension_numbers<[1], [0], [0], [1], [0, 0, 1, 1], [], []>, transpose_lhs_hint = false} : vector<2560x64xbf16>, vector<64x128xbf16>, vector<2560x128xf32> -> vector<2560x128xf32>
    %add3A_163 = arith.addf %dot_general3A_157, %dot_general3A_162 : vector<2560x128xf32>
    %add3A_164 = arith.addf %dot_general3A_152, %add3A_163 : vector<2560x128xf32>
    %get3A_165 = arith.constant 0 : index
    %get3A_166 = arith.constant 0 : index
    %get3A_167 = vector.load %arg20[%get3A_165, %get3A_166] : memref<1x128xf32, #tpu.memory_space<vmem>>, vector<1x128xf32>
    %add3A_168 = vector.broadcast %get3A_167 : vector<1x128xf32> to vector<2560x128xf32>
    %add3A_169 = arith.addf %add3A_164, %add3A_168 : vector<2560x128xf32>
    %ge3A = arith.constant 0.000000e+00 : f32
    %ge3A_170 = vector.broadcast %ge3A : f32 to vector<2560x128xf32>
    %ge3A_171 = arith.cmpf oge, %add3A_169, %ge3A_170 : vector<2560x128xf32>
    %mul3A_172 = arith.constant 0.00999999977 : f32
    %mul3A_173 = vector.broadcast %mul3A_172 : f32 to vector<2560x128xf32>
    %mul3A_174 = arith.mulf %mul3A_173, %add3A_169 : vector<2560x128xf32>
    %select_n3A = arith.select %ge3A_171, %add3A_169, %mul3A_174 : vector<2560x128xi1>, vector<2560x128xf32>
    %convert_element_type3A_175 = arith.truncf %select_n3A : vector<2560x128xf32> to vector<2560x128xbf16>
    %convert_element_type3A_176 = arith.extf %convert_element_type3A_175 : vector<2560x128xbf16> to vector<2560x128xf32>
    %sub3A_177 = arith.subf %select_n3A, %convert_element_type3A_176 : vector<2560x128xf32>
    %convert_element_type3A_178 = arith.truncf %sub3A_177 : vector<2560x128xf32> to vector<2560x128xbf16>
    %get3A_179 = arith.constant 0 : index
    %get3A_180 = arith.constant 0 : index
    %get3A_181 = vector.load %arg21[%get3A_179, %get3A_180] : memref<128x128xbf16, #tpu.memory_space<vmem>>, vector<128x128xbf16>
    %dot_general3A_182 = arith.constant dense<0.000000e+00> : vector<2560x128xf32>
    %dot_general3A_183 = tpu.matmul %convert_element_type3A_175, %get3A_181, %dot_general3A_182 {dimension_numbers = #tpu.dot_dimension_numbers<[1], [0], [0], [1], [0, 0, 1, 1], [], []>, transpose_lhs_hint = false} : vector<2560x128xbf16>, vector<128x128xbf16>, vector<2560x128xf32> -> vector<2560x128xf32>
    %get3A_184 = arith.constant 0 : index
    %get3A_185 = arith.constant 0 : index
    %get3A_186 = vector.load %arg22[%get3A_184, %get3A_185] : memref<128x128xbf16, #tpu.memory_space<vmem>>, vector<128x128xbf16>
    %dot_general3A_187 = arith.constant dense<0.000000e+00> : vector<2560x128xf32>
    %dot_general3A_188 = tpu.matmul %convert_element_type3A_175, %get3A_186, %dot_general3A_187 {dimension_numbers = #tpu.dot_dimension_numbers<[1], [0], [0], [1], [0, 0, 1, 1], [], []>, transpose_lhs_hint = false} : vector<2560x128xbf16>, vector<128x128xbf16>, vector<2560x128xf32> -> vector<2560x128xf32>
    %get3A_189 = arith.constant 0 : index
    %get3A_190 = arith.constant 0 : index
    %get3A_191 = vector.load %arg21[%get3A_189, %get3A_190] : memref<128x128xbf16, #tpu.memory_space<vmem>>, vector<128x128xbf16>
    %dot_general3A_192 = arith.constant dense<0.000000e+00> : vector<2560x128xf32>
    %dot_general3A_193 = tpu.matmul %convert_element_type3A_178, %get3A_191, %dot_general3A_192 {dimension_numbers = #tpu.dot_dimension_numbers<[1], [0], [0], [1], [0, 0, 1, 1], [], []>, transpose_lhs_hint = false} : vector<2560x128xbf16>, vector<128x128xbf16>, vector<2560x128xf32> -> vector<2560x128xf32>
    %add3A_194 = arith.addf %dot_general3A_188, %dot_general3A_193 : vector<2560x128xf32>
    %add3A_195 = arith.addf %dot_general3A_183, %add3A_194 : vector<2560x128xf32>
    %get3A_196 = arith.constant 0 : index
    %get3A_197 = arith.constant 0 : index
    %get3A_198 = vector.load %arg23[%get3A_196, %get3A_197] : memref<1x128xf32, #tpu.memory_space<vmem>>, vector<1x128xf32>
    %add3A_199 = vector.broadcast %get3A_198 : vector<1x128xf32> to vector<2560x128xf32>
    %add3A_200 = arith.addf %add3A_195, %add3A_199 : vector<2560x128xf32>
    %neg3A_201 = arith.constant 0.000000e+00 : f32
    %neg3A_202 = vector.broadcast %neg3A_201 : f32 to vector<2560x128xf32>
    %neg3A_203 = arith.subf %neg3A_202, %add3A_200 : vector<2560x128xf32>
    %exp3A_204 = math.exp %neg3A_203 : vector<2560x128xf32>
    %add3A_205 = arith.constant 1.000000e+00 : f32
    %add3A_206 = vector.broadcast %add3A_205 : f32 to vector<2560x128xf32>
    %add3A_207 = arith.addf %add3A_206, %exp3A_204 : vector<2560x128xf32>
    %div3A_208 = arith.constant 1.000000e+00 : f32
    %div3A_209 = vector.broadcast %div3A_208 : f32 to vector<2560x128xf32>
    %div3A_210 = arith.divf %div3A_209, %add3A_207 : vector<2560x128xf32>
    %mul3A_211 = arith.mulf %add3A_200, %div3A_210 : vector<2560x128xf32>
    %convert_element_type3A_212 = arith.truncf %mul3A_211 : vector<2560x128xf32> to vector<2560x128xbf16>
    %convert_element_type3A_213 = arith.extf %convert_element_type3A_212 : vector<2560x128xbf16> to vector<2560x128xf32>
    %sub3A_214 = arith.subf %mul3A_211, %convert_element_type3A_213 : vector<2560x128xf32>
    %convert_element_type3A_215 = arith.truncf %sub3A_214 : vector<2560x128xf32> to vector<2560x128xbf16>
    %get3A_216 = arith.constant 0 : index
    %get3A_217 = arith.constant 0 : index
    %get3A_218 = vector.load %arg24[%get3A_216, %get3A_217] : memref<128x32xbf16, #tpu.memory_space<vmem>>, vector<128x32xbf16>
    %dot_general3A_219 = arith.constant dense<0.000000e+00> : vector<2560x32xf32>
    %dot_general3A_220 = tpu.matmul %convert_element_type3A_212, %get3A_218, %dot_general3A_219 {dimension_numbers = #tpu.dot_dimension_numbers<[1], [0], [0], [1], [0, 0, 1, 1], [], []>, transpose_lhs_hint = false} : vector<2560x128xbf16>, vector<128x32xbf16>, vector<2560x32xf32> -> vector<2560x32xf32>
    %get3A_221 = arith.constant 0 : index
    %get3A_222 = arith.constant 0 : index
    %get3A_223 = vector.load %arg25[%get3A_221, %get3A_222] : memref<128x32xbf16, #tpu.memory_space<vmem>>, vector<128x32xbf16>
    %dot_general3A_224 = arith.constant dense<0.000000e+00> : vector<2560x32xf32>
    %dot_general3A_225 = tpu.matmul %convert_element_type3A_212, %get3A_223, %dot_general3A_224 {dimension_numbers = #tpu.dot_dimension_numbers<[1], [0], [0], [1], [0, 0, 1, 1], [], []>, transpose_lhs_hint = false} : vector<2560x128xbf16>, vector<128x32xbf16>, vector<2560x32xf32> -> vector<2560x32xf32>
    %get3A_226 = arith.constant 0 : index
    %get3A_227 = arith.constant 0 : index
    %get3A_228 = vector.load %arg24[%get3A_226, %get3A_227] : memref<128x32xbf16, #tpu.memory_space<vmem>>, vector<128x32xbf16>
    %dot_general3A_229 = arith.constant dense<0.000000e+00> : vector<2560x32xf32>
    %dot_general3A_230 = tpu.matmul %convert_element_type3A_215, %get3A_228, %dot_general3A_229 {dimension_numbers = #tpu.dot_dimension_numbers<[1], [0], [0], [1], [0, 0, 1, 1], [], []>, transpose_lhs_hint = false} : vector<2560x128xbf16>, vector<128x32xbf16>, vector<2560x32xf32> -> vector<2560x32xf32>
    %add3A_231 = arith.addf %dot_general3A_225, %dot_general3A_230 : vector<2560x32xf32>
    %add3A_232 = arith.addf %dot_general3A_220, %add3A_231 : vector<2560x32xf32>
    %get3A_233 = arith.constant 0 : index
    %get3A_234 = arith.constant 0 : index
    %get3A_235 = vector.load %arg26[%get3A_233, %get3A_234] : memref<1x32xf32, #tpu.memory_space<vmem>>, vector<1x32xf32>
    %add3A_236 = vector.broadcast %get3A_235 : vector<1x32xf32> to vector<2560x32xf32>
    %add3A_237 = arith.addf %add3A_232, %add3A_236 : vector<2560x32xf32>
    %add3A_238 = arith.addf %add3A_237, %concatenate3A : vector<2560x32xf32>
    %swap3A = arith.constant 0 : index
    %swap3A_239 = arith.constant 0 : index
    %swap3A_240 = vector.load %arg35[%swap3A, %swap3A_239] : memref<2560x32xf32, #tpu.memory_space<vmem>>, vector<2560x32xf32>
    tpu.vector_store %arg35[%swap3A, %swap3A_239], %add3A_238 {strides = array<i32>} : memref<2560x32xf32, #tpu.memory_space<vmem>>, vector<2560x32xf32>,
    %get3A_241 = arith.constant 0 : index
    %get3A_242 = arith.constant 0 : index
    %get3A_243 = vector.load %arg27[%get3A_241, %get3A_242] : memref<128x128xbf16, #tpu.memory_space<vmem>>, vector<128x128xbf16>
    %dot_general3A_244 = arith.constant dense<0.000000e+00> : vector<2560x128xf32>
    %dot_general3A_245 = tpu.matmul %convert_element_type3A_9, %get3A_243, %dot_general3A_244 {dimension_numbers = #tpu.dot_dimension_numbers<[1], [0], [0], [1], [0, 0, 1, 1], [], []>, transpose_lhs_hint = false} : vector<2560x128xbf16>, vector<128x128xbf16>, vector<2560x128xf32> -> vector<2560x128xf32>
    %get3A_246 = arith.constant 0 : index
    %get3A_247 = arith.constant 0 : index
    %get3A_248 = vector.load %arg28[%get3A_246, %get3A_247] : memref<128x128xbf16, #tpu.memory_space<vmem>>, vector<128x128xbf16>
    %dot_general3A_249 = arith.constant dense<0.000000e+00> : vector<2560x128xf32>
    %dot_general3A_250 = tpu.matmul %convert_element_type3A_9, %get3A_248, %dot_general3A_249 {dimension_numbers = #tpu.dot_dimension_numbers<[1], [0], [0], [1], [0, 0, 1, 1], [], []>, transpose_lhs_hint = false} : vector<2560x128xbf16>, vector<128x128xbf16>, vector<2560x128xf32> -> vector<2560x128xf32>
    %add3A_251 = arith.addf %dot_general3A_245, %dot_general3A_250 : vector<2560x128xf32>
    %convert_element_type3A_252 = arith.truncf %add3A_238 : vector<2560x32xf32> to vector<2560x32xbf16>
    %convert_element_type3A_253 = arith.extf %convert_element_type3A_252 : vector<2560x32xbf16> to vector<2560x32xf32>
    %sub3A_254 = arith.subf %add3A_238, %convert_element_type3A_253 : vector<2560x32xf32>
    %convert_element_type3A_255 = arith.truncf %sub3A_254 : vector<2560x32xf32> to vector<2560x32xbf16>
    %get3A_256 = arith.constant 0 : index
    %get3A_257 = arith.constant 0 : index
    %get3A_258 = vector.load %arg29[%get3A_256, %get3A_257] : memref<32x128xbf16, #tpu.memory_space<vmem>>, vector<32x128xbf16>
    %dot_general3A_259 = arith.constant dense<0.000000e+00> : vector<2560x128xf32>
    %dot_general3A_260 = tpu.matmul %convert_element_type3A_252, %get3A_258, %dot_general3A_259 {dimension_numbers = #tpu.dot_dimension_numbers<[1], [0], [0], [1], [0, 0, 1, 1], [], []>, transpose_lhs_hint = false} : vector<2560x32xbf16>, vector<32x128xbf16>, vector<2560x128xf32> -> vector<2560x128xf32>
    %get3A_261 = arith.constant 0 : index
    %get3A_262 = arith.constant 0 : index
    %get3A_263 = vector.load %arg30[%get3A_261, %get3A_262] : memref<32x128xbf16, #tpu.memory_space<vmem>>, vector<32x128xbf16>
    %dot_general3A_264 = arith.constant dense<0.000000e+00> : vector<2560x128xf32>
    %dot_general3A_265 = tpu.matmul %convert_element_type3A_252, %get3A_263, %dot_general3A_264 {dimension_numbers = #tpu.dot_dimension_numbers<[1], [0], [0], [1], [0, 0, 1, 1], [], []>, transpose_lhs_hint = false} : vector<2560x32xbf16>, vector<32x128xbf16>, vector<2560x128xf32> -> vector<2560x128xf32>
    %get3A_266 = arith.constant 0 : index
    %get3A_267 = arith.constant 0 : index
    %get3A_268 = vector.load %arg29[%get3A_266, %get3A_267] : memref<32x128xbf16, #tpu.memory_space<vmem>>, vector<32x128xbf16>
    %dot_general3A_269 = arith.constant dense<0.000000e+00> : vector<2560x128xf32>
    %dot_general3A_270 = tpu.matmul %convert_element_type3A_255, %get3A_268, %dot_general3A_269 {dimension_numbers = #tpu.dot_dimension_numbers<[1], [0], [0], [1], [0, 0, 1, 1], [], []>, transpose_lhs_hint = false} : vector<2560x32xbf16>, vector<32x128xbf16>, vector<2560x128xf32> -> vector<2560x128xf32>
    %add3A_271 = arith.addf %dot_general3A_265, %dot_general3A_270 : vector<2560x128xf32>
    %add3A_272 = arith.addf %dot_general3A_260, %add3A_271 : vector<2560x128xf32>
    %add3A_273 = arith.addf %add3A_251, %add3A_272 : vector<2560x128xf32>
    %get3A_274 = arith.constant 0 : index
    %get3A_275 = arith.constant 0 : index
    %get3A_276 = vector.load %arg31[%get3A_274, %get3A_275] : memref<1x128xf32, #tpu.memory_space<vmem>>, vector<1x128xf32>
    %add3A_277 = vector.broadcast %get3A_276 : vector<1x128xf32> to vector<2560x128xf32>
    %add3A_278 = arith.addf %add3A_273, %add3A_277 : vector<2560x128xf32>
    %neg3A_279 = arith.constant 0.000000e+00 : f32
    %neg3A_280 = vector.broadcast %neg3A_279 : f32 to vector<2560x128xf32>
    %neg3A_281 = arith.subf %neg3A_280, %add3A_278 : vector<2560x128xf32>
    %exp3A_282 = math.exp %neg3A_281 : vector<2560x128xf32>
    %add3A_283 = arith.constant 1.000000e+00 : f32
    %add3A_284 = vector.broadcast %add3A_283 : f32 to vector<2560x128xf32>
    %add3A_285 = arith.addf %add3A_284, %exp3A_282 : vector<2560x128xf32>
    %div3A_286 = arith.constant 1.000000e+00 : f32
    %div3A_287 = vector.broadcast %div3A_286 : f32 to vector<2560x128xf32>
    %div3A_288 = arith.divf %div3A_287, %add3A_285 : vector<2560x128xf32>
    %mul3A_289 = arith.mulf %add3A_278, %div3A_288 : vector<2560x128xf32>
    %convert_element_type3A_290 = arith.truncf %mul3A_289 : vector<2560x128xf32> to vector<2560x128xbf16>
    %convert_element_type3A_291 = arith.extf %convert_element_type3A_290 : vector<2560x128xbf16> to vector<2560x128xf32>
    %sub3A_292 = arith.subf %mul3A_289, %convert_element_type3A_291 : vector<2560x128xf32>
    %convert_element_type3A_293 = arith.truncf %sub3A_292 : vector<2560x128xf32> to vector<2560x128xbf16>
    %get3A_294 = arith.constant 0 : index
    %get3A_295 = arith.constant 0 : index
    %get3A_296 = vector.load %arg32[%get3A_294, %get3A_295] : memref<128x128xbf16, #tpu.memory_space<vmem>>, vector<128x128xbf16>
    %dot_general3A_297 = arith.constant dense<0.000000e+00> : vector<2560x128xf32>
    %dot_general3A_298 = tpu.matmul %convert_element_type3A_290, %get3A_296, %dot_general3A_297 {dimension_numbers = #tpu.dot_dimension_numbers<[1], [0], [0], [1], [0, 0, 1, 1], [], []>, transpose_lhs_hint = false} : vector<2560x128xbf16>, vector<128x128xbf16>, vector<2560x128xf32> -> vector<2560x128xf32>
    %get3A_299 = arith.constant 0 : index
    %get3A_300 = arith.constant 0 : index
    %get3A_301 = vector.load %arg33[%get3A_299, %get3A_300] : memref<128x128xbf16, #tpu.memory_space<vmem>>, vector<128x128xbf16>
    %dot_general3A_302 = arith.constant dense<0.000000e+00> : vector<2560x128xf32>
    %dot_general3A_303 = tpu.matmul %convert_element_type3A_290, %get3A_301, %dot_general3A_302 {dimension_numbers = #tpu.dot_dimension_numbers<[1], [0], [0], [1], [0, 0, 1, 1], [], []>, transpose_lhs_hint = false} : vector<2560x128xbf16>, vector<128x128xbf16>, vector<2560x128xf32> -> vector<2560x128xf32>
    %get3A_304 = arith.constant 0 : index
    %get3A_305 = arith.constant 0 : index
    %get3A_306 = vector.load %arg32[%get3A_304, %get3A_305] : memref<128x128xbf16, #tpu.memory_space<vmem>>, vector<128x128xbf16>
    %dot_general3A_307 = arith.constant dense<0.000000e+00> : vector<2560x128xf32>
    %dot_general3A_308 = tpu.matmul %convert_element_type3A_293, %get3A_306, %dot_general3A_307 {dimension_numbers = #tpu.dot_dimension_numbers<[1], [0], [0], [1], [0, 0, 1, 1], [], []>, transpose_lhs_hint = false} : vector<2560x128xbf16>, vector<128x128xbf16>, vector<2560x128xf32> -> vector<2560x128xf32>
    %add3A_309 = arith.addf %dot_general3A_303, %dot_general3A_308 : vector<2560x128xf32>
    %add3A_310 = arith.addf %dot_general3A_298, %add3A_309 : vector<2560x128xf32>
    %get3A_311 = arith.constant 0 : index
    %get3A_312 = arith.constant 0 : index
    %get3A_313 = vector.load %arg34[%get3A_311, %get3A_312] : memref<1x128xf32, #tpu.memory_space<vmem>>, vector<1x128xf32>
    %add3A_314 = vector.broadcast %get3A_313 : vector<1x128xf32> to vector<2560x128xf32>
    %add3A_315 = arith.addf %add3A_310, %add3A_314 : vector<2560x128xf32>
    %slice3A = vector.extract_strided_slice %add3A_315 {offsets = [0, 0], sizes = [2560, 64], strides = [1, 1]} : vector<2560x128xf32> to vector<2560x64xf32>
    %swap3A_316 = arith.constant 0 : index
    %swap3A_317 = arith.constant 0 : index
    %swap3A_318 = arith.constant 0 : index
    %swap3A_319 = vector.load %arg36[%swap3A_316, %swap3A_317, %swap3A_318] : memref<2x2560x64xf32, #tpu.memory_space<vmem>>, vector<1x2560x64xf32>
    %swap3A_320 = vector.shape_cast %swap3A_319 : vector<1x2560x64xf32> to vector<2560x64xf32>
    %swap3A_321 = vector.shape_cast %slice3A : vector<2560x64xf32> to vector<1x2560x64xf32>
    tpu.vector_store %arg36[%swap3A_316, %swap3A_317, %swap3A_318], %swap3A_321 {strides = array<i32>} : memref<2x2560x64xf32, #tpu.memory_space<vmem>>, vector<1x2560x64xf32>,
    %slice3A_322 = vector.extract_strided_slice %add3A_315 {offsets = [0, 64], sizes = [2560, 64], strides = [1, 1]} : vector<2560x128xf32> to vector<2560x64xf32>
    %swap3A_323 = arith.constant 1 : index
    %swap3A_324 = arith.constant 0 : index
    %swap3A_325 = arith.constant 0 : index
    %swap3A_326 = vector.load %arg36[%swap3A_323, %swap3A_324, %swap3A_325] : memref<2x2560x64xf32, #tpu.memory_space<vmem>>, vector<1x2560x64xf32>
    %swap3A_327 = vector.shape_cast %swap3A_326 : vector<1x2560x64xf32> to vector<2560x64xf32>
    %swap3A_328 = vector.shape_cast %slice3A_322 : vector<2560x64xf32> to vector<1x2560x64xf32>
    tpu.vector_store %arg36[%swap3A_323, %swap3A_324, %swap3A_325], %swap3A_328 {strides = array<i32>} : memref<2x2560x64xf32, #tpu.memory_space<vmem>>, vector<1x2560x64xf32>,
    return
  }
  func.func @transform_0(%arg0: i32) -> (i32, i32, i32) {
    %c0_i32 = arith.constant 0 : i32
    %c0_i32_0 = arith.constant 0 : i32
    %c0_i32_1 = arith.constant 0 : i32
    return %c0_i32, %arg0, %c0_i32_0 : i32, i32, i32
  }
  func.func @transform_1(%arg0: i32) -> (i32, i32, i32) {
    %c1_i32 = arith.constant 1 : i32
    %c0_i32 = arith.constant 0 : i32
    %c0_i32_0 = arith.constant 0 : i32
    return %c1_i32, %arg0, %c0_i32 : i32, i32, i32
  }
  func.func @transform_2(%arg0: i32) -> (i32, i32) {
    %c0_i32 = arith.constant 0 : i32
    %c0_i32_0 = arith.constant 0 : i32
    return %arg0, %c0_i32 : i32, i32
  }
  func.func @transform_3(%arg0: i32) -> (i32, i32) {
    %c0_i32 = arith.constant 0 : i32
    %c0_i32_0 = arith.constant 0 : i32
    return %arg0, %c0_i32 : i32, i32
  }
  func.func @transform_4(%arg0: i32) -> (i32, i32) {
    %c0_i32 = arith.constant 0 : i32
    %c0_i32_0 = arith.constant 0 : i32
    %c0_i32_1 = arith.constant 0 : i32
    return %c0_i32, %c0_i32_0 : i32, i32
  }
  func.func @transform_5(%arg0: i32) -> (i32, i32) {
    %c0_i32 = arith.constant 0 : i32
    %c0_i32_0 = arith.constant 0 : i32
    %c0_i32_1 = arith.constant 0 : i32
    return %c0_i32, %c0_i32_0 : i32, i32
  }
  func.func @transform_6(%arg0: i32) -> (i32, i32) {
    %c0_i32 = arith.constant 0 : i32
    %c0_i32_0 = arith.constant 0 : i32
    %c0_i32_1 = arith.constant 0 : i32
    return %c0_i32, %c0_i32_0 : i32, i32
  }
  func.func @transform_7(%arg0: i32) -> (i32, i32) {
    %c0_i32 = arith.constant 0 : i32
    %c0_i32_0 = arith.constant 0 : i32
    %c0_i32_1 = arith.constant 0 : i32
    return %c0_i32, %c0_i32_0 : i32, i32
  }
  func.func @transform_8(%arg0: i32) -> (i32, i32) {
    %c0_i32 = arith.constant 0 : i32
    %c0_i32_0 = arith.constant 0 : i32
    %c0_i32_1 = arith.constant 0 : i32
    return %c0_i32, %c0_i32_0 : i32, i32
  }
  func.func @transform_9(%arg0: i32) -> (i32, i32) {
    %c0_i32 = arith.constant 0 : i32
    %c0_i32_0 = arith.constant 0 : i32
    %c0_i32_1 = arith.constant 0 : i32
    return %c0_i32, %c0_i32_0 : i32, i32
  }
  func.func @transform_10(%arg0: i32) -> (i32, i32) {
    %c0_i32 = arith.constant 0 : i32
    %c0_i32_0 = arith.constant 0 : i32
    %c0_i32_1 = arith.constant 0 : i32
    return %c0_i32, %c0_i32_0 : i32, i32
  }
  func.func @transform_11(%arg0: i32) -> (i32, i32) {
    %c0_i32 = arith.constant 0 : i32
    %c0_i32_0 = arith.constant 0 : i32
    %c0_i32_1 = arith.constant 0 : i32
    return %c0_i32, %c0_i32_0 : i32, i32
  }
  func.func @transform_12(%arg0: i32) -> (i32, i32) {
    %c0_i32 = arith.constant 0 : i32
    %c0_i32_0 = arith.constant 0 : i32
    %c0_i32_1 = arith.constant 0 : i32
    return %c0_i32, %c0_i32_0 : i32, i32
  }
  func.func @transform_13(%arg0: i32) -> (i32, i32) {
    %c0_i32 = arith.constant 0 : i32
    %c0_i32_0 = arith.constant 0 : i32
    %c0_i32_1 = arith.constant 0 : i32
    return %c0_i32, %c0_i32_0 : i32, i32
  }
  func.func @transform_14(%arg0: i32) -> (i32, i32) {
    %c0_i32 = arith.constant 0 : i32
    %c0_i32_0 = arith.constant 0 : i32
    %c0_i32_1 = arith.constant 0 : i32
    return %c0_i32, %c0_i32_0 : i32, i32
  }
  func.func @transform_15(%arg0: i32) -> (i32, i32) {
    %c0_i32 = arith.constant 0 : i32
    %c0_i32_0 = arith.constant 0 : i32
    %c0_i32_1 = arith.constant 0 : i32
    return %c0_i32, %c0_i32_0 : i32, i32
  }
  func.func @transform_16(%arg0: i32) -> (i32, i32) {
    %c0_i32 = arith.constant 0 : i32
    %c0_i32_0 = arith.constant 0 : i32
    %c0_i32_1 = arith.constant 0 : i32
    return %c0_i32, %c0_i32_0 : i32, i32
  }
  func.func @transform_17(%arg0: i32) -> (i32, i32) {
    %c0_i32 = arith.constant 0 : i32
    %c0_i32_0 = arith.constant 0 : i32
    %c0_i32_1 = arith.constant 0 : i32
    return %c0_i32, %c0_i32_0 : i32, i32
  }
  func.func @transform_18(%arg0: i32) -> (i32, i32) {
    %c0_i32 = arith.constant 0 : i32
    %c0_i32_0 = arith.constant 0 : i32
    %c0_i32_1 = arith.constant 0 : i32
    return %c0_i32, %c0_i32_0 : i32, i32
  }
  func.func @transform_19(%arg0: i32) -> (i32, i32) {
    %c0_i32 = arith.constant 0 : i32
    %c0_i32_0 = arith.constant 0 : i32
    %c0_i32_1 = arith.constant 0 : i32
    return %c0_i32, %c0_i32_0 : i32, i32
  }
  func.func @transform_20(%arg0: i32) -> (i32, i32) {
    %c0_i32 = arith.constant 0 : i32
    %c0_i32_0 = arith.constant 0 : i32
    %c0_i32_1 = arith.constant 0 : i32
    return %c0_i32, %c0_i32_0 : i32, i32
  }
  func.func @transform_21(%arg0: i32) -> (i32, i32) {
    %c0_i32 = arith.constant 0 : i32
    %c0_i32_0 = arith.constant 0 : i32
    %c0_i32_1 = arith.constant 0 : i32
    return %c0_i32, %c0_i32_0 : i32, i32
  }
  func.func @transform_22(%arg0: i32) -> (i32, i32) {
    %c0_i32 = arith.constant 0 : i32
    %c0_i32_0 = arith.constant 0 : i32
    %c0_i32_1 = arith.constant 0 : i32
    return %c0_i32, %c0_i32_0 : i32, i32
  }
  func.func @transform_23(%arg0: i32) -> (i32, i32) {
    %c0_i32 = arith.constant 0 : i32
    %c0_i32_0 = arith.constant 0 : i32
    %c0_i32_1 = arith.constant 0 : i32
    return %c0_i32, %c0_i32_0 : i32, i32
  }
  func.func @transform_24(%arg0: i32) -> (i32, i32) {
    %c0_i32 = arith.constant 0 : i32
    %c0_i32_0 = arith.constant 0 : i32
    %c0_i32_1 = arith.constant 0 : i32
    return %c0_i32, %c0_i32_0 : i32, i32
  }
  func.func @transform_25(%arg0: i32) -> (i32, i32) {
    %c0_i32 = arith.constant 0 : i32
    %c0_i32_0 = arith.constant 0 : i32
    %c0_i32_1 = arith.constant 0 : i32
    return %c0_i32, %c0_i32_0 : i32, i32
  }
  func.func @transform_26(%arg0: i32) -> (i32, i32) {
    %c0_i32 = arith.constant 0 : i32
    %c0_i32_0 = arith.constant 0 : i32
    %c0_i32_1 = arith.constant 0 : i32
    return %c0_i32, %c0_i32_0 : i32, i32
  }
  func.func @transform_27(%arg0: i32) -> (i32, i32) {
    %c0_i32 = arith.constant 0 : i32
    %c0_i32_0 = arith.constant 0 : i32
    %c0_i32_1 = arith.constant 0 : i32
    return %c0_i32, %c0_i32_0 : i32, i32
  }
  func.func @transform_28(%arg0: i32) -> (i32, i32) {
    %c0_i32 = arith.constant 0 : i32
    %c0_i32_0 = arith.constant 0 : i32
    %c0_i32_1 = arith.constant 0 : i32
    return %c0_i32, %c0_i32_0 : i32, i32
  }
  func.func @transform_29(%arg0: i32) -> (i32, i32) {
    %c0_i32 = arith.constant 0 : i32
    %c0_i32_0 = arith.constant 0 : i32
    %c0_i32_1 = arith.constant 0 : i32
    return %c0_i32, %c0_i32_0 : i32, i32
  }
  func.func @transform_30(%arg0: i32) -> (i32, i32) {
    %c0_i32 = arith.constant 0 : i32
    %c0_i32_0 = arith.constant 0 : i32
    %c0_i32_1 = arith.constant 0 : i32
    return %c0_i32, %c0_i32_0 : i32, i32
  }
  func.func @transform_31(%arg0: i32) -> (i32, i32) {
    %c0_i32 = arith.constant 0 : i32
    %c0_i32_0 = arith.constant 0 : i32
    %c0_i32_1 = arith.constant 0 : i32
    return %c0_i32, %c0_i32_0 : i32, i32
  }
  func.func @transform_32(%arg0: i32) -> (i32, i32) {
    %c0_i32 = arith.constant 0 : i32
    %c0_i32_0 = arith.constant 0 : i32
    %c0_i32_1 = arith.constant 0 : i32
    return %c0_i32, %c0_i32_0 : i32, i32
  }
  func.func @transform_33(%arg0: i32) -> (i32, i32) {
    %c0_i32 = arith.constant 0 : i32
    %c0_i32_0 = arith.constant 0 : i32
    %c0_i32_1 = arith.constant 0 : i32
    return %c0_i32, %c0_i32_0 : i32, i32
  }
  func.func @transform_34(%arg0: i32) -> (i32, i32) {
    %c0_i32 = arith.constant 0 : i32
    %c0_i32_0 = arith.constant 0 : i32
    return %arg0, %c0_i32 : i32, i32
  }
  func.func @transform_35(%arg0: i32) -> (i32, i32, i32) {
    %c0_i32 = arith.constant 0 : i32
    %c0_i32_0 = arith.constant 0 : i32
    %c0_i32_1 = arith.constant 0 : i32
    return %c0_i32, %arg0, %c0_i32_0 : i32, i32, i32
  }
}

module attributes {stable_mosaic.version = 14 : i64} {
  func.func @body(%arg0: i32, %arg1: memref<2x1000x64xf32, #tpu.memory_space<vmem>>, %arg2: memref<1000x16xf32, #tpu.memory_space<vmem>>, %arg3: memref<1000x128xf32, #tpu.memory_space<vmem>>, %arg4: memref<1000x128xf32, #tpu.memory_space<vmem>>) attributes {dimension_semantics = [#tpu.dimension_semantics<arbitrary>], iteration_bounds = array<i64: 10>, scalar_prefetch = 0 : i64, scratch_operands = 0 : i64, tpu.core_type = #tpu.core_type<tc>, window_params = [{transform_indices = @transform_0, window_bounds = array<i64: 2, 1000, 64>}, {transform_indices = @transform_1, window_bounds = array<i64: 1000, 16>}, {transform_indices = @transform_2, window_bounds = array<i64: 1000, 128>}, {transform_indices = @transform_3, window_bounds = array<i64: 1000, 128>}]} {
    %get3A = arith.constant 0 : index
    %get3A_0 = arith.constant 0 : index
    %get3A_1 = arith.constant 0 : index
    %get3A_2 = vector.load %arg1[%get3A, %get3A_0, %get3A_1] : memref<2x1000x64xf32, #tpu.memory_space<vmem>>, vector<1x1000x64xf32>
    %get3A_3 = vector.shape_cast %get3A_2 : vector<1x1000x64xf32> to vector<1000x64xf32>
    %get3A_4 = arith.constant 1 : index
    %get3A_5 = arith.constant 0 : index
    %get3A_6 = arith.constant 0 : index
    %get3A_7 = vector.load %arg1[%get3A_4, %get3A_5, %get3A_6] : memref<2x1000x64xf32, #tpu.memory_space<vmem>>, vector<1x1000x64xf32>
    %get3A_8 = vector.shape_cast %get3A_7 : vector<1x1000x64xf32> to vector<1000x64xf32>
    %concatenate3A = tpu.concatenate %get3A_3, %get3A_8 in 1 : vector<1000x64xf32>, vector<1000x64xf32> -> vector<1000x128xf32>
    %get3A_9 = arith.constant 0 : index
    %get3A_10 = arith.constant 0 : index
    %get3A_11 = vector.load %arg2[%get3A_9, %get3A_10] : memref<1000x16xf32, #tpu.memory_space<vmem>>, vector<1000x1xf32>
    %max3A = arith.constant 1.000000e+00 : f32
    %max3A_12 = vector.broadcast %max3A : f32 to vector<1000x1xf32>
    %max3A_13 = arith.maximumf %get3A_11, %max3A_12 : vector<1000x1xf32>
    %div3A = vector.broadcast %max3A_13 : vector<1000x1xf32> to vector<1000x128xf32>
    %div3A_14 = arith.divf %concatenate3A, %div3A : vector<1000x128xf32>
    %get3A_15 = arith.constant 0 : index
    %get3A_16 = arith.constant 0 : index
    %get3A_17 = vector.load %arg3[%get3A_15, %get3A_16] : memref<1000x128xf32, #tpu.memory_space<vmem>>, vector<1000x128xf32>
    %add3A = arith.addf %div3A_14, %get3A_17 : vector<1000x128xf32>
    %swap3A = arith.constant 0 : index
    %swap3A_18 = arith.constant 0 : index
    %swap3A_19 = vector.load %arg4[%swap3A, %swap3A_18] : memref<1000x128xf32, #tpu.memory_space<vmem>>, vector<1000x128xf32>
    tpu.vector_store %arg4[%swap3A, %swap3A_18], %add3A {strides = array<i32>} : memref<1000x128xf32, #tpu.memory_space<vmem>>, vector<1000x128xf32>,
    return
  }
  func.func @transform_0(%arg0: i32) -> (i32, i32, i32) {
    %c0_i32 = arith.constant 0 : i32
    %c0_i32_0 = arith.constant 0 : i32
    %c0_i32_1 = arith.constant 0 : i32
    return %c0_i32, %arg0, %c0_i32_0 : i32, i32, i32
  }
  func.func @transform_1(%arg0: i32) -> (i32, i32) {
    %c0_i32 = arith.constant 0 : i32
    %c0_i32_0 = arith.constant 0 : i32
    return %arg0, %c0_i32 : i32, i32
  }
  func.func @transform_2(%arg0: i32) -> (i32, i32) {
    %c0_i32 = arith.constant 0 : i32
    %c0_i32_0 = arith.constant 0 : i32
    return %arg0, %c0_i32 : i32, i32
  }
  func.func @transform_3(%arg0: i32) -> (i32, i32) {
    %c0_i32 = arith.constant 0 : i32
    %c0_i32_0 = arith.constant 0 : i32
    return %arg0, %c0_i32 : i32, i32
  }
}

</mosaic_0001>

<sc_bundles>
// kernel: kernel.6.cloned.1.call-start
scs
__scs_entry_jumppad:
0x0: {  	(pc) =	sbr.rel $0x88, $3  }
0x1: {  	(tag) =	ssettag $0x0;
	lr =	simm.s32 $0x1  }
0x2: {  	[smem:$0x3F8D] =	sst lr;
	_ =	strace $0xD0000000  }
0x3: {  	_ = 	snop  }
0x4: {  	_ = 	snop  }
0x5: {  	_ = 	snop  }
0x6: {  	_ = 	snop  }
0x7: {  	_ = 	snop  }
__scs_overlays_trampoline_lowered:
0x8: {  	[smem:$0x3F9C] =	sst s0  }
0x9: {  	[smem:$0x3F9D] =	sst s1  }
0xa: {  	[smem:$0x3F9E] =	sst s2  }
0xb: {  	[smem:$0x3F9F] =	sst s3  }
0xc: {  	[smem:$0x3FA0] =	sst s4  }
0xd: {  	[smem:$0x3FA1] =	sst s5  }
0xe: {  	[smem:$0x3FA2] =	sst s6  }
0xf: {  	[smem:$0x3FA3] =	sst s7  }
0x10: {  	[smem:$0x3FA4] =	sst s8  }
0x11: {  	[smem:$0x3FA5] =	sst s9;
	s0 =	simm.s32 @!p0 $0x0  }
0x12: {  	s1 =	sld [smem:$0x3F8B];
	s0 =	simm.s32 @p0 $0x1  }
0x13: {  	[smem:$0x3FA6] =	sst s0;
	s0 =	simm.s32 @!p1 $0x0  }
0x14: {  	s2 =	sld [smem:$0x3F8A];
	s0 =	simm.s32 @p1 $0x1  }
0x15: {  	[smem:$0x3FA7] =	sst s0;
	s0 =	simm.s32 @!p2 $0x0  }
0x16: {  	s3 =	sld [smem:$0x3FDB];
	s0 =	simm.s32 @p2 $0x1  }
0x17: {  	s4 =	simm.s32 $0x1BF5;
	[smem:$0x3FA9] =	sst s0  }
0x18: {  	s0 =	sld [smem:$0x3F8C];
	_ =	swait.ge [sflag:s4], $0x0  }
0x19: {  	s7 =	sld [smem:$0x3F8D]  }
0x1a: {  	s8 =	sadd.s32 $0xFFFFE003, lr  }
0x1b: {  	s9 =	sadd.s32 $0xFFFFFEF7, lr;
	s5 =	simm.s32 $0xFFFFFFFF;
	p2 =	slt.u32 s8, $0xFFFFF086  }
0x1c: {  	p1 =	slt.u32 s9, $0xF7A;
	s5 =	simm.s32 @!p2 $0x0  }
0x1d: {  	s5 =	simm.s32 @p1 $0x1;
	p0 =	seq.s32 s7, s2  }
0x1e: {  	s7 =	smul.u32 @!p0 $0xF7A, s2;
	p2 =	seq.s32 @!p0 s5, $0x0  }
0x1f: {  	s9 =	smul.u32 $0xF7A, s1;
	s8 =	simm.s32 @!p0 $0x1BF5;
	p2 =	por !p2, p0  }
0x20: {  	[sflag:s8] =	ssyncset.s32 @!p0 $0xFFFFF086;
	s6 =	sadd.s32 @!p0 s3, s7;
	s7 =	simm.s32 @!p0 $0x108  }
0x21: {  	s3 =	sadd.s32 s3, s9;
	s6 =	sadd.s32 @!p0 $0x88, s6;
	s7 =	simm.s32 @p2 $0x1082  }
0x22: {  	[simem:s7], [sflag:s8] =	dma.local @!p0 [hbm:s6], $0xF7A  }
0x23: {  	s9 =	sor.u32 $0xD0000000, s2;
	s6 =	simm.s32 $0x108;
	_ =	swait.ge @!p0 [sflag:s8], $0x0  }
0x24: {  	s3 =	sadd.s32 $0x88, s3;
	s6 =	simm.s32 @!p1 $0x1082;
	[sflag:s4] =	ssyncset.s32 $0xFFFFF086  }
0x25: {  	[simem:s6], [sflag:s4] =	dma.local [hbm:s3], $0xF7A  }
0x26: {  	[smem:$0x3F8D] =	sst s1;
	(tag) =	ssettag s2;
	_ =	strace s9  }
0x27: {  	s1 =	sld [smem:$0x3F9D]  }
0x28: {  	s2 =	sld [smem:$0x3F9E]  }
0x29: {  	s4 =	sld [smem:$0x3FA0]  }
0x2a: {  	p0 =	seq.s32 s5, $0x0;
	s5 =	sld [smem:$0x3FA1]  }
0x2b: {  	s6 =	sld [smem:$0x3FA2]  }
0x2c: {  	s7 =	sld [smem:$0x3FA3]  }
0x2d: {  	s3 =	simm.s32 $0x108;
	s8 =	sld [smem:$0x3FA4]  }
0x2e: {  	s3 =	simm.s32 @!p0 $0x1082;
	s9 =	sld [smem:$0x3FA5]  }
0x2f: {  	lr =	sadd.s32 s0, s3;
	s0 =	sld [smem:$0x3F9C]  }
0x30: {  	s3 =	sld [smem:$0x3F9F]  }
0x31: {  	[smem:$0x3FA8] =	sst s10  }
0x32: {  	s10 =	sld [smem:$0x3FA6];
	_ =	sdelay $0x3  }
0x33: {  	p0 =	seq.s32 s10, $0x1;
	s10 =	sld [smem:$0x3FA8];
	_ =	sdelay $0x3  }
0x34: {  	[smem:$0x3FA8] =	sst s10  }
0x35: {  	s10 =	sld [smem:$0x3FA7];
	_ =	sdelay $0x3  }
0x36: {  	p1 =	seq.s32 s10, $0x1;
	s10 =	sld [smem:$0x3FA8];
	_ =	sdelay $0x3  }
0x37: {  	[smem:$0x3FA8] =	sst s10  }
0x38: {  	s10 =	sld [smem:$0x3FA9]  }
0x39: {  	_ = 	snop;
	(pc) =	sbr.ind lr, $3  }
0x3a: {  	_ = 	snop  }
0x3b: {  	_ = 	snop  }
0x3c: {  	p2 =	seq.s32 s10, $0x1;
	s10 =	sld [smem:$0x3FA8]  }
0x3d: {  	_ =	shalt  }
0x3e: {  	_ =	shalt  }
0x3f: {  	_ =	shalt  }
0x40: {  	_ =	shalt  }
0x41: {  	_ =	shalt  }
0x42: {  	_ =	shalt  }
0x43: {  	_ =	shalt  }
0x44: {  	_ =	shalt  }
0x45: {  	_ =	shalt  }
0x46: {  	_ =	shalt  }
0x47: {  	_ =	shalt  }
0x48: {  	_ =	shalt  }
0x49: {  	_ =	shalt  }
0x4a: {  	_ =	shalt  }
0x4b: {  	_ =	shalt  }
0x4c: {  	_ =	shalt  }
0x4d: {  	_ =	shalt  }
0x4e: {  	_ =	shalt  }
0x4f: {  	_ =	shalt  }
0x50: {  	_ =	shalt  }
0x51: {  	_ =	shalt  }
0x52: {  	_ =	shalt  }
0x53: {  	_ =	shalt  }
0x54: {  	_ =	shalt  }
0x55: {  	_ =	shalt  }
0x56: {  	_ =	shalt  }
0x57: {  	_ =	shalt  }
0x58: {  	_ =	shalt  }
0x59: {  	_ =	shalt  }
0x5a: {  	_ =	shalt  }
0x5b: {  	_ =	shalt  }
0x5c: {  	_ =	shalt  }
0x5d: {  	_ =	shalt  }
0x5e: {  	_ =	shalt  }
0x5f: {  	_ =	shalt  }
0x60: {  	_ =	shalt  }
0x61: {  	_ =	shalt  }
0x62: {  	_ =	shalt  }
0x63: {  	_ =	shalt  }
0x64: {  	_ =	shalt  }
0x65: {  	_ =	shalt  }
0x66: {  	_ =	shalt  }
0x67: {  	_ =	shalt  }
0x68: {  	_ =	shalt  }
0x69: {  	_ =	shalt  }
0x6a: {  	_ =	shalt  }
0x6b: {  	_ =	shalt  }
0x6c: {  	_ =	shalt  }
0x6d: {  	_ =	shalt  }
0x6e: {  	_ =	shalt  }
0x6f: {  	_ =	shalt  }
0x70: {  	_ =	shalt  }
0x71: {  	_ =	shalt  }
0x72: {  	_ =	shalt  }
0x73: {  	_ =	shalt  }
0x74: {  	_ =	shalt  }
0x75: {  	_ =	shalt  }
0x76: {  	_ =	shalt  }
0x77: {  	_ =	shalt  }
0x78: {  	_ =	shalt  }
0x79: {  	_ =	shalt  }
0x7a: {  	_ =	shalt  }
0x7b: {  	_ =	shalt  }
0x7c: {  	_ =	shalt  }
0x7d: {  	_ =	shalt  }
0x7e: {  	_ =	shalt  }
0x7f: {  	_ =	shalt  }
0x80: {  	_ =	shalt  }
0x81: {  	_ =	shalt  }
0x82: {  	_ =	shalt  }
0x83: {  	_ =	shalt  }
0x84: {  	_ =	shalt  }
0x85: {  	_ =	shalt  }
0x86: {  	_ =	shalt  }
0x87: {  	_ =	shalt  }
.Lfunc_end0:
.L_simem_size_0:
called_computation_lowered:
.L_overlay_start_0:
0x88: {  	s2 =	sld [smem:$0x3FD9]  }
0x89: {  	s3 =	sld [smem:$0x3FFE];
	_ =	sdelay $0x1  }
0x8a: {  	s1 =	srdreg.scid  }
0x8b: {  	s0 =	sand.u32 $0x1, s1  }
0x8c: {  	s14 =	sshll.u32 s0, $0xA;
	s2 =	sadd.s32 s3, s2  }
0x8d: {  	s2 =	sadd.s32 s2, s14  }
0x8e: {  	[smem:$0x3FB4] =	sst s2  }
0x8f: {  	_ = 	snop  }
0x90: {  	s2 =	sld [smem:$0x3FD0];
	_ =	sdelay $0x2  }
0x91: {  	s4 =	simm.s32 $0xA;
	s5 =	simm.s32 $0x10;
	s15 =	sld [smem:$0x3FC9]  }
0x92: {  	[smem:s5], [sflag:s4] =	dma.local [hbm:s2], $0x1  }
0x93: {  	_ =	swait.eq [sflag:s4], $0x1  }
0x94: {  	[sflag:s4] =	ssyncset.done $0x0  }
0x95: {  	[sflag:s4] =	ssyncadd.s32 $0xFFFFFFFF  }
0x96: {  	s16 =	sld [smem:$0x11];
	(tm) =	ssettm $0x1  }
0x97: {  	s17 =	sld [smem:$0x3FFB];
	_ =	sdelay $0x3  }
0x98: {  	_ =	strace s17  }
0x99: {  	s4 =	sld [smem:$0x3FFC];
	_ =	sdelay $0x3  }
0x9a: {  	_ =	strace s4  }
0x9b: {  	s4 =	sld [smem:$0x3FFD];
	_ =	sdelay $0x3  }
0x9c: {  	_ =	strace s4  }
0x9d: {  	_ =	strace $0x8FFFFFFF  }
0x9e: {  	s18 =	sld [smem:$0x3FDB];
	_ =	sdelay $0x1  }
0x9f: {  	s19 =	simm.s32 $_scs_section_size  }
0xa0: {  	s6 =	simm.s32 $_size__tile_overlayer_lowered;
	s7 =	simm.s32 $_tile_overlayer_lowered  }
0xa1: {  	s22 =	simm.s32 $0x1BFF;
	s21 =	sshll.u32 s7, $0x1;
	s4 =	sadd.s32 s19, s18  }
0xa2: {  	s8 =	simm.s32 $0x0;
	s20 =	sshll.u32 s6, $0x1;
	s6 =	sadd.s32 s21, s4  }
0xa3: {  	[timem:s8], [sflag:s22] =	dma.local [hbm:s6], s20  }
0xa4: {  	_ =	swait.ge [sflag:s22], s20  }
0xa5: {  	s5 =	ssub.s32 $0x0, s20;
	[sflag:s22] =	ssyncset.done $0x0  }
0xa6: {  	[sflag:s22] =	ssyncadd.s32 s5;
	_ =	sdelay $0x1  }
0xa7: {  	s23 =	simm.s32 $0x1B8B  }
0xa8: {  	_ =	swait.ge [sflag:s23], $0x1  }
0xa9: {  	[sflag:s23] =	ssyncset.done $0x0  }
0xaa: {  	s25 =	simm.s32 $0x1B8E;
	s24 =	sld [smem:$0x3FFE];
	[sflag:s23] =	ssyncadd.s32 $0xFFFFFFFF  }
0xab: {  	s26 =	simm.s32 $execute0_lowered;
	[smem:$0x3FD2] =	sst s25  }
0xac: {  	s6 =	sshll.u32 s26, $0x1;
	_ =	strace $0x80000046;
	[dreg:$0x1] =	wrdreg $0xFFFFFFFF  }
0xad: {  	s28 =	simm.s32 $_size_execute0_lowered;
	s4 =	sadd.s32 s4, s6;
	[dreg:$0x0] =	wrdreg $0x0  }
0xae: {  	s6 =	sshll.u32 s28, $0x1;
	[dreg:$0x2] =	wrdreg s4  }
0xaf: {  	[dreg:$0x3] =	wrdreg s6  }
0xb0: {  	[dreg:$0x4] =	wrdreg $0xC0  }
0xb1: {  	_ =	task [dreg:s8], $0x5FFFF  }
0xb2: {  	[dreg:$0x1] =	wrdreg $0xFFFFFFFF  }
0xb3: {  	[dreg:$0x0] =	wrdreg $0x60  }
0xb4: {  	[dreg:$0x2] =	wrdreg s15  }
0xb5: {  	[dreg:$0x3] =	wrdreg s16  }
0xb6: {  	[dreg:$0x4] =	wrdreg s24  }
0xb7: {  	[dreg:$0x5] =	wrdreg $0x9  }
0xb8: {  	_ =	task.clear_ibuf [dreg:s8], $0x6FFFF;
	_ =	strace $0x90000046  }
0xb9: {  	s29 =	simm.s32 $0x9;
	_ =	strace $0x80000048  }
0xba: {  	_ =	swait.ge [sflag:s29], $0x1  }
0xbb: {  	[sflag:s29] =	ssyncadd.s32 $0xFFFFFFFF  }
0xbc: {  	_ =	strace $0x90000048  }
0xbd: {  	_ =	sfence  }
0xbe: {  	s30 =	sld [smem:$0x0];
	_ =	sdelay $0x2  }
0xbf: {  	s31 =	sshll.u32 s1, $0xD;
	s1 =	sshrl.u32 s1, $0x2  }
0xc0: {  	s3 =	sand.u32 $0x4000, s31;
	s1 =	sadd.s32 s1, s30  }
0xc1: {  	s0 =	sor.u32 s3, s0;
	s1 =	sshll.u32 s1, $0x11  }
0xc2: {  	s0 =	sor.u32 s1, s0  }
0xc3: {  	s0 =	sadd.s32 $0x8F2B, s0  }
0xc4: {  	[sflag:s0] =	ssyncadd.remote.s32 $0x1  }
0xc5: {  	_ =	sfence.sel $0xFFFF  }
0xc6: {  	[dreg:$0x0] =	wrdreg $0xFFFFFFFF;
	(pc) =	sbr.abs _section_cstart, $3  }
0xc7: {  	[dreg:$0x1] =	wrdreg $0xFFFFFFFF  }
0xc8: {  	_ =	task.clear_ibuf [dreg:s8], $0x2FFFF;
	_ =	strace $0x9FFFFFFF  }
0xc9: {  	(tm) =	ssettm $0x7FFFFFFF  }
tec
execute0_lowered:
.L_overlay_start_1:
0x0: {  	(tag) =	ssettag $0x1  }
0x1: {  	s1 =	rddreg [dreg:$0x0];
	s5 =	stileid.u32  }
0x2: {  	s0 =	srdreg.scid;
	s2 =	rddreg [dreg:$0x1]  }
0x3: {  	s4 =	rddreg [dreg:$0x2];
	s8 =	simm.s32 $0x28;
	s23 =	simm.s32 $0x3  }
0x4: {  	s21 =	simm.s32 $0x1B000;
	s28 =	simm.s32 $0x5;
	s29 =	simm.s32 $0xB  }
0x5: {  	s30 =	simm.s32 $0x6;
	s31 =	simm.s32 $0xC;
	s10 =	simm.s32 $0x8  }
0x6: {  	s12 =	simm.s32 $0xE;
	s14 =	simm.s32 $0x9;
	s16 =	simm.s32 $0xF  }
0x7: {  	s0 =	sand.u32 $0x1, s0;
	s3 =	sshll.u32 s5, $0x1;
	s5 =	smul.u32 $0x9C400, s5  }
0x8: {  	s6 =	sor.u32 s0, s3;
	s7 =	ssub.s32 $0x2, s0;
	s0 =	smul.u32 $0x4E200, s0  }
0x9: {  	s24 =	simm.s32 $0x16000;
	s3 =	simm.s32 $0x0;
	s6 =	smul.u32 $0x1F80, s6  }
0xa: {  	[smem:$0x7FF] =	sst s3;
	s4 =	sadd.s32 s5, s4;
	s25 =	sshrl.u32 s7, $0x1  }
0xb: {  	_ =	strace $0x80000047;
	s5 =	ssub.s32 s7, s25;
	s2 =	sadd.s32 s2, s6  }
0xc: {  	s0 =	sadd.s32 s0, s4;
	s26 =	smax.u32 s5, $0x1;
	[dreg:$0x4] =	wrdreg s2  }
0xd: {  	s25 =	simm.s32 $0x4;
	s0 =	sadd.s32 $0x3E00, s0;
	[dreg:$0x5] =	wrdreg s26  }
0xe: {  	s4 =	simm.s32 $0xA;
	s7 =	simm.s32 $0x0;
	[dreg:$0x6] =	wrdreg s0  }
0xf: {  	s2 =	simm.s32 $0x7;
	s0 =	simm.s32 $0xD;
	s26 =	simm.s32 $0x17400  }
.LBB2_1:
0x10: {  	[dreg:$0x7] =	wrdreg s7  }
0x11: {  	s5 =	rddreg [dreg:$0x4];
	s17 =	simm.s32 $0x15  }
0x12: {  	[tilespmem:s3], [sflag:$0x15] =	stream.linear.gather [hbm4b:s5+s3], $0xFA00, $0x38;
	[tilespmem:$0x1C400] =	vst v63  }
0x13: {  	_ =	swait.ge [sflag:s17], $0xFA00  }
0x14: {  	[sflag:s17] =	ssyncset.done $0x0  }
0x15: {  	s6 =	simm.s32 $0xFC00;
	[sflag:s17] =	ssyncadd.s32 $0xFFFF0600  }
0x16: {  	[tilespmem:s6], [sflag:$0x1] =	stream.indirect.gather [hbm4b:s1+s8], $0x80, s3, s8, $0xb8;
	[tilespmem:$0x1C400] =	vst v63  }
0x17: {  	s18 =	simm.s32 $0x80;
	s7 =	simm.s32 $0x11000  }
0x18: {  	[tilespmem:s7], [sflag:$0x2] =	stream.indirect.gather [hbm4b:s1+s8], $0x80, s18, s8, $0xb8;
	[tilespmem:$0x1C400] =	vst v63  }
0x19: {  	s19 =	simm.s32 $0x100;
	s9 =	simm.s32 $0x12400  }
0x1a: {  	[tilespmem:s9], [sflag:$0x3] =	stream.indirect.gather [hbm4b:s1+s8], $0x80, s19, s8, $0xb8;
	[tilespmem:$0x1C400] =	vst v63  }
0x1b: {  	s20 =	simm.s32 $0x180;
	s13 =	simm.s32 $0x13800;
	p0 =	por $0x1, $0x1  }
0x1c: {  	[tilespmem:s13], [sflag:$0x4] =	stream.indirect.gather [hbm4b:s1+s8], $0x80, s20, s8, $0xb8;
	[tilespmem:$0x1C400] =	vst v63  }
0x1d: {  	s22 =	simm.s32 $0x200;
	s15 =	simm.s32 $0x14C00;
	s5 =	simm.s32 @!p0 $0x10  }
0x1e: {  	[tilespmem:s15], [sflag:$0x5] =	stream.indirect.gather [hbm4b:s1+s8], $0x80, s22, s8, $0xb8;
	[tilespmem:$0x1C400] =	vst v63  }
0x1f: {  	_ =	swait.ge @!p0 [sflag:s5], $0x1400  }
0x20: {  	s11 =	simm.s32 $0x280;
	[sflag:s5] =	ssyncset.done @!p0 $0x0  }
0x21: {  	s17 =	simm.s32 $0x16000;
	s18 =	simm.s32 $0x1;
	[sflag:s5] =	ssyncadd.s32 @!p0 $0xFFFFEC00  }
0x22: {  	[tilespmem:s17], [sflag:$0x6] =	stream.indirect.gather [hbm4b:s1+s8], $0x80, s11, s8, $0xb8;
	[tilespmem:$0x1C400] =	vst v63  }
0x23: {  	_ =	swait.ge [sflag:s18], $0x1400  }
0x24: {  	[sflag:s18] =	ssyncset.done $0x0  }
0x25: {  	s5 =	simm.s32 @!p0 $0x11;
	s11 =	rddreg [dreg:$0x6];
	[sflag:s18] =	ssyncadd.s32 $0xFFFFEC00  }
0x26: {  	[hbm4b:s11+s3] =	stream.linear.scatter [tilespmem:s6], [sflag:$0xB], $0x1400, $0x38;
	[tilespmem:$0x1C400] =	vst v63  }
0x27: {  	_ =	swait.ge @!p0 [sflag:s5], $0x1400  }
0x28: {  	s19 =	simm.s32 $0x300;
	[sflag:s5] =	ssyncset.done @!p0 $0x0  }
0x29: {  	s20 =	simm.s32 $0x2;
	s18 =	simm.s32 $0x17400;
	[sflag:s5] =	ssyncadd.s32 @!p0 $0xFFFFEC00  }
0x2a: {  	[tilespmem:s18], [sflag:$0x7] =	stream.indirect.gather [hbm4b:s1+s8], $0x80, s19, s8, $0xb8;
	[tilespmem:$0x1C400] =	vst v63  }
0x2b: {  	_ =	swait.ge [sflag:s20], $0x1400  }
0x2c: {  	[sflag:s20] =	ssyncset.done $0x0  }
0x2d: {  	s22 =	sadd.s32 $0x280, s11;
	s6 =	simm.s32 @!p0 $0x12;
	[sflag:s20] =	ssyncadd.s32 $0xFFFFEC00  }
0x2e: {  	[hbm4b:s22+s3] =	stream.linear.scatter [tilespmem:s7], [sflag:$0xC], $0x1400, $0x38;
	[tilespmem:$0x1C400] =	vst v63  }
0x2f: {  	_ =	swait.ge @!p0 [sflag:s6], $0x1400  }
0x30: {  	[sflag:s6] =	ssyncset.done @!p0 $0x0  }
0x31: {  	s7 =	simm.s32 $0x18800;
	[sflag:s6] =	ssyncadd.s32 @!p0 $0xFFFFEC00;
	s6 =	simm.s32 $0x380  }
0x32: {  	[tilespmem:s7], [sflag:$0x8] =	stream.indirect.gather [hbm4b:s1+s8], $0x80, s6, s8, $0xb8;
	[tilespmem:$0x1C400] =	vst v63  }
0x33: {  	_ =	swait.ge [sflag:s23], $0x1400  }
0x34: {  	[sflag:s23] =	ssyncset.done $0x0  }
0x35: {  	s19 =	sadd.s32 $0x500, s11;
	s6 =	simm.s32 @!p0 $0x13;
	[sflag:s23] =	ssyncadd.s32 $0xFFFFEC00  }
0x36: {  	[hbm4b:s19+s3] =	stream.linear.scatter [tilespmem:s9], [sflag:$0xD], $0x1400, $0x38;
	[tilespmem:$0x1C400] =	vst v63  }
0x37: {  	_ =	swait.ge @!p0 [sflag:s6], $0x1400  }
0x38: {  	[sflag:s6] =	ssyncset.done @!p0 $0x0  }
0x39: {  	s20 =	simm.s32 $0x400;
	s19 =	simm.s32 $0x19C00;
	[sflag:s6] =	ssyncadd.s32 @!p0 $0xFFFFEC00  }
0x3a: {  	[tilespmem:s19], [sflag:$0x9] =	stream.indirect.gather [hbm4b:s1+s8], $0x80, s20, s8, $0xb8;
	[tilespmem:$0x1C400] =	vst v63  }
0x3b: {  	_ =	swait.ge [sflag:s25], $0x1400  }
0x3c: {  	[sflag:s25] =	ssyncset.done $0x0  }
0x3d: {  	s22 =	sadd.s32 $0x780, s11;
	s6 =	simm.s32 @!p0 $0x14;
	[sflag:s25] =	ssyncadd.s32 $0xFFFFEC00  }
0x3e: {  	[hbm4b:s22+s3] =	stream.linear.scatter [tilespmem:s13], [sflag:$0xE], $0x1400, $0x38;
	[tilespmem:$0x1C400] =	vst v63  }
0x3f: {  	_ =	swait.ge @!p0 [sflag:s6], $0x1400  }
0x40: {  	[sflag:s6] =	ssyncset.done @!p0 $0x0  }
0x41: {  	s9 =	simm.s32 $0x480;
	[sflag:s6] =	ssyncadd.s32 @!p0 $0xFFFFEC00  }
0x42: {  	[tilespmem:s21], [sflag:$0xA] =	stream.indirect.gather [hbm4b:s1+s8], $0x80, s9, s8, $0xb8;
	[tilespmem:$0x1C400] =	vst v63  }
0x43: {  	_ =	swait.ge [sflag:s28], $0x1400  }
0x44: {  	[sflag:s28] =	ssyncset.done $0x0  }
0x45: {  	s13 =	sadd.s32 $0xA00, s11;
	[sflag:s28] =	ssyncadd.s32 $0xFFFFEC00  }
0x46: {  	[hbm4b:s13+s3] =	stream.linear.scatter [tilespmem:s15], [sflag:$0xF], $0x1400, $0x38;
	[tilespmem:$0x1C400] =	vst v63  }
0x47: {  	p0 =	por $0x0, $0x0;
	_ =	swait.ge [sflag:s29], $0x1400  }
0x48: {  	s5 =	simm.s32 @!p0 $0xFC00;
	[sflag:s29] =	ssyncset.done $0x0  }
0x49: {  	s6 =	simm.s32 @!p0 $0x500;
	s9 =	simm.s32 @!p0 $0x28;
	[sflag:s29] =	ssyncadd.s32 $0xFFFFEC00  }
0x4a: {  	[tilespmem:s5], [sflag:$0x1] =	stream.indirect.gather @!p0 [hbm4b:s1+s9], $0x80, s6, s9, $0xb8;
	[tilespmem:$0x1C400] =	vst v63  }
0x4b: {  	_ =	swait.ge [sflag:s30], $0x1400  }
0x4c: {  	[sflag:s30] =	ssyncset.done $0x0  }
0x4d: {  	s15 =	sadd.s32 $0xC80, s11;
	[sflag:s30] =	ssyncadd.s32 $0xFFFFEC00  }
0x4e: {  	[hbm4b:s15+s3] =	stream.linear.scatter [tilespmem:s17], [sflag:$0x10], $0x1400, $0x38;
	[tilespmem:$0x1C400] =	vst v63  }
0x4f: {  	_ =	swait.ge [sflag:s31], $0x1400  }
0x50: {  	[sflag:s31] =	ssyncset.done $0x0  }
0x51: {  	s5 =	simm.s32 @!p0 $0x580;
	s6 =	simm.s32 @!p0 $0x11000;
	[sflag:s31] =	ssyncadd.s32 $0xFFFFEC00  }
0x52: {  	[tilespmem:s6], [sflag:$0x2] =	stream.indirect.gather @!p0 [hbm4b:s1+s9], $0x80, s5, s9, $0xb8;
	[tilespmem:$0x1C400] =	vst v63  }
0x53: {  	_ =	swait.ge [sflag:s2], $0x1400  }
0x54: {  	[sflag:s2] =	ssyncset.done $0x0  }
0x55: {  	s20 =	sadd.s32 $0xF00, s11;
	[sflag:s2] =	ssyncadd.s32 $0xFFFFEC00  }
0x56: {  	[hbm4b:s20+s3] =	stream.linear.scatter [tilespmem:s18], [sflag:$0x11], $0x1400, $0x38;
	[tilespmem:$0x1C400] =	vst v63  }
0x57: {  	_ =	swait.ge [sflag:s0], $0x1400  }
0x58: {  	[sflag:s0] =	ssyncset.done $0x0  }
0x59: {  	s5 =	simm.s32 @!p0 $0x600;
	s6 =	simm.s32 @!p0 $0x12400;
	[sflag:s0] =	ssyncadd.s32 $0xFFFFEC00  }
0x5a: {  	[tilespmem:s6], [sflag:$0x3] =	stream.indirect.gather @!p0 [hbm4b:s1+s9], $0x80, s5, s9, $0xb8;
	[tilespmem:$0x1C400] =	vst v63  }
0x5b: {  	_ =	swait.ge [sflag:s10], $0x1400  }
0x5c: {  	[sflag:s10] =	ssyncset.done $0x0  }
0x5d: {  	s21 =	sadd.s32 $0x1180, s11;
	[sflag:s10] =	ssyncadd.s32 $0xFFFFEC00  }
0x5e: {  	[hbm4b:s21+s3] =	stream.linear.scatter [tilespmem:s7], [sflag:$0x12], $0x1400, $0x38;
	[tilespmem:$0x1C400] =	vst v63  }
0x5f: {  	_ =	swait.ge [sflag:s12], $0x1400  }
0x60: {  	[sflag:s12] =	ssyncset.done $0x0  }
0x61: {  	s5 =	simm.s32 @!p0 $0x680;
	s6 =	simm.s32 @!p0 $0x13800;
	[sflag:s12] =	ssyncadd.s32 $0xFFFFEC00  }
0x62: {  	[tilespmem:s6], [sflag:$0x4] =	stream.indirect.gather @!p0 [hbm4b:s1+s9], $0x80, s5, s9, $0xb8;
	[tilespmem:$0x1C400] =	vst v63  }
0x63: {  	_ =	swait.ge [sflag:s14], $0x1400  }
0x64: {  	[sflag:s14] =	ssyncset.done $0x0  }
0x65: {  	s22 =	sadd.s32 $0x1400, s11;
	[sflag:s14] =	ssyncadd.s32 $0xFFFFEC00  }
0x66: {  	[hbm4b:s22+s3] =	stream.linear.scatter [tilespmem:s19], [sflag:$0x13], $0x1400, $0x38;
	[tilespmem:$0x1C400] =	vst v63  }
0x67: {  	_ =	swait.ge [sflag:s16], $0x1400  }
0x68: {  	p1 =	por $0x0, $0x0;
	[sflag:s16] =	ssyncset.done $0x0  }
0x69: {  	s5 =	simm.s32 @!p0 $0x700;
	s6 =	simm.s32 @!p0 $0x14C00;
	[sflag:s16] =	ssyncadd.s32 $0xFFFFEC00  }
0x6a: {  	[tilespmem:s6], [sflag:$0x5] =	stream.indirect.gather @!p0 [hbm4b:s1+s9], $0x80, s5, s9, $0xb8;
	[tilespmem:$0x1C400] =	vst v63  }
0x6b: {  	s13 =	sadd.s32 $0x1680, s11;
	s7 =	simm.s32 $0x1400;
	_ =	swait.ge [sflag:s4], $0x1400  }
0x6c: {  	s6 =	simm.s32 $0x2800;
	s5 =	sadd.s32 $0x1900, s11;
	[sflag:s4] =	ssyncset.done $0x0  }
.LBB2_2:
0x6d: {  	s15 =	simm.s32 @!p1 $0x10;
	[sflag:s4] =	ssyncadd.s32 $0xFFFFEC00;
	s11 =	smov.u32 s6  }
0x6e: {  	s6 =	sadd.s32 $0x1400, s6;
	s9 =	smov.u32 s5;
	s20 =	simm.s32 $0x1B000  }
0x6f: {  	[hbm4b:s13+s3] =	stream.linear.scatter [tilespmem:s20], [sflag:$0x14], $0x1400, $0x38;
	[tilespmem:$0x1C400] =	vst v63  }
0x70: {  	p0 =	sne.s32 s6, $0x3E800;
	_ =	swait.ge @!p1 [sflag:s15], $0x1400  }
0x71: {  	s13 =	sshra.s32 s7, $0x2;
	[sflag:s15] =	ssyncset.done @!p1 $0x0  }
0x72: {  	[sflag:s15] =	ssyncadd.s32 @!p1 $0xFFFFEC00;
	s15 =	sadd.s32 $0x280, s13  }
0x73: {  	[tilespmem:s24], [sflag:$0x6] =	stream.indirect.gather [hbm4b:s1+s8], $0x80, s15, s8, $0xb8;
	[tilespmem:$0x1C400] =	vst v63  }
0x74: {  	s15 =	simm.s32 $0x1  }
0x75: {  	_ =	swait.ge [sflag:s15], $0x1400  }
0x76: {  	[sflag:s15] =	ssyncset.done $0x0  }
0x77: {  	s17 =	simm.s32 $0xFC00;
	[sflag:s15] =	ssyncadd.s32 $0xFFFFEC00;
	s15 =	simm.s32 @!p1 $0x11  }
0x78: {  	[hbm4b:s5+s3] =	stream.linear.scatter [tilespmem:s17], [sflag:$0xB], $0x1400, $0x38;
	[tilespmem:$0x1C400] =	vst v63  }
0x79: {  	_ =	swait.ge @!p1 [sflag:s15], $0x1400  }
0x7a: {  	[sflag:s15] =	ssyncset.done @!p1 $0x0  }
0x7b: {  	[sflag:s15] =	ssyncadd.s32 @!p1 $0xFFFFEC00;
	s15 =	sadd.s32 $0x300, s13  }
0x7c: {  	[tilespmem:s26], [sflag:$0x7] =	stream.indirect.gather [hbm4b:s1+s8], $0x80, s15, s8, $0xb8;
	[tilespmem:$0x1C400] =	vst v63  }
0x7d: {  	s15 =	simm.s32 $0x2  }
0x7e: {  	_ =	swait.ge [sflag:s15], $0x1400  }
0x7f: {  	s18 =	simm.s32 $0x11000;
	[sflag:s15] =	ssyncset.done $0x0  }
0x80: {  	s17 =	simm.s32 @!p1 $0x12;
	[sflag:s15] =	ssyncadd.s32 $0xFFFFEC00;
	s15 =	sadd.s32 $0x280, s5  }
0x81: {  	[hbm4b:s15+s3] =	stream.linear.scatter [tilespmem:s18], [sflag:$0xC], $0x1400, $0x38;
	[tilespmem:$0x1C400] =	vst v63  }
0x82: {  	_ =	swait.ge @!p1 [sflag:s17], $0x1400  }
0x83: {  	[sflag:s17] =	ssyncset.done @!p1 $0x0  }
0x84: {  	s19 =	simm.s32 $0x18800;
	s15 =	sadd.s32 $0x380, s13;
	[sflag:s17] =	ssyncadd.s32 @!p1 $0xFFFFEC00  }
0x85: {  	[tilespmem:s19], [sflag:$0x8] =	stream.indirect.gather [hbm4b:s1+s8], $0x80, s15, s8, $0xb8;
	[tilespmem:$0x1C400] =	vst v63  }
0x86: {  	_ =	swait.ge [sflag:s23], $0x1400  }
0x87: {  	s18 =	simm.s32 $0x12400;
	[sflag:s23] =	ssyncset.done $0x0  }
0x88: {  	s17 =	simm.s32 @!p1 $0x13;
	s15 =	sadd.s32 $0x500, s5;
	[sflag:s23] =	ssyncadd.s32 $0xFFFFEC00  }
0x89: {  	[hbm4b:s15+s3] =	stream.linear.scatter [tilespmem:s18], [sflag:$0xD], $0x1400, $0x38;
	[tilespmem:$0x1C400] =	vst v63  }
0x8a: {  	_ =	swait.ge @!p1 [sflag:s17], $0x1400  }
0x8b: {  	[sflag:s17] =	ssyncset.done @!p1 $0x0  }
0x8c: {  	s21 =	simm.s32 $0x19C00;
	s15 =	sadd.s32 $0x400, s13;
	[sflag:s17] =	ssyncadd.s32 @!p1 $0xFFFFEC00  }
0x8d: {  	[tilespmem:s21], [sflag:$0x9] =	stream.indirect.gather [hbm4b:s1+s8], $0x80, s15, s8, $0xb8;
	[tilespmem:$0x1C400] =	vst v63  }
0x8e: {  	_ =	swait.ge [sflag:s25], $0x1400  }
0x8f: {  	s18 =	simm.s32 $0x13800;
	[sflag:s25] =	ssyncset.done $0x0  }
0x90: {  	s17 =	simm.s32 @!p1 $0x14;
	s15 =	sadd.s32 $0x780, s5;
	[sflag:s25] =	ssyncadd.s32 $0xFFFFEC00  }
0x91: {  	[hbm4b:s15+s3] =	stream.linear.scatter [tilespmem:s18], [sflag:$0xE], $0x1400, $0x38;
	[tilespmem:$0x1C400] =	vst v63  }
0x92: {  	_ =	swait.ge @!p1 [sflag:s17], $0x1400  }
0x93: {  	[sflag:s17] =	ssyncset.done @!p1 $0x0  }
0x94: {  	s13 =	sadd.s32 $0x480, s13;
	[sflag:s17] =	ssyncadd.s32 @!p1 $0xFFFFEC00  }
0x95: {  	[tilespmem:s20], [sflag:$0xA] =	stream.indirect.gather [hbm4b:s1+s8], $0x80, s13, s8, $0xb8;
	[tilespmem:$0x1C400] =	vst v63  }
0x96: {  	_ =	swait.ge [sflag:s28], $0x1400  }
0x97: {  	[sflag:s28] =	ssyncset.done $0x0  }
0x98: {  	s15 =	simm.s32 $0x14C00;
	s13 =	sadd.s32 $0xA00, s5;
	[sflag:s28] =	ssyncadd.s32 $0xFFFFEC00  }
0x99: {  	[hbm4b:s13+s3] =	stream.linear.scatter [tilespmem:s15], [sflag:$0xF], $0x1400, $0x38;
	[tilespmem:$0x1C400] =	vst v63  }
0x9a: {  	p1 =	seq.s32 s7, $0x3D400;
	_ =	swait.ge [sflag:s29], $0x1400  }
0x9b: {  	s7 =	sshra.s32 @!p1 s7, $0x2;
	s15 =	simm.s32 @!p1 $0xFC00;
	[sflag:s29] =	ssyncset.done $0x0  }
0x9c: {  	s17 =	sadd.s32 @!p1 $0x500, s7;
	s13 =	simm.s32 @!p1 $0x28;
	[sflag:s29] =	ssyncadd.s32 $0xFFFFEC00  }
0x9d: {  	[tilespmem:s15], [sflag:$0x1] =	stream.indirect.gather @!p1 [hbm4b:s1+s13], $0x80, s17, s13, $0xb8;
	[tilespmem:$0x1C400] =	vst v63  }
0x9e: {  	s18 =	sadd.s32 @!p1 $0x600, s7;
	s17 =	sadd.s32 @!p1 $0x580, s7;
	_ =	swait.ge [sflag:s30], $0x1400  }
0x9f: {  	s20 =	sadd.s32 @!p1 $0x680, s7;
	s15 =	sadd.s32 @!p1 $0x700, s7;
	[sflag:s30] =	ssyncset.done $0x0  }
0xa0: {  	s22 =	sadd.s32 $0xC80, s5;
	s7 =	smov.u32 s11;
	[sflag:s30] =	ssyncadd.s32 $0xFFFFEC00  }
0xa1: {  	[hbm4b:s22+s3] =	stream.linear.scatter [tilespmem:s24], [sflag:$0x10], $0x1400, $0x38;
	[tilespmem:$0x1C400] =	vst v63  }
0xa2: {  	_ =	swait.ge [sflag:s31], $0x1400  }
0xa3: {  	[sflag:s31] =	ssyncset.done $0x0  }
0xa4: {  	s11 =	simm.s32 @!p1 $0x11000;
	[sflag:s31] =	ssyncadd.s32 $0xFFFFEC00  }
0xa5: {  	[tilespmem:s11], [sflag:$0x2] =	stream.indirect.gather @!p1 [hbm4b:s1+s13], $0x80, s17, s13, $0xb8;
	[tilespmem:$0x1C400] =	vst v63  }
0xa6: {  	_ =	swait.ge [sflag:s2], $0x1400  }
0xa7: {  	[sflag:s2] =	ssyncset.done $0x0  }
0xa8: {  	s11 =	sadd.s32 $0xF00, s5;
	[sflag:s2] =	ssyncadd.s32 $0xFFFFEC00  }
0xa9: {  	[hbm4b:s11+s3] =	stream.linear.scatter [tilespmem:s26], [sflag:$0x11], $0x1400, $0x38;
	[tilespmem:$0x1C400] =	vst v63  }
0xaa: {  	_ =	swait.ge [sflag:s0], $0x1400  }
0xab: {  	[sflag:s0] =	ssyncset.done $0x0  }
0xac: {  	s11 =	simm.s32 @!p1 $0x12400;
	[sflag:s0] =	ssyncadd.s32 $0xFFFFEC00  }
0xad: {  	[tilespmem:s11], [sflag:$0x3] =	stream.indirect.gather @!p1 [hbm4b:s1+s13], $0x80, s18, s13, $0xb8;
	[tilespmem:$0x1C400] =	vst v63  }
0xae: {  	_ =	swait.ge [sflag:s10], $0x1400  }
0xaf: {  	[sflag:s10] =	ssyncset.done $0x0  }
0xb0: {  	s11 =	sadd.s32 $0x1180, s5;
	[sflag:s10] =	ssyncadd.s32 $0xFFFFEC00  }
0xb1: {  	[hbm4b:s11+s3] =	stream.linear.scatter [tilespmem:s19], [sflag:$0x12], $0x1400, $0x38;
	[tilespmem:$0x1C400] =	vst v63  }
0xb2: {  	_ =	swait.ge [sflag:s12], $0x1400  }
0xb3: {  	[sflag:s12] =	ssyncset.done $0x0  }
0xb4: {  	s11 =	simm.s32 @!p1 $0x13800;
	[sflag:s12] =	ssyncadd.s32 $0xFFFFEC00  }
0xb5: {  	[tilespmem:s11], [sflag:$0x4] =	stream.indirect.gather @!p1 [hbm4b:s1+s13], $0x80, s20, s13, $0xb8;
	[tilespmem:$0x1C400] =	vst v63  }
0xb6: {  	_ =	swait.ge [sflag:s14], $0x1400  }
0xb7: {  	[sflag:s14] =	ssyncset.done $0x0  }
0xb8: {  	s11 =	sadd.s32 $0x1400, s5;
	[sflag:s14] =	ssyncadd.s32 $0xFFFFEC00  }
0xb9: {  	[hbm4b:s11+s3] =	stream.linear.scatter [tilespmem:s21], [sflag:$0x13], $0x1400, $0x38;
	[tilespmem:$0x1C400] =	vst v63  }
0xba: {  	_ =	swait.ge [sflag:s16], $0x1400  }
.Ltmp0:
0xbb: {  	[sflag:s16] =	ssyncset.done $0x0;
	(pc) =	sbr.rel @p0 .LBB2_2-.Ltmp0, $4  }
0xbc: {  	s11 =	simm.s32 @!p1 $0x14C00;
	[sflag:s16] =	ssyncadd.s32 $0xFFFFEC00  }
0xbd: {  	[tilespmem:s11], [sflag:$0x5] =	stream.indirect.gather @!p1 [hbm4b:s1+s13], $0x80, s15, s13, $0xb8;
	[tilespmem:$0x1C400] =	vst v63  }
0xbe: {  	s5 =	sadd.s32 $0x1900, s5;
	_ =	swait.ge [sflag:s4], $0x1400  }
0xbf: {  	p1 =	seq.s32 s7, $0x0;
	s13 =	sadd.s32 $0x1680, s9;
	[sflag:s4] =	ssyncset.done $0x0  }
0xc0: {  	s6 =	simm.s32 @!p1 $0x10;
	[sflag:s4] =	ssyncadd.s32 $0xFFFFEC00;
	s20 =	simm.s32 $0x1B000  }
0xc1: {  	[hbm4b:s13+s3] =	stream.linear.scatter [tilespmem:s20], [sflag:$0x14], $0x1400, $0x38;
	[tilespmem:$0x1C400] =	vst v63  }
0xc2: {  	_ =	swait.ge @!p1 [sflag:s6], $0x1400  }
0xc3: {  	s9 =	sshra.s32 s7, $0x2;
	s15 =	simm.s32 $0x16000;
	[sflag:s6] =	ssyncset.done @!p1 $0x0  }
0xc4: {  	s21 =	simm.s32 $0x1;
	s19 =	sadd.s32 $0x280, s9;
	[sflag:s6] =	ssyncadd.s32 @!p1 $0xFFFFEC00  }
0xc5: {  	[tilespmem:s15], [sflag:$0x6] =	stream.indirect.gather [hbm4b:s1+s8], $0x80, s19, s8, $0xb8;
	[tilespmem:$0x1C400] =	vst v63  }
0xc6: {  	_ =	swait.ge [sflag:s21], $0x1400  }
0xc7: {  	[sflag:s21] =	ssyncset.done $0x0  }
0xc8: {  	s11 =	simm.s32 $0xFC00;
	s6 =	simm.s32 @!p1 $0x11;
	[sflag:s21] =	ssyncadd.s32 $0xFFFFEC00  }
0xc9: {  	[hbm4b:s5+s3] =	stream.linear.scatter [tilespmem:s11], [sflag:$0xB], $0x1400, $0x38;
	[tilespmem:$0x1C400] =	vst v63  }
0xca: {  	_ =	swait.ge @!p1 [sflag:s6], $0x1400  }
0xcb: {  	s17 =	simm.s32 $0x17400;
	[sflag:s6] =	ssyncset.done @!p1 $0x0  }
0xcc: {  	s22 =	sadd.s32 $0x300, s9;
	s11 =	simm.s32 $0x2;
	[sflag:s6] =	ssyncadd.s32 @!p1 $0xFFFFEC00  }
0xcd: {  	[tilespmem:s17], [sflag:$0x7] =	stream.indirect.gather [hbm4b:s1+s8], $0x80, s22, s8, $0xb8;
	[tilespmem:$0x1C400] =	vst v63  }
0xce: {  	_ =	swait.ge [sflag:s11], $0x1400  }
0xcf: {  	s18 =	simm.s32 $0x11000;
	[sflag:s11] =	ssyncset.done $0x0  }
0xd0: {  	s13 =	sadd.s32 $0x280, s5;
	[sflag:s11] =	ssyncadd.s32 $0xFFFFEC00;
	s11 =	simm.s32 @!p1 $0x12  }
0xd1: {  	[hbm4b:s13+s3] =	stream.linear.scatter [tilespmem:s18], [sflag:$0xC], $0x1400, $0x38;
	[tilespmem:$0x1C400] =	vst v63  }
0xd2: {  	_ =	swait.ge @!p1 [sflag:s11], $0x1400  }
0xd3: {  	[sflag:s11] =	ssyncset.done @!p1 $0x0  }
0xd4: {  	s19 =	sadd.s32 $0x380, s9;
	s18 =	simm.s32 $0x18800;
	[sflag:s11] =	ssyncadd.s32 @!p1 $0xFFFFEC00  }
0xd5: {  	[tilespmem:s18], [sflag:$0x8] =	stream.indirect.gather [hbm4b:s1+s8], $0x80, s19, s8, $0xb8;
	[tilespmem:$0x1C400] =	vst v63  }
0xd6: {  	_ =	swait.ge [sflag:s23], $0x1400  }
0xd7: {  	s21 =	sadd.s32 $0x500, s5;
	[sflag:s23] =	ssyncset.done $0x0  }
0xd8: {  	s22 =	simm.s32 $0x12400;
	s11 =	simm.s32 @!p1 $0x13;
	[sflag:s23] =	ssyncadd.s32 $0xFFFFEC00  }
0xd9: {  	[hbm4b:s21+s3] =	stream.linear.scatter [tilespmem:s22], [sflag:$0xD], $0x1400, $0x38;
	[tilespmem:$0x1C400] =	vst v63  }
0xda: {  	_ =	swait.ge @!p1 [sflag:s11], $0x1400  }
0xdb: {  	[sflag:s11] =	ssyncset.done @!p1 $0x0  }
0xdc: {  	s19 =	simm.s32 $0x19C00;
	[sflag:s11] =	ssyncadd.s32 @!p1 $0xFFFFEC00;
	s11 =	sadd.s32 $0x400, s9  }
0xdd: {  	[tilespmem:s19], [sflag:$0x9] =	stream.indirect.gather [hbm4b:s1+s8], $0x80, s11, s8, $0xb8;
	[tilespmem:$0x1C400] =	vst v63  }
0xde: {  	_ =	swait.ge [sflag:s25], $0x1400  }
0xdf: {  	s13 =	sadd.s32 $0x780, s5;
	[sflag:s25] =	ssyncset.done $0x0  }
0xe0: {  	s21 =	simm.s32 $0x13800;
	s11 =	simm.s32 @!p1 $0x14;
	[sflag:s25] =	ssyncadd.s32 $0xFFFFEC00  }
0xe1: {  	[hbm4b:s13+s3] =	stream.linear.scatter [tilespmem:s21], [sflag:$0xE], $0x1400, $0x38;
	[tilespmem:$0x1C400] =	vst v63  }
0xe2: {  	_ =	swait.ge @!p1 [sflag:s11], $0x1400  }
0xe3: {  	[sflag:s11] =	ssyncset.done @!p1 $0x0  }
0xe4: {  	s22 =	sadd.s32 $0x480, s9;
	[sflag:s11] =	ssyncadd.s32 @!p1 $0xFFFFEC00  }
0xe5: {  	[tilespmem:s20], [sflag:$0xA] =	stream.indirect.gather [hbm4b:s1+s8], $0x80, s22, s8, $0xb8;
	[tilespmem:$0x1C400] =	vst v63  }
0xe6: {  	_ =	swait.ge [sflag:s28], $0x1400  }
0xe7: {  	[sflag:s28] =	ssyncset.done $0x0  }
0xe8: {  	s9 =	sadd.s32 $0xA00, s5;
	s11 =	simm.s32 $0x14C00;
	[sflag:s28] =	ssyncadd.s32 $0xFFFFEC00  }
0xe9: {  	[hbm4b:s9+s3] =	stream.linear.scatter [tilespmem:s11], [sflag:$0xF], $0x1400, $0x38;
	[tilespmem:$0x1C400] =	vst v63  }
0xea: {  	p0 =	seq.s32 s7, $0x3D400;
	_ =	swait.ge [sflag:s29], $0x1400  }
0xeb: {  	s6 =	sshra.s32 @!p0 s7, $0x2;
	s7 =	simm.s32 @!p0 $0xFC00;
	[sflag:s29] =	ssyncset.done $0x0  }
0xec: {  	s9 =	sadd.s32 @!p0 $0x500, s6;
	s11 =	simm.s32 @!p0 $0x28;
	[sflag:s29] =	ssyncadd.s32 $0xFFFFEC00  }
0xed: {  	[tilespmem:s7], [sflag:$0x1] =	stream.indirect.gather @!p0 [hbm4b:s1+s11], $0x80, s9, s11, $0xb8;
	[tilespmem:$0x1C400] =	vst v63  }
0xee: {  	_ =	swait.ge [sflag:s30], $0x1400  }
0xef: {  	[sflag:s30] =	ssyncset.done $0x0  }
0xf0: {  	s13 =	sadd.s32 $0xC80, s5;
	[sflag:s30] =	ssyncadd.s32 $0xFFFFEC00  }
0xf1: {  	[hbm4b:s13+s3] =	stream.linear.scatter [tilespmem:s15], [sflag:$0x10], $0x1400, $0x38;
	[tilespmem:$0x1C400] =	vst v63  }
0xf2: {  	_ =	swait.ge [sflag:s31], $0x1400  }
0xf3: {  	[sflag:s31] =	ssyncset.done $0x0  }
0xf4: {  	s7 =	sadd.s32 @!p0 $0x580, s6;
	s9 =	simm.s32 @!p0 $0x11000;
	[sflag:s31] =	ssyncadd.s32 $0xFFFFEC00  }
0xf5: {  	[tilespmem:s9], [sflag:$0x2] =	stream.indirect.gather @!p0 [hbm4b:s1+s11], $0x80, s7, s11, $0xb8;
	[tilespmem:$0x1C400] =	vst v63  }
0xf6: {  	_ =	swait.ge [sflag:s2], $0x1400  }
0xf7: {  	[sflag:s2] =	ssyncset.done $0x0  }
0xf8: {  	s21 =	sadd.s32 $0xF00, s5;
	[sflag:s2] =	ssyncadd.s32 $0xFFFFEC00  }
0xf9: {  	[hbm4b:s21+s3] =	stream.linear.scatter [tilespmem:s17], [sflag:$0x11], $0x1400, $0x38;
	[tilespmem:$0x1C400] =	vst v63  }
0xfa: {  	_ =	swait.ge [sflag:s0], $0x1400  }
0xfb: {  	[sflag:s0] =	ssyncset.done $0x0  }
0xfc: {  	s7 =	sadd.s32 @!p0 $0x600, s6;
	s9 =	simm.s32 @!p0 $0x12400;
	[sflag:s0] =	ssyncadd.s32 $0xFFFFEC00  }
0xfd: {  	[tilespmem:s9], [sflag:$0x3] =	stream.indirect.gather @!p0 [hbm4b:s1+s11], $0x80, s7, s11, $0xb8;
	[tilespmem:$0x1C400] =	vst v63  }
0xfe: {  	_ =	swait.ge [sflag:s10], $0x1400  }
0xff: {  	[sflag:s10] =	ssyncset.done $0x0  }
0x100: {  	s22 =	sadd.s32 $0x1180, s5;
	[sflag:s10] =	ssyncadd.s32 $0xFFFFEC00  }
0x101: {  	[hbm4b:s22+s3] =	stream.linear.scatter [tilespmem:s18], [sflag:$0x12], $0x1400, $0x38;
	[tilespmem:$0x1C400] =	vst v63  }
0x102: {  	_ =	swait.ge [sflag:s12], $0x1400  }
0x103: {  	[sflag:s12] =	ssyncset.done $0x0  }
0x104: {  	s7 =	sadd.s32 @!p0 $0x680, s6;
	s9 =	simm.s32 @!p0 $0x13800;
	[sflag:s12] =	ssyncadd.s32 $0xFFFFEC00  }
0x105: {  	[tilespmem:s9], [sflag:$0x4] =	stream.indirect.gather @!p0 [hbm4b:s1+s11], $0x80, s7, s11, $0xb8;
	[tilespmem:$0x1C400] =	vst v63  }
0x106: {  	_ =	swait.ge [sflag:s14], $0x1400  }
0x107: {  	[sflag:s14] =	ssyncset.done $0x0  }
0x108: {  	s9 =	sadd.s32 $0x1400, s5;
	[sflag:s14] =	ssyncadd.s32 $0xFFFFEC00  }
0x109: {  	[hbm4b:s9+s3] =	stream.linear.scatter [tilespmem:s19], [sflag:$0x13], $0x1400, $0x38;
	[tilespmem:$0x1C400] =	vst v63  }
0x10a: {  	_ =	swait.ge [sflag:s16], $0x1400  }
0x10b: {  	[sflag:s16] =	ssyncset.done $0x0  }
0x10c: {  	s6 =	sadd.s32 @!p0 $0x700, s6;
	s7 =	simm.s32 @!p0 $0x14C00;
	[sflag:s16] =	ssyncadd.s32 $0xFFFFEC00  }
0x10d: {  	[tilespmem:s7], [sflag:$0x5] =	stream.indirect.gather @!p0 [hbm4b:s1+s11], $0x80, s6, s11, $0xb8;
	[tilespmem:$0x1C400] =	vst v63  }
0x10e: {  	_ =	swait.ge [sflag:s4], $0x1400  }
0x10f: {  	[sflag:s4] =	ssyncset.done $0x0  }
0x110: {  	s13 =	simm.s32 $0x10;
	s11 =	sadd.s32 $0x1680, s5;
	[sflag:s4] =	ssyncadd.s32 $0xFFFFEC00  }
0x111: {  	[hbm4b:s11+s3] =	stream.linear.scatter [tilespmem:s20], [sflag:$0x14], $0x1400, $0x38;
	[tilespmem:$0x1C400] =	vst v63  }
0x112: {  	_ =	swait.ge [sflag:s13], $0x1400  }
0x113: {  	[sflag:s13] =	ssyncset.done $0x0  }
0x114: {  	s15 =	simm.s32 $0x11;
	[sflag:s13] =	ssyncadd.s32 $0xFFFFEC00  }
0x115: {  	_ =	swait.ge [sflag:s15], $0x1400  }
0x116: {  	[sflag:s15] =	ssyncset.done $0x0  }
0x117: {  	s17 =	simm.s32 $0x12;
	[sflag:s15] =	ssyncadd.s32 $0xFFFFEC00  }
0x118: {  	_ =	swait.ge [sflag:s17], $0x1400  }
0x119: {  	[sflag:s17] =	ssyncset.done $0x0  }
0x11a: {  	s18 =	simm.s32 $0x13;
	[sflag:s17] =	ssyncadd.s32 $0xFFFFEC00  }
0x11b: {  	_ =	swait.ge [sflag:s18], $0x1400  }
0x11c: {  	[sflag:s18] =	ssyncset.done $0x0  }
0x11d: {  	s19 =	simm.s32 $0x14;
	[sflag:s18] =	ssyncadd.s32 $0xFFFFEC00  }
0x11e: {  	_ =	swait.ge [sflag:s19], $0x1400  }
0x11f: {  	s20 =	rddreg [dreg:$0x7]  }
0x120: {  	s22 =	rddreg [dreg:$0x5];
	s7 =	sadd.s32 $0x1, s20  }
0x121: {  	p0 =	sne.s32 s7, s22  }
.Ltmp1:
0x122: {  	_ = 	snop;
	(pc) =	sbr.rel @p0 .LBB2_1-.Ltmp1, $3  }
0x123: {  	_ =	sdelay $0x1  }
0x124: {  	[sflag:s19] =	ssyncset.done $0x0  }
0x125: {  	s21 =	simm.s32 $0x1B000;
	[sflag:s19] =	ssyncadd.s32 $0xFFFFEC00  }
0x126: {  	_ =	sfence.sel $0x180000  }
0x127: {  	[bflag:$0x0] =	sbarrier.arrive $0xFFFF  }
0x128: {  	_ =	strace $0x90000047  }
0x129: {  	s0 =	stileid.u32;
	[bflag:$0x2] =	sbarrier.arrive $0xFFFF  }
0x12a: {  	p0 =	sne.s32 s0, $0x0;
	s0 =	rddreg [dreg:$0x3]  }
0x12b: {  	s0 =	sadd.s32 @!p0 $0x100000, s0  }
0x12c: {  	[sflag:s0] =	ssyncadd.tile.s32 @!p0 $0x1;
	_ =	shalt  }
.Lfunc_end2:
_tile_overlayer_lowered:
.L_overlay_start_2:
0x12d: {  	(tag) =	ssettag $0x2  }
0x12e: {  	s0 =	rddreg [dreg:$0x0];
	s2 =	stileid.u32  }
0x12f: {  	s1 =	rddreg [dreg:$0x1];
	p0 =	sne.s32 s2, $0x0  }
0x130: {  	s3 =	rddreg [dreg:$0x2];
	[bflag:$0x3] =	sbarrier.arrive $0xFFFF;
	s2 =	simm.s32 @!p0 $0x1C15  }
0x131: {  	[timem:s3], [sflag:s2] =	dma.local @!p0 [hbm:s0], s1  }
0x132: {  	s0 =	simm.s32 @!p0 $0x15  }
0x133: {  	_ =	swait.ge @!p0 [sflag:s0], s1  }
0x134: {  	s1 =	ssub.s32 @!p0 $0x0, s1;
	[sflag:s0] =	ssyncset.done @!p0 $0x0  }
0x135: {  	[sflag:s0] =	ssyncadd.s32 @!p0 s1  }
0x136: {  	[bflag:$0x3] =	sbarrier.arrive $0xFFFF  }
0x137: {  	_ =	shalt  }

// kernel: kernel.9.cloned.1.call-start
scs
__scs_entry_jumppad:
0x0: {  	(pc) =	sbr.rel $0x88, $3  }
0x1: {  	(tag) =	ssettag $0x0;
	lr =	simm.s32 $0x1  }
0x2: {  	[smem:$0x3F8D] =	sst lr;
	_ =	strace $0xD0000000  }
0x3: {  	_ = 	snop  }
0x4: {  	_ = 	snop  }
0x5: {  	_ = 	snop  }
0x6: {  	_ = 	snop  }
0x7: {  	_ = 	snop  }
__scs_overlays_trampoline_lowered:
0x8: {  	[smem:$0x3F9C] =	sst s0  }
0x9: {  	[smem:$0x3F9D] =	sst s1  }
0xa: {  	[smem:$0x3F9E] =	sst s2  }
0xb: {  	[smem:$0x3F9F] =	sst s3  }
0xc: {  	[smem:$0x3FA0] =	sst s4  }
0xd: {  	[smem:$0x3FA1] =	sst s5  }
0xe: {  	[smem:$0x3FA2] =	sst s6  }
0xf: {  	[smem:$0x3FA3] =	sst s7  }
0x10: {  	[smem:$0x3FA4] =	sst s8  }
0x11: {  	[smem:$0x3FA5] =	sst s9;
	s0 =	simm.s32 @!p0 $0x0  }
0x12: {  	s1 =	sld [smem:$0x3F8B];
	s0 =	simm.s32 @p0 $0x1  }
0x13: {  	[smem:$0x3FA6] =	sst s0;
	s0 =	simm.s32 @!p1 $0x0  }
0x14: {  	s2 =	sld [smem:$0x3F8A];
	s0 =	simm.s32 @p1 $0x1  }
0x15: {  	[smem:$0x3FA7] =	sst s0;
	s0 =	simm.s32 @!p2 $0x0  }
0x16: {  	s3 =	sld [smem:$0x3FDB];
	s0 =	simm.s32 @p2 $0x1  }
0x17: {  	s4 =	simm.s32 $0x1BF5;
	[smem:$0x3FA9] =	sst s0  }
0x18: {  	s0 =	sld [smem:$0x3F8C];
	_ =	swait.ge [sflag:s4], $0x0  }
0x19: {  	s7 =	sld [smem:$0x3F8D]  }
0x1a: {  	s8 =	sadd.s32 $0xFFFFE003, lr  }
0x1b: {  	s9 =	sadd.s32 $0xFFFFFEF7, lr;
	s5 =	simm.s32 $0xFFFFFFFF;
	p2 =	slt.u32 s8, $0xFFFFF086  }
0x1c: {  	p1 =	slt.u32 s9, $0xF7A;
	s5 =	simm.s32 @!p2 $0x0  }
0x1d: {  	s5 =	simm.s32 @p1 $0x1;
	p0 =	seq.s32 s7, s2  }
0x1e: {  	s7 =	smul.u32 @!p0 $0xF7A, s2;
	p2 =	seq.s32 @!p0 s5, $0x0  }
0x1f: {  	s9 =	smul.u32 $0xF7A, s1;
	s8 =	simm.s32 @!p0 $0x1BF5;
	p2 =	por !p2, p0  }
0x20: {  	[sflag:s8] =	ssyncset.s32 @!p0 $0xFFFFF086;
	s6 =	sadd.s32 @!p0 s3, s7;
	s7 =	simm.s32 @!p0 $0x108  }
0x21: {  	s3 =	sadd.s32 s3, s9;
	s6 =	sadd.s32 @!p0 $0x88, s6;
	s7 =	simm.s32 @p2 $0x1082  }
0x22: {  	[simem:s7], [sflag:s8] =	dma.local @!p0 [hbm:s6], $0xF7A  }
0x23: {  	s9 =	sor.u32 $0xD0000000, s2;
	s6 =	simm.s32 $0x108;
	_ =	swait.ge @!p0 [sflag:s8], $0x0  }
0x24: {  	s3 =	sadd.s32 $0x88, s3;
	s6 =	simm.s32 @!p1 $0x1082;
	[sflag:s4] =	ssyncset.s32 $0xFFFFF086  }
0x25: {  	[simem:s6], [sflag:s4] =	dma.local [hbm:s3], $0xF7A  }
0x26: {  	[smem:$0x3F8D] =	sst s1;
	(tag) =	ssettag s2;
	_ =	strace s9  }
0x27: {  	s1 =	sld [smem:$0x3F9D]  }
0x28: {  	s2 =	sld [smem:$0x3F9E]  }
0x29: {  	s4 =	sld [smem:$0x3FA0]  }
0x2a: {  	p0 =	seq.s32 s5, $0x0;
	s5 =	sld [smem:$0x3FA1]  }
0x2b: {  	s6 =	sld [smem:$0x3FA2]  }
0x2c: {  	s7 =	sld [smem:$0x3FA3]  }
0x2d: {  	s3 =	simm.s32 $0x108;
	s8 =	sld [smem:$0x3FA4]  }
0x2e: {  	s3 =	simm.s32 @!p0 $0x1082;
	s9 =	sld [smem:$0x3FA5]  }
0x2f: {  	lr =	sadd.s32 s0, s3;
	s0 =	sld [smem:$0x3F9C]  }
0x30: {  	s3 =	sld [smem:$0x3F9F]  }
0x31: {  	[smem:$0x3FA8] =	sst s10  }
0x32: {  	s10 =	sld [smem:$0x3FA6];
	_ =	sdelay $0x3  }
0x33: {  	p0 =	seq.s32 s10, $0x1;
	s10 =	sld [smem:$0x3FA8];
	_ =	sdelay $0x3  }
0x34: {  	[smem:$0x3FA8] =	sst s10  }
0x35: {  	s10 =	sld [smem:$0x3FA7];
	_ =	sdelay $0x3  }
0x36: {  	p1 =	seq.s32 s10, $0x1;
	s10 =	sld [smem:$0x3FA8];
	_ =	sdelay $0x3  }
0x37: {  	[smem:$0x3FA8] =	sst s10  }
0x38: {  	s10 =	sld [smem:$0x3FA9]  }
0x39: {  	_ = 	snop;
	(pc) =	sbr.ind lr, $3  }
0x3a: {  	_ = 	snop  }
0x3b: {  	_ = 	snop  }
0x3c: {  	p2 =	seq.s32 s10, $0x1;
	s10 =	sld [smem:$0x3FA8]  }
0x3d: {  	_ =	shalt  }
0x3e: {  	_ =	shalt  }
0x3f: {  	_ =	shalt  }
0x40: {  	_ =	shalt  }
0x41: {  	_ =	shalt  }
0x42: {  	_ =	shalt  }
0x43: {  	_ =	shalt  }
0x44: {  	_ =	shalt  }
0x45: {  	_ =	shalt  }
0x46: {  	_ =	shalt  }
0x47: {  	_ =	shalt  }
0x48: {  	_ =	shalt  }
0x49: {  	_ =	shalt  }
0x4a: {  	_ =	shalt  }
0x4b: {  	_ =	shalt  }
0x4c: {  	_ =	shalt  }
0x4d: {  	_ =	shalt  }
0x4e: {  	_ =	shalt  }
0x4f: {  	_ =	shalt  }
0x50: {  	_ =	shalt  }
0x51: {  	_ =	shalt  }
0x52: {  	_ =	shalt  }
0x53: {  	_ =	shalt  }
0x54: {  	_ =	shalt  }
0x55: {  	_ =	shalt  }
0x56: {  	_ =	shalt  }
0x57: {  	_ =	shalt  }
0x58: {  	_ =	shalt  }
0x59: {  	_ =	shalt  }
0x5a: {  	_ =	shalt  }
0x5b: {  	_ =	shalt  }
0x5c: {  	_ =	shalt  }
0x5d: {  	_ =	shalt  }
0x5e: {  	_ =	shalt  }
0x5f: {  	_ =	shalt  }
0x60: {  	_ =	shalt  }
0x61: {  	_ =	shalt  }
0x62: {  	_ =	shalt  }
0x63: {  	_ =	shalt  }
0x64: {  	_ =	shalt  }
0x65: {  	_ =	shalt  }
0x66: {  	_ =	shalt  }
0x67: {  	_ =	shalt  }
0x68: {  	_ =	shalt  }
0x69: {  	_ =	shalt  }
0x6a: {  	_ =	shalt  }
0x6b: {  	_ =	shalt  }
0x6c: {  	_ =	shalt  }
0x6d: {  	_ =	shalt  }
0x6e: {  	_ =	shalt  }
0x6f: {  	_ =	shalt  }
0x70: {  	_ =	shalt  }
0x71: {  	_ =	shalt  }
0x72: {  	_ =	shalt  }
0x73: {  	_ =	shalt  }
0x74: {  	_ =	shalt  }
0x75: {  	_ =	shalt  }
0x76: {  	_ =	shalt  }
0x77: {  	_ =	shalt  }
0x78: {  	_ =	shalt  }
0x79: {  	_ =	shalt  }
0x7a: {  	_ =	shalt  }
0x7b: {  	_ =	shalt  }
0x7c: {  	_ =	shalt  }
0x7d: {  	_ =	shalt  }
0x7e: {  	_ =	shalt  }
0x7f: {  	_ =	shalt  }
0x80: {  	_ =	shalt  }
0x81: {  	_ =	shalt  }
0x82: {  	_ =	shalt  }
0x83: {  	_ =	shalt  }
0x84: {  	_ =	shalt  }
0x85: {  	_ =	shalt  }
0x86: {  	_ =	shalt  }
0x87: {  	_ =	shalt  }
.Lfunc_end0:
.L_simem_size_0:
called_computation.1_lowered:
.L_overlay_start_0:
0x88: {  	s2 =	sld [smem:$0x3FD9]  }
0x89: {  	s3 =	sld [smem:$0x3FFE];
	_ =	sdelay $0x1  }
0x8a: {  	s1 =	srdreg.scid  }
0x8b: {  	s0 =	sand.u32 $0x1, s1  }
0x8c: {  	s14 =	sshll.u32 s0, $0xA;
	s2 =	sadd.s32 s3, s2  }
0x8d: {  	s2 =	sadd.s32 s2, s14  }
0x8e: {  	[smem:$0x3FB4] =	sst s2  }
0x8f: {  	_ = 	snop  }
0x90: {  	s2 =	sld [smem:$0x3FD0];
	_ =	sdelay $0x2  }
0x91: {  	s15 =	simm.s32 $0xA;
	s4 =	simm.s32 $0x10  }
0x92: {  	[smem:s4], [sflag:s15] =	dma.local [hbm:s2], $0x1  }
0x93: {  	_ =	swait.eq [sflag:s15], $0x1  }
0x94: {  	[sflag:s15] =	ssyncset.done $0x0  }
0x95: {  	[sflag:s15] =	ssyncadd.s32 $0xFFFFFFFF  }
0x96: {  	s16 =	sld [smem:$0x10];
	(tm) =	ssettm $0x1  }
0x97: {  	s17 =	sld [smem:$0x3FFB];
	_ =	sdelay $0x3  }
0x98: {  	_ =	strace s17  }
0x99: {  	s3 =	sld [smem:$0x3FFC];
	_ =	sdelay $0x3  }
0x9a: {  	_ =	strace s3  }
0x9b: {  	s3 =	sld [smem:$0x3FFD];
	_ =	sdelay $0x3  }
0x9c: {  	_ =	strace s3  }
0x9d: {  	_ =	strace $0x8FFFFFFF  }
0x9e: {  	s18 =	sld [smem:$0x3FDB];
	_ =	sdelay $0x1  }
0x9f: {  	s19 =	simm.s32 $_scs_section_size  }
0xa0: {  	s5 =	simm.s32 $_size__tile_overlayer_lowered;
	s6 =	simm.s32 $_tile_overlayer_lowered  }
0xa1: {  	s22 =	simm.s32 $0x1BFF;
	s21 =	sshll.u32 s6, $0x1;
	s3 =	sadd.s32 s19, s18  }
0xa2: {  	s7 =	simm.s32 $0x0;
	s20 =	sshll.u32 s5, $0x1;
	s5 =	sadd.s32 s21, s3  }
0xa3: {  	[timem:s7], [sflag:s22] =	dma.local [hbm:s5], s20  }
0xa4: {  	_ =	swait.ge [sflag:s22], s20  }
0xa5: {  	s4 =	ssub.s32 $0x0, s20;
	[sflag:s22] =	ssyncset.done $0x0  }
0xa6: {  	[sflag:s22] =	ssyncadd.s32 s4;
	_ =	sdelay $0x1  }
0xa7: {  	s23 =	simm.s32 $0x1B8B  }
0xa8: {  	_ =	swait.ge [sflag:s23], $0x1  }
0xa9: {  	[sflag:s23] =	ssyncset.done $0x0  }
0xaa: {  	s25 =	simm.s32 $0x1B8E;
	s24 =	sld [smem:$0x3FFE];
	[sflag:s23] =	ssyncadd.s32 $0xFFFFFFFF  }
0xab: {  	s26 =	simm.s32 $execute0_lowered;
	[smem:$0x3FD2] =	sst s25  }
0xac: {  	s5 =	sshll.u32 s26, $0x1;
	_ =	strace $0x80000049;
	[dreg:$0x1] =	wrdreg $0xFFFFFFFF  }
0xad: {  	s28 =	simm.s32 $_size_execute0_lowered;
	s3 =	sadd.s32 s3, s5;
	[dreg:$0x0] =	wrdreg $0x0  }
0xae: {  	s5 =	sshll.u32 s28, $0x1;
	[dreg:$0x2] =	wrdreg s3  }
0xaf: {  	[dreg:$0x3] =	wrdreg s5  }
0xb0: {  	[dreg:$0x4] =	wrdreg $0xC0  }
0xb1: {  	_ =	task [dreg:s7], $0x5FFFF  }
0xb2: {  	[dreg:$0x1] =	wrdreg $0xFFFFFFFF  }
0xb3: {  	[dreg:$0x0] =	wrdreg $0x60  }
0xb4: {  	[dreg:$0x2] =	wrdreg s24  }
0xb5: {  	[dreg:$0x3] =	wrdreg s16  }
0xb6: {  	[dreg:$0x4] =	wrdreg $0x53200  }
0xb7: {  	[dreg:$0x5] =	wrdreg $0xF1200  }
0xb8: {  	[dreg:$0x6] =	wrdreg $0x9  }
0xb9: {  	_ =	task.clear_ibuf [dreg:s7], $0x7FFFF;
	_ =	strace $0x90000049  }
0xba: {  	s29 =	simm.s32 $0x9;
	_ =	strace $0x8000004B  }
0xbb: {  	_ =	swait.ge [sflag:s29], $0x1  }
0xbc: {  	[sflag:s29] =	ssyncadd.s32 $0xFFFFFFFF  }
0xbd: {  	_ =	strace $0x9000004B  }
0xbe: {  	_ =	sfence  }
0xbf: {  	s30 =	sld [smem:$0x0];
	_ =	sdelay $0x2  }
0xc0: {  	s31 =	sshll.u32 s1, $0xD;
	s1 =	sshrl.u32 s1, $0x2  }
0xc1: {  	s3 =	sand.u32 $0x4000, s31;
	s1 =	sadd.s32 s1, s30  }
0xc2: {  	s0 =	sor.u32 s3, s0;
	s1 =	sshll.u32 s1, $0x11  }
0xc3: {  	s0 =	sor.u32 s1, s0  }
0xc4: {  	s0 =	sadd.s32 $0x8F2B, s0  }
0xc5: {  	[sflag:s0] =	ssyncadd.remote.s32 $0x1  }
0xc6: {  	_ =	sfence.sel $0xFFFF  }
0xc7: {  	[dreg:$0x0] =	wrdreg $0xFFFFFFFF;
	(pc) =	sbr.abs _section_cstart, $3  }
0xc8: {  	[dreg:$0x1] =	wrdreg $0xFFFFFFFF  }
0xc9: {  	_ =	task.clear_ibuf [dreg:s7], $0x2FFFF;
	_ =	strace $0x9FFFFFFF  }
0xca: {  	(tm) =	ssettm $0x7FFFFFFF  }
0xcb: {  	_ =	shalt  }
tec
execute0_lowered:
.L_overlay_start_1:
0x0: {  	(tag) =	ssettag $0x1  }
0x1: {  	s22 =	stileid.u32  }
0x2: {  	s4 =	smul.u32 $0x4E20, s22  }
0x3: {  	s3 =	rddreg [dreg:$0x0];
	s6 =	smul.u32 $0x278, s22  }
0x4: {  	s0 =	srdreg.scid;
	s8 =	smul.u32 $0x9E00, s22  }
0x5: {  	s1 =	simm.s32 $0x0;
	s25 =	sand.u32 $0x1, s0;
	s19 =	smul.u32 $0x138800, s22  }
0x6: {  	[smem:$0x7FF] =	sst s1;
	s5 =	sadd.s32 $0x4E6600, s3;
	s11 =	smul.u32 $0x1388000, s25  }
0x7: {  	s7 =	sadd.s32 $0x50DE00, s3;
	s0 =	ssub.s32 $0x2, s25;
	s15 =	smul.u32 $0x9E000, s25  }
0x8: {  	s2 =	sshrl.u32 s0, $0x1;
	s9 =	sadd.s32 $0x80, s6;
	s10 =	sadd.s32 $0x100, s6  }
0x9: {  	s13 =	sadd.s32 $0x180, s6;
	s6 =	sadd.s32 $0x200, s6;
	s18 =	sadd.s32 $0x28, s4  }
0xa: {  	s4 =	sshrl.u32 s4, $0x3;
	s0 =	ssub.s32 s0, s2;
	s12 =	sshll.u32 s9, $0x6  }
0xb: {  	s14 =	sshll.u32 s10, $0x6;
	s16 =	sshll.u32 s13, $0x6;
	s17 =	sshll.u32 s6, $0x6  }
0xc: {  	s2 =	sadd.s32 s19, s11;
	s19 =	sshll.u32 s18, $0x6;
	s20 =	sadd.s32 s8, s15  }
0xd: {  	s9 =	sshll.u32 s9, $0x1;
	s11 =	sadd.s32 s11, s19;
	s20 =	sshrl.u32 s20, $0x3  }
0xe: {  	s21 =	sadd.s32 s15, s12;
	s24 =	sadd.s32 s15, s14;
	s30 =	sadd.s32 s15, s16  }
0xf: {  	s15 =	sadd.s32 s15, s17;
	s0 =	smax.u32 s0, $0x1;
	s19 =	sadd.s32 s5, s20  }
0x10: {  	s23 =	sshrl.u32 s21, $0x3;
	s26 =	sshrl.u32 s24, $0x3;
	s24 =	rddreg [dreg:$0x1]  }
0x11: {  	s20 =	sshrl.u32 s30, $0x3;
	s21 =	smul.u32 $0x2780, s22;
	[dreg:$0x6] =	wrdreg s19  }
0x12: {  	s19 =	sadd.s32 s5, s23;
	s23 =	sshll.u32 s13, $0x1;
	s13 =	rddreg [dreg:$0x2]  }
0x13: {  	s15 =	sshrl.u32 s15, $0x3;
	s31 =	sadd.s32 s5, s20;
	[dreg:$0x7] =	wrdreg s19  }
0x14: {  	s30 =	sshrl.u32 s18, $0x3;
	s19 =	sadd.s32 s5, s26;
	[dreg:$0x9] =	wrdreg s31  }
0x15: {  	s20 =	sshll.u32 s10, $0x1;
	s5 =	sadd.s32 s5, s15;
	[dreg:$0x8] =	wrdreg s19  }
0x16: {  	s4 =	sadd.s32 s24, s4;
	s15 =	sshrl.u32 s21, $0x3;
	[dreg:$0xa] =	wrdreg s5  }
0x17: {  	s10 =	sadd.s32 $0x4E5E00, s3;
	s5 =	sadd.s32 s7, s15;
	s15 =	rddreg [dreg:$0x3]  }
0x18: {  	s26 =	sshll.u32 s6, $0x1;
	s19 =	sadd.s32 s7, s9;
	[dreg:$0xb] =	wrdreg s5  }
0x19: {  	s31 =	smul.u32 $0x9C4, s22;
	[dreg:$0xc] =	wrdreg s19;
	s5 =	sadd.s32 s7, s20  }
0x1a: {  	s6 =	sadd.s32 $0x3E00, s3;
	[dreg:$0xd] =	wrdreg s5;
	s5 =	sadd.s32 s7, s23  }
0x1b: {  	s22 =	sshrl.u32 s12, $0x2;
	[dreg:$0xe] =	wrdreg s5;
	s5 =	sadd.s32 s7, s26  }
0x1c: {  	s18 =	sadd.s32 s31, s24;
	s19 =	sadd.s32 $0x4E6200, s3;
	[dreg:$0xf] =	wrdreg s5  }
0x1d: {  	s7 =	sadd.s32 s24, s30;
	_ =	strace $0x8000004A;
	[dreg:$0x10] =	wrdreg s4  }
0x1e: {  	s3 =	sadd.s32 $0x4E6400, s3;
	s20 =	sshrl.u32 s8, $0x2;
	[dreg:$0x11] =	wrdreg s7  }
0x1f: {  	s9 =	sadd.s32 s22, s15;
	s31 =	sshrl.u32 s2, $0x3;
	[dreg:$0x12] =	wrdreg s10  }
0x20: {  	s21 =	sadd.s32 s21, s15;
	s22 =	sadd.s32 $0x3200, s2;
	[dreg:$0x13] =	wrdreg s19  }
0x21: {  	s23 =	sshrl.u32 s14, $0x2;
	s24 =	sshrl.u32 s16, $0x2;
	[dreg:$0x14] =	wrdreg s3  }
0x22: {  	s26 =	sshrl.u32 s17, $0x2;
	s30 =	sshrl.u32 s11, $0x3;
	[smem:$0x7F8] =	sst s21  }
0x23: {  	s11 =	sadd.s32 s26, s15;
	s7 =	sadd.s32 s8, s13;
	[smem:$0x7F9] =	sst s0  }
0x24: {  	s8 =	sadd.s32 s12, s13;
	s3 =	sadd.s32 s20, s15;
	[dreg:$0x5] =	wrdreg s6  }
0x25: {  	s10 =	sadd.s32 s14, s13;
	s12 =	sadd.s32 s16, s13;
	[dreg:$0x18] =	wrdreg s9  }
0x26: {  	s14 =	sadd.s32 s23, s15;
	s16 =	sadd.s32 s24, s15;
	[dreg:$0x1e] =	wrdreg s11  }
0x27: {  	s19 =	sadd.s32 s17, s13;
	s17 =	sadd.s32 s6, s31;
	[dreg:$0x17] =	wrdreg s3  }
0x28: {  	s20 =	sadd.s32 s6, s30;
	s23 =	sadd.s32 $0x1E00, s2;
	[dreg:$0x1f] =	wrdreg s17  }
0x29: {  	s24 =	sadd.s32 $0x1400, s2;
	s2 =	sadd.s32 $0x2800, s2;
	[smem:$0x7F7] =	sst s20  }
0x2a: {  	[smem:$0x7FB] =	sst s2  }
0x2b: {  	[dreg:$0x15] =	wrdreg s7  }
0x2c: {  	s29 =	simm.s32 $0x8;
	s28 =	simm.s32 $0x78;
	[dreg:$0x16] =	wrdreg s8  }
0x2d: {  	p0 =	sne.s32 s25, $0x0;
	s5 =	simm.s32 $0x2B20;
	[dreg:$0x19] =	wrdreg s10  }
0x2e: {  	s0 =	sshrl.u32 s22, $0x3;
	s21 =	simm.s32 $0x78;
	[dreg:$0x1a] =	wrdreg s12  }
0x2f: {  	s0 =	sadd.s32 s0, s6;
	s26 =	sshrl.u32 s23, $0x3;
	[dreg:$0x1b] =	wrdreg s14  }
0x30: {  	s30 =	sshrl.u32 s24, $0x3;
	s20 =	simm.s32 $0x28;
	[dreg:$0x1c] =	wrdreg s16  }
0x31: {  	s17 =	simm.s32 $0x1EA0;
	s3 =	simm.s32 $0x0;
	[dreg:$0x1d] =	wrdreg s19  }
0x32: {  	s23 =	simm.s32 $0x14A0;
	[smem:$0x7FA] =	sst s0;
	s0 =	sadd.s32 s26, s6  }
0x33: {  	s24 =	simm.s32 $0x50;
	s31 =	sadd.s32 s30, s6;
	[smem:$0x7FC] =	sst s0  }
0x34: {  	s6 =	simm.s32 $0x11;
	s26 =	simm.s32 $0x1EA0;
	[smem:$0x7FD] =	sst s31  }
.LBB2_1:
0x35: {  	[smem:$0x7F6] =	sst s3  }
0x36: {  	s0 =	rddreg [dreg:$0x12]  }
0x37: {  	[tilespmem:s5], [sflag:$0x11] =	stream.linear.gather [hbm4b:s0+s1], $0x2000, $0x38;
	[tilespmem:$0x118A0] =	vst v63  }
0x38: {  	_ =	swait.ge [sflag:s6], $0x2000  }
0x39: {  	[sflag:s6] =	ssyncset.done $0x0  }
0x3a: {  	s2 =	simm.s32 $0x4B20;
	s4 =	rddreg [dreg:$0x13];
	[sflag:s6] =	ssyncadd.s32 $0xFFFFE000  }
0x3b: {  	[tilespmem:s2], [sflag:$0x11] =	stream.linear.gather [hbm4b:s4+s1], $0x800, $0x38;
	[tilespmem:$0x118A0] =	vst v63  }
0x3c: {  	_ =	swait.ge [sflag:s6], $0x800  }
0x3d: {  	[sflag:s6] =	ssyncset.done $0x0  }
0x3e: {  	[sflag:s6] =	ssyncadd.s32 $0xFFFFF800  }
0x3f: {  	[spmem:s7] =	stream.linear.scatter [tilespmem:s5], [sflag:$0x11], $0x2000, $0x38;
	[tilespmem:$0x118A0] =	vst v63  }
0x40: {  	_ =	swait.ge [sflag:s6], $0x2000  }
0x41: {  	[sflag:s6] =	ssyncset.done $0x0  }
0x42: {  	[sflag:s6] =	ssyncadd.s32 $0xFFFFE000  }
0x43: {  	[spmem:s8] =	stream.linear.scatter [tilespmem:s5], [sflag:$0x11], $0x2000, $0x38;
	[tilespmem:$0x118A0] =	vst v63  }
0x44: {  	_ =	swait.ge [sflag:s6], $0x2000  }
0x45: {  	[sflag:s6] =	ssyncset.done $0x0  }
0x46: {  	[sflag:s6] =	ssyncadd.s32 $0xFFFFE000  }
0x47: {  	[spmem:s10] =	stream.linear.scatter [tilespmem:s5], [sflag:$0x11], $0x2000, $0x38;
	[tilespmem:$0x118A0] =	vst v63  }
0x48: {  	_ =	swait.ge [sflag:s6], $0x2000  }
0x49: {  	[sflag:s6] =	ssyncset.done $0x0  }
0x4a: {  	[sflag:s6] =	ssyncadd.s32 $0xFFFFE000  }
0x4b: {  	[spmem:s12] =	stream.linear.scatter [tilespmem:s5], [sflag:$0x11], $0x2000, $0x38;
	[tilespmem:$0x118A0] =	vst v63  }
0x4c: {  	_ =	swait.ge [sflag:s6], $0x2000  }
0x4d: {  	[sflag:s6] =	ssyncset.done $0x0  }
0x4e: {  	[sflag:s6] =	ssyncadd.s32 $0xFFFFE000  }
0x4f: {  	[spmem:s19] =	stream.linear.scatter [tilespmem:s5], [sflag:$0x11], $0x1E00, $0x38;
	[tilespmem:$0x118A0] =	vst v63  }
0x50: {  	_ =	swait.ge [sflag:s6], $0x1E00  }
0x51: {  	[sflag:s6] =	ssyncset.done $0x0  }
0x52: {  	s0 =	simm.s32 @!p0 $0x4B20;
	s2 =	rddreg [dreg:$0x17];
	[sflag:s6] =	ssyncadd.s32 $0xFFFFE200  }
0x53: {  	[spmem:s2] =	stream.linear.scatter @!p0 [tilespmem:s0], [sflag:$0x11], $0x800, $0x38;
	[tilespmem:$0x118A0] =	vst v63  }
0x54: {  	s2 =	simm.s32 @!p0 $0x11  }
0x55: {  	_ =	swait.ge @!p0 [sflag:s2], $0x800  }
0x56: {  	[sflag:s2] =	ssyncset.done @!p0 $0x0  }
0x57: {  	[sflag:s2] =	ssyncadd.s32 @!p0 $0xFFFFF800  }
0x58: {  	[spmem:s9] =	stream.linear.scatter @!p0 [tilespmem:s0], [sflag:$0x11], $0x800, $0x38;
	[tilespmem:$0x118A0] =	vst v63  }
0x59: {  	_ =	swait.ge @!p0 [sflag:s2], $0x800  }
0x5a: {  	[sflag:s2] =	ssyncset.done @!p0 $0x0  }
0x5b: {  	[sflag:s2] =	ssyncadd.s32 @!p0 $0xFFFFF800  }
0x5c: {  	[spmem:s14] =	stream.linear.scatter @!p0 [tilespmem:s0], [sflag:$0x11], $0x800, $0x38;
	[tilespmem:$0x118A0] =	vst v63  }
0x5d: {  	_ =	swait.ge @!p0 [sflag:s2], $0x800  }
0x5e: {  	[sflag:s2] =	ssyncset.done @!p0 $0x0  }
0x5f: {  	[sflag:s2] =	ssyncadd.s32 @!p0 $0xFFFFF800  }
0x60: {  	[spmem:s16] =	stream.linear.scatter @!p0 [tilespmem:s0], [sflag:$0x11], $0x800, $0x38;
	[tilespmem:$0x118A0] =	vst v63  }
0x61: {  	_ =	swait.ge @!p0 [sflag:s2], $0x800  }
0x62: {  	[sflag:s2] =	ssyncset.done @!p0 $0x0  }
0x63: {  	[sflag:s2] =	ssyncadd.s32 @!p0 $0xFFFFF800  }
0x64: {  	[spmem:s11] =	stream.linear.scatter @!p0 [tilespmem:s0], [sflag:$0x11], $0x780, $0x38;
	[tilespmem:$0x118A0] =	vst v63  }
0x65: {  	_ =	swait.ge @!p0 [sflag:s2], $0x780  }
0x66: {  	s31 =	simm.s32 @!p0 $0x28A0;
	[sflag:s2] =	ssyncset.done @!p0 $0x0  }
0x67: {  	s4 =	simm.s32 @!p0 $0x0;
	s0 =	rddreg [dreg:$0x14];
	[sflag:s2] =	ssyncadd.s32 @!p0 $0xFFFFF880  }
0x68: {  	[tilespmem:s31], [sflag:$0x11] =	stream.linear.gather @!p0 [hbm4b:s0+s4], $0x280, $0x38;
	[tilespmem:$0x118A0] =	vst v63  }
0x69: {  	_ =	swait.ge @!p0 [sflag:s2], $0x280  }
0x6a: {  	[sflag:s2] =	ssyncset.done @!p0 $0x0  }
0x6b: {  	[sflag:s2] =	ssyncadd.s32 @!p0 $0xFFFFFD80  }
0x6c: {  	[bflag:$0x0] =	sbarrier.arrive $0xFFFF  }
0x6d: {  	s14 =	rddreg [dreg:$0x1f]  }
0x6e: {  	s16 =	simm.s32 $0xA0;
	s5 =	rddreg [dreg:$0x10]  }
0x6f: {  	[tilespmem:s16], [sflag:$0x1] =	stream.linear.gather [hbm4b:s14+s1], $0xA00, $0x38;
	[tilespmem:$0x118A0] =	vst v63  }
0x70: {  	s6 =	sld [smem:$0x7F7]  }
0x71: {  	[tilespmem:s1], [sflag:$0x5] =	stream.linear.gather [hbm4b:s5+s1], $0x28, $0x38;
	[tilespmem:$0x118A0] =	vst v63  }
0x72: {  	p1 =	por $0x1, $0x1;
	s7 =	simm.s32 $0xAA0  }
0x73: {  	[tilespmem:s7], [sflag:$0x2] =	stream.linear.gather [hbm4b:s6+s1], $0xA00, $0x38;
	[tilespmem:$0x118A0] =	vst v63  }
0x74: {  	s0 =	simm.s32 @!p1 $0xB;
	s8 =	rddreg [dreg:$0x11]  }
0x75: {  	[tilespmem:s20], [sflag:$0x6] =	stream.linear.gather [hbm4b:s8+s1], $0x28, $0x38;
	[tilespmem:$0x118A0] =	vst v63  }
0x76: {  	p2 =	sne.s32 @!p1 s25, $0x0;
	_ =	swait.ge @!p1 [sflag:s0], $0xA00  }
0x77: {  	p2 =	por p2, p1;
	[sflag:s0] =	ssyncset.done @!p1 $0x0  }
0x78: {  	s2 =	simm.s32 @!p2 $0xF;
	[sflag:s0] =	ssyncadd.s32 @!p1 $0xFFFFF600  }
0x79: {  	_ =	swait.ge @!p2 [sflag:s2], $0x280  }
0x7a: {  	s10 =	sld [smem:$0x7FD]  }
0x7b: {  	[sflag:s2] =	ssyncset.done @!p2 $0x0  }
0x7c: {  	s12 =	simm.s32 $0x14A0;
	s9 =	sadd.s32 $0x0, s18;
	[sflag:s2] =	ssyncadd.s32 @!p2 $0xFFFFFD80  }
0x7d: {  	[tilespmem:s12], [sflag:$0x3] =	stream.linear.gather [hbm4b:s10+s1], $0xA00, $0x38;
	[tilespmem:$0x118A0] =	vst v63  }
0x7e: {  	s22 =	simm.s32 $0x50;
	s19 =	sadd.s32 $0xA, s9;
	s11 =	simm.s32 $0x1  }
0x7f: {  	[tilespmem:s22], [sflag:$0x7] =	stream.linear.gather [hbm4b:s19+s1], $0x28, $0x38;
	[tilespmem:$0x118A0] =	vst v63  }
0x80: {  	_ =	swait.ge [sflag:s11], $0xA00  }
0x81: {  	[sflag:s11] =	ssyncset.done $0x0  }
0x82: {  	s14 =	simm.s32 $0x5;
	[sflag:s11] =	ssyncadd.s32 $0xFFFFF600  }
0x83: {  	p1 =	por @p0 $0x1, $0x1;
	_ =	swait.ge [sflag:s14], $0x28  }
0x84: {  	p1 =	por p1, !p0;
	[sflag:s14] =	ssyncset.done $0x0  }
0x85: {  	s2 =	simm.s32 @!p1 $0xC;
	[sflag:s14] =	ssyncadd.s32 $0xFFFFFFD8  }
0x86: {  	[spmem:s13] =	stream.indirect.scatter.add.f32 [tilespmem:s16], [sflag:$0x9], $0x40, s1, s20, $0xb8;
	[tilespmem:$0x118A0] =	vst v63  }
0x87: {  	p2 =	por @!p0 $0x1, $0x1;
	_ =	swait.ge @!p1 [sflag:s2], $0xA00  }
0x88: {  	p2 =	por p2, p0;
	[sflag:s2] =	ssyncset.done @!p1 $0x0  }
0x89: {  	s8 =	simm.s32 @!p0 $0x28;
	[sflag:s2] =	ssyncadd.s32 @!p1 $0xFFFFF600;
	s2 =	simm.s32 @!p2 $0xC  }
0x8a: {  	[spmem:s15] =	stream.indirect.scatter.add.f32 @!p0 [tilespmem:s31], [sflag:$0xD], $0x10, s4, s8, $0xb8;
	[tilespmem:$0x118A0] =	vst v63  }
0x8b: {  	_ =	swait.ge @!p2 [sflag:s2], $0xA00  }
0x8c: {  	[sflag:s2] =	ssyncset.done @!p2 $0x0  }
0x8d: {  	s4 =	simm.s32 @!p2 $0x10;
	[sflag:s2] =	ssyncadd.s32 @!p2 $0xFFFFF600  }
0x8e: {  	_ =	swait.ge @!p2 [sflag:s4], $0x280  }
0x8f: {  	s6 =	sld [smem:$0x7FC]  }
0x90: {  	[sflag:s4] =	ssyncset.done @!p2 $0x0  }
0x91: {  	[sflag:s4] =	ssyncadd.s32 @!p2 $0xFFFFFD80  }
0x92: {  	[tilespmem:s17], [sflag:$0x4] =	stream.linear.gather [hbm4b:s6+s1], $0xA00, $0x38;
	[tilespmem:$0x118A0] =	vst v63  }
0x93: {  	s0 =	sadd.s32 $0xF, s9;
	s16 =	simm.s32 $0x2  }
0x94: {  	[tilespmem:s21], [sflag:$0x8] =	stream.linear.gather [hbm4b:s0+s1], $0x28, $0x38;
	[tilespmem:$0x118A0] =	vst v63  }
0x95: {  	_ =	swait.ge [sflag:s16], $0xA00  }
0x96: {  	[sflag:s16] =	ssyncset.done $0x0  }
0x97: {  	s17 =	simm.s32 $0x6;
	[sflag:s16] =	ssyncadd.s32 $0xFFFFF600  }
0x98: {  	_ =	swait.ge [sflag:s17], $0x28  }
0x99: {  	[sflag:s17] =	ssyncset.done $0x0  }
0x9a: {  	s30 =	simm.s32 @p0 $0x9;
	[sflag:s17] =	ssyncadd.s32 $0xFFFFFFD8  }
0x9b: {  	[spmem:s13] =	stream.indirect.scatter.add.f32 [tilespmem:s7], [sflag:$0xA], $0x40, s20, s20, $0xb8;
	[tilespmem:$0x118A0] =	vst v63  }
0x9c: {  	_ =	swait.ge @p0 [sflag:s30], $0xA00  }
0x9d: {  	[sflag:s30] =	ssyncset.done @p0 $0x0  }
0x9e: {  	s11 =	simm.s32 @!p0 $0x9;
	[sflag:s30] =	ssyncadd.s32 @p0 $0xFFFFF600  }
0x9f: {  	[spmem:s15] =	stream.indirect.scatter.add.f32 @!p0 [tilespmem:s31], [sflag:$0xE], $0x10, s8, s8, $0xb8;
	[tilespmem:$0x118A0] =	vst v63  }
0xa0: {  	_ =	swait.ge @!p0 [sflag:s11], $0xA00  }
0xa1: {  	[sflag:s11] =	ssyncset.done @!p0 $0x0  }
0xa2: {  	s14 =	simm.s32 @!p0 $0xD;
	[sflag:s11] =	ssyncadd.s32 @!p0 $0xFFFFF600  }
0xa3: {  	_ =	swait.ge @!p0 [sflag:s14], $0x280  }
0xa4: {  	s5 =	sld [smem:$0x7FB]  }
0xa5: {  	p1 =	por $0x0, $0x0  }
0xa6: {  	s2 =	simm.s32 @!p1 $0xA0;
	s4 =	simm.s32 @!p1 $0x0  }
0xa7: {  	[sflag:s14] =	ssyncset.done @!p0 $0x0;
	s3 =	rddreg [dreg:$0x5];
	s0 =	sshrl.u32 @!p1 s5, $0x3  }
0xa8: {  	s7 =	sadd.s32 @!p1 $0x0, s18;
	[sflag:s14] =	ssyncadd.s32 @!p0 $0xFFFFFD80;
	s0 =	sadd.s32 @!p1 s3, s0  }
0xa9: {  	[tilespmem:s2], [sflag:$0x1] =	stream.linear.gather @!p1 [hbm4b:s0+s4], $0xA00, $0x38;
	[tilespmem:$0x118A0] =	vst v63  }
0xaa: {  	s19 =	simm.s32 $0x3;
	s0 =	sadd.s32 @!p1 $0x14, s7  }
0xab: {  	[tilespmem:s4], [sflag:$0x5] =	stream.linear.gather @!p1 [hbm4b:s0+s4], $0x28, $0x38;
	[tilespmem:$0x118A0] =	vst v63  }
0xac: {  	_ =	swait.ge [sflag:s19], $0xA00  }
0xad: {  	[sflag:s19] =	ssyncset.done $0x0  }
0xae: {  	s21 =	simm.s32 $0x7;
	[sflag:s19] =	ssyncadd.s32 $0xFFFFF600  }
0xaf: {  	_ =	swait.ge [sflag:s21], $0x28  }
0xb0: {  	[sflag:s21] =	ssyncset.done $0x0  }
0xb1: {  	s17 =	simm.s32 @p0 $0xA;
	[sflag:s21] =	ssyncadd.s32 $0xFFFFFFD8  }
0xb2: {  	[spmem:s13] =	stream.indirect.scatter.add.f32 [tilespmem:s12], [sflag:$0xB], $0x40, s22, s20, $0xb8;
	[tilespmem:$0x118A0] =	vst v63  }
0xb3: {  	_ =	swait.ge @p0 [sflag:s17], $0xA00  }
0xb4: {  	[sflag:s17] =	ssyncset.done @p0 $0x0  }
0xb5: {  	s2 =	simm.s32 @!p0 $0xA;
	s0 =	simm.s32 @!p0 $0x50;
	[sflag:s17] =	ssyncadd.s32 @p0 $0xFFFFF600  }
0xb6: {  	[spmem:s15] =	stream.indirect.scatter.add.f32 @!p0 [tilespmem:s31], [sflag:$0xF], $0x10, s0, s8, $0xb8;
	[tilespmem:$0x118A0] =	vst v63  }
0xb7: {  	_ =	swait.ge @!p0 [sflag:s2], $0xA00  }
0xb8: {  	[sflag:s2] =	ssyncset.done @!p0 $0x0  }
0xb9: {  	s0 =	simm.s32 @!p0 $0xE;
	[sflag:s2] =	ssyncadd.s32 @!p0 $0xFFFFF600  }
0xba: {  	_ =	swait.ge @!p0 [sflag:s0], $0x280  }
0xbb: {  	s3 =	sld [smem:$0x7FA]  }
0xbc: {  	[sflag:s0] =	ssyncset.done @!p0 $0x0  }
0xbd: {  	s9 =	simm.s32 @!p1 $0xAA0;
	[sflag:s0] =	ssyncadd.s32 @!p0 $0xFFFFFD80  }
0xbe: {  	[tilespmem:s9], [sflag:$0x2] =	stream.linear.gather @!p1 [hbm4b:s3+s4], $0xA00, $0x38;
	[tilespmem:$0x118A0] =	vst v63  }
0xbf: {  	s7 =	sadd.s32 @!p1 $0x19, s7;
	s22 =	simm.s32 $0x4;
	s9 =	simm.s32 @!p1 $0x28  }
0xc0: {  	[tilespmem:s9], [sflag:$0x6] =	stream.linear.gather @!p1 [hbm4b:s7+s4], $0x28, $0x38;
	[tilespmem:$0x118A0] =	vst v63  }
0xc1: {  	_ =	swait.ge [sflag:s22], $0xA00  }
0xc2: {  	p2 =	por $0x0, $0x0;
	[sflag:s22] =	ssyncset.done $0x0  }
0xc3: {  	p3 =	sne.s32 @!p2 s25, $0x0;
	s16 =	sadd.s32 $0x500, s6;
	[sflag:s22] =	ssyncadd.s32 $0xFFFFF600  }
0xc4: {  	s19 =	sadd.s32 $0x500, s10;
	s10 =	sadd.s32 $0x2800, s5;
	_ =	swait.ge [sflag:s29], $0x28  }
0xc5: {  	s21 =	simm.s32 $0x28;
	s9 =	simm.s32 $0x14;
	[sflag:s29] =	ssyncset.done $0x0  }
0xc6: {  	s7 =	sadd.s32 $0x500, s3;
	s22 =	simm.s32 @!p0 $0x78;
	[sflag:s29] =	ssyncadd.s32 $0xFFFFFFD8  }
.LBB2_2:
0xc7: {  	[spmem:s13] =	stream.indirect.scatter.add.f32 [tilespmem:s26], [sflag:$0xC], $0x40, s28, s20, $0xb8;
	[tilespmem:$0x118A0] =	vst v63  }
0xc8: {  	s5 =	simm.s32 @!p2 $0xB  }
0xc9: {  	[spmem:s15] =	stream.indirect.scatter.add.f32 @!p0 [tilespmem:s31], [sflag:$0x10], $0x10, s22, s8, $0xb8;
	[tilespmem:$0x118A0] =	vst v63  }
0xca: {  	_ =	swait.ge @!p2 [sflag:s5], $0xA00  }
0xcb: {  	p3 =	por p3, p2;
	[sflag:s5] =	ssyncset.done @!p2 $0x0  }
0xcc: {  	s12 =	simm.s32 @!p3 $0xF;
	[sflag:s5] =	ssyncadd.s32 @!p2 $0xFFFFF600  }
0xcd: {  	_ =	swait.ge @!p3 [sflag:s12], $0x280  }
0xce: {  	[sflag:s12] =	ssyncset.done @!p3 $0x0  }
0xcf: {  	s3 =	simm.s32 @!p0 $0x78;
	s5 =	sadd.s32 s9, s18;
	[sflag:s12] =	ssyncadd.s32 @!p3 $0xFFFFFD80  }
0xd0: {  	[tilespmem:s23], [sflag:$0x3] =	stream.linear.gather [hbm4b:s19+s1], $0xA00, $0x38;
	[tilespmem:$0x118A0] =	vst v63  }
0xd1: {  	s6 =	simm.s32 $0x1;
	s22 =	smov.u32 s3;
	s3 =	sadd.s32 $0xA, s5  }
0xd2: {  	[tilespmem:s24], [sflag:$0x7] =	stream.linear.gather [hbm4b:s3+s1], $0x28, $0x38;
	[tilespmem:$0x118A0] =	vst v63  }
0xd3: {  	_ =	swait.ge [sflag:s6], $0xA00  }
0xd4: {  	[sflag:s6] =	ssyncset.done $0x0  }
0xd5: {  	s12 =	simm.s32 $0x5;
	[sflag:s6] =	ssyncadd.s32 $0xFFFFF600  }
0xd6: {  	p2 =	seq.s32 @p0 s9, $0x0;
	_ =	swait.ge [sflag:s12], $0x28  }
0xd7: {  	p3 =	por p2, !p0;
	[sflag:s12] =	ssyncset.done $0x0  }
0xd8: {  	s6 =	simm.s32 $0xA0;
	[sflag:s12] =	ssyncadd.s32 $0xFFFFFFD8;
	s12 =	simm.s32 @!p3 $0xC  }
0xd9: {  	[spmem:s13] =	stream.indirect.scatter.add.f32 [tilespmem:s6], [sflag:$0x9], $0x40, s1, s20, $0xb8;
	[tilespmem:$0x118A0] =	vst v63  }
0xda: {  	p2 =	seq.s32 @!p0 s9, $0x0;
	_ =	swait.ge @!p3 [sflag:s12], $0xA00  }
0xdb: {  	p2 =	por p2, p0;
	[sflag:s12] =	ssyncset.done @!p3 $0x0  }
0xdc: {  	s3 =	simm.s32 @!p0 $0x0;
	[sflag:s12] =	ssyncadd.s32 @!p3 $0xFFFFF600;
	s12 =	simm.s32 @!p2 $0xC  }
0xdd: {  	[spmem:s15] =	stream.indirect.scatter.add.f32 @!p0 [tilespmem:s31], [sflag:$0xD], $0x10, s3, s8, $0xb8;
	[tilespmem:$0x118A0] =	vst v63  }
0xde: {  	_ =	swait.ge @!p2 [sflag:s12], $0xA00  }
0xdf: {  	[sflag:s12] =	ssyncset.done @!p2 $0x0  }
0xe0: {  	s6 =	smov.u32 s25;
	s25 =	simm.s32 @!p2 $0x10;
	[sflag:s12] =	ssyncadd.s32 @!p2 $0xFFFFF600  }
0xe1: {  	_ =	swait.ge @!p2 [sflag:s25], $0x280  }
0xe2: {  	[sflag:s25] =	ssyncset.done @!p2 $0x0  }
0xe3: {  	[sflag:s25] =	ssyncadd.s32 @!p2 $0xFFFFFD80  }
0xe4: {  	[tilespmem:s26], [sflag:$0x4] =	stream.linear.gather [hbm4b:s16+s1], $0xA00, $0x38;
	[tilespmem:$0x118A0] =	vst v63  }
0xe5: {  	s5 =	sadd.s32 $0xF, s5;
	s12 =	simm.s32 $0x2  }
0xe6: {  	[tilespmem:s28], [sflag:$0x8] =	stream.linear.gather [hbm4b:s5+s1], $0x28, $0x38;
	[tilespmem:$0x118A0] =	vst v63  }
0xe7: {  	_ =	swait.ge [sflag:s12], $0xA00  }
0xe8: {  	[sflag:s12] =	ssyncset.done $0x0  }
0xe9: {  	s25 =	simm.s32 $0x6;
	[sflag:s12] =	ssyncadd.s32 $0xFFFFF600  }
0xea: {  	_ =	swait.ge [sflag:s25], $0x28  }
0xeb: {  	[sflag:s25] =	ssyncset.done $0x0  }
0xec: {  	s5 =	simm.s32 $0xAA0;
	[sflag:s25] =	ssyncadd.s32 $0xFFFFFFD8  }
0xed: {  	[spmem:s13] =	stream.indirect.scatter.add.f32 [tilespmem:s5], [sflag:$0xA], $0x40, s20, s20, $0xb8;
	[tilespmem:$0x118A0] =	vst v63  }
0xee: {  	_ =	swait.ge @p0 [sflag:s30], $0xA00  }
0xef: {  	[sflag:s30] =	ssyncset.done @p0 $0x0  }
0xf0: {  	[sflag:s30] =	ssyncadd.s32 @p0 $0xFFFFF600  }
0xf1: {  	[spmem:s15] =	stream.indirect.scatter.add.f32 @!p0 [tilespmem:s31], [sflag:$0xE], $0x10, s8, s8, $0xb8;
	[tilespmem:$0x118A0] =	vst v63  }
0xf2: {  	_ =	swait.ge @!p0 [sflag:s11], $0xA00  }
0xf3: {  	[sflag:s11] =	ssyncset.done @!p0 $0x0  }
0xf4: {  	s4 =	smov.u32 s21;
	p2 =	seq.s32 s9, $0x9B0;
	[sflag:s11] =	ssyncadd.s32 @!p0 $0xFFFFF600  }
0xf5: {  	s12 =	simm.s32 @!p2 $0xA0;
	s25 =	simm.s32 @!p2 $0x0;
	_ =	swait.ge @!p0 [sflag:s14], $0x280  }
0xf6: {  	s5 =	sshrl.u32 @!p2 s10, $0x3;
	[sflag:s14] =	ssyncset.done @!p0 $0x0;
	s3 =	rddreg [dreg:$0x5]  }
0xf7: {  	s5 =	sadd.s32 @!p2 s3, s5;
	[sflag:s14] =	ssyncadd.s32 @!p0 $0xFFFFFD80;
	s3 =	sadd.s32 @!p2 s9, s18  }
0xf8: {  	[tilespmem:s12], [sflag:$0x1] =	stream.linear.gather @!p2 [hbm4b:s5+s25], $0xA00, $0x38;
	[tilespmem:$0x118A0] =	vst v63  }
0xf9: {  	s9 =	smov.u32 s4;
	s4 =	sadd.s32 @!p2 $0x14, s3;
	s12 =	simm.s32 $0x3  }
0xfa: {  	[tilespmem:s25], [sflag:$0x5] =	stream.linear.gather @!p2 [hbm4b:s4+s25], $0x28, $0x38;
	[tilespmem:$0x118A0] =	vst v63  }
0xfb: {  	_ =	swait.ge [sflag:s12], $0xA00  }
0xfc: {  	[sflag:s12] =	ssyncset.done $0x0  }
0xfd: {  	s5 =	simm.s32 $0x7;
	[sflag:s12] =	ssyncadd.s32 $0xFFFFF600  }
0xfe: {  	_ =	swait.ge [sflag:s5], $0x28  }
0xff: {  	[sflag:s5] =	ssyncset.done $0x0  }
0x100: {  	[sflag:s5] =	ssyncadd.s32 $0xFFFFFFD8  }
0x101: {  	[spmem:s13] =	stream.indirect.scatter.add.f32 [tilespmem:s23], [sflag:$0xB], $0x40, s24, s20, $0xb8;
	[tilespmem:$0x118A0] =	vst v63  }
0x102: {  	_ =	swait.ge @p0 [sflag:s17], $0xA00  }
0x103: {  	[sflag:s17] =	ssyncset.done @p0 $0x0  }
0x104: {  	s4 =	simm.s32 @!p0 $0x50;
	[sflag:s17] =	ssyncadd.s32 @p0 $0xFFFFF600  }
0x105: {  	[spmem:s15] =	stream.indirect.scatter.add.f32 @!p0 [tilespmem:s31], [sflag:$0xF], $0x10, s4, s8, $0xb8;
	[tilespmem:$0x118A0] =	vst v63  }
0x106: {  	_ =	swait.ge @!p0 [sflag:s2], $0xA00  }
0x107: {  	[sflag:s2] =	ssyncset.done @!p0 $0x0  }
0x108: {  	[sflag:s2] =	ssyncadd.s32 @!p0 $0xFFFFF600  }
0x109: {  	_ =	swait.ge @!p0 [sflag:s0], $0x280  }
0x10a: {  	[sflag:s0] =	ssyncset.done @!p0 $0x0  }
0x10b: {  	s21 =	sadd.s32 $0x14, s21;
	s4 =	simm.s32 @!p2 $0xAA0;
	[sflag:s0] =	ssyncadd.s32 @!p0 $0xFFFFFD80  }
0x10c: {  	[tilespmem:s4], [sflag:$0x2] =	stream.linear.gather @!p2 [hbm4b:s7+s25], $0xA00, $0x38;
	[tilespmem:$0x118A0] =	vst v63  }
0x10d: {  	s3 =	sadd.s32 @!p2 $0x19, s3;
	s12 =	simm.s32 $0x4;
	s5 =	simm.s32 @!p2 $0x28  }
0x10e: {  	[tilespmem:s5], [sflag:$0x6] =	stream.linear.gather @!p2 [hbm4b:s3+s25], $0x28, $0x38;
	[tilespmem:$0x118A0] =	vst v63  }
0x10f: {  	p1 =	sne.s32 s21, $0x9C4;
	_ =	swait.ge [sflag:s12], $0xA00  }
.Ltmp0:
0x110: {  	[sflag:s12] =	ssyncset.done $0x0;
	(pc) =	sbr.rel @p1 .LBB2_2-.Ltmp0, $4  }
0x111: {  	s19 =	sadd.s32 $0x500, s19;
	[sflag:s12] =	ssyncadd.s32 $0xFFFFF600  }
0x112: {  	s16 =	sadd.s32 $0x500, s16;
	s10 =	sadd.s32 $0x2800, s10;
	_ =	swait.ge [sflag:s29], $0x28  }
0x113: {  	s7 =	sadd.s32 $0x500, s7;
	p2 =	seq.s32 s9, $0x0;
	[sflag:s29] =	ssyncset.done $0x0  }
0x114: {  	s25 =	smov.u32 s6;
	p3 =	sne.s32 @!p2 s6, $0x0;
	[sflag:s29] =	ssyncadd.s32 $0xFFFFFFD8  }
0x115: {  	s11 =	simm.s32 $0x1EA0;
	s12 =	simm.s32 $0x78  }
0x116: {  	[spmem:s13] =	stream.indirect.scatter.add.f32 [tilespmem:s11], [sflag:$0xC], $0x40, s12, s20, $0xb8;
	[tilespmem:$0x118A0] =	vst v63  }
0x117: {  	s0 =	simm.s32 @!p2 $0xB  }
0x118: {  	[spmem:s15] =	stream.indirect.scatter.add.f32 @!p0 [tilespmem:s31], [sflag:$0x10], $0x10, s22, s8, $0xb8;
	[tilespmem:$0x118A0] =	vst v63  }
0x119: {  	_ =	swait.ge @!p2 [sflag:s0], $0xA00  }
0x11a: {  	p1 =	por p3, p2;
	[sflag:s0] =	ssyncset.done @!p2 $0x0  }
0x11b: {  	[sflag:s0] =	ssyncadd.s32 @!p2 $0xFFFFF600;
	s0 =	simm.s32 @!p1 $0xF  }
0x11c: {  	_ =	swait.ge @!p1 [sflag:s0], $0x280  }
0x11d: {  	[sflag:s0] =	ssyncset.done @!p1 $0x0  }
0x11e: {  	s2 =	sadd.s32 s9, s18;
	s6 =	simm.s32 $0x14A0;
	[sflag:s0] =	ssyncadd.s32 @!p1 $0xFFFFFD80  }
0x11f: {  	[tilespmem:s6], [sflag:$0x3] =	stream.linear.gather [hbm4b:s19+s1], $0xA00, $0x38;
	[tilespmem:$0x118A0] =	vst v63  }
0x120: {  	s21 =	simm.s32 $0x1;
	s17 =	sadd.s32 $0xA, s2;
	s19 =	simm.s32 $0x50  }
0x121: {  	[tilespmem:s19], [sflag:$0x7] =	stream.linear.gather [hbm4b:s17+s1], $0x28, $0x38;
	[tilespmem:$0x118A0] =	vst v63  }
0x122: {  	_ =	swait.ge [sflag:s21], $0xA00  }
0x123: {  	[sflag:s21] =	ssyncset.done $0x0  }
0x124: {  	s22 =	simm.s32 $0x5;
	[sflag:s21] =	ssyncadd.s32 $0xFFFFF600  }
0x125: {  	p1 =	seq.s32 @p0 s9, $0x0;
	_ =	swait.ge [sflag:s22], $0x28  }
0x126: {  	p1 =	por p1, !p0;
	[sflag:s22] =	ssyncset.done $0x0  }
0x127: {  	s3 =	simm.s32 $0xA0;
	s0 =	simm.s32 @!p1 $0xC;
	[sflag:s22] =	ssyncadd.s32 $0xFFFFFFD8  }
0x128: {  	[spmem:s13] =	stream.indirect.scatter.add.f32 [tilespmem:s3], [sflag:$0x9], $0x40, s1, s20, $0xb8;
	[tilespmem:$0x118A0] =	vst v63  }
0x129: {  	_ =	swait.ge @!p1 [sflag:s0], $0xA00  }
0x12a: {  	p2 =	seq.s32 @!p0 s9, $0x0;
	s3 =	simm.s32 @!p0 $0x0;
	[sflag:s0] =	ssyncset.done @!p1 $0x0  }
0x12b: {  	[sflag:s0] =	ssyncadd.s32 @!p1 $0xFFFFF600;
	s0 =	simm.s32 @!p0 $0x28;
	p1 =	por p2, p0  }
0x12c: {  	[spmem:s15] =	stream.indirect.scatter.add.f32 @!p0 [tilespmem:s31], [sflag:$0xD], $0x10, s3, s0, $0xb8;
	[tilespmem:$0x118A0] =	vst v63  }
0x12d: {  	s3 =	simm.s32 @!p1 $0xC  }
0x12e: {  	_ =	swait.ge @!p1 [sflag:s3], $0xA00  }
0x12f: {  	[sflag:s3] =	ssyncset.done @!p1 $0x0  }
0x130: {  	[sflag:s3] =	ssyncadd.s32 @!p1 $0xFFFFF600;
	s3 =	simm.s32 @!p1 $0x10  }
0x131: {  	_ =	swait.ge @!p1 [sflag:s3], $0x280  }
0x132: {  	[sflag:s3] =	ssyncset.done @!p1 $0x0  }
0x133: {  	[sflag:s3] =	ssyncadd.s32 @!p1 $0xFFFFFD80  }
0x134: {  	[tilespmem:s11], [sflag:$0x4] =	stream.linear.gather [hbm4b:s16+s1], $0xA00, $0x38;
	[tilespmem:$0x118A0] =	vst v63  }
0x135: {  	s30 =	simm.s32 $0x2;
	s2 =	sadd.s32 $0xF, s2  }
0x136: {  	[tilespmem:s12], [sflag:$0x8] =	stream.linear.gather [hbm4b:s2+s1], $0x28, $0x38;
	[tilespmem:$0x118A0] =	vst v63  }
0x137: {  	_ =	swait.ge [sflag:s30], $0xA00  }
0x138: {  	[sflag:s30] =	ssyncset.done $0x0  }
0x139: {  	s3 =	simm.s32 $0x6;
	[sflag:s30] =	ssyncadd.s32 $0xFFFFF600  }
0x13a: {  	_ =	swait.ge [sflag:s3], $0x28  }
0x13b: {  	[sflag:s3] =	ssyncset.done $0x0  }
0x13c: {  	s4 =	simm.s32 $0xAA0;
	s2 =	simm.s32 @p0 $0x9;
	[sflag:s3] =	ssyncadd.s32 $0xFFFFFFD8  }
0x13d: {  	[spmem:s13] =	stream.indirect.scatter.add.f32 [tilespmem:s4], [sflag:$0xA], $0x40, s20, s20, $0xb8;
	[tilespmem:$0x118A0] =	vst v63  }
0x13e: {  	_ =	swait.ge @p0 [sflag:s2], $0xA00  }
0x13f: {  	[sflag:s2] =	ssyncset.done @p0 $0x0  }
0x140: {  	[sflag:s2] =	ssyncadd.s32 @p0 $0xFFFFF600;
	s2 =	simm.s32 @!p0 $0x9  }
0x141: {  	[spmem:s15] =	stream.indirect.scatter.add.f32 @!p0 [tilespmem:s31], [sflag:$0xE], $0x10, s0, s0, $0xb8;
	[tilespmem:$0x118A0] =	vst v63  }
0x142: {  	_ =	swait.ge @!p0 [sflag:s2], $0xA00  }
0x143: {  	[sflag:s2] =	ssyncset.done @!p0 $0x0  }
0x144: {  	p1 =	seq.s32 s9, $0x9B0;
	s3 =	simm.s32 @!p0 $0xD;
	[sflag:s2] =	ssyncadd.s32 @!p0 $0xFFFFF600  }
0x145: {  	s4 =	simm.s32 @!p1 $0xA0;
	_ =	swait.ge @!p0 [sflag:s3], $0x280  }
0x146: {  	s2 =	sshrl.u32 @!p1 s10, $0x3;
	[sflag:s3] =	ssyncset.done @!p0 $0x0;
	s5 =	rddreg [dreg:$0x5]  }
0x147: {  	s2 =	sadd.s32 @!p1 s5, s2;
	[sflag:s3] =	ssyncadd.s32 @!p0 $0xFFFFFD80;
	s3 =	simm.s32 @!p1 $0x0  }
0x148: {  	[tilespmem:s4], [sflag:$0x1] =	stream.linear.gather @!p1 [hbm4b:s2+s3], $0xA00, $0x38;
	[tilespmem:$0x118A0] =	vst v63  }
0x149: {  	s2 =	sadd.s32 @!p1 s9, s18  }
0x14a: {  	s5 =	simm.s32 $0x3;
	s4 =	sadd.s32 @!p1 $0x14, s2  }
0x14b: {  	[tilespmem:s3], [sflag:$0x5] =	stream.linear.gather @!p1 [hbm4b:s4+s3], $0x28, $0x38;
	[tilespmem:$0x118A0] =	vst v63  }
0x14c: {  	_ =	swait.ge [sflag:s5], $0xA00  }
0x14d: {  	[sflag:s5] =	ssyncset.done $0x0  }
0x14e: {  	s9 =	simm.s32 $0x7;
	[sflag:s5] =	ssyncadd.s32 $0xFFFFF600  }
0x14f: {  	_ =	swait.ge [sflag:s9], $0x28  }
0x150: {  	[sflag:s9] =	ssyncset.done $0x0  }
0x151: {  	s4 =	simm.s32 @p0 $0xA;
	[sflag:s9] =	ssyncadd.s32 $0xFFFFFFD8  }
0x152: {  	[spmem:s13] =	stream.indirect.scatter.add.f32 [tilespmem:s6], [sflag:$0xB], $0x40, s19, s20, $0xb8;
	[tilespmem:$0x118A0] =	vst v63  }
0x153: {  	_ =	swait.ge @p0 [sflag:s4], $0xA00  }
0x154: {  	[sflag:s4] =	ssyncset.done @p0 $0x0  }
0x155: {  	[sflag:s4] =	ssyncadd.s32 @p0 $0xFFFFF600;
	s4 =	simm.s32 @!p0 $0x50  }
0x156: {  	[spmem:s15] =	stream.indirect.scatter.add.f32 @!p0 [tilespmem:s31], [sflag:$0xF], $0x10, s4, s0, $0xb8;
	[tilespmem:$0x118A0] =	vst v63  }
0x157: {  	s4 =	simm.s32 @!p0 $0xA  }
0x158: {  	_ =	swait.ge @!p0 [sflag:s4], $0xA00  }
0x159: {  	[sflag:s4] =	ssyncset.done @!p0 $0x0  }
0x15a: {  	[sflag:s4] =	ssyncadd.s32 @!p0 $0xFFFFF600;
	s4 =	simm.s32 @!p0 $0xE  }
0x15b: {  	_ =	swait.ge @!p0 [sflag:s4], $0x280  }
0x15c: {  	[sflag:s4] =	ssyncset.done @!p0 $0x0  }
0x15d: {  	[sflag:s4] =	ssyncadd.s32 @!p0 $0xFFFFFD80;
	s4 =	simm.s32 @!p1 $0xAA0  }
0x15e: {  	[tilespmem:s4], [sflag:$0x2] =	stream.linear.gather @!p1 [hbm4b:s7+s3], $0xA00, $0x38;
	[tilespmem:$0x118A0] =	vst v63  }
0x15f: {  	s10 =	simm.s32 $0x4;
	s2 =	sadd.s32 @!p1 $0x19, s2;
	s4 =	simm.s32 @!p1 $0x28  }
0x160: {  	[tilespmem:s4], [sflag:$0x6] =	stream.linear.gather @!p1 [hbm4b:s2+s3], $0x28, $0x38;
	[tilespmem:$0x118A0] =	vst v63  }
0x161: {  	_ =	swait.ge [sflag:s10], $0xA00  }
0x162: {  	[sflag:s10] =	ssyncset.done $0x0  }
0x163: {  	[sflag:s10] =	ssyncadd.s32 $0xFFFFF600  }
0x164: {  	_ =	swait.ge [sflag:s29], $0x28  }
0x165: {  	[sflag:s29] =	ssyncset.done $0x0  }
0x166: {  	[sflag:s29] =	ssyncadd.s32 $0xFFFFFFD8  }
0x167: {  	[spmem:s13] =	stream.indirect.scatter.add.f32 [tilespmem:s11], [sflag:$0xC], $0x40, s12, s20, $0xb8;
	[tilespmem:$0x118A0] =	vst v63  }
0x168: {  	s2 =	simm.s32 @!p0 $0x78;
	s11 =	simm.s32 $0xB  }
0x169: {  	[spmem:s15] =	stream.indirect.scatter.add.f32 @!p0 [tilespmem:s31], [sflag:$0x10], $0x10, s2, s0, $0xb8;
	[tilespmem:$0x118A0] =	vst v63  }
0x16a: {  	_ =	swait.ge [sflag:s11], $0xA00  }
0x16b: {  	[sflag:s11] =	ssyncset.done $0x0  }
0x16c: {  	s0 =	simm.s32 @p0 $0xC;
	[sflag:s11] =	ssyncadd.s32 $0xFFFFF600  }
0x16d: {  	_ =	swait.ge @p0 [sflag:s0], $0xA00  }
0x16e: {  	[sflag:s0] =	ssyncset.done @p0 $0x0  }
0x16f: {  	[sflag:s0] =	ssyncadd.s32 @p0 $0xFFFFF600;
	s0 =	simm.s32 @!p0 $0xF  }
0x170: {  	_ =	swait.ge @!p0 [sflag:s0], $0x280  }
0x171: {  	[sflag:s0] =	ssyncset.done @!p0 $0x0  }
0x172: {  	[sflag:s0] =	ssyncadd.s32 @!p0 $0xFFFFFD80;
	s0 =	simm.s32 @!p0 $0xC  }
0x173: {  	_ =	swait.ge @!p0 [sflag:s0], $0xA00  }
0x174: {  	[sflag:s0] =	ssyncset.done @!p0 $0x0  }
0x175: {  	[sflag:s0] =	ssyncadd.s32 @!p0 $0xFFFFF600;
	s0 =	simm.s32 @!p0 $0x10  }
0x176: {  	_ =	swait.ge @!p0 [sflag:s0], $0x280  }
0x177: {  	[sflag:s0] =	ssyncset.done @!p0 $0x0  }
0x178: {  	[sflag:s0] =	ssyncadd.s32 @!p0 $0xFFFFFD80  }
0x179: {  	[bflag:$0x0] =	sbarrier.arrive $0xFFFF  }
0x17a: {  	s5 =	simm.s32 $0x2B20;
	s6 =	simm.s32 $0x11;
	s7 =	rddreg [dreg:$0x15]  }
0x17b: {  	[tilespmem:s5], [sflag:$0x11] =	stream.linear.gather [spmem:s7], $0x2000, $0x38;
	[tilespmem:$0x118A0] =	vst v63  }
0x17c: {  	_ =	swait.ge [sflag:s6], $0x2000  }
0x17d: {  	[sflag:s6] =	ssyncset.done $0x0  }
0x17e: {  	s12 =	rddreg [dreg:$0x6];
	[sflag:s6] =	ssyncadd.s32 $0xFFFFE000  }
0x17f: {  	[hbm4b:s12+s1] =	stream.linear.scatter [tilespmem:s5], [sflag:$0x11], $0x2000, $0x38;
	[tilespmem:$0x118A0] =	vst v63  }
0x180: {  	_ =	swait.ge [sflag:s6], $0x2000  }
0x181: {  	[sflag:s6] =	ssyncset.done $0x0  }
0x182: {  	s8 =	rddreg [dreg:$0x16];
	[sflag:s6] =	ssyncadd.s32 $0xFFFFE000  }
0x183: {  	[tilespmem:s5], [sflag:$0x11] =	stream.linear.gather [spmem:s8], $0x2000, $0x38;
	[tilespmem:$0x118A0] =	vst v63  }
0x184: {  	_ =	swait.ge [sflag:s6], $0x2000  }
0x185: {  	[sflag:s6] =	ssyncset.done $0x0  }
0x186: {  	s14 =	rddreg [dreg:$0x7];
	[sflag:s6] =	ssyncadd.s32 $0xFFFFE000  }
0x187: {  	[hbm4b:s14+s1] =	stream.linear.scatter [tilespmem:s5], [sflag:$0x11], $0x2000, $0x38;
	[tilespmem:$0x118A0] =	vst v63  }
0x188: {  	_ =	swait.ge [sflag:s6], $0x2000  }
0x189: {  	[sflag:s6] =	ssyncset.done $0x0  }
0x18a: {  	s10 =	rddreg [dreg:$0x19];
	[sflag:s6] =	ssyncadd.s32 $0xFFFFE000  }
0x18b: {  	[tilespmem:s5], [sflag:$0x11] =	stream.linear.gather [spmem:s10], $0x2000, $0x38;
	[tilespmem:$0x118A0] =	vst v63  }
0x18c: {  	_ =	swait.ge [sflag:s6], $0x2000  }
0x18d: {  	[sflag:s6] =	ssyncset.done $0x0  }
0x18e: {  	s16 =	rddreg [dreg:$0x8];
	[sflag:s6] =	ssyncadd.s32 $0xFFFFE000  }
0x18f: {  	[hbm4b:s16+s1] =	stream.linear.scatter [tilespmem:s5], [sflag:$0x11], $0x2000, $0x38;
	[tilespmem:$0x118A0] =	vst v63  }
0x190: {  	_ =	swait.ge [sflag:s6], $0x2000  }
0x191: {  	[sflag:s6] =	ssyncset.done $0x0  }
0x192: {  	s12 =	rddreg [dreg:$0x1a];
	[sflag:s6] =	ssyncadd.s32 $0xFFFFE000  }
0x193: {  	[tilespmem:s5], [sflag:$0x11] =	stream.linear.gather [spmem:s12], $0x2000, $0x38;
	[tilespmem:$0x118A0] =	vst v63  }
0x194: {  	_ =	swait.ge [sflag:s6], $0x2000  }
0x195: {  	[sflag:s6] =	ssyncset.done $0x0  }
0x196: {  	s19 =	rddreg [dreg:$0x9];
	[sflag:s6] =	ssyncadd.s32 $0xFFFFE000  }
0x197: {  	[hbm4b:s19+s1] =	stream.linear.scatter [tilespmem:s5], [sflag:$0x11], $0x2000, $0x38;
	[tilespmem:$0x118A0] =	vst v63  }
0x198: {  	_ =	swait.ge [sflag:s6], $0x2000  }
0x199: {  	[sflag:s6] =	ssyncset.done $0x0  }
0x19a: {  	s19 =	rddreg [dreg:$0x1d];
	[sflag:s6] =	ssyncadd.s32 $0xFFFFE000  }
0x19b: {  	[tilespmem:s5], [sflag:$0x11] =	stream.linear.gather [spmem:s19], $0x1E00, $0x38;
	[tilespmem:$0x118A0] =	vst v63  }
0x19c: {  	_ =	swait.ge [sflag:s6], $0x1E00  }
0x19d: {  	[sflag:s6] =	ssyncset.done $0x0  }
0x19e: {  	s22 =	rddreg [dreg:$0xa];
	[sflag:s6] =	ssyncadd.s32 $0xFFFFE200  }
0x19f: {  	[hbm4b:s22+s1] =	stream.linear.scatter [tilespmem:s5], [sflag:$0x11], $0x1E00, $0x38;
	[tilespmem:$0x118A0] =	vst v63  }
0x1a0: {  	_ =	swait.ge [sflag:s6], $0x1E00  }
0x1a1: {  	s2 =	sld [smem:$0x7F8]  }
0x1a2: {  	[sflag:s6] =	ssyncset.done $0x0  }
0x1a3: {  	s0 =	simm.s32 @!p0 $0x4B20;
	[sflag:s6] =	ssyncadd.s32 $0xFFFFE200  }
0x1a4: {  	[tilespmem:s0], [sflag:$0x11] =	stream.linear.gather @!p0 [spmem:s2], $0x800, $0x38;
	[tilespmem:$0x118A0] =	vst v63  }
0x1a5: {  	s2 =	simm.s32 @!p0 $0x11  }
0x1a6: {  	_ =	swait.ge @!p0 [sflag:s2], $0x800  }
0x1a7: {  	[sflag:s2] =	ssyncset.done @!p0 $0x0  }
0x1a8: {  	s3 =	simm.s32 @!p0 $0x0;
	s4 =	rddreg [dreg:$0xb];
	[sflag:s2] =	ssyncadd.s32 @!p0 $0xFFFFF800  }
0x1a9: {  	[hbm4b:s4+s3] =	stream.linear.scatter @!p0 [tilespmem:s0], [sflag:$0x11], $0x800, $0x38;
	[tilespmem:$0x118A0] =	vst v63  }
0x1aa: {  	_ =	swait.ge @!p0 [sflag:s2], $0x800  }
0x1ab: {  	[sflag:s2] =	ssyncset.done @!p0 $0x0  }
0x1ac: {  	s9 =	rddreg [dreg:$0x18];
	[sflag:s2] =	ssyncadd.s32 @!p0 $0xFFFFF800  }
0x1ad: {  	[tilespmem:s0], [sflag:$0x11] =	stream.linear.gather @!p0 [spmem:s9], $0x800, $0x38;
	[tilespmem:$0x118A0] =	vst v63  }
0x1ae: {  	_ =	swait.ge @!p0 [sflag:s2], $0x800  }
0x1af: {  	[sflag:s2] =	ssyncset.done @!p0 $0x0  }
0x1b0: {  	s4 =	rddreg [dreg:$0xc];
	[sflag:s2] =	ssyncadd.s32 @!p0 $0xFFFFF800  }
0x1b1: {  	[hbm4b:s4+s3] =	stream.linear.scatter @!p0 [tilespmem:s0], [sflag:$0x11], $0x800, $0x38;
	[tilespmem:$0x118A0] =	vst v63  }
0x1b2: {  	_ =	swait.ge @!p0 [sflag:s2], $0x800  }
0x1b3: {  	[sflag:s2] =	ssyncset.done @!p0 $0x0  }
0x1b4: {  	s14 =	rddreg [dreg:$0x1b];
	[sflag:s2] =	ssyncadd.s32 @!p0 $0xFFFFF800  }
0x1b5: {  	[tilespmem:s0], [sflag:$0x11] =	stream.linear.gather @!p0 [spmem:s14], $0x800, $0x38;
	[tilespmem:$0x118A0] =	vst v63  }
0x1b6: {  	_ =	swait.ge @!p0 [sflag:s2], $0x800  }
0x1b7: {  	[sflag:s2] =	ssyncset.done @!p0 $0x0  }
0x1b8: {  	s4 =	rddreg [dreg:$0xd];
	[sflag:s2] =	ssyncadd.s32 @!p0 $0xFFFFF800  }
0x1b9: {  	[hbm4b:s4+s3] =	stream.linear.scatter @!p0 [tilespmem:s0], [sflag:$0x11], $0x800, $0x38;
	[tilespmem:$0x118A0] =	vst v63  }
0x1ba: {  	_ =	swait.ge @!p0 [sflag:s2], $0x800  }
0x1bb: {  	[sflag:s2] =	ssyncset.done @!p0 $0x0  }
0x1bc: {  	s16 =	rddreg [dreg:$0x1c];
	[sflag:s2] =	ssyncadd.s32 @!p0 $0xFFFFF800  }
0x1bd: {  	[tilespmem:s0], [sflag:$0x11] =	stream.linear.gather @!p0 [spmem:s16], $0x800, $0x38;
	[tilespmem:$0x118A0] =	vst v63  }
0x1be: {  	_ =	swait.ge @!p0 [sflag:s2], $0x800  }
0x1bf: {  	[sflag:s2] =	ssyncset.done @!p0 $0x0  }
0x1c0: {  	s4 =	rddreg [dreg:$0xe];
	[sflag:s2] =	ssyncadd.s32 @!p0 $0xFFFFF800  }
0x1c1: {  	[hbm4b:s4+s3] =	stream.linear.scatter @!p0 [tilespmem:s0], [sflag:$0x11], $0x800, $0x38;
	[tilespmem:$0x118A0] =	vst v63  }
0x1c2: {  	_ =	swait.ge @!p0 [sflag:s2], $0x800  }
0x1c3: {  	[sflag:s2] =	ssyncset.done @!p0 $0x0  }
0x1c4: {  	s11 =	rddreg [dreg:$0x1e];
	[sflag:s2] =	ssyncadd.s32 @!p0 $0xFFFFF800  }
0x1c5: {  	[tilespmem:s0], [sflag:$0x11] =	stream.linear.gather @!p0 [spmem:s11], $0x780, $0x38;
	[tilespmem:$0x118A0] =	vst v63  }
0x1c6: {  	_ =	swait.ge @!p0 [sflag:s2], $0x780  }
0x1c7: {  	[sflag:s2] =	ssyncset.done @!p0 $0x0  }
0x1c8: {  	s4 =	rddreg [dreg:$0xf];
	[sflag:s2] =	ssyncadd.s32 @!p0 $0xFFFFF880  }
0x1c9: {  	[hbm4b:s4+s3] =	stream.linear.scatter @!p0 [tilespmem:s0], [sflag:$0x11], $0x780, $0x38;
	[tilespmem:$0x118A0] =	vst v63  }
0x1ca: {  	_ =	swait.ge @!p0 [sflag:s2], $0x780  }
0x1cb: {  	s30 =	sld [smem:$0x7F6]  }
0x1cc: {  	s31 =	sld [smem:$0x7F9];
	_ =	sdelay $0x1  }
0x1cd: {  	s3 =	sadd.s32 $0x1, s30  }
0x1ce: {  	p1 =	sne.s32 s3, s31  }
.Ltmp1:
0x1cf: {  	_ = 	snop;
	(pc) =	sbr.rel @p1 .LBB2_1-.Ltmp1, $3  }
0x1d0: {  	_ =	sdelay $0x1  }
0x1d1: {  	[sflag:s2] =	ssyncset.done @!p0 $0x0  }
0x1d2: {  	s17 =	simm.s32 $0x1EA0;
	s21 =	simm.s32 $0x78;
	[sflag:s2] =	ssyncadd.s32 @!p0 $0xFFFFF880  }
0x1d3: {  	_ =	sfence.sel $0x180000  }
0x1d4: {  	[bflag:$0x0] =	sbarrier.arrive $0xFFFF  }
0x1d5: {  	_ =	strace $0x9000004A  }
0x1d6: {  	s0 =	stileid.u32;
	[bflag:$0x2] =	sbarrier.arrive $0xFFFF  }
0x1d7: {  	p0 =	sne.s32 s0, $0x0;
	s0 =	rddreg [dreg:$0x4]  }
0x1d8: {  	s0 =	sadd.s32 @!p0 $0x100000, s0  }
0x1d9: {  	[sflag:s0] =	ssyncadd.tile.s32 @!p0 $0x1;
	_ =	shalt  }
.Lfunc_end2:
_tile_overlayer_lowered:
.L_overlay_start_2:
0x1da: {  	(tag) =	ssettag $0x2  }
0x1db: {  	s0 =	rddreg [dreg:$0x0];
	s2 =	stileid.u32  }
0x1dc: {  	s1 =	rddreg [dreg:$0x1];
	p0 =	sne.s32 s2, $0x0  }
0x1dd: {  	s3 =	rddreg [dreg:$0x2];
	[bflag:$0x3] =	sbarrier.arrive $0xFFFF;
	s2 =	simm.s32 @!p0 $0x1C11  }
0x1de: {  	[timem:s3], [sflag:s2] =	dma.local @!p0 [hbm:s0], s1  }
0x1df: {  	s0 =	simm.s32 @!p0 $0x11  }
0x1e0: {  	_ =	swait.ge @!p0 [sflag:s0], s1  }
0x1e1: {  	s1 =	ssub.s32 @!p0 $0x0, s1;
	[sflag:s0] =	ssyncset.done @!p0 $0x0  }
0x1e2: {  	[sflag:s0] =	ssyncadd.s32 @!p0 s1  }
0x1e3: {  	[bflag:$0x3] =	sbarrier.arrive $0xFFFF  }
0x1e4: {  	_ =	shalt  }

</sc_bundles>
